<compile_context>
chip_gen: v7x
topology: tpu7x:2x2x1
jax: 0.10.2.dev20260603
libtpu: 0.0.44.dev20260713+nightly
codegen_flags: <defaults>
</compile_context>

<pallas_src>
import functools

import jax
import jax.numpy as jnp
from jax import lax
from jax.experimental import pallas as pl
from jax.experimental.pallas import tpu as pltpu
from jax.experimental.pallas import tpu_sc as plsc

B = 16384
V = 1000000
D = 64
DOUT = D + 4
NC = 2
NS = 16
NW = NC * NS
L = 16

BLK = 128
BPT = 245
IDW = BPT * BLK
TAIL = (V // BLK) * BLK
CAP = 8192
ROUNDS = 2
NSLOT = 6
SROWS = 128
FT = SROWS - L
PIECE = 2048
BTRASH = B
OUTR = B + 64


def _iota():
    return lax.iota(jnp.int32, L)


def _body(idx_hbm, ffeat_hbm, stats_hbm, tt_hbm, ttail_hbm, out_hbm,
          ids_l, pos_l, pval_s, hist, starts, cursor, win, stage, spos,
          fbuf, idxp, stats_v,
          wsem0, wsem1, wsem2, wsem3, wsem4, wsem5, fsem, ssem):
    wid = lax.axis_index("s") * NC + lax.axis_index("c")
    lo = wid * IDW
    hi = lo + IDW
    wsems = (wsem0, wsem1, wsem2, wsem3, wsem4, wsem5)

    pltpu.sync_copy(stats_hbm, stats_v)

    def reset_spos():
        for rv in range(SROWS // L):
            spos[0, pl.ds(rv * L, L)] = jnp.full((L,), BTRASH, jnp.int32)

    reset_spos()

    def rs_of(c):
        return lo + c * BLK

    def fire(c, slot):
        rs = rs_of(c)
        ok = c < BPT
        @pl.when(ok & (rs < TAIL))
        def _():
            pltpu.async_copy(
                tt_hbm.at[:, pl.ds(pl.multiple_of(rs, BLK), BLK)],
                win.at[slot], wsems[slot])
        @pl.when(ok & (rs == TAIL))
        def _():
            pltpu.async_copy(ttail_hbm, win.at[slot], wsems[slot])

    def drain(c, slot):
        rs = rs_of(c)
        ok = c < BPT
        @pl.when(ok & (rs <= TAIL))
        def _():
            pltpu.make_async_copy(
                tt_hbm.at[:, pl.ds(0, BLK)], win.at[slot],
                wsems[slot]).wait()

    def flush():
        pltpu.async_copy(ffeat_hbm.at[spos.at[0]], fbuf, fsem).wait()
        for i in range(4):
            m = plsc.load_gather(stats_v, [jnp.full((L,), 1 + i, jnp.int32)])
            s = plsc.load_gather(stats_v, [jnp.full((L,), 5 + i, jnp.int32)])
            col = jnp.full((L,), D + i, jnp.int32)
            fcol = jnp.full((L,), i, jnp.int32)
            for rv in range(SROWS // L):
                rows = _iota() + rv * L
                x = plsc.load_gather(fbuf, [rows, fcol])
                plsc.store_scatter(stage, [rows, col], (x - m) * s)
        pltpu.async_copy(stage, out_hbm.at[spos.at[0]], ssem).wait()
        reset_spos()

    def total_scan(skip):
        def piece(p, g):
            pltpu.sync_copy(
                idx_hbm.at[pl.ds(pl.multiple_of(p * PIECE, PIECE), PIECE)],
                idxp)
            def vreg(v, gv):
                ids = idxp[pl.ds(v * L, L)]
                pos = _iota() + p * PIECE + v * L
                m = (ids >= lo) & (ids < hi)
                pc = lax.cumsum(m.astype(jnp.int32))
                gidx = gv + pc - 1
                keep = m & (gidx >= skip) & (gidx < skip + CAP)
                slot = gidx - skip
                plsc.store_scatter(ids_l, [slot], ids, mask=keep)
                plsc.store_scatter(pos_l, [slot], pos, mask=keep)
                return gv + jnp.sum(m.astype(jnp.int32))
            return lax.fori_loop(0, PIECE // L, vreg, g)
        return lax.fori_loop(0, B // PIECE, piece, jnp.int32(0))

    def extract(tbl, c):
        v = tbl[pl.ds(pl.multiple_of((c >> 4) * L, L), L)]
        return jnp.sum(jnp.where(_iota() == (c & (L - 1)), v, 0))

    def do_round(r, total0):
        skip = r * CAP
        total = lax.cond(r == 0,
                         lambda _: total_scan(skip),
                         lambda t: lax.cond(t > skip,
                                            lambda tt: total_scan(skip),
                                            lambda tt: tt,
                                            t),
                         total0)
        n = jnp.clip(total - skip, 0, CAP)
        nv = (n + L - 1) // L

        @pl.when(n > 0)
        def _():
            for b in range(256 // L):
                hist[pl.ds(b * L, L)] = jnp.zeros((L,), jnp.int32)

            def histp(v, _):
                ids = ids_l[pl.ds(v * L, L)]
                lanes = _iota() + v * L
                valid = lanes < n
                ch = jnp.where(valid, (ids - lo) >> 7, 255)
                plsc.addupdate_scatter(hist, [ch],
                                       jnp.ones((L,), jnp.int32),
                                       mask=valid)
                return 0
            lax.fori_loop(0, nv, histp, 0)

            carry = jnp.int32(0)
            for b in range(256 // L):
                h = hist[pl.ds(b * L, L)]
                excl = carry + lax.cumsum(h) - h
                starts[pl.ds(b * L, L)] = excl
                cursor[pl.ds(b * L, L)] = excl
                carry = carry + jnp.sum(h)

            def place(v, _):
                ids = ids_l[pl.ds(v * L, L)]
                pos = pos_l[pl.ds(v * L, L)]
                lanes = _iota() + v * L
                valid = lanes < n
                ch = jnp.where(valid, (ids - lo) >> 7, 255)
                pval = (ch << 21) | ((ids & (BLK - 1)) << 14) | pos
                chs, pvs = plsc.sort_key_val(ch, pval)
                vs = chs < 255
                rank = plsc.scan_count(chs)[0] - 1
                base = plsc.load_gather(cursor, [chs])
                plsc.store_scatter(pval_s, [base + rank], pvs, mask=vs)
                plsc.addupdate_scatter(cursor, [chs],
                                       jnp.ones((L,), jnp.int32),
                                       mask=vs)
                return 0
            lax.fori_loop(0, nv, place, 0)

            for s in range(NSLOT):
                fire(jnp.int32(s), s)

            def wave(wv, sn_w):
                c0 = wv * NSLOT
                for s in range(NSLOT):
                    drain(c0 + s, s)
                st = extract(starts, c0)
                en = extract(starts, c0 + NSLOT)
                cnt = en - st

                def itemg(g, sn_g):
                    addr = st + g * L + _iota()
                    m = addr < en
                    pv = plsc.load_gather(pval_s, [addr], mask=m)
                    slotv = (pv >> 21) - c0
                    loc = (pv >> 14) & (BLK - 1)
                    pos = pv & ((1 << 14) - 1)
                    slot = sn_g + lax.cumsum(m.astype(jnp.int32)) - 1
                    for j0 in range(0, D, 8):
                        vals = [plsc.load_gather(
                            win, [slotv, jnp.full((L,), j, jnp.int32), loc],
                            mask=m) for j in range(j0, j0 + 8)]
                        for j in range(j0, j0 + 8):
                            plsc.store_scatter(
                                stage, [slot, jnp.full((L,), j, jnp.int32)],
                                vals[j - j0], mask=m)
                    plsc.store_scatter(
                        spos, [jnp.zeros((L,), jnp.int32), slot],
                        pos, mask=m)
                    sn2 = sn_g + jnp.sum(m.astype(jnp.int32))

                    def doflush(x):
                        flush()
                        return jnp.int32(0)

                    return lax.cond(sn2 >= FT, doflush, lambda x: x, sn2)

                sn_w = lax.fori_loop(0, (cnt + L - 1) // L, itemg, sn_w)
                for s in range(NSLOT):
                    fire(c0 + NSLOT + s, s)
                return sn_w

            snf = lax.fori_loop(0, (BPT + NSLOT - 1) // NSLOT, wave,
                                jnp.int32(0))

            @pl.when(snf > 0)
            def _():
                flush()

        return total

        return 0

    lax.fori_loop(0, ROUNDS, do_round, jnp.int32(0))


def _sc_call(idx, ffeat, stats, tt, ttail):
    mesh = plsc.VectorSubcoreMesh(core_axis_name="c", subcore_axis_name="s")
    run = functools.partial(
        pl.kernel,
        mesh=mesh,
        compiler_params=pltpu.CompilerParams(use_tc_tiling_on_sc=True,
                                             needs_layout_passes=False),
        out_type=jax.ShapeDtypeStruct((OUTR, 128), jnp.float32),
        scratch_types=[
            pltpu.VMEM((CAP,), jnp.int32),
            pltpu.VMEM((CAP,), jnp.int32),
            pltpu.VMEM((CAP,), jnp.int32),
            pltpu.VMEM((256,), jnp.int32),
            pltpu.VMEM((256,), jnp.int32),
            pltpu.VMEM((256,), jnp.int32),
            pltpu.VMEM((NSLOT, D, BLK), jnp.float32),
            pltpu.VMEM((SROWS, 128), jnp.float32),
            pltpu.VMEM((1, SROWS), jnp.int32),
            pltpu.VMEM((SROWS, 128), jnp.float32),
            pltpu.VMEM((PIECE,), jnp.int32),
            pltpu.VMEM((L,), jnp.float32),
            pltpu.SemaphoreType.DMA,
            pltpu.SemaphoreType.DMA,
            pltpu.SemaphoreType.DMA,
            pltpu.SemaphoreType.DMA,
            pltpu.SemaphoreType.DMA,
            pltpu.SemaphoreType.DMA,
            pltpu.SemaphoreType.DMA,
            pltpu.SemaphoreType.DMA,
        ],
    )(_body)
    return run(idx, ffeat, stats, tt, ttail)


def kernel(visitorid, user_number_of_views, user_number_of_addtocart,
           user_number_of_purchases, number_of_unique_items,
           table, norm_mean, norm_var):
    idx = visitorid.astype(jnp.int32)
    inv_std = lax.rsqrt(norm_var.astype(jnp.float32) + 1e-7)
    stats = jnp.concatenate(
        [jnp.zeros((1,), jnp.float32), norm_mean.astype(jnp.float32),
         inv_std, jnp.zeros((L - 9,), jnp.float32)])
    feats = jnp.stack(
        [user_number_of_views, user_number_of_addtocart,
         user_number_of_purchases, number_of_unique_items], axis=1)
    ffeat = jnp.zeros((OUTR, 128), jnp.float32).at[:B, :4].set(feats)
    tt = table.T
    ttail = jnp.zeros((D, 128), jnp.float32).at[:, :V - TAIL].set(
        table[TAIL:].T)
    out = _sc_call(idx, ffeat, stats, tt, ttail)
    return out[:B, :DOUT]

# --- scband reference (transcript-rebuilt; emitter-appended) ---
"""Pipeline reference for scband-user-model-343597383876 (READ-ONLY COPY).

The authoritative reference and input builder live on the scoring server;
editing this copy changes nothing except your own understanding.
"""

import jax, jax.numpy as jnp
import numpy as np

B = 16384
V = 1000000
D = 64


def setup_inputs(seed: int = 0) -> dict:
    key = jax.random.key(seed)
    ks = jax.random.split(key, 6)
    visitorid = jax.random.randint(ks[0], (B,), 0, V)
    user_number_of_views = jax.random.uniform(ks[1], (B,), dtype=jnp.float32) * 100.0
    user_number_of_addtocart = jax.random.uniform(ks[2], (B,), dtype=jnp.float32) * 20.0
    user_number_of_purchases = jax.random.uniform(ks[3], (B,), dtype=jnp.float32) * 5.0
    number_of_unique_items = jax.random.uniform(ks[4], (B,), dtype=jnp.float32) * 50.0
    table = jax.random.normal(ks[5], (V, D), dtype=jnp.float32) * 0.05
    # adapted Normalization statistics (mean, var) for the 4 scalar features
    norm_mean = jnp.array([50.0, 10.0, 2.5, 25.0], dtype=jnp.float32)
    norm_var = jnp.array([833.0, 33.0, 2.1, 208.0], dtype=jnp.float32)
    return {
        "visitorid": visitorid,
        "user_number_of_views": user_number_of_views,
        "user_number_of_addtocart": user_number_of_addtocart,
        "user_number_of_purchases": user_number_of_purchases,
        "number_of_unique_items": number_of_unique_items,
        "table": table,
        "norm_mean": norm_mean,
        "norm_var": norm_var,
    }


def reference(visitorid, user_number_of_views, user_number_of_addtocart,
              user_number_of_purchases, number_of_unique_items,
              table, norm_mean, norm_var):
    # user_embedding: StringLookup (pre-resolved to int ids) -> Embedding
    emb = jnp.take(table, visitorid, axis=0)  # [B, D]
    eps = 1e-7

    def norm(x, i):
        return (x - norm_mean[i]) / jnp.sqrt(norm_var[i] + eps)

    v = jnp.reshape(norm(user_number_of_views, 0), (-1, 1))
    a = jnp.reshape(norm(user_number_of_addtocart, 1), (-1, 1))
    p = jnp.reshape(norm(user_number_of_purchases, 2), (-1, 1))
    n = jnp.reshape(norm(number_of_unique_items, 3), (-1, 1))
    return jnp.concatenate([emb, v, a, p, n], axis=1)  # [B, D+4]

if __name__ == "__main__":
    import jax
    _d = setup_inputs()
    print(jax.jit(kernel)(*tuple(_d.values())))

</pallas_src>

<mosaic_0001>
#map = affine_map<(d0, d1) -> (0)>
#map1 = affine_map<(d0, d1) -> (0, 0)>
module attributes {stable_mosaic.version = 14 : i64} {
  func.func @_body(%arg0: i32, %arg1: i32, %arg2: memref<16384xi32, #tpu.memory_space<hbm>>, %arg3: memref<16448x128xf32, #tpu.memory_space<hbm>>, %arg4: memref<16xf32, #tpu.memory_space<hbm>>, %arg5: memref<64x1000000xf32, #tpu.memory_space<hbm>>, %arg6: memref<64x128xf32, #tpu.memory_space<hbm>>, %arg7: memref<16448x128xf32, #tpu.memory_space<hbm>>, %arg8: memref<8192xi32, #tpu.memory_space<vmem>>, %arg9: memref<8192xi32, #tpu.memory_space<vmem>>, %arg10: memref<8192xi32, #tpu.memory_space<vmem>>, %arg11: memref<256xi32, #tpu.memory_space<vmem>>, %arg12: memref<256xi32, #tpu.memory_space<vmem>>, %arg13: memref<256xi32, #tpu.memory_space<vmem>>, %arg14: memref<6x64x128xf32, #tpu.memory_space<vmem>>, %arg15: memref<128x128xf32, #tpu.memory_space<vmem>>, %arg16: memref<1x128xi32, #tpu.memory_space<vmem>>, %arg17: memref<128x128xf32, #tpu.memory_space<vmem>>, %arg18: memref<2048xi32, #tpu.memory_space<vmem>>, %arg19: memref<16xf32, #tpu.memory_space<vmem>>, %arg20: memref<!tpu.dma_semaphore, #tpu.memory_space<semaphore_mem>>, %arg21: memref<!tpu.dma_semaphore, #tpu.memory_space<semaphore_mem>>, %arg22: memref<!tpu.dma_semaphore, #tpu.memory_space<semaphore_mem>>, %arg23: memref<!tpu.dma_semaphore, #tpu.memory_space<semaphore_mem>>, %arg24: memref<!tpu.dma_semaphore, #tpu.memory_space<semaphore_mem>>, %arg25: memref<!tpu.dma_semaphore, #tpu.memory_space<semaphore_mem>>, %arg26: memref<!tpu.dma_semaphore, #tpu.memory_space<semaphore_mem>>, %arg27: memref<!tpu.dma_semaphore, #tpu.memory_space<semaphore_mem>>) attributes {dimension_semantics = [#tpu.dimension_semantics<core_parallel>, #tpu.dimension_semantics<subcore_parallel>], iteration_bounds = array<i64: 2, 16>, scalar_prefetch = 0 : i64, scratch_operands = 20 : i64, tpu.core_type = #tpu.core_type<sc_vector_subcore>, window_params = [{transform_indices = #map}, {transform_indices = #map1}, {transform_indices = #map}, {transform_indices = #map1}, {transform_indices = #map1}, {transform_indices = #map1}]} {
    %mul3A = arith.constant 2 : i32
    %mul3A_0 = arith.muli %arg1, %mul3A : i32
    %add3A = arith.addi %mul3A_0, %arg0 : i32
    %mul3A_1 = arith.constant 31360 : i32
    %mul3A_2 = arith.muli %add3A, %mul3A_1 : i32
    %add3A_3 = arith.constant 31360 : i32
    %add3A_4 = arith.addi %mul3A_2, %add3A_3 : i32
    "tpu.region"() ({
      %run_scoped3A = tpu.sem_alloc : memref<!tpu.dma_semaphore, #tpu.memory_space<semaphore_mem>>
      tpu.enqueue_dma source(%arg4 : memref<16xf32, #tpu.memory_space<hbm>>) target(%arg19 : memref<16xf32, #tpu.memory_space<vmem>>) target_semaphore(%run_scoped3A : memref<!tpu.dma_semaphore, #tpu.memory_space<semaphore_mem>>)
      tpu.wait_dma2 semaphore(%run_scoped3A : memref<!tpu.dma_semaphore, #tpu.memory_space<semaphore_mem>>) src(%arg4 : memref<16xf32, #tpu.memory_space<hbm>>) dst(%arg19 : memref<16xf32, #tpu.memory_space<vmem>>)
      tpu.yield
    }) : () -> ()
    %broadcast_in_dim3A = arith.constant 16384 : i32
    %broadcast_in_dim3A_5 = vector.broadcast %broadcast_in_dim3A : i32 to vector<16xi32>
    %swap3A = arith.constant 0 : i32
    %swap3A_6 = arith.index_cast %swap3A : i32 to index
    %swap3A_7 = arith.constant 0 : index
    %swap3A_8 = tpu.vector_load %arg16[%swap3A_6, %swap3A_7] {strides = array<i32>} : memref<1x128xi32, #tpu.memory_space<vmem>>, vector<16xi32>,
    tpu.vector_store %arg16[%swap3A_6, %swap3A_7], %broadcast_in_dim3A_5 {strides = array<i32>} : memref<1x128xi32, #tpu.memory_space<vmem>>, vector<16xi32>,
    %broadcast_in_dim3A_9 = arith.constant 16384 : i32
    %broadcast_in_dim3A_10 = vector.broadcast %broadcast_in_dim3A_9 : i32 to vector<16xi32>
    %swap3A_11 = arith.constant 0 : i32
    %swap3A_12 = arith.index_cast %swap3A_11 : i32 to index
    %swap3A_13 = arith.constant 16 : index
    %swap3A_14 = tpu.vector_load %arg16[%swap3A_12, %swap3A_13] {strides = array<i32>} : memref<1x128xi32, #tpu.memory_space<vmem>>, vector<16xi32>,
    tpu.vector_store %arg16[%swap3A_12, %swap3A_13], %broadcast_in_dim3A_10 {strides = array<i32>} : memref<1x128xi32, #tpu.memory_space<vmem>>, vector<16xi32>,
    %broadcast_in_dim3A_15 = arith.constant 16384 : i32
    %broadcast_in_dim3A_16 = vector.broadcast %broadcast_in_dim3A_15 : i32 to vector<16xi32>
    %swap3A_17 = arith.constant 0 : i32
    %swap3A_18 = arith.index_cast %swap3A_17 : i32 to index
    %swap3A_19 = arith.constant 32 : index
    %swap3A_20 = tpu.vector_load %arg16[%swap3A_18, %swap3A_19] {strides = array<i32>} : memref<1x128xi32, #tpu.memory_space<vmem>>, vector<16xi32>,
    tpu.vector_store %arg16[%swap3A_18, %swap3A_19], %broadcast_in_dim3A_16 {strides = array<i32>} : memref<1x128xi32, #tpu.memory_space<vmem>>, vector<16xi32>,
    %broadcast_in_dim3A_21 = arith.constant 16384 : i32
    %broadcast_in_dim3A_22 = vector.broadcast %broadcast_in_dim3A_21 : i32 to vector<16xi32>
    %swap3A_23 = arith.constant 0 : i32
    %swap3A_24 = arith.index_cast %swap3A_23 : i32 to index
    %swap3A_25 = arith.constant 48 : index
    %swap3A_26 = tpu.vector_load %arg16[%swap3A_24, %swap3A_25] {strides = array<i32>} : memref<1x128xi32, #tpu.memory_space<vmem>>, vector<16xi32>,
    tpu.vector_store %arg16[%swap3A_24, %swap3A_25], %broadcast_in_dim3A_22 {strides = array<i32>} : memref<1x128xi32, #tpu.memory_space<vmem>>, vector<16xi32>,
    %broadcast_in_dim3A_27 = arith.constant 16384 : i32
    %broadcast_in_dim3A_28 = vector.broadcast %broadcast_in_dim3A_27 : i32 to vector<16xi32>
    %swap3A_29 = arith.constant 0 : i32
    %swap3A_30 = arith.index_cast %swap3A_29 : i32 to index
    %swap3A_31 = arith.constant 64 : index
    %swap3A_32 = tpu.vector_load %arg16[%swap3A_30, %swap3A_31] {strides = array<i32>} : memref<1x128xi32, #tpu.memory_space<vmem>>, vector<16xi32>,
    tpu.vector_store %arg16[%swap3A_30, %swap3A_31], %broadcast_in_dim3A_28 {strides = array<i32>} : memref<1x128xi32, #tpu.memory_space<vmem>>, vector<16xi32>,
    %broadcast_in_dim3A_33 = arith.constant 16384 : i32
    %broadcast_in_dim3A_34 = vector.broadcast %broadcast_in_dim3A_33 : i32 to vector<16xi32>
    %swap3A_35 = arith.constant 0 : i32
    %swap3A_36 = arith.index_cast %swap3A_35 : i32 to index
    %swap3A_37 = arith.constant 80 : index
    %swap3A_38 = tpu.vector_load %arg16[%swap3A_36, %swap3A_37] {strides = array<i32>} : memref<1x128xi32, #tpu.memory_space<vmem>>, vector<16xi32>,
    tpu.vector_store %arg16[%swap3A_36, %swap3A_37], %broadcast_in_dim3A_34 {strides = array<i32>} : memref<1x128xi32, #tpu.memory_space<vmem>>, vector<16xi32>,
    %broadcast_in_dim3A_39 = arith.constant 16384 : i32
    %broadcast_in_dim3A_40 = vector.broadcast %broadcast_in_dim3A_39 : i32 to vector<16xi32>
    %swap3A_41 = arith.constant 0 : i32
    %swap3A_42 = arith.index_cast %swap3A_41 : i32 to index
    %swap3A_43 = arith.constant 96 : index
    %swap3A_44 = tpu.vector_load %arg16[%swap3A_42, %swap3A_43] {strides = array<i32>} : memref<1x128xi32, #tpu.memory_space<vmem>>, vector<16xi32>,
    tpu.vector_store %arg16[%swap3A_42, %swap3A_43], %broadcast_in_dim3A_40 {strides = array<i32>} : memref<1x128xi32, #tpu.memory_space<vmem>>, vector<16xi32>,
    %broadcast_in_dim3A_45 = arith.constant 16384 : i32
    %broadcast_in_dim3A_46 = vector.broadcast %broadcast_in_dim3A_45 : i32 to vector<16xi32>
    %swap3A_47 = arith.constant 0 : i32
    %swap3A_48 = arith.index_cast %swap3A_47 : i32 to index
    %swap3A_49 = arith.constant 112 : index
    %swap3A_50 = tpu.vector_load %arg16[%swap3A_48, %swap3A_49] {strides = array<i32>} : memref<1x128xi32, #tpu.memory_space<vmem>>, vector<16xi32>,
    tpu.vector_store %arg16[%swap3A_48, %swap3A_49], %broadcast_in_dim3A_46 {strides = array<i32>} : memref<1x128xi32, #tpu.memory_space<vmem>>, vector<16xi32>,
    %scan3A = arith.constant 0 : i32
    %scan3A_51 = arith.constant 0 : i32
    %scan3A_52 = arith.constant 2 : i32
    %scan3A_53 = arith.addi %scan3A_51, %scan3A_52 : i32
    %scan3A_54 = arith.constant 1 : i32
    %scan3A_55 = scf.for %scan3A_57 = %scan3A_51 to %scan3A_53 step %scan3A_54 iter_args(%scan3A_58 = %scan3A) -> (i32)  : i32 {
      %mul3A_59 = arith.constant 8192 : i32
      %mul3A_60 = arith.muli %scan3A_57, %mul3A_59 : i32
      %eq3A = arith.constant 0 : i32
      %eq3A_61 = arith.cmpi eq, %scan3A_57, %eq3A : i32
      %convert_element_type3A = arith.extui %eq3A_61 : i1 to i32
      %cond3A = arith.constant 0 : i32
      %cond3A_62 = arith.cmpi ne, %convert_element_type3A, %cond3A : i32
      %cond3A_63 = scf.if %cond3A_62 -> (i32) {
        %scan3A_91 = arith.constant 0 : i32
        %scan3A_92 = arith.constant 0 : i32
        %scan3A_93 = arith.constant 8 : i32
        %scan3A_94 = arith.addi %scan3A_92, %scan3A_93 : i32
        %scan3A_95 = arith.constant 1 : i32
        %scan3A_96 = scf.for %scan3A_98 = %scan3A_92 to %scan3A_94 step %scan3A_95 iter_args(%scan3A_99 = %scan3A_91) -> (i32)  : i32 {
          %mul3A_100 = arith.constant 2048 : i32
          %mul3A_101 = arith.muli %scan3A_98, %mul3A_100 : i32
          %multiple_of3A = tpu.assume_multiple %mul3A_101, 2048 : i32
          "tpu.region"() ({
            %run_scoped3A = tpu.sem_alloc : memref<!tpu.dma_semaphore, #tpu.memory_space<semaphore_mem>>
            %dma_start3A = tpu.memref_slice %arg2[%multiple_of3A] : memref<16384xi32, #tpu.memory_space<hbm>> -> memref<2048xi32, #tpu.memory_space<hbm>>
            %dma_start3A_108 = tpu.memref_slice %arg2[%multiple_of3A] : memref<16384xi32, #tpu.memory_space<hbm>> -> memref<2048xi32, #tpu.memory_space<hbm>>
            tpu.enqueue_dma source(%dma_start3A_108 : memref<2048xi32, #tpu.memory_space<hbm>>) target(%arg18 : memref<2048xi32, #tpu.memory_space<vmem>>) target_semaphore(%run_scoped3A : memref<!tpu.dma_semaphore, #tpu.memory_space<semaphore_mem>>)
            %dma_wait3A = tpu.memref_slice %arg2[%multiple_of3A] : memref<16384xi32, #tpu.memory_space<hbm>> -> memref<2048xi32, #tpu.memory_space<hbm>>
            %dma_wait3A_109 = tpu.memref_slice %arg2[%multiple_of3A] : memref<16384xi32, #tpu.memory_space<hbm>> -> memref<2048xi32, #tpu.memory_space<hbm>>
            tpu.wait_dma2 semaphore(%run_scoped3A : memref<!tpu.dma_semaphore, #tpu.memory_space<semaphore_mem>>) src(%dma_wait3A_109 : memref<2048xi32, #tpu.memory_space<hbm>>) dst(%arg18 : memref<2048xi32, #tpu.memory_space<vmem>>)
            tpu.yield
          }) : () -> ()
          %scan3A_102 = arith.constant 0 : i32
          %scan3A_103 = arith.constant 128 : i32
          %scan3A_104 = arith.addi %scan3A_102, %scan3A_103 : i32
          %scan3A_105 = arith.constant 1 : i32
          %scan3A_106 = scf.for %scan3A_108 = %scan3A_102 to %scan3A_104 step %scan3A_105 iter_args(%scan3A_109 = %scan3A_99) -> (i32)  : i32 {
            %mul3A_110 = arith.constant 16 : i32
            %mul3A_111 = arith.muli %scan3A_108, %mul3A_110 : i32
            %get3A = arith.index_cast %mul3A_111 : i32 to index
            %get3A_112 = tpu.vector_load %arg18[%get3A] {strides = array<i32>} : memref<2048xi32, #tpu.memory_space<vmem>>, vector<16xi32>,
            %iota3A = tpu.iota {dimensions = array<i32: 0>} : vector<16xi32>
            %mul3A_113 = arith.constant 2048 : i32
            %mul3A_114 = arith.muli %scan3A_98, %mul3A_113 : i32
            %add3A_115 = vector.broadcast %mul3A_114 : i32 to vector<16xi32>
            %add3A_116 = arith.addi %iota3A, %add3A_115 : vector<16xi32>
            %mul3A_117 = arith.constant 16 : i32
            %mul3A_118 = arith.muli %scan3A_108, %mul3A_117 : i32
            %add3A_119 = vector.broadcast %mul3A_118 : i32 to vector<16xi32>
            %add3A_120 = arith.addi %add3A_116, %add3A_119 : vector<16xi32>
            %ge3A = vector.broadcast %mul3A_2 : i32 to vector<16xi32>
            %ge3A_121 = arith.cmpi sge, %get3A_112, %ge3A : vector<16xi32>
            %lt3A = vector.broadcast %add3A_4 : i32 to vector<16xi32>
            %lt3A_122 = arith.cmpi slt, %get3A_112, %lt3A : vector<16xi32>
            %and3A_123 = arith.andi %ge3A_121, %lt3A_122 : vector<16xi1>
            %convert_element_type3A_124 = arith.extui %and3A_123 : vector<16xi1> to vector<16xi32>
            %cumsum3A = arith.constant true
            %cumsum3A_125 = vector.broadcast %cumsum3A : i1 to vector<16xi1>
            %cumsum3A_126 = tpu.scan <sum>, %convert_element_type3A_124 masked %cumsum3A_125 : vector<16xi32>, vector<16xi1> -> vector<16xi32>
            %add3A_127 = vector.broadcast %scan3A_109 : i32 to vector<16xi32>
            %add3A_128 = arith.addi %add3A_127, %cumsum3A_126 : vector<16xi32>
            %sub3A_129 = arith.constant 1 : i32
            %sub3A_130 = vector.broadcast %sub3A_129 : i32 to vector<16xi32>
            %sub3A_131 = arith.subi %add3A_128, %sub3A_130 : vector<16xi32>
            %ge3A_132 = vector.broadcast %mul3A_60 : i32 to vector<16xi32>
            %ge3A_133 = arith.cmpi sge, %sub3A_131, %ge3A_132 : vector<16xi32>
            %and3A_134 = arith.andi %and3A_123, %ge3A_133 : vector<16xi1>
            %add3A_135 = arith.constant 8192 : i32
            %add3A_136 = arith.addi %mul3A_60, %add3A_135 : i32
            %lt3A_137 = vector.broadcast %add3A_136 : i32 to vector<16xi32>
            %lt3A_138 = arith.cmpi slt, %sub3A_131, %lt3A_137 : vector<16xi32>
            %and3A_139 = arith.andi %and3A_134, %lt3A_138 : vector<16xi1>
            %sub3A_140 = vector.broadcast %mul3A_60 : i32 to vector<16xi32>
            %sub3A_141 = arith.subi %sub3A_131, %sub3A_140 : vector<16xi32>
            tpu.vector_store_idx %arg8[%sub3A_141], %get3A_112 masked %and3A_139 : memref<8192xi32, #tpu.memory_space<vmem>>[vector<16xi32>], vector<16xi32>, vector<16xi1>
            tpu.vector_store_idx %arg9[%sub3A_141], %add3A_120 masked %and3A_139 : memref<8192xi32, #tpu.memory_space<vmem>>[vector<16xi32>], vector<16xi32>, vector<16xi1>
            %convert_element_type3A_142 = arith.extui %and3A_123 : vector<16xi1> to vector<16xi32>
            %reduce_sum3A = arith.constant true
            %reduce_sum3A_143 = vector.broadcast %reduce_sum3A : i1 to vector<16xi1>
            %reduce_sum3A_144 = tpu.scan <sum>, %convert_element_type3A_142 masked %reduce_sum3A_143 : vector<16xi32>, vector<16xi1> -> vector<16xi32>
            %reduce_sum3A_145 = vector.extract %reduce_sum3A_144[15] : i32 from vector<16xi32>
            %add3A_146 = arith.addi %scan3A_109, %reduce_sum3A_145 : i32
            scf.yield %add3A_146 : i32
          }
          %scan3A_107 = arith.constant 128 : i32
          scf.yield %scan3A_106 : i32
        }
        %scan3A_97 = arith.constant 8 : i32
        scf.yield %scan3A_96 : i32
      } else {
        %gt3A_91 = arith.cmpi sgt, %scan3A_58, %mul3A_60 : i32
        %convert_element_type3A_92 = arith.extui %gt3A_91 : i1 to i32
        %cond3A_93 = arith.constant 0 : i32
        %cond3A_94 = arith.cmpi ne, %convert_element_type3A_92, %cond3A_93 : i32
        %cond3A_95 = scf.if %cond3A_94 -> (i32) {
          %scan3A_96 = arith.constant 0 : i32
          %scan3A_97 = arith.constant 0 : i32
          %scan3A_98 = arith.constant 8 : i32
          %scan3A_99 = arith.addi %scan3A_97, %scan3A_98 : i32
          %scan3A_100 = arith.constant 1 : i32
          %scan3A_101 = scf.for %scan3A_103 = %scan3A_97 to %scan3A_99 step %scan3A_100 iter_args(%scan3A_104 = %scan3A_96) -> (i32)  : i32 {
            %mul3A_105 = arith.constant 2048 : i32
            %mul3A_106 = arith.muli %scan3A_103, %mul3A_105 : i32
            %multiple_of3A = tpu.assume_multiple %mul3A_106, 2048 : i32
            "tpu.region"() ({
              %run_scoped3A = tpu.sem_alloc : memref<!tpu.dma_semaphore, #tpu.memory_space<semaphore_mem>>
              %dma_start3A = tpu.memref_slice %arg2[%multiple_of3A] : memref<16384xi32, #tpu.memory_space<hbm>> -> memref<2048xi32, #tpu.memory_space<hbm>>
              %dma_start3A_113 = tpu.memref_slice %arg2[%multiple_of3A] : memref<16384xi32, #tpu.memory_space<hbm>> -> memref<2048xi32, #tpu.memory_space<hbm>>
              tpu.enqueue_dma source(%dma_start3A_113 : memref<2048xi32, #tpu.memory_space<hbm>>) target(%arg18 : memref<2048xi32, #tpu.memory_space<vmem>>) target_semaphore(%run_scoped3A : memref<!tpu.dma_semaphore, #tpu.memory_space<semaphore_mem>>)
              %dma_wait3A = tpu.memref_slice %arg2[%multiple_of3A] : memref<16384xi32, #tpu.memory_space<hbm>> -> memref<2048xi32, #tpu.memory_space<hbm>>
              %dma_wait3A_114 = tpu.memref_slice %arg2[%multiple_of3A] : memref<16384xi32, #tpu.memory_space<hbm>> -> memref<2048xi32, #tpu.memory_space<hbm>>
              tpu.wait_dma2 semaphore(%run_scoped3A : memref<!tpu.dma_semaphore, #tpu.memory_space<semaphore_mem>>) src(%dma_wait3A_114 : memref<2048xi32, #tpu.memory_space<hbm>>) dst(%arg18 : memref<2048xi32, #tpu.memory_space<vmem>>)
              tpu.yield
            }) : () -> ()
            %scan3A_107 = arith.constant 0 : i32
            %scan3A_108 = arith.constant 128 : i32
            %scan3A_109 = arith.addi %scan3A_107, %scan3A_108 : i32
            %scan3A_110 = arith.constant 1 : i32
            %scan3A_111 = scf.for %scan3A_113 = %scan3A_107 to %scan3A_109 step %scan3A_110 iter_args(%scan3A_114 = %scan3A_104) -> (i32)  : i32 {
              %mul3A_115 = arith.constant 16 : i32
              %mul3A_116 = arith.muli %scan3A_113, %mul3A_115 : i32
              %get3A = arith.index_cast %mul3A_116 : i32 to index
              %get3A_117 = tpu.vector_load %arg18[%get3A] {strides = array<i32>} : memref<2048xi32, #tpu.memory_space<vmem>>, vector<16xi32>,
              %iota3A = tpu.iota {dimensions = array<i32: 0>} : vector<16xi32>
              %mul3A_118 = arith.constant 2048 : i32
              %mul3A_119 = arith.muli %scan3A_103, %mul3A_118 : i32
              %add3A_120 = vector.broadcast %mul3A_119 : i32 to vector<16xi32>
              %add3A_121 = arith.addi %iota3A, %add3A_120 : vector<16xi32>
              %mul3A_122 = arith.constant 16 : i32
              %mul3A_123 = arith.muli %scan3A_113, %mul3A_122 : i32
              %add3A_124 = vector.broadcast %mul3A_123 : i32 to vector<16xi32>
              %add3A_125 = arith.addi %add3A_121, %add3A_124 : vector<16xi32>
              %ge3A = vector.broadcast %mul3A_2 : i32 to vector<16xi32>
              %ge3A_126 = arith.cmpi sge, %get3A_117, %ge3A : vector<16xi32>
              %lt3A = vector.broadcast %add3A_4 : i32 to vector<16xi32>
              %lt3A_127 = arith.cmpi slt, %get3A_117, %lt3A : vector<16xi32>
              %and3A_128 = arith.andi %ge3A_126, %lt3A_127 : vector<16xi1>
              %convert_element_type3A_129 = arith.extui %and3A_128 : vector<16xi1> to vector<16xi32>
              %cumsum3A = arith.constant true
              %cumsum3A_130 = vector.broadcast %cumsum3A : i1 to vector<16xi1>
              %cumsum3A_131 = tpu.scan <sum>, %convert_element_type3A_129 masked %cumsum3A_130 : vector<16xi32>, vector<16xi1> -> vector<16xi32>
              %add3A_132 = vector.broadcast %scan3A_114 : i32 to vector<16xi32>
              %add3A_133 = arith.addi %add3A_132, %cumsum3A_131 : vector<16xi32>
              %sub3A_134 = arith.constant 1 : i32
              %sub3A_135 = vector.broadcast %sub3A_134 : i32 to vector<16xi32>
              %sub3A_136 = arith.subi %add3A_133, %sub3A_135 : vector<16xi32>
              %ge3A_137 = vector.broadcast %mul3A_60 : i32 to vector<16xi32>
              %ge3A_138 = arith.cmpi sge, %sub3A_136, %ge3A_137 : vector<16xi32>
              %and3A_139 = arith.andi %and3A_128, %ge3A_138 : vector<16xi1>
              %add3A_140 = arith.constant 8192 : i32
              %add3A_141 = arith.addi %mul3A_60, %add3A_140 : i32
              %lt3A_142 = vector.broadcast %add3A_141 : i32 to vector<16xi32>
              %lt3A_143 = arith.cmpi slt, %sub3A_136, %lt3A_142 : vector<16xi32>
              %and3A_144 = arith.andi %and3A_139, %lt3A_143 : vector<16xi1>
              %sub3A_145 = vector.broadcast %mul3A_60 : i32 to vector<16xi32>
              %sub3A_146 = arith.subi %sub3A_136, %sub3A_145 : vector<16xi32>
              tpu.vector_store_idx %arg8[%sub3A_146], %get3A_117 masked %and3A_144 : memref<8192xi32, #tpu.memory_space<vmem>>[vector<16xi32>], vector<16xi32>, vector<16xi1>
              tpu.vector_store_idx %arg9[%sub3A_146], %add3A_125 masked %and3A_144 : memref<8192xi32, #tpu.memory_space<vmem>>[vector<16xi32>], vector<16xi32>, vector<16xi1>
              %convert_element_type3A_147 = arith.extui %and3A_128 : vector<16xi1> to vector<16xi32>
              %reduce_sum3A = arith.constant true
              %reduce_sum3A_148 = vector.broadcast %reduce_sum3A : i1 to vector<16xi1>
              %reduce_sum3A_149 = tpu.scan <sum>, %convert_element_type3A_147 masked %reduce_sum3A_148 : vector<16xi32>, vector<16xi1> -> vector<16xi32>
              %reduce_sum3A_150 = vector.extract %reduce_sum3A_149[15] : i32 from vector<16xi32>
              %add3A_151 = arith.addi %scan3A_114, %reduce_sum3A_150 : i32
              scf.yield %add3A_151 : i32
            }
            %scan3A_112 = arith.constant 128 : i32
            scf.yield %scan3A_111 : i32
          }
          %scan3A_102 = arith.constant 8 : i32
          scf.yield %scan3A_101 : i32
        } else {
          scf.yield %scan3A_58 : i32
        }
        scf.yield %cond3A_95 : i32
      }
      %sub3A = arith.subi %cond3A_63, %mul3A_60 : i32
      %jit3A = arith.constant 0 : i32
      %jit3A_64 = arith.constant 8192 : i32
      %max3A = arith.maxsi %jit3A, %sub3A : i32
      %min3A = arith.minsi %jit3A_64, %max3A : i32
      %add3A_65 = arith.constant 16 : i32
      %add3A_66 = arith.addi %min3A, %add3A_65 : i32
      %sub3A_67 = arith.constant 1 : i32
      %sub3A_68 = arith.subi %add3A_66, %sub3A_67 : i32
      %jit3A_69 = arith.constant 16 : i32
      %div3A = arith.divsi %sub3A_68, %jit3A_69 : i32
      %sign3A = arith.constant 0 : i32
      %sign3A_70 = arith.cmpi sgt, %sub3A_68, %sign3A : i32
      %sign3A_71 = arith.extui %sign3A_70 : i1 to i32
      %sign3A_72 = arith.constant 0 : i32
      %sign3A_73 = arith.cmpi slt, %sub3A_68, %sign3A_72 : i32
      %sign3A_74 = arith.extui %sign3A_73 : i1 to i32
      %sign3A_75 = arith.subi %sign3A_71, %sign3A_74 : i32
      %sign3A_76 = arith.constant 0 : i32
      %sign3A_77 = arith.cmpi sgt, %jit3A_69, %sign3A_76 : i32
      %sign3A_78 = arith.extui %sign3A_77 : i1 to i32
      %sign3A_79 = arith.constant 0 : i32
      %sign3A_80 = arith.cmpi slt, %jit3A_69, %sign3A_79 : i32
      %sign3A_81 = arith.extui %sign3A_80 : i1 to i32
      %sign3A_82 = arith.subi %sign3A_78, %sign3A_81 : i32
      %ne3A = arith.cmpi ne, %sign3A_75, %sign3A_82 : i32
      %rem3A = arith.remsi %sub3A_68, %jit3A_69 : i32
      %ne3A_83 = arith.constant 0 : i32
      %ne3A_84 = arith.cmpi ne, %rem3A, %ne3A_83 : i32
      %and3A = arith.andi %ne3A, %ne3A_84 : i1
      %sub3A_85 = arith.constant 1 : i32
      %sub3A_86 = arith.subi %div3A, %sub3A_85 : i32
      %select_n3A = arith.select %and3A, %sub3A_86, %div3A : i32
      %gt3A = arith.constant 0 : i32
      %gt3A_87 = arith.cmpi sgt, %min3A, %gt3A : i32
      %convert_element_type3A_88 = arith.extui %gt3A_87 : i1 to i32
      %cond3A_89 = arith.constant 0 : i32
      %cond3A_90 = arith.cmpi ne, %convert_element_type3A_88, %cond3A_89 : i32
      scf.if %cond3A_90 {
        %broadcast_in_dim3A_91 = arith.constant 0 : i32
        %broadcast_in_dim3A_92 = vector.broadcast %broadcast_in_dim3A_91 : i32 to vector<16xi32>
        %swap3A_93 = arith.constant 0 : index
        %swap3A_94 = tpu.vector_load %arg11[%swap3A_93] {strides = array<i32>} : memref<256xi32, #tpu.memory_space<vmem>>, vector<16xi32>,
        tpu.vector_store %arg11[%swap3A_93], %broadcast_in_dim3A_92 {strides = array<i32>} : memref<256xi32, #tpu.memory_space<vmem>>, vector<16xi32>,
        %broadcast_in_dim3A_95 = arith.constant 0 : i32
        %broadcast_in_dim3A_96 = vector.broadcast %broadcast_in_dim3A_95 : i32 to vector<16xi32>
        %swap3A_97 = arith.constant 16 : index
        %swap3A_98 = tpu.vector_load %arg11[%swap3A_97] {strides = array<i32>} : memref<256xi32, #tpu.memory_space<vmem>>, vector<16xi32>,
        tpu.vector_store %arg11[%swap3A_97], %broadcast_in_dim3A_96 {strides = array<i32>} : memref<256xi32, #tpu.memory_space<vmem>>, vector<16xi32>,
        %broadcast_in_dim3A_99 = arith.constant 0 : i32
        %broadcast_in_dim3A_100 = vector.broadcast %broadcast_in_dim3A_99 : i32 to vector<16xi32>
        %swap3A_101 = arith.constant 32 : index
        %swap3A_102 = tpu.vector_load %arg11[%swap3A_101] {strides = array<i32>} : memref<256xi32, #tpu.memory_space<vmem>>, vector<16xi32>,
        tpu.vector_store %arg11[%swap3A_101], %broadcast_in_dim3A_100 {strides = array<i32>} : memref<256xi32, #tpu.memory_space<vmem>>, vector<16xi32>,
        %broadcast_in_dim3A_103 = arith.constant 0 : i32
        %broadcast_in_dim3A_104 = vector.broadcast %broadcast_in_dim3A_103 : i32 to vector<16xi32>
        %swap3A_105 = arith.constant 48 : index
        %swap3A_106 = tpu.vector_load %arg11[%swap3A_105] {strides = array<i32>} : memref<256xi32, #tpu.memory_space<vmem>>, vector<16xi32>,
        tpu.vector_store %arg11[%swap3A_105], %broadcast_in_dim3A_104 {strides = array<i32>} : memref<256xi32, #tpu.memory_space<vmem>>, vector<16xi32>,
        %broadcast_in_dim3A_107 = arith.constant 0 : i32
        %broadcast_in_dim3A_108 = vector.broadcast %broadcast_in_dim3A_107 : i32 to vector<16xi32>
        %swap3A_109 = arith.constant 64 : index
        %swap3A_110 = tpu.vector_load %arg11[%swap3A_109] {strides = array<i32>} : memref<256xi32, #tpu.memory_space<vmem>>, vector<16xi32>,
        tpu.vector_store %arg11[%swap3A_109], %broadcast_in_dim3A_108 {strides = array<i32>} : memref<256xi32, #tpu.memory_space<vmem>>, vector<16xi32>,
        %broadcast_in_dim3A_111 = arith.constant 0 : i32
        %broadcast_in_dim3A_112 = vector.broadcast %broadcast_in_dim3A_111 : i32 to vector<16xi32>
        %swap3A_113 = arith.constant 80 : index
        %swap3A_114 = tpu.vector_load %arg11[%swap3A_113] {strides = array<i32>} : memref<256xi32, #tpu.memory_space<vmem>>, vector<16xi32>,
        tpu.vector_store %arg11[%swap3A_113], %broadcast_in_dim3A_112 {strides = array<i32>} : memref<256xi32, #tpu.memory_space<vmem>>, vector<16xi32>,
        %broadcast_in_dim3A_115 = arith.constant 0 : i32
        %broadcast_in_dim3A_116 = vector.broadcast %broadcast_in_dim3A_115 : i32 to vector<16xi32>
        %swap3A_117 = arith.constant 96 : index
        %swap3A_118 = tpu.vector_load %arg11[%swap3A_117] {strides = array<i32>} : memref<256xi32, #tpu.memory_space<vmem>>, vector<16xi32>,
        tpu.vector_store %arg11[%swap3A_117], %broadcast_in_dim3A_116 {strides = array<i32>} : memref<256xi32, #tpu.memory_space<vmem>>, vector<16xi32>,
        %broadcast_in_dim3A_119 = arith.constant 0 : i32
        %broadcast_in_dim3A_120 = vector.broadcast %broadcast_in_dim3A_119 : i32 to vector<16xi32>
        %swap3A_121 = arith.constant 112 : index
        %swap3A_122 = tpu.vector_load %arg11[%swap3A_121] {strides = array<i32>} : memref<256xi32, #tpu.memory_space<vmem>>, vector<16xi32>,
        tpu.vector_store %arg11[%swap3A_121], %broadcast_in_dim3A_120 {strides = array<i32>} : memref<256xi32, #tpu.memory_space<vmem>>, vector<16xi32>,
        %broadcast_in_dim3A_123 = arith.constant 0 : i32
        %broadcast_in_dim3A_124 = vector.broadcast %broadcast_in_dim3A_123 : i32 to vector<16xi32>
        %swap3A_125 = arith.constant 128 : index
        %swap3A_126 = tpu.vector_load %arg11[%swap3A_125] {strides = array<i32>} : memref<256xi32, #tpu.memory_space<vmem>>, vector<16xi32>,
        tpu.vector_store %arg11[%swap3A_125], %broadcast_in_dim3A_124 {strides = array<i32>} : memref<256xi32, #tpu.memory_space<vmem>>, vector<16xi32>,
        %broadcast_in_dim3A_127 = arith.constant 0 : i32
        %broadcast_in_dim3A_128 = vector.broadcast %broadcast_in_dim3A_127 : i32 to vector<16xi32>
        %swap3A_129 = arith.constant 144 : index
        %swap3A_130 = tpu.vector_load %arg11[%swap3A_129] {strides = array<i32>} : memref<256xi32, #tpu.memory_space<vmem>>, vector<16xi32>,
        tpu.vector_store %arg11[%swap3A_129], %broadcast_in_dim3A_128 {strides = array<i32>} : memref<256xi32, #tpu.memory_space<vmem>>, vector<16xi32>,
        %broadcast_in_dim3A_131 = arith.constant 0 : i32
        %broadcast_in_dim3A_132 = vector.broadcast %broadcast_in_dim3A_131 : i32 to vector<16xi32>
        %swap3A_133 = arith.constant 160 : index
        %swap3A_134 = tpu.vector_load %arg11[%swap3A_133] {strides = array<i32>} : memref<256xi32, #tpu.memory_space<vmem>>, vector<16xi32>,
        tpu.vector_store %arg11[%swap3A_133], %broadcast_in_dim3A_132 {strides = array<i32>} : memref<256xi32, #tpu.memory_space<vmem>>, vector<16xi32>,
        %broadcast_in_dim3A_135 = arith.constant 0 : i32
        %broadcast_in_dim3A_136 = vector.broadcast %broadcast_in_dim3A_135 : i32 to vector<16xi32>
        %swap3A_137 = arith.constant 176 : index
        %swap3A_138 = tpu.vector_load %arg11[%swap3A_137] {strides = array<i32>} : memref<256xi32, #tpu.memory_space<vmem>>, vector<16xi32>,
        tpu.vector_store %arg11[%swap3A_137], %broadcast_in_dim3A_136 {strides = array<i32>} : memref<256xi32, #tpu.memory_space<vmem>>, vector<16xi32>,
        %broadcast_in_dim3A_139 = arith.constant 0 : i32
        %broadcast_in_dim3A_140 = vector.broadcast %broadcast_in_dim3A_139 : i32 to vector<16xi32>
        %swap3A_141 = arith.constant 192 : index
        %swap3A_142 = tpu.vector_load %arg11[%swap3A_141] {strides = array<i32>} : memref<256xi32, #tpu.memory_space<vmem>>, vector<16xi32>,
        tpu.vector_store %arg11[%swap3A_141], %broadcast_in_dim3A_140 {strides = array<i32>} : memref<256xi32, #tpu.memory_space<vmem>>, vector<16xi32>,
        %broadcast_in_dim3A_143 = arith.constant 0 : i32
        %broadcast_in_dim3A_144 = vector.broadcast %broadcast_in_dim3A_143 : i32 to vector<16xi32>
        %swap3A_145 = arith.constant 208 : index
        %swap3A_146 = tpu.vector_load %arg11[%swap3A_145] {strides = array<i32>} : memref<256xi32, #tpu.memory_space<vmem>>, vector<16xi32>,
        tpu.vector_store %arg11[%swap3A_145], %broadcast_in_dim3A_144 {strides = array<i32>} : memref<256xi32, #tpu.memory_space<vmem>>, vector<16xi32>,
        %broadcast_in_dim3A_147 = arith.constant 0 : i32
        %broadcast_in_dim3A_148 = vector.broadcast %broadcast_in_dim3A_147 : i32 to vector<16xi32>
        %swap3A_149 = arith.constant 224 : index
        %swap3A_150 = tpu.vector_load %arg11[%swap3A_149] {strides = array<i32>} : memref<256xi32, #tpu.memory_space<vmem>>, vector<16xi32>,
        tpu.vector_store %arg11[%swap3A_149], %broadcast_in_dim3A_148 {strides = array<i32>} : memref<256xi32, #tpu.memory_space<vmem>>, vector<16xi32>,
        %broadcast_in_dim3A_151 = arith.constant 0 : i32
        %broadcast_in_dim3A_152 = vector.broadcast %broadcast_in_dim3A_151 : i32 to vector<16xi32>
        %swap3A_153 = arith.constant 240 : index
        %swap3A_154 = tpu.vector_load %arg11[%swap3A_153] {strides = array<i32>} : memref<256xi32, #tpu.memory_space<vmem>>, vector<16xi32>,
        tpu.vector_store %arg11[%swap3A_153], %broadcast_in_dim3A_152 {strides = array<i32>} : memref<256xi32, #tpu.memory_space<vmem>>, vector<16xi32>,
        %while3A = arith.constant 0 : i32
        %while3A_155 = arith.constant 0 : i32
        %while3A_156 = arith.subi %select_n3A, %while3A : i32
        %while3A_157 = arith.addi %while3A, %while3A_156 : i32
        %while3A_158 = arith.constant 1 : i32
        %while3A_159 = arith.divsi %while3A_156, %while3A_158 : i32
        %while3A_160 = arith.muli %while3A_159, %while3A_158 : i32
        %while3A_161 = arith.addi %while3A, %while3A_160 : i32
        %while3A_162 = arith.constant 1 : i32
        %while3A_163 = scf.for %while3A_574 = %while3A to %while3A_161 step %while3A_162 iter_args(%while3A_575 = %while3A_155) -> (i32)  : i32 {
          %mul3A_576 = arith.constant 16 : i32
          %mul3A_577 = arith.muli %while3A_574, %mul3A_576 : i32
          %get3A_578 = arith.index_cast %mul3A_577 : i32 to index
          %get3A_579 = tpu.vector_load %arg8[%get3A_578] {strides = array<i32>} : memref<8192xi32, #tpu.memory_space<vmem>>, vector<16xi32>,
          %iota3A = tpu.iota {dimensions = array<i32: 0>} : vector<16xi32>
          %mul3A_580 = arith.constant 16 : i32
          %mul3A_581 = arith.muli %while3A_574, %mul3A_580 : i32
          %add3A_582 = vector.broadcast %mul3A_581 : i32 to vector<16xi32>
          %add3A_583 = arith.addi %iota3A, %add3A_582 : vector<16xi32>
          %lt3A_584 = vector.broadcast %min3A : i32 to vector<16xi32>
          %lt3A_585 = arith.cmpi slt, %add3A_583, %lt3A_584 : vector<16xi32>
          %sub3A_586 = vector.broadcast %mul3A_2 : i32 to vector<16xi32>
          %sub3A_587 = arith.subi %get3A_579, %sub3A_586 : vector<16xi32>
          %shift_right_arithmetic3A = arith.constant 7 : i32
          %shift_right_arithmetic3A_588 = vector.broadcast %shift_right_arithmetic3A : i32 to vector<16xi32>
          %shift_right_arithmetic3A_589 = arith.shrsi %sub3A_587, %shift_right_arithmetic3A_588 : vector<16xi32>
          %jit3A_590 = arith.constant 255 : i32
          %broadcast_in_dim3A_591 = vector.broadcast %jit3A_590 : i32 to vector<16xi32>
          %select_n3A_592 = arith.select %lt3A_585, %shift_right_arithmetic3A_589, %broadcast_in_dim3A_591 : vector<16xi1>, vector<16xi32>
          %broadcast_in_dim3A_593 = arith.constant 1 : i32
          %broadcast_in_dim3A_594 = vector.broadcast %broadcast_in_dim3A_593 : i32 to vector<16xi32>
          tpu.vector_store_idx %arg11[%select_n3A_592], %broadcast_in_dim3A_594 masked %lt3A_585 {add = true} : memref<256xi32, #tpu.memory_space<vmem>>[vector<16xi32>], vector<16xi32>, vector<16xi1>
          %while3A_595 = arith.constant 0 : i32
          scf.yield %while3A_595 : i32
        }
        %while3A_164 = arith.constant 1 : i32
        %while3A_165 = scf.for %while3A_574 = %while3A_161 to %while3A_157 step %while3A_164 iter_args(%while3A_575 = %while3A_163) -> (i32)  : i32 {
          %mul3A_576 = arith.constant 16 : i32
          %mul3A_577 = arith.muli %while3A_574, %mul3A_576 : i32
          %get3A_578 = arith.index_cast %mul3A_577 : i32 to index
          %get3A_579 = tpu.vector_load %arg8[%get3A_578] {strides = array<i32>} : memref<8192xi32, #tpu.memory_space<vmem>>, vector<16xi32>,
          %iota3A = tpu.iota {dimensions = array<i32: 0>} : vector<16xi32>
          %mul3A_580 = arith.constant 16 : i32
          %mul3A_581 = arith.muli %while3A_574, %mul3A_580 : i32
          %add3A_582 = vector.broadcast %mul3A_581 : i32 to vector<16xi32>
          %add3A_583 = arith.addi %iota3A, %add3A_582 : vector<16xi32>
          %lt3A_584 = vector.broadcast %min3A : i32 to vector<16xi32>
          %lt3A_585 = arith.cmpi slt, %add3A_583, %lt3A_584 : vector<16xi32>
          %sub3A_586 = vector.broadcast %mul3A_2 : i32 to vector<16xi32>
          %sub3A_587 = arith.subi %get3A_579, %sub3A_586 : vector<16xi32>
          %shift_right_arithmetic3A = arith.constant 7 : i32
          %shift_right_arithmetic3A_588 = vector.broadcast %shift_right_arithmetic3A : i32 to vector<16xi32>
          %shift_right_arithmetic3A_589 = arith.shrsi %sub3A_587, %shift_right_arithmetic3A_588 : vector<16xi32>
          %jit3A_590 = arith.constant 255 : i32
          %broadcast_in_dim3A_591 = vector.broadcast %jit3A_590 : i32 to vector<16xi32>
          %select_n3A_592 = arith.select %lt3A_585, %shift_right_arithmetic3A_589, %broadcast_in_dim3A_591 : vector<16xi1>, vector<16xi32>
          %broadcast_in_dim3A_593 = arith.constant 1 : i32
          %broadcast_in_dim3A_594 = vector.broadcast %broadcast_in_dim3A_593 : i32 to vector<16xi32>
          tpu.vector_store_idx %arg11[%select_n3A_592], %broadcast_in_dim3A_594 masked %lt3A_585 {add = true} : memref<256xi32, #tpu.memory_space<vmem>>[vector<16xi32>], vector<16xi32>, vector<16xi1>
          %while3A_595 = arith.constant 0 : i32
          scf.yield %while3A_595 : i32
        }
        %get3A = arith.constant 0 : index
        %get3A_166 = tpu.vector_load %arg11[%get3A] {strides = array<i32>} : memref<256xi32, #tpu.memory_space<vmem>>, vector<16xi32>,
        %cumsum3A = arith.constant true
        %cumsum3A_167 = vector.broadcast %cumsum3A : i1 to vector<16xi1>
        %cumsum3A_168 = tpu.scan <sum>, %get3A_166 masked %cumsum3A_167 : vector<16xi32>, vector<16xi1> -> vector<16xi32>
        %add3A_169 = arith.constant 0 : i32
        %add3A_170 = vector.broadcast %add3A_169 : i32 to vector<16xi32>
        %add3A_171 = arith.addi %add3A_170, %cumsum3A_168 : vector<16xi32>
        %sub3A_172 = arith.subi %add3A_171, %get3A_166 : vector<16xi32>
        %swap3A_173 = arith.constant 0 : index
        %swap3A_174 = tpu.vector_load %arg12[%swap3A_173] {strides = array<i32>} : memref<256xi32, #tpu.memory_space<vmem>>, vector<16xi32>,
        tpu.vector_store %arg12[%swap3A_173], %sub3A_172 {strides = array<i32>} : memref<256xi32, #tpu.memory_space<vmem>>, vector<16xi32>,
        %swap3A_175 = arith.constant 0 : index
        %swap3A_176 = tpu.vector_load %arg13[%swap3A_175] {strides = array<i32>} : memref<256xi32, #tpu.memory_space<vmem>>, vector<16xi32>,
        tpu.vector_store %arg13[%swap3A_175], %sub3A_172 {strides = array<i32>} : memref<256xi32, #tpu.memory_space<vmem>>, vector<16xi32>,
        %reduce_sum3A = arith.constant true
        %reduce_sum3A_177 = vector.broadcast %reduce_sum3A : i1 to vector<16xi1>
        %reduce_sum3A_178 = tpu.scan <sum>, %get3A_166 masked %reduce_sum3A_177 : vector<16xi32>, vector<16xi1> -> vector<16xi32>
        %reduce_sum3A_179 = vector.extract %reduce_sum3A_178[15] : i32 from vector<16xi32>
        %add3A_180 = arith.constant 0 : i32
        %add3A_181 = arith.addi %add3A_180, %reduce_sum3A_179 : i32
        %get3A_182 = arith.constant 16 : index
        %get3A_183 = tpu.vector_load %arg11[%get3A_182] {strides = array<i32>} : memref<256xi32, #tpu.memory_space<vmem>>, vector<16xi32>,
        %cumsum3A_184 = arith.constant true
        %cumsum3A_185 = vector.broadcast %cumsum3A_184 : i1 to vector<16xi1>
        %cumsum3A_186 = tpu.scan <sum>, %get3A_183 masked %cumsum3A_185 : vector<16xi32>, vector<16xi1> -> vector<16xi32>
        %add3A_187 = vector.broadcast %add3A_181 : i32 to vector<16xi32>
        %add3A_188 = arith.addi %add3A_187, %cumsum3A_186 : vector<16xi32>
        %sub3A_189 = arith.subi %add3A_188, %get3A_183 : vector<16xi32>
        %swap3A_190 = arith.constant 16 : index
        %swap3A_191 = tpu.vector_load %arg12[%swap3A_190] {strides = array<i32>} : memref<256xi32, #tpu.memory_space<vmem>>, vector<16xi32>,
        tpu.vector_store %arg12[%swap3A_190], %sub3A_189 {strides = array<i32>} : memref<256xi32, #tpu.memory_space<vmem>>, vector<16xi32>,
        %swap3A_192 = arith.constant 16 : index
        %swap3A_193 = tpu.vector_load %arg13[%swap3A_192] {strides = array<i32>} : memref<256xi32, #tpu.memory_space<vmem>>, vector<16xi32>,
        tpu.vector_store %arg13[%swap3A_192], %sub3A_189 {strides = array<i32>} : memref<256xi32, #tpu.memory_space<vmem>>, vector<16xi32>,
        %reduce_sum3A_194 = arith.constant true
        %reduce_sum3A_195 = vector.broadcast %reduce_sum3A_194 : i1 to vector<16xi1>
        %reduce_sum3A_196 = tpu.scan <sum>, %get3A_183 masked %reduce_sum3A_195 : vector<16xi32>, vector<16xi1> -> vector<16xi32>
        %reduce_sum3A_197 = vector.extract %reduce_sum3A_196[15] : i32 from vector<16xi32>
        %add3A_198 = arith.addi %add3A_181, %reduce_sum3A_197 : i32
        %get3A_199 = arith.constant 32 : index
        %get3A_200 = tpu.vector_load %arg11[%get3A_199] {strides = array<i32>} : memref<256xi32, #tpu.memory_space<vmem>>, vector<16xi32>,
        %cumsum3A_201 = arith.constant true
        %cumsum3A_202 = vector.broadcast %cumsum3A_201 : i1 to vector<16xi1>
        %cumsum3A_203 = tpu.scan <sum>, %get3A_200 masked %cumsum3A_202 : vector<16xi32>, vector<16xi1> -> vector<16xi32>
        %add3A_204 = vector.broadcast %add3A_198 : i32 to vector<16xi32>
        %add3A_205 = arith.addi %add3A_204, %cumsum3A_203 : vector<16xi32>
        %sub3A_206 = arith.subi %add3A_205, %get3A_200 : vector<16xi32>
        %swap3A_207 = arith.constant 32 : index
        %swap3A_208 = tpu.vector_load %arg12[%swap3A_207] {strides = array<i32>} : memref<256xi32, #tpu.memory_space<vmem>>, vector<16xi32>,
        tpu.vector_store %arg12[%swap3A_207], %sub3A_206 {strides = array<i32>} : memref<256xi32, #tpu.memory_space<vmem>>, vector<16xi32>,
        %swap3A_209 = arith.constant 32 : index
        %swap3A_210 = tpu.vector_load %arg13[%swap3A_209] {strides = array<i32>} : memref<256xi32, #tpu.memory_space<vmem>>, vector<16xi32>,
        tpu.vector_store %arg13[%swap3A_209], %sub3A_206 {strides = array<i32>} : memref<256xi32, #tpu.memory_space<vmem>>, vector<16xi32>,
        %reduce_sum3A_211 = arith.constant true
        %reduce_sum3A_212 = vector.broadcast %reduce_sum3A_211 : i1 to vector<16xi1>
        %reduce_sum3A_213 = tpu.scan <sum>, %get3A_200 masked %reduce_sum3A_212 : vector<16xi32>, vector<16xi1> -> vector<16xi32>
        %reduce_sum3A_214 = vector.extract %reduce_sum3A_213[15] : i32 from vector<16xi32>
        %add3A_215 = arith.addi %add3A_198, %reduce_sum3A_214 : i32
        %get3A_216 = arith.constant 48 : index
        %get3A_217 = tpu.vector_load %arg11[%get3A_216] {strides = array<i32>} : memref<256xi32, #tpu.memory_space<vmem>>, vector<16xi32>,
        %cumsum3A_218 = arith.constant true
        %cumsum3A_219 = vector.broadcast %cumsum3A_218 : i1 to vector<16xi1>
        %cumsum3A_220 = tpu.scan <sum>, %get3A_217 masked %cumsum3A_219 : vector<16xi32>, vector<16xi1> -> vector<16xi32>
        %add3A_221 = vector.broadcast %add3A_215 : i32 to vector<16xi32>
        %add3A_222 = arith.addi %add3A_221, %cumsum3A_220 : vector<16xi32>
        %sub3A_223 = arith.subi %add3A_222, %get3A_217 : vector<16xi32>
        %swap3A_224 = arith.constant 48 : index
        %swap3A_225 = tpu.vector_load %arg12[%swap3A_224] {strides = array<i32>} : memref<256xi32, #tpu.memory_space<vmem>>, vector<16xi32>,
        tpu.vector_store %arg12[%swap3A_224], %sub3A_223 {strides = array<i32>} : memref<256xi32, #tpu.memory_space<vmem>>, vector<16xi32>,
        %swap3A_226 = arith.constant 48 : index
        %swap3A_227 = tpu.vector_load %arg13[%swap3A_226] {strides = array<i32>} : memref<256xi32, #tpu.memory_space<vmem>>, vector<16xi32>,
        tpu.vector_store %arg13[%swap3A_226], %sub3A_223 {strides = array<i32>} : memref<256xi32, #tpu.memory_space<vmem>>, vector<16xi32>,
        %reduce_sum3A_228 = arith.constant true
        %reduce_sum3A_229 = vector.broadcast %reduce_sum3A_228 : i1 to vector<16xi1>
        %reduce_sum3A_230 = tpu.scan <sum>, %get3A_217 masked %reduce_sum3A_229 : vector<16xi32>, vector<16xi1> -> vector<16xi32>
        %reduce_sum3A_231 = vector.extract %reduce_sum3A_230[15] : i32 from vector<16xi32>
        %add3A_232 = arith.addi %add3A_215, %reduce_sum3A_231 : i32
        %get3A_233 = arith.constant 64 : index
        %get3A_234 = tpu.vector_load %arg11[%get3A_233] {strides = array<i32>} : memref<256xi32, #tpu.memory_space<vmem>>, vector<16xi32>,
        %cumsum3A_235 = arith.constant true
        %cumsum3A_236 = vector.broadcast %cumsum3A_235 : i1 to vector<16xi1>
        %cumsum3A_237 = tpu.scan <sum>, %get3A_234 masked %cumsum3A_236 : vector<16xi32>, vector<16xi1> -> vector<16xi32>
        %add3A_238 = vector.broadcast %add3A_232 : i32 to vector<16xi32>
        %add3A_239 = arith.addi %add3A_238, %cumsum3A_237 : vector<16xi32>
        %sub3A_240 = arith.subi %add3A_239, %get3A_234 : vector<16xi32>
        %swap3A_241 = arith.constant 64 : index
        %swap3A_242 = tpu.vector_load %arg12[%swap3A_241] {strides = array<i32>} : memref<256xi32, #tpu.memory_space<vmem>>, vector<16xi32>,
        tpu.vector_store %arg12[%swap3A_241], %sub3A_240 {strides = array<i32>} : memref<256xi32, #tpu.memory_space<vmem>>, vector<16xi32>,
        %swap3A_243 = arith.constant 64 : index
        %swap3A_244 = tpu.vector_load %arg13[%swap3A_243] {strides = array<i32>} : memref<256xi32, #tpu.memory_space<vmem>>, vector<16xi32>,
        tpu.vector_store %arg13[%swap3A_243], %sub3A_240 {strides = array<i32>} : memref<256xi32, #tpu.memory_space<vmem>>, vector<16xi32>,
        %reduce_sum3A_245 = arith.constant true
        %reduce_sum3A_246 = vector.broadcast %reduce_sum3A_245 : i1 to vector<16xi1>
        %reduce_sum3A_247 = tpu.scan <sum>, %get3A_234 masked %reduce_sum3A_246 : vector<16xi32>, vector<16xi1> -> vector<16xi32>
        %reduce_sum3A_248 = vector.extract %reduce_sum3A_247[15] : i32 from vector<16xi32>
        %add3A_249 = arith.addi %add3A_232, %reduce_sum3A_248 : i32
        %get3A_250 = arith.constant 80 : index
        %get3A_251 = tpu.vector_load %arg11[%get3A_250] {strides = array<i32>} : memref<256xi32, #tpu.memory_space<vmem>>, vector<16xi32>,
        %cumsum3A_252 = arith.constant true
        %cumsum3A_253 = vector.broadcast %cumsum3A_252 : i1 to vector<16xi1>
        %cumsum3A_254 = tpu.scan <sum>, %get3A_251 masked %cumsum3A_253 : vector<16xi32>, vector<16xi1> -> vector<16xi32>
        %add3A_255 = vector.broadcast %add3A_249 : i32 to vector<16xi32>
        %add3A_256 = arith.addi %add3A_255, %cumsum3A_254 : vector<16xi32>
        %sub3A_257 = arith.subi %add3A_256, %get3A_251 : vector<16xi32>
        %swap3A_258 = arith.constant 80 : index
        %swap3A_259 = tpu.vector_load %arg12[%swap3A_258] {strides = array<i32>} : memref<256xi32, #tpu.memory_space<vmem>>, vector<16xi32>,
        tpu.vector_store %arg12[%swap3A_258], %sub3A_257 {strides = array<i32>} : memref<256xi32, #tpu.memory_space<vmem>>, vector<16xi32>,
        %swap3A_260 = arith.constant 80 : index
        %swap3A_261 = tpu.vector_load %arg13[%swap3A_260] {strides = array<i32>} : memref<256xi32, #tpu.memory_space<vmem>>, vector<16xi32>,
        tpu.vector_store %arg13[%swap3A_260], %sub3A_257 {strides = array<i32>} : memref<256xi32, #tpu.memory_space<vmem>>, vector<16xi32>,
        %reduce_sum3A_262 = arith.constant true
        %reduce_sum3A_263 = vector.broadcast %reduce_sum3A_262 : i1 to vector<16xi1>
        %reduce_sum3A_264 = tpu.scan <sum>, %get3A_251 masked %reduce_sum3A_263 : vector<16xi32>, vector<16xi1> -> vector<16xi32>
        %reduce_sum3A_265 = vector.extract %reduce_sum3A_264[15] : i32 from vector<16xi32>
        %add3A_266 = arith.addi %add3A_249, %reduce_sum3A_265 : i32
        %get3A_267 = arith.constant 96 : index
        %get3A_268 = tpu.vector_load %arg11[%get3A_267] {strides = array<i32>} : memref<256xi32, #tpu.memory_space<vmem>>, vector<16xi32>,
        %cumsum3A_269 = arith.constant true
        %cumsum3A_270 = vector.broadcast %cumsum3A_269 : i1 to vector<16xi1>
        %cumsum3A_271 = tpu.scan <sum>, %get3A_268 masked %cumsum3A_270 : vector<16xi32>, vector<16xi1> -> vector<16xi32>
        %add3A_272 = vector.broadcast %add3A_266 : i32 to vector<16xi32>
        %add3A_273 = arith.addi %add3A_272, %cumsum3A_271 : vector<16xi32>
        %sub3A_274 = arith.subi %add3A_273, %get3A_268 : vector<16xi32>
        %swap3A_275 = arith.constant 96 : index
        %swap3A_276 = tpu.vector_load %arg12[%swap3A_275] {strides = array<i32>} : memref<256xi32, #tpu.memory_space<vmem>>, vector<16xi32>,
        tpu.vector_store %arg12[%swap3A_275], %sub3A_274 {strides = array<i32>} : memref<256xi32, #tpu.memory_space<vmem>>, vector<16xi32>,
        %swap3A_277 = arith.constant 96 : index
        %swap3A_278 = tpu.vector_load %arg13[%swap3A_277] {strides = array<i32>} : memref<256xi32, #tpu.memory_space<vmem>>, vector<16xi32>,
        tpu.vector_store %arg13[%swap3A_277], %sub3A_274 {strides = array<i32>} : memref<256xi32, #tpu.memory_space<vmem>>, vector<16xi32>,
        %reduce_sum3A_279 = arith.constant true
        %reduce_sum3A_280 = vector.broadcast %reduce_sum3A_279 : i1 to vector<16xi1>
        %reduce_sum3A_281 = tpu.scan <sum>, %get3A_268 masked %reduce_sum3A_280 : vector<16xi32>, vector<16xi1> -> vector<16xi32>
        %reduce_sum3A_282 = vector.extract %reduce_sum3A_281[15] : i32 from vector<16xi32>
        %add3A_283 = arith.addi %add3A_266, %reduce_sum3A_282 : i32
        %get3A_284 = arith.constant 112 : index
        %get3A_285 = tpu.vector_load %arg11[%get3A_284] {strides = array<i32>} : memref<256xi32, #tpu.memory_space<vmem>>, vector<16xi32>,
        %cumsum3A_286 = arith.constant true
        %cumsum3A_287 = vector.broadcast %cumsum3A_286 : i1 to vector<16xi1>
        %cumsum3A_288 = tpu.scan <sum>, %get3A_285 masked %cumsum3A_287 : vector<16xi32>, vector<16xi1> -> vector<16xi32>
        %add3A_289 = vector.broadcast %add3A_283 : i32 to vector<16xi32>
        %add3A_290 = arith.addi %add3A_289, %cumsum3A_288 : vector<16xi32>
        %sub3A_291 = arith.subi %add3A_290, %get3A_285 : vector<16xi32>
        %swap3A_292 = arith.constant 112 : index
        %swap3A_293 = tpu.vector_load %arg12[%swap3A_292] {strides = array<i32>} : memref<256xi32, #tpu.memory_space<vmem>>, vector<16xi32>,
        tpu.vector_store %arg12[%swap3A_292], %sub3A_291 {strides = array<i32>} : memref<256xi32, #tpu.memory_space<vmem>>, vector<16xi32>,
        %swap3A_294 = arith.constant 112 : index
        %swap3A_295 = tpu.vector_load %arg13[%swap3A_294] {strides = array<i32>} : memref<256xi32, #tpu.memory_space<vmem>>, vector<16xi32>,
        tpu.vector_store %arg13[%swap3A_294], %sub3A_291 {strides = array<i32>} : memref<256xi32, #tpu.memory_space<vmem>>, vector<16xi32>,
        %reduce_sum3A_296 = arith.constant true
        %reduce_sum3A_297 = vector.broadcast %reduce_sum3A_296 : i1 to vector<16xi1>
        %reduce_sum3A_298 = tpu.scan <sum>, %get3A_285 masked %reduce_sum3A_297 : vector<16xi32>, vector<16xi1> -> vector<16xi32>
        %reduce_sum3A_299 = vector.extract %reduce_sum3A_298[15] : i32 from vector<16xi32>
        %add3A_300 = arith.addi %add3A_283, %reduce_sum3A_299 : i32
        %get3A_301 = arith.constant 128 : index
        %get3A_302 = tpu.vector_load %arg11[%get3A_301] {strides = array<i32>} : memref<256xi32, #tpu.memory_space<vmem>>, vector<16xi32>,
        %cumsum3A_303 = arith.constant true
        %cumsum3A_304 = vector.broadcast %cumsum3A_303 : i1 to vector<16xi1>
        %cumsum3A_305 = tpu.scan <sum>, %get3A_302 masked %cumsum3A_304 : vector<16xi32>, vector<16xi1> -> vector<16xi32>
        %add3A_306 = vector.broadcast %add3A_300 : i32 to vector<16xi32>
        %add3A_307 = arith.addi %add3A_306, %cumsum3A_305 : vector<16xi32>
        %sub3A_308 = arith.subi %add3A_307, %get3A_302 : vector<16xi32>
        %swap3A_309 = arith.constant 128 : index
        %swap3A_310 = tpu.vector_load %arg12[%swap3A_309] {strides = array<i32>} : memref<256xi32, #tpu.memory_space<vmem>>, vector<16xi32>,
        tpu.vector_store %arg12[%swap3A_309], %sub3A_308 {strides = array<i32>} : memref<256xi32, #tpu.memory_space<vmem>>, vector<16xi32>,
        %swap3A_311 = arith.constant 128 : index
        %swap3A_312 = tpu.vector_load %arg13[%swap3A_311] {strides = array<i32>} : memref<256xi32, #tpu.memory_space<vmem>>, vector<16xi32>,
        tpu.vector_store %arg13[%swap3A_311], %sub3A_308 {strides = array<i32>} : memref<256xi32, #tpu.memory_space<vmem>>, vector<16xi32>,
        %reduce_sum3A_313 = arith.constant true
        %reduce_sum3A_314 = vector.broadcast %reduce_sum3A_313 : i1 to vector<16xi1>
        %reduce_sum3A_315 = tpu.scan <sum>, %get3A_302 masked %reduce_sum3A_314 : vector<16xi32>, vector<16xi1> -> vector<16xi32>
        %reduce_sum3A_316 = vector.extract %reduce_sum3A_315[15] : i32 from vector<16xi32>
        %add3A_317 = arith.addi %add3A_300, %reduce_sum3A_316 : i32
        %get3A_318 = arith.constant 144 : index
        %get3A_319 = tpu.vector_load %arg11[%get3A_318] {strides = array<i32>} : memref<256xi32, #tpu.memory_space<vmem>>, vector<16xi32>,
        %cumsum3A_320 = arith.constant true
        %cumsum3A_321 = vector.broadcast %cumsum3A_320 : i1 to vector<16xi1>
        %cumsum3A_322 = tpu.scan <sum>, %get3A_319 masked %cumsum3A_321 : vector<16xi32>, vector<16xi1> -> vector<16xi32>
        %add3A_323 = vector.broadcast %add3A_317 : i32 to vector<16xi32>
        %add3A_324 = arith.addi %add3A_323, %cumsum3A_322 : vector<16xi32>
        %sub3A_325 = arith.subi %add3A_324, %get3A_319 : vector<16xi32>
        %swap3A_326 = arith.constant 144 : index
        %swap3A_327 = tpu.vector_load %arg12[%swap3A_326] {strides = array<i32>} : memref<256xi32, #tpu.memory_space<vmem>>, vector<16xi32>,
        tpu.vector_store %arg12[%swap3A_326], %sub3A_325 {strides = array<i32>} : memref<256xi32, #tpu.memory_space<vmem>>, vector<16xi32>,
        %swap3A_328 = arith.constant 144 : index
        %swap3A_329 = tpu.vector_load %arg13[%swap3A_328] {strides = array<i32>} : memref<256xi32, #tpu.memory_space<vmem>>, vector<16xi32>,
        tpu.vector_store %arg13[%swap3A_328], %sub3A_325 {strides = array<i32>} : memref<256xi32, #tpu.memory_space<vmem>>, vector<16xi32>,
        %reduce_sum3A_330 = arith.constant true
        %reduce_sum3A_331 = vector.broadcast %reduce_sum3A_330 : i1 to vector<16xi1>
        %reduce_sum3A_332 = tpu.scan <sum>, %get3A_319 masked %reduce_sum3A_331 : vector<16xi32>, vector<16xi1> -> vector<16xi32>
        %reduce_sum3A_333 = vector.extract %reduce_sum3A_332[15] : i32 from vector<16xi32>
        %add3A_334 = arith.addi %add3A_317, %reduce_sum3A_333 : i32
        %get3A_335 = arith.constant 160 : index
        %get3A_336 = tpu.vector_load %arg11[%get3A_335] {strides = array<i32>} : memref<256xi32, #tpu.memory_space<vmem>>, vector<16xi32>,
        %cumsum3A_337 = arith.constant true
        %cumsum3A_338 = vector.broadcast %cumsum3A_337 : i1 to vector<16xi1>
        %cumsum3A_339 = tpu.scan <sum>, %get3A_336 masked %cumsum3A_338 : vector<16xi32>, vector<16xi1> -> vector<16xi32>
        %add3A_340 = vector.broadcast %add3A_334 : i32 to vector<16xi32>
        %add3A_341 = arith.addi %add3A_340, %cumsum3A_339 : vector<16xi32>
        %sub3A_342 = arith.subi %add3A_341, %get3A_336 : vector<16xi32>
        %swap3A_343 = arith.constant 160 : index
        %swap3A_344 = tpu.vector_load %arg12[%swap3A_343] {strides = array<i32>} : memref<256xi32, #tpu.memory_space<vmem>>, vector<16xi32>,
        tpu.vector_store %arg12[%swap3A_343], %sub3A_342 {strides = array<i32>} : memref<256xi32, #tpu.memory_space<vmem>>, vector<16xi32>,
        %swap3A_345 = arith.constant 160 : index
        %swap3A_346 = tpu.vector_load %arg13[%swap3A_345] {strides = array<i32>} : memref<256xi32, #tpu.memory_space<vmem>>, vector<16xi32>,
        tpu.vector_store %arg13[%swap3A_345], %sub3A_342 {strides = array<i32>} : memref<256xi32, #tpu.memory_space<vmem>>, vector<16xi32>,
        %reduce_sum3A_347 = arith.constant true
        %reduce_sum3A_348 = vector.broadcast %reduce_sum3A_347 : i1 to vector<16xi1>
        %reduce_sum3A_349 = tpu.scan <sum>, %get3A_336 masked %reduce_sum3A_348 : vector<16xi32>, vector<16xi1> -> vector<16xi32>
        %reduce_sum3A_350 = vector.extract %reduce_sum3A_349[15] : i32 from vector<16xi32>
        %add3A_351 = arith.addi %add3A_334, %reduce_sum3A_350 : i32
        %get3A_352 = arith.constant 176 : index
        %get3A_353 = tpu.vector_load %arg11[%get3A_352] {strides = array<i32>} : memref<256xi32, #tpu.memory_space<vmem>>, vector<16xi32>,
        %cumsum3A_354 = arith.constant true
        %cumsum3A_355 = vector.broadcast %cumsum3A_354 : i1 to vector<16xi1>
        %cumsum3A_356 = tpu.scan <sum>, %get3A_353 masked %cumsum3A_355 : vector<16xi32>, vector<16xi1> -> vector<16xi32>
        %add3A_357 = vector.broadcast %add3A_351 : i32 to vector<16xi32>
        %add3A_358 = arith.addi %add3A_357, %cumsum3A_356 : vector<16xi32>
        %sub3A_359 = arith.subi %add3A_358, %get3A_353 : vector<16xi32>
        %swap3A_360 = arith.constant 176 : index
        %swap3A_361 = tpu.vector_load %arg12[%swap3A_360] {strides = array<i32>} : memref<256xi32, #tpu.memory_space<vmem>>, vector<16xi32>,
        tpu.vector_store %arg12[%swap3A_360], %sub3A_359 {strides = array<i32>} : memref<256xi32, #tpu.memory_space<vmem>>, vector<16xi32>,
        %swap3A_362 = arith.constant 176 : index
        %swap3A_363 = tpu.vector_load %arg13[%swap3A_362] {strides = array<i32>} : memref<256xi32, #tpu.memory_space<vmem>>, vector<16xi32>,
        tpu.vector_store %arg13[%swap3A_362], %sub3A_359 {strides = array<i32>} : memref<256xi32, #tpu.memory_space<vmem>>, vector<16xi32>,
        %reduce_sum3A_364 = arith.constant true
        %reduce_sum3A_365 = vector.broadcast %reduce_sum3A_364 : i1 to vector<16xi1>
        %reduce_sum3A_366 = tpu.scan <sum>, %get3A_353 masked %reduce_sum3A_365 : vector<16xi32>, vector<16xi1> -> vector<16xi32>
        %reduce_sum3A_367 = vector.extract %reduce_sum3A_366[15] : i32 from vector<16xi32>
        %add3A_368 = arith.addi %add3A_351, %reduce_sum3A_367 : i32
        %get3A_369 = arith.constant 192 : index
        %get3A_370 = tpu.vector_load %arg11[%get3A_369] {strides = array<i32>} : memref<256xi32, #tpu.memory_space<vmem>>, vector<16xi32>,
        %cumsum3A_371 = arith.constant true
        %cumsum3A_372 = vector.broadcast %cumsum3A_371 : i1 to vector<16xi1>
        %cumsum3A_373 = tpu.scan <sum>, %get3A_370 masked %cumsum3A_372 : vector<16xi32>, vector<16xi1> -> vector<16xi32>
        %add3A_374 = vector.broadcast %add3A_368 : i32 to vector<16xi32>
        %add3A_375 = arith.addi %add3A_374, %cumsum3A_373 : vector<16xi32>
        %sub3A_376 = arith.subi %add3A_375, %get3A_370 : vector<16xi32>
        %swap3A_377 = arith.constant 192 : index
        %swap3A_378 = tpu.vector_load %arg12[%swap3A_377] {strides = array<i32>} : memref<256xi32, #tpu.memory_space<vmem>>, vector<16xi32>,
        tpu.vector_store %arg12[%swap3A_377], %sub3A_376 {strides = array<i32>} : memref<256xi32, #tpu.memory_space<vmem>>, vector<16xi32>,
        %swap3A_379 = arith.constant 192 : index
        %swap3A_380 = tpu.vector_load %arg13[%swap3A_379] {strides = array<i32>} : memref<256xi32, #tpu.memory_space<vmem>>, vector<16xi32>,
        tpu.vector_store %arg13[%swap3A_379], %sub3A_376 {strides = array<i32>} : memref<256xi32, #tpu.memory_space<vmem>>, vector<16xi32>,
        %reduce_sum3A_381 = arith.constant true
        %reduce_sum3A_382 = vector.broadcast %reduce_sum3A_381 : i1 to vector<16xi1>
        %reduce_sum3A_383 = tpu.scan <sum>, %get3A_370 masked %reduce_sum3A_382 : vector<16xi32>, vector<16xi1> -> vector<16xi32>
        %reduce_sum3A_384 = vector.extract %reduce_sum3A_383[15] : i32 from vector<16xi32>
        %add3A_385 = arith.addi %add3A_368, %reduce_sum3A_384 : i32
        %get3A_386 = arith.constant 208 : index
        %get3A_387 = tpu.vector_load %arg11[%get3A_386] {strides = array<i32>} : memref<256xi32, #tpu.memory_space<vmem>>, vector<16xi32>,
        %cumsum3A_388 = arith.constant true
        %cumsum3A_389 = vector.broadcast %cumsum3A_388 : i1 to vector<16xi1>
        %cumsum3A_390 = tpu.scan <sum>, %get3A_387 masked %cumsum3A_389 : vector<16xi32>, vector<16xi1> -> vector<16xi32>
        %add3A_391 = vector.broadcast %add3A_385 : i32 to vector<16xi32>
        %add3A_392 = arith.addi %add3A_391, %cumsum3A_390 : vector<16xi32>
        %sub3A_393 = arith.subi %add3A_392, %get3A_387 : vector<16xi32>
        %swap3A_394 = arith.constant 208 : index
        %swap3A_395 = tpu.vector_load %arg12[%swap3A_394] {strides = array<i32>} : memref<256xi32, #tpu.memory_space<vmem>>, vector<16xi32>,
        tpu.vector_store %arg12[%swap3A_394], %sub3A_393 {strides = array<i32>} : memref<256xi32, #tpu.memory_space<vmem>>, vector<16xi32>,
        %swap3A_396 = arith.constant 208 : index
        %swap3A_397 = tpu.vector_load %arg13[%swap3A_396] {strides = array<i32>} : memref<256xi32, #tpu.memory_space<vmem>>, vector<16xi32>,
        tpu.vector_store %arg13[%swap3A_396], %sub3A_393 {strides = array<i32>} : memref<256xi32, #tpu.memory_space<vmem>>, vector<16xi32>,
        %reduce_sum3A_398 = arith.constant true
        %reduce_sum3A_399 = vector.broadcast %reduce_sum3A_398 : i1 to vector<16xi1>
        %reduce_sum3A_400 = tpu.scan <sum>, %get3A_387 masked %reduce_sum3A_399 : vector<16xi32>, vector<16xi1> -> vector<16xi32>
        %reduce_sum3A_401 = vector.extract %reduce_sum3A_400[15] : i32 from vector<16xi32>
        %add3A_402 = arith.addi %add3A_385, %reduce_sum3A_401 : i32
        %get3A_403 = arith.constant 224 : index
        %get3A_404 = tpu.vector_load %arg11[%get3A_403] {strides = array<i32>} : memref<256xi32, #tpu.memory_space<vmem>>, vector<16xi32>,
        %cumsum3A_405 = arith.constant true
        %cumsum3A_406 = vector.broadcast %cumsum3A_405 : i1 to vector<16xi1>
        %cumsum3A_407 = tpu.scan <sum>, %get3A_404 masked %cumsum3A_406 : vector<16xi32>, vector<16xi1> -> vector<16xi32>
        %add3A_408 = vector.broadcast %add3A_402 : i32 to vector<16xi32>
        %add3A_409 = arith.addi %add3A_408, %cumsum3A_407 : vector<16xi32>
        %sub3A_410 = arith.subi %add3A_409, %get3A_404 : vector<16xi32>
        %swap3A_411 = arith.constant 224 : index
        %swap3A_412 = tpu.vector_load %arg12[%swap3A_411] {strides = array<i32>} : memref<256xi32, #tpu.memory_space<vmem>>, vector<16xi32>,
        tpu.vector_store %arg12[%swap3A_411], %sub3A_410 {strides = array<i32>} : memref<256xi32, #tpu.memory_space<vmem>>, vector<16xi32>,
        %swap3A_413 = arith.constant 224 : index
        %swap3A_414 = tpu.vector_load %arg13[%swap3A_413] {strides = array<i32>} : memref<256xi32, #tpu.memory_space<vmem>>, vector<16xi32>,
        tpu.vector_store %arg13[%swap3A_413], %sub3A_410 {strides = array<i32>} : memref<256xi32, #tpu.memory_space<vmem>>, vector<16xi32>,
        %reduce_sum3A_415 = arith.constant true
        %reduce_sum3A_416 = vector.broadcast %reduce_sum3A_415 : i1 to vector<16xi1>
        %reduce_sum3A_417 = tpu.scan <sum>, %get3A_404 masked %reduce_sum3A_416 : vector<16xi32>, vector<16xi1> -> vector<16xi32>
        %reduce_sum3A_418 = vector.extract %reduce_sum3A_417[15] : i32 from vector<16xi32>
        %add3A_419 = arith.addi %add3A_402, %reduce_sum3A_418 : i32
        %get3A_420 = arith.constant 240 : index
        %get3A_421 = tpu.vector_load %arg11[%get3A_420] {strides = array<i32>} : memref<256xi32, #tpu.memory_space<vmem>>, vector<16xi32>,
        %cumsum3A_422 = arith.constant true
        %cumsum3A_423 = vector.broadcast %cumsum3A_422 : i1 to vector<16xi1>
        %cumsum3A_424 = tpu.scan <sum>, %get3A_421 masked %cumsum3A_423 : vector<16xi32>, vector<16xi1> -> vector<16xi32>
        %add3A_425 = vector.broadcast %add3A_419 : i32 to vector<16xi32>
        %add3A_426 = arith.addi %add3A_425, %cumsum3A_424 : vector<16xi32>
        %sub3A_427 = arith.subi %add3A_426, %get3A_421 : vector<16xi32>
        %swap3A_428 = arith.constant 240 : index
        %swap3A_429 = tpu.vector_load %arg12[%swap3A_428] {strides = array<i32>} : memref<256xi32, #tpu.memory_space<vmem>>, vector<16xi32>,
        tpu.vector_store %arg12[%swap3A_428], %sub3A_427 {strides = array<i32>} : memref<256xi32, #tpu.memory_space<vmem>>, vector<16xi32>,
        %swap3A_430 = arith.constant 240 : index
        %swap3A_431 = tpu.vector_load %arg13[%swap3A_430] {strides = array<i32>} : memref<256xi32, #tpu.memory_space<vmem>>, vector<16xi32>,
        tpu.vector_store %arg13[%swap3A_430], %sub3A_427 {strides = array<i32>} : memref<256xi32, #tpu.memory_space<vmem>>, vector<16xi32>,
        %reduce_sum3A_432 = arith.constant true
        %reduce_sum3A_433 = vector.broadcast %reduce_sum3A_432 : i1 to vector<16xi1>
        %reduce_sum3A_434 = tpu.scan <sum>, %get3A_421 masked %reduce_sum3A_433 : vector<16xi32>, vector<16xi1> -> vector<16xi32>
        %reduce_sum3A_435 = vector.extract %reduce_sum3A_434[15] : i32 from vector<16xi32>
        %add3A_436 = arith.addi %add3A_419, %reduce_sum3A_435 : i32
        %while3A_437 = arith.constant 0 : i32
        %while3A_438 = arith.constant 0 : i32
        %while3A_439 = arith.subi %select_n3A, %while3A_437 : i32
        %while3A_440 = arith.addi %while3A_437, %while3A_439 : i32
        %while3A_441 = arith.constant 1 : i32
        %while3A_442 = arith.divsi %while3A_439, %while3A_441 : i32
        %while3A_443 = arith.muli %while3A_442, %while3A_441 : i32
        %while3A_444 = arith.addi %while3A_437, %while3A_443 : i32
        %while3A_445 = arith.constant 1 : i32
        %while3A_446 = scf.for %while3A_574 = %while3A_437 to %while3A_444 step %while3A_445 iter_args(%while3A_575 = %while3A_438) -> (i32)  : i32 {
          %mul3A_576 = arith.constant 16 : i32
          %mul3A_577 = arith.muli %while3A_574, %mul3A_576 : i32
          %get3A_578 = arith.index_cast %mul3A_577 : i32 to index
          %get3A_579 = tpu.vector_load %arg8[%get3A_578] {strides = array<i32>} : memref<8192xi32, #tpu.memory_space<vmem>>, vector<16xi32>,
          %mul3A_580 = arith.constant 16 : i32
          %mul3A_581 = arith.muli %while3A_574, %mul3A_580 : i32
          %get3A_582 = arith.index_cast %mul3A_581 : i32 to index
          %get3A_583 = tpu.vector_load %arg9[%get3A_582] {strides = array<i32>} : memref<8192xi32, #tpu.memory_space<vmem>>, vector<16xi32>,
          %iota3A = tpu.iota {dimensions = array<i32: 0>} : vector<16xi32>
          %mul3A_584 = arith.constant 16 : i32
          %mul3A_585 = arith.muli %while3A_574, %mul3A_584 : i32
          %add3A_586 = vector.broadcast %mul3A_585 : i32 to vector<16xi32>
          %add3A_587 = arith.addi %iota3A, %add3A_586 : vector<16xi32>
          %lt3A_588 = vector.broadcast %min3A : i32 to vector<16xi32>
          %lt3A_589 = arith.cmpi slt, %add3A_587, %lt3A_588 : vector<16xi32>
          %sub3A_590 = vector.broadcast %mul3A_2 : i32 to vector<16xi32>
          %sub3A_591 = arith.subi %get3A_579, %sub3A_590 : vector<16xi32>
          %shift_right_arithmetic3A = arith.constant 7 : i32
          %shift_right_arithmetic3A_592 = vector.broadcast %shift_right_arithmetic3A : i32 to vector<16xi32>
          %shift_right_arithmetic3A_593 = arith.shrsi %sub3A_591, %shift_right_arithmetic3A_592 : vector<16xi32>
          %jit3A_594 = arith.constant 255 : i32
          %broadcast_in_dim3A_595 = vector.broadcast %jit3A_594 : i32 to vector<16xi32>
          %select_n3A_596 = arith.select %lt3A_589, %shift_right_arithmetic3A_593, %broadcast_in_dim3A_595 : vector<16xi1>, vector<16xi32>
          %shift_left3A = arith.constant 21 : i32
          %shift_left3A_597 = vector.broadcast %shift_left3A : i32 to vector<16xi32>
          %shift_left3A_598 = arith.shli %select_n3A_596, %shift_left3A_597 : vector<16xi32>
          %and3A_599 = arith.constant 127 : i32
          %and3A_600 = vector.broadcast %and3A_599 : i32 to vector<16xi32>
          %and3A_601 = arith.andi %get3A_579, %and3A_600 : vector<16xi32>
          %shift_left3A_602 = arith.constant 14 : i32
          %shift_left3A_603 = vector.broadcast %shift_left3A_602 : i32 to vector<16xi32>
          %shift_left3A_604 = arith.shli %and3A_601, %shift_left3A_603 : vector<16xi32>
          %or3A = arith.ori %shift_left3A_598, %shift_left3A_604 : vector<16xi32>
          %or3A_605 = arith.ori %or3A, %get3A_583 : vector<16xi32>
          %masked_sort3A = arith.constant dense<true> : vector<16xi1>
          %masked_sort3A_606 = arith.constant -2147483648 : i32
          %masked_sort3A_607 = vector.broadcast %masked_sort3A_606 : i32 to vector<16xi32>
          %masked_sort3A_608 = arith.xori %select_n3A_596, %masked_sort3A_607 : vector<16xi32>
          %masked_sort3A_609, %masked_sort3A_610, %masked_sort3A_611 = tpu.sort %masked_sort3A_608, %or3A_605 masked %masked_sort3A : (vector<16xi32>, vector<16xi32>, vector<16xi1>) -> (vector<16xi1>, vector<16xi32>, vector<16xi32>)
          %masked_sort3A_612 = arith.xori %masked_sort3A_610, %masked_sort3A_607 : vector<16xi32>
          %lt3A_613 = arith.constant 255 : i32
          %lt3A_614 = vector.broadcast %lt3A_613 : i32 to vector<16xi32>
          %lt3A_615 = arith.cmpi slt, %masked_sort3A_612, %lt3A_614 : vector<16xi32>
          %broadcast_in_dim3A_616 = arith.constant true
          %broadcast_in_dim3A_617 = vector.broadcast %broadcast_in_dim3A_616 : i1 to vector<16xi1>
          %unique3A, %unique3A_618 = tpu.scan_count mask(%broadcast_in_dim3A_617 : vector<16xi1>) value(%masked_sort3A_612 : vector<16xi32>) : vector<16xi1>, vector<16xi32>
          %sub3A_619 = arith.constant 1 : i32
          %sub3A_620 = vector.broadcast %sub3A_619 : i32 to vector<16xi32>
          %sub3A_621 = arith.subi %unique3A_618, %sub3A_620 : vector<16xi32>
          %gather3A = tpu.vector_load_idx %arg13[%masked_sort3A_612] : memref<256xi32, #tpu.memory_space<vmem>>[vector<16xi32>], vector<16xi32>,
          %add3A_622 = arith.addi %gather3A, %sub3A_621 : vector<16xi32>
          tpu.vector_store_idx %arg10[%add3A_622], %masked_sort3A_611 masked %lt3A_615 : memref<8192xi32, #tpu.memory_space<vmem>>[vector<16xi32>], vector<16xi32>, vector<16xi1>
          %broadcast_in_dim3A_623 = arith.constant 1 : i32
          %broadcast_in_dim3A_624 = vector.broadcast %broadcast_in_dim3A_623 : i32 to vector<16xi32>
          tpu.vector_store_idx %arg13[%masked_sort3A_612], %broadcast_in_dim3A_624 masked %lt3A_615 {add = true} : memref<256xi32, #tpu.memory_space<vmem>>[vector<16xi32>], vector<16xi32>, vector<16xi1>
          %while3A_625 = arith.constant 0 : i32
          scf.yield %while3A_625 : i32
        }
        %while3A_447 = arith.constant 1 : i32
        %while3A_448 = scf.for %while3A_574 = %while3A_444 to %while3A_440 step %while3A_447 iter_args(%while3A_575 = %while3A_446) -> (i32)  : i32 {
          %mul3A_576 = arith.constant 16 : i32
          %mul3A_577 = arith.muli %while3A_574, %mul3A_576 : i32
          %get3A_578 = arith.index_cast %mul3A_577 : i32 to index
          %get3A_579 = tpu.vector_load %arg8[%get3A_578] {strides = array<i32>} : memref<8192xi32, #tpu.memory_space<vmem>>, vector<16xi32>,
          %mul3A_580 = arith.constant 16 : i32
          %mul3A_581 = arith.muli %while3A_574, %mul3A_580 : i32
          %get3A_582 = arith.index_cast %mul3A_581 : i32 to index
          %get3A_583 = tpu.vector_load %arg9[%get3A_582] {strides = array<i32>} : memref<8192xi32, #tpu.memory_space<vmem>>, vector<16xi32>,
          %iota3A = tpu.iota {dimensions = array<i32: 0>} : vector<16xi32>
          %mul3A_584 = arith.constant 16 : i32
          %mul3A_585 = arith.muli %while3A_574, %mul3A_584 : i32
          %add3A_586 = vector.broadcast %mul3A_585 : i32 to vector<16xi32>
          %add3A_587 = arith.addi %iota3A, %add3A_586 : vector<16xi32>
          %lt3A_588 = vector.broadcast %min3A : i32 to vector<16xi32>
          %lt3A_589 = arith.cmpi slt, %add3A_587, %lt3A_588 : vector<16xi32>
          %sub3A_590 = vector.broadcast %mul3A_2 : i32 to vector<16xi32>
          %sub3A_591 = arith.subi %get3A_579, %sub3A_590 : vector<16xi32>
          %shift_right_arithmetic3A = arith.constant 7 : i32
          %shift_right_arithmetic3A_592 = vector.broadcast %shift_right_arithmetic3A : i32 to vector<16xi32>
          %shift_right_arithmetic3A_593 = arith.shrsi %sub3A_591, %shift_right_arithmetic3A_592 : vector<16xi32>
          %jit3A_594 = arith.constant 255 : i32
          %broadcast_in_dim3A_595 = vector.broadcast %jit3A_594 : i32 to vector<16xi32>
          %select_n3A_596 = arith.select %lt3A_589, %shift_right_arithmetic3A_593, %broadcast_in_dim3A_595 : vector<16xi1>, vector<16xi32>
          %shift_left3A = arith.constant 21 : i32
          %shift_left3A_597 = vector.broadcast %shift_left3A : i32 to vector<16xi32>
          %shift_left3A_598 = arith.shli %select_n3A_596, %shift_left3A_597 : vector<16xi32>
          %and3A_599 = arith.constant 127 : i32
          %and3A_600 = vector.broadcast %and3A_599 : i32 to vector<16xi32>
          %and3A_601 = arith.andi %get3A_579, %and3A_600 : vector<16xi32>
          %shift_left3A_602 = arith.constant 14 : i32
          %shift_left3A_603 = vector.broadcast %shift_left3A_602 : i32 to vector<16xi32>
          %shift_left3A_604 = arith.shli %and3A_601, %shift_left3A_603 : vector<16xi32>
          %or3A = arith.ori %shift_left3A_598, %shift_left3A_604 : vector<16xi32>
          %or3A_605 = arith.ori %or3A, %get3A_583 : vector<16xi32>
          %masked_sort3A = arith.constant dense<true> : vector<16xi1>
          %masked_sort3A_606 = arith.constant -2147483648 : i32
          %masked_sort3A_607 = vector.broadcast %masked_sort3A_606 : i32 to vector<16xi32>
          %masked_sort3A_608 = arith.xori %select_n3A_596, %masked_sort3A_607 : vector<16xi32>
          %masked_sort3A_609, %masked_sort3A_610, %masked_sort3A_611 = tpu.sort %masked_sort3A_608, %or3A_605 masked %masked_sort3A : (vector<16xi32>, vector<16xi32>, vector<16xi1>) -> (vector<16xi1>, vector<16xi32>, vector<16xi32>)
          %masked_sort3A_612 = arith.xori %masked_sort3A_610, %masked_sort3A_607 : vector<16xi32>
          %lt3A_613 = arith.constant 255 : i32
          %lt3A_614 = vector.broadcast %lt3A_613 : i32 to vector<16xi32>
          %lt3A_615 = arith.cmpi slt, %masked_sort3A_612, %lt3A_614 : vector<16xi32>
          %broadcast_in_dim3A_616 = arith.constant true
          %broadcast_in_dim3A_617 = vector.broadcast %broadcast_in_dim3A_616 : i1 to vector<16xi1>
          %unique3A, %unique3A_618 = tpu.scan_count mask(%broadcast_in_dim3A_617 : vector<16xi1>) value(%masked_sort3A_612 : vector<16xi32>) : vector<16xi1>, vector<16xi32>
          %sub3A_619 = arith.constant 1 : i32
          %sub3A_620 = vector.broadcast %sub3A_619 : i32 to vector<16xi32>
          %sub3A_621 = arith.subi %unique3A_618, %sub3A_620 : vector<16xi32>
          %gather3A = tpu.vector_load_idx %arg13[%masked_sort3A_612] : memref<256xi32, #tpu.memory_space<vmem>>[vector<16xi32>], vector<16xi32>,
          %add3A_622 = arith.addi %gather3A, %sub3A_621 : vector<16xi32>
          tpu.vector_store_idx %arg10[%add3A_622], %masked_sort3A_611 masked %lt3A_615 : memref<8192xi32, #tpu.memory_space<vmem>>[vector<16xi32>], vector<16xi32>, vector<16xi1>
          %broadcast_in_dim3A_623 = arith.constant 1 : i32
          %broadcast_in_dim3A_624 = vector.broadcast %broadcast_in_dim3A_623 : i32 to vector<16xi32>
          tpu.vector_store_idx %arg13[%masked_sort3A_612], %broadcast_in_dim3A_624 masked %lt3A_615 {add = true} : memref<256xi32, #tpu.memory_space<vmem>>[vector<16xi32>], vector<16xi32>, vector<16xi1>
          %while3A_625 = arith.constant 0 : i32
          scf.yield %while3A_625 : i32
        }
        %mul3A_449 = arith.constant 0 : i32
        %mul3A_450 = arith.constant 128 : i32
        %mul3A_451 = arith.muli %mul3A_449, %mul3A_450 : i32
        %add3A_452 = arith.addi %mul3A_2, %mul3A_451 : i32
        %lt3A = arith.constant 0 : i32
        %lt3A_453 = arith.constant 245 : i32
        %lt3A_454 = arith.cmpi slt, %lt3A, %lt3A_453 : i32
        %lt3A_455 = arith.constant 999936 : i32
        %lt3A_456 = arith.cmpi slt, %add3A_452, %lt3A_455 : i32
        %and3A_457 = arith.andi %lt3A_454, %lt3A_456 : i1
        %convert_element_type3A_458 = arith.extui %and3A_457 : i1 to i32
        %cond3A_459 = arith.constant 0 : i32
        %cond3A_460 = arith.cmpi ne, %convert_element_type3A_458, %cond3A_459 : i32
        scf.if %cond3A_460 {
          %multiple_of3A = tpu.assume_multiple %add3A_452, 128 : i32
          %dma_start3A = arith.constant 0 : i32
          %dma_start3A_574 = arith.constant 0 : i32
          %dma_start3A_575 = arith.constant 0 : i32
          %dma_start3A_576 = tpu.memref_slice %arg14[%dma_start3A, %dma_start3A_574, %dma_start3A_575] : memref<6x64x128xf32, #tpu.memory_space<vmem>> -> memref<1x64x128xf32, #tpu.memory_space<vmem>>
          %dma_start3A_577 = tpu.memref_squeeze %dma_start3A_576 : memref<1x64x128xf32, #tpu.memory_space<vmem>> -> memref<64x128xf32, #tpu.memory_space<vmem>>
          %dma_start3A_578 = arith.constant 0 : i32
          %dma_start3A_579 = tpu.memref_slice %arg5[%dma_start3A_578, %multiple_of3A] : memref<64x1000000xf32, #tpu.memory_space<hbm>> -> memref<64x128xf32, #tpu.memory_space<hbm>>
          %dma_start3A_580 = arith.constant 0 : i32
          %dma_start3A_581 = arith.constant 0 : i32
          %dma_start3A_582 = tpu.memref_slice %arg14[%dma_start3A, %dma_start3A_580, %dma_start3A_581] : memref<6x64x128xf32, #tpu.memory_space<vmem>> -> memref<1x64x128xf32, #tpu.memory_space<vmem>>
          %dma_start3A_583 = tpu.memref_squeeze %dma_start3A_582 : memref<1x64x128xf32, #tpu.memory_space<vmem>> -> memref<64x128xf32, #tpu.memory_space<vmem>>
          %dma_start3A_584 = arith.constant 0 : i32
          %dma_start3A_585 = tpu.memref_slice %arg5[%dma_start3A_584, %multiple_of3A] : memref<64x1000000xf32, #tpu.memory_space<hbm>> -> memref<64x128xf32, #tpu.memory_space<hbm>>
          tpu.enqueue_dma source(%dma_start3A_585 : memref<64x128xf32, #tpu.memory_space<hbm>>) target(%dma_start3A_583 : memref<64x128xf32, #tpu.memory_space<vmem>>) target_semaphore(%arg20 : memref<!tpu.dma_semaphore, #tpu.memory_space<semaphore_mem>>)
        } else {
        }
        %eq3A_461 = arith.constant 999936 : i32
        %eq3A_462 = arith.cmpi eq, %add3A_452, %eq3A_461 : i32
        %and3A_463 = arith.andi %lt3A_454, %eq3A_462 : i1
        %convert_element_type3A_464 = arith.extui %and3A_463 : i1 to i32
        %cond3A_465 = arith.constant 0 : i32
        %cond3A_466 = arith.cmpi ne, %convert_element_type3A_464, %cond3A_465 : i32
        scf.if %cond3A_466 {
          %dma_start3A = arith.constant 0 : i32
          %dma_start3A_574 = arith.constant 0 : i32
          %dma_start3A_575 = arith.constant 0 : i32
          %dma_start3A_576 = tpu.memref_slice %arg14[%dma_start3A, %dma_start3A_574, %dma_start3A_575] : memref<6x64x128xf32, #tpu.memory_space<vmem>> -> memref<1x64x128xf32, #tpu.memory_space<vmem>>
          %dma_start3A_577 = tpu.memref_squeeze %dma_start3A_576 : memref<1x64x128xf32, #tpu.memory_space<vmem>> -> memref<64x128xf32, #tpu.memory_space<vmem>>
          %dma_start3A_578 = arith.constant 0 : i32
          %dma_start3A_579 = arith.constant 0 : i32
          %dma_start3A_580 = tpu.memref_slice %arg14[%dma_start3A, %dma_start3A_578, %dma_start3A_579] : memref<6x64x128xf32, #tpu.memory_space<vmem>> -> memref<1x64x128xf32, #tpu.memory_space<vmem>>
          %dma_start3A_581 = tpu.memref_squeeze %dma_start3A_580 : memref<1x64x128xf32, #tpu.memory_space<vmem>> -> memref<64x128xf32, #tpu.memory_space<vmem>>
          tpu.enqueue_dma source(%arg6 : memref<64x128xf32, #tpu.memory_space<hbm>>) target(%dma_start3A_581 : memref<64x128xf32, #tpu.memory_space<vmem>>) target_semaphore(%arg20 : memref<!tpu.dma_semaphore, #tpu.memory_space<semaphore_mem>>)
        } else {
        }
        %mul3A_467 = arith.constant 1 : i32
        %mul3A_468 = arith.constant 128 : i32
        %mul3A_469 = arith.muli %mul3A_467, %mul3A_468 : i32
        %add3A_470 = arith.addi %mul3A_2, %mul3A_469 : i32
        %lt3A_471 = arith.constant 1 : i32
        %lt3A_472 = arith.constant 245 : i32
        %lt3A_473 = arith.cmpi slt, %lt3A_471, %lt3A_472 : i32
        %lt3A_474 = arith.constant 999936 : i32
        %lt3A_475 = arith.cmpi slt, %add3A_470, %lt3A_474 : i32
        %and3A_476 = arith.andi %lt3A_473, %lt3A_475 : i1
        %convert_element_type3A_477 = arith.extui %and3A_476 : i1 to i32
        %cond3A_478 = arith.constant 0 : i32
        %cond3A_479 = arith.cmpi ne, %convert_element_type3A_477, %cond3A_478 : i32
        scf.if %cond3A_479 {
          %multiple_of3A = tpu.assume_multiple %add3A_470, 128 : i32
          %dma_start3A = arith.constant 1 : i32
          %dma_start3A_574 = arith.constant 0 : i32
          %dma_start3A_575 = arith.constant 0 : i32
          %dma_start3A_576 = tpu.memref_slice %arg14[%dma_start3A, %dma_start3A_574, %dma_start3A_575] : memref<6x64x128xf32, #tpu.memory_space<vmem>> -> memref<1x64x128xf32, #tpu.memory_space<vmem>>
          %dma_start3A_577 = tpu.memref_squeeze %dma_start3A_576 : memref<1x64x128xf32, #tpu.memory_space<vmem>> -> memref<64x128xf32, #tpu.memory_space<vmem>>
          %dma_start3A_578 = arith.constant 0 : i32
          %dma_start3A_579 = tpu.memref_slice %arg5[%dma_start3A_578, %multiple_of3A] : memref<64x1000000xf32, #tpu.memory_space<hbm>> -> memref<64x128xf32, #tpu.memory_space<hbm>>
          %dma_start3A_580 = arith.constant 0 : i32
          %dma_start3A_581 = arith.constant 0 : i32
          %dma_start3A_582 = tpu.memref_slice %arg14[%dma_start3A, %dma_start3A_580, %dma_start3A_581] : memref<6x64x128xf32, #tpu.memory_space<vmem>> -> memref<1x64x128xf32, #tpu.memory_space<vmem>>
          %dma_start3A_583 = tpu.memref_squeeze %dma_start3A_582 : memref<1x64x128xf32, #tpu.memory_space<vmem>> -> memref<64x128xf32, #tpu.memory_space<vmem>>
          %dma_start3A_584 = arith.constant 0 : i32
          %dma_start3A_585 = tpu.memref_slice %arg5[%dma_start3A_584, %multiple_of3A] : memref<64x1000000xf32, #tpu.memory_space<hbm>> -> memref<64x128xf32, #tpu.memory_space<hbm>>
          tpu.enqueue_dma source(%dma_start3A_585 : memref<64x128xf32, #tpu.memory_space<hbm>>) target(%dma_start3A_583 : memref<64x128xf32, #tpu.memory_space<vmem>>) target_semaphore(%arg21 : memref<!tpu.dma_semaphore, #tpu.memory_space<semaphore_mem>>)
        } else {
        }
        %eq3A_480 = arith.constant 999936 : i32
        %eq3A_481 = arith.cmpi eq, %add3A_470, %eq3A_480 : i32
        %and3A_482 = arith.andi %lt3A_473, %eq3A_481 : i1
        %convert_element_type3A_483 = arith.extui %and3A_482 : i1 to i32
        %cond3A_484 = arith.constant 0 : i32
        %cond3A_485 = arith.cmpi ne, %convert_element_type3A_483, %cond3A_484 : i32
        scf.if %cond3A_485 {
          %dma_start3A = arith.constant 1 : i32
          %dma_start3A_574 = arith.constant 0 : i32
          %dma_start3A_575 = arith.constant 0 : i32
          %dma_start3A_576 = tpu.memref_slice %arg14[%dma_start3A, %dma_start3A_574, %dma_start3A_575] : memref<6x64x128xf32, #tpu.memory_space<vmem>> -> memref<1x64x128xf32, #tpu.memory_space<vmem>>
          %dma_start3A_577 = tpu.memref_squeeze %dma_start3A_576 : memref<1x64x128xf32, #tpu.memory_space<vmem>> -> memref<64x128xf32, #tpu.memory_space<vmem>>
          %dma_start3A_578 = arith.constant 0 : i32
          %dma_start3A_579 = arith.constant 0 : i32
          %dma_start3A_580 = tpu.memref_slice %arg14[%dma_start3A, %dma_start3A_578, %dma_start3A_579] : memref<6x64x128xf32, #tpu.memory_space<vmem>> -> memref<1x64x128xf32, #tpu.memory_space<vmem>>
          %dma_start3A_581 = tpu.memref_squeeze %dma_start3A_580 : memref<1x64x128xf32, #tpu.memory_space<vmem>> -> memref<64x128xf32, #tpu.memory_space<vmem>>
          tpu.enqueue_dma source(%arg6 : memref<64x128xf32, #tpu.memory_space<hbm>>) target(%dma_start3A_581 : memref<64x128xf32, #tpu.memory_space<vmem>>) target_semaphore(%arg21 : memref<!tpu.dma_semaphore, #tpu.memory_space<semaphore_mem>>)
        } else {
        }
        %mul3A_486 = arith.constant 2 : i32
        %mul3A_487 = arith.constant 128 : i32
        %mul3A_488 = arith.muli %mul3A_486, %mul3A_487 : i32
        %add3A_489 = arith.addi %mul3A_2, %mul3A_488 : i32
        %lt3A_490 = arith.constant 2 : i32
        %lt3A_491 = arith.constant 245 : i32
        %lt3A_492 = arith.cmpi slt, %lt3A_490, %lt3A_491 : i32
        %lt3A_493 = arith.constant 999936 : i32
        %lt3A_494 = arith.cmpi slt, %add3A_489, %lt3A_493 : i32
        %and3A_495 = arith.andi %lt3A_492, %lt3A_494 : i1
        %convert_element_type3A_496 = arith.extui %and3A_495 : i1 to i32
        %cond3A_497 = arith.constant 0 : i32
        %cond3A_498 = arith.cmpi ne, %convert_element_type3A_496, %cond3A_497 : i32
        scf.if %cond3A_498 {
          %multiple_of3A = tpu.assume_multiple %add3A_489, 128 : i32
          %dma_start3A = arith.constant 2 : i32
          %dma_start3A_574 = arith.constant 0 : i32
          %dma_start3A_575 = arith.constant 0 : i32
          %dma_start3A_576 = tpu.memref_slice %arg14[%dma_start3A, %dma_start3A_574, %dma_start3A_575] : memref<6x64x128xf32, #tpu.memory_space<vmem>> -> memref<1x64x128xf32, #tpu.memory_space<vmem>>
          %dma_start3A_577 = tpu.memref_squeeze %dma_start3A_576 : memref<1x64x128xf32, #tpu.memory_space<vmem>> -> memref<64x128xf32, #tpu.memory_space<vmem>>
          %dma_start3A_578 = arith.constant 0 : i32
          %dma_start3A_579 = tpu.memref_slice %arg5[%dma_start3A_578, %multiple_of3A] : memref<64x1000000xf32, #tpu.memory_space<hbm>> -> memref<64x128xf32, #tpu.memory_space<hbm>>
          %dma_start3A_580 = arith.constant 0 : i32
          %dma_start3A_581 = arith.constant 0 : i32
          %dma_start3A_582 = tpu.memref_slice %arg14[%dma_start3A, %dma_start3A_580, %dma_start3A_581] : memref<6x64x128xf32, #tpu.memory_space<vmem>> -> memref<1x64x128xf32, #tpu.memory_space<vmem>>
          %dma_start3A_583 = tpu.memref_squeeze %dma_start3A_582 : memref<1x64x128xf32, #tpu.memory_space<vmem>> -> memref<64x128xf32, #tpu.memory_space<vmem>>
          %dma_start3A_584 = arith.constant 0 : i32
          %dma_start3A_585 = tpu.memref_slice %arg5[%dma_start3A_584, %multiple_of3A] : memref<64x1000000xf32, #tpu.memory_space<hbm>> -> memref<64x128xf32, #tpu.memory_space<hbm>>
          tpu.enqueue_dma source(%dma_start3A_585 : memref<64x128xf32, #tpu.memory_space<hbm>>) target(%dma_start3A_583 : memref<64x128xf32, #tpu.memory_space<vmem>>) target_semaphore(%arg22 : memref<!tpu.dma_semaphore, #tpu.memory_space<semaphore_mem>>)
        } else {
        }
        %eq3A_499 = arith.constant 999936 : i32
        %eq3A_500 = arith.cmpi eq, %add3A_489, %eq3A_499 : i32
        %and3A_501 = arith.andi %lt3A_492, %eq3A_500 : i1
        %convert_element_type3A_502 = arith.extui %and3A_501 : i1 to i32
        %cond3A_503 = arith.constant 0 : i32
        %cond3A_504 = arith.cmpi ne, %convert_element_type3A_502, %cond3A_503 : i32
        scf.if %cond3A_504 {
          %dma_start3A = arith.constant 2 : i32
          %dma_start3A_574 = arith.constant 0 : i32
          %dma_start3A_575 = arith.constant 0 : i32
          %dma_start3A_576 = tpu.memref_slice %arg14[%dma_start3A, %dma_start3A_574, %dma_start3A_575] : memref<6x64x128xf32, #tpu.memory_space<vmem>> -> memref<1x64x128xf32, #tpu.memory_space<vmem>>
          %dma_start3A_577 = tpu.memref_squeeze %dma_start3A_576 : memref<1x64x128xf32, #tpu.memory_space<vmem>> -> memref<64x128xf32, #tpu.memory_space<vmem>>
          %dma_start3A_578 = arith.constant 0 : i32
          %dma_start3A_579 = arith.constant 0 : i32
          %dma_start3A_580 = tpu.memref_slice %arg14[%dma_start3A, %dma_start3A_578, %dma_start3A_579] : memref<6x64x128xf32, #tpu.memory_space<vmem>> -> memref<1x64x128xf32, #tpu.memory_space<vmem>>
          %dma_start3A_581 = tpu.memref_squeeze %dma_start3A_580 : memref<1x64x128xf32, #tpu.memory_space<vmem>> -> memref<64x128xf32, #tpu.memory_space<vmem>>
          tpu.enqueue_dma source(%arg6 : memref<64x128xf32, #tpu.memory_space<hbm>>) target(%dma_start3A_581 : memref<64x128xf32, #tpu.memory_space<vmem>>) target_semaphore(%arg22 : memref<!tpu.dma_semaphore, #tpu.memory_space<semaphore_mem>>)
        } else {
        }
        %mul3A_505 = arith.constant 3 : i32
        %mul3A_506 = arith.constant 128 : i32
        %mul3A_507 = arith.muli %mul3A_505, %mul3A_506 : i32
        %add3A_508 = arith.addi %mul3A_2, %mul3A_507 : i32
        %lt3A_509 = arith.constant 3 : i32
        %lt3A_510 = arith.constant 245 : i32
        %lt3A_511 = arith.cmpi slt, %lt3A_509, %lt3A_510 : i32
        %lt3A_512 = arith.constant 999936 : i32
        %lt3A_513 = arith.cmpi slt, %add3A_508, %lt3A_512 : i32
        %and3A_514 = arith.andi %lt3A_511, %lt3A_513 : i1
        %convert_element_type3A_515 = arith.extui %and3A_514 : i1 to i32
        %cond3A_516 = arith.constant 0 : i32
        %cond3A_517 = arith.cmpi ne, %convert_element_type3A_515, %cond3A_516 : i32
        scf.if %cond3A_517 {
          %multiple_of3A = tpu.assume_multiple %add3A_508, 128 : i32
          %dma_start3A = arith.constant 3 : i32
          %dma_start3A_574 = arith.constant 0 : i32
          %dma_start3A_575 = arith.constant 0 : i32
          %dma_start3A_576 = tpu.memref_slice %arg14[%dma_start3A, %dma_start3A_574, %dma_start3A_575] : memref<6x64x128xf32, #tpu.memory_space<vmem>> -> memref<1x64x128xf32, #tpu.memory_space<vmem>>
          %dma_start3A_577 = tpu.memref_squeeze %dma_start3A_576 : memref<1x64x128xf32, #tpu.memory_space<vmem>> -> memref<64x128xf32, #tpu.memory_space<vmem>>
          %dma_start3A_578 = arith.constant 0 : i32
          %dma_start3A_579 = tpu.memref_slice %arg5[%dma_start3A_578, %multiple_of3A] : memref<64x1000000xf32, #tpu.memory_space<hbm>> -> memref<64x128xf32, #tpu.memory_space<hbm>>
          %dma_start3A_580 = arith.constant 0 : i32
          %dma_start3A_581 = arith.constant 0 : i32
          %dma_start3A_582 = tpu.memref_slice %arg14[%dma_start3A, %dma_start3A_580, %dma_start3A_581] : memref<6x64x128xf32, #tpu.memory_space<vmem>> -> memref<1x64x128xf32, #tpu.memory_space<vmem>>
          %dma_start3A_583 = tpu.memref_squeeze %dma_start3A_582 : memref<1x64x128xf32, #tpu.memory_space<vmem>> -> memref<64x128xf32, #tpu.memory_space<vmem>>
          %dma_start3A_584 = arith.constant 0 : i32
          %dma_start3A_585 = tpu.memref_slice %arg5[%dma_start3A_584, %multiple_of3A] : memref<64x1000000xf32, #tpu.memory_space<hbm>> -> memref<64x128xf32, #tpu.memory_space<hbm>>
          tpu.enqueue_dma source(%dma_start3A_585 : memref<64x128xf32, #tpu.memory_space<hbm>>) target(%dma_start3A_583 : memref<64x128xf32, #tpu.memory_space<vmem>>) target_semaphore(%arg23 : memref<!tpu.dma_semaphore, #tpu.memory_space<semaphore_mem>>)
        } else {
        }
        %eq3A_518 = arith.constant 999936 : i32
        %eq3A_519 = arith.cmpi eq, %add3A_508, %eq3A_518 : i32
        %and3A_520 = arith.andi %lt3A_511, %eq3A_519 : i1
        %convert_element_type3A_521 = arith.extui %and3A_520 : i1 to i32
        %cond3A_522 = arith.constant 0 : i32
        %cond3A_523 = arith.cmpi ne, %convert_element_type3A_521, %cond3A_522 : i32
        scf.if %cond3A_523 {
          %dma_start3A = arith.constant 3 : i32
          %dma_start3A_574 = arith.constant 0 : i32
          %dma_start3A_575 = arith.constant 0 : i32
          %dma_start3A_576 = tpu.memref_slice %arg14[%dma_start3A, %dma_start3A_574, %dma_start3A_575] : memref<6x64x128xf32, #tpu.memory_space<vmem>> -> memref<1x64x128xf32, #tpu.memory_space<vmem>>
          %dma_start3A_577 = tpu.memref_squeeze %dma_start3A_576 : memref<1x64x128xf32, #tpu.memory_space<vmem>> -> memref<64x128xf32, #tpu.memory_space<vmem>>
          %dma_start3A_578 = arith.constant 0 : i32
          %dma_start3A_579 = arith.constant 0 : i32
          %dma_start3A_580 = tpu.memref_slice %arg14[%dma_start3A, %dma_start3A_578, %dma_start3A_579] : memref<6x64x128xf32, #tpu.memory_space<vmem>> -> memref<1x64x128xf32, #tpu.memory_space<vmem>>
          %dma_start3A_581 = tpu.memref_squeeze %dma_start3A_580 : memref<1x64x128xf32, #tpu.memory_space<vmem>> -> memref<64x128xf32, #tpu.memory_space<vmem>>
          tpu.enqueue_dma source(%arg6 : memref<64x128xf32, #tpu.memory_space<hbm>>) target(%dma_start3A_581 : memref<64x128xf32, #tpu.memory_space<vmem>>) target_semaphore(%arg23 : memref<!tpu.dma_semaphore, #tpu.memory_space<semaphore_mem>>)
        } else {
        }
        %mul3A_524 = arith.constant 4 : i32
        %mul3A_525 = arith.constant 128 : i32
        %mul3A_526 = arith.muli %mul3A_524, %mul3A_525 : i32
        %add3A_527 = arith.addi %mul3A_2, %mul3A_526 : i32
        %lt3A_528 = arith.constant 4 : i32
        %lt3A_529 = arith.constant 245 : i32
        %lt3A_530 = arith.cmpi slt, %lt3A_528, %lt3A_529 : i32
        %lt3A_531 = arith.constant 999936 : i32
        %lt3A_532 = arith.cmpi slt, %add3A_527, %lt3A_531 : i32
        %and3A_533 = arith.andi %lt3A_530, %lt3A_532 : i1
        %convert_element_type3A_534 = arith.extui %and3A_533 : i1 to i32
        %cond3A_535 = arith.constant 0 : i32
        %cond3A_536 = arith.cmpi ne, %convert_element_type3A_534, %cond3A_535 : i32
        scf.if %cond3A_536 {
          %multiple_of3A = tpu.assume_multiple %add3A_527, 128 : i32
          %dma_start3A = arith.constant 4 : i32
          %dma_start3A_574 = arith.constant 0 : i32
          %dma_start3A_575 = arith.constant 0 : i32
          %dma_start3A_576 = tpu.memref_slice %arg14[%dma_start3A, %dma_start3A_574, %dma_start3A_575] : memref<6x64x128xf32, #tpu.memory_space<vmem>> -> memref<1x64x128xf32, #tpu.memory_space<vmem>>
          %dma_start3A_577 = tpu.memref_squeeze %dma_start3A_576 : memref<1x64x128xf32, #tpu.memory_space<vmem>> -> memref<64x128xf32, #tpu.memory_space<vmem>>
          %dma_start3A_578 = arith.constant 0 : i32
          %dma_start3A_579 = tpu.memref_slice %arg5[%dma_start3A_578, %multiple_of3A] : memref<64x1000000xf32, #tpu.memory_space<hbm>> -> memref<64x128xf32, #tpu.memory_space<hbm>>
          %dma_start3A_580 = arith.constant 0 : i32
          %dma_start3A_581 = arith.constant 0 : i32
          %dma_start3A_582 = tpu.memref_slice %arg14[%dma_start3A, %dma_start3A_580, %dma_start3A_581] : memref<6x64x128xf32, #tpu.memory_space<vmem>> -> memref<1x64x128xf32, #tpu.memory_space<vmem>>
          %dma_start3A_583 = tpu.memref_squeeze %dma_start3A_582 : memref<1x64x128xf32, #tpu.memory_space<vmem>> -> memref<64x128xf32, #tpu.memory_space<vmem>>
          %dma_start3A_584 = arith.constant 0 : i32
          %dma_start3A_585 = tpu.memref_slice %arg5[%dma_start3A_584, %multiple_of3A] : memref<64x1000000xf32, #tpu.memory_space<hbm>> -> memref<64x128xf32, #tpu.memory_space<hbm>>
          tpu.enqueue_dma source(%dma_start3A_585 : memref<64x128xf32, #tpu.memory_space<hbm>>) target(%dma_start3A_583 : memref<64x128xf32, #tpu.memory_space<vmem>>) target_semaphore(%arg24 : memref<!tpu.dma_semaphore, #tpu.memory_space<semaphore_mem>>)
        } else {
        }
        %eq3A_537 = arith.constant 999936 : i32
        %eq3A_538 = arith.cmpi eq, %add3A_527, %eq3A_537 : i32
        %and3A_539 = arith.andi %lt3A_530, %eq3A_538 : i1
        %convert_element_type3A_540 = arith.extui %and3A_539 : i1 to i32
        %cond3A_541 = arith.constant 0 : i32
        %cond3A_542 = arith.cmpi ne, %convert_element_type3A_540, %cond3A_541 : i32
        scf.if %cond3A_542 {
          %dma_start3A = arith.constant 4 : i32
          %dma_start3A_574 = arith.constant 0 : i32
          %dma_start3A_575 = arith.constant 0 : i32
          %dma_start3A_576 = tpu.memref_slice %arg14[%dma_start3A, %dma_start3A_574, %dma_start3A_575] : memref<6x64x128xf32, #tpu.memory_space<vmem>> -> memref<1x64x128xf32, #tpu.memory_space<vmem>>
          %dma_start3A_577 = tpu.memref_squeeze %dma_start3A_576 : memref<1x64x128xf32, #tpu.memory_space<vmem>> -> memref<64x128xf32, #tpu.memory_space<vmem>>
          %dma_start3A_578 = arith.constant 0 : i32
          %dma_start3A_579 = arith.constant 0 : i32
          %dma_start3A_580 = tpu.memref_slice %arg14[%dma_start3A, %dma_start3A_578, %dma_start3A_579] : memref<6x64x128xf32, #tpu.memory_space<vmem>> -> memref<1x64x128xf32, #tpu.memory_space<vmem>>
          %dma_start3A_581 = tpu.memref_squeeze %dma_start3A_580 : memref<1x64x128xf32, #tpu.memory_space<vmem>> -> memref<64x128xf32, #tpu.memory_space<vmem>>
          tpu.enqueue_dma source(%arg6 : memref<64x128xf32, #tpu.memory_space<hbm>>) target(%dma_start3A_581 : memref<64x128xf32, #tpu.memory_space<vmem>>) target_semaphore(%arg24 : memref<!tpu.dma_semaphore, #tpu.memory_space<semaphore_mem>>)
        } else {
        }
        %mul3A_543 = arith.constant 5 : i32
        %mul3A_544 = arith.constant 128 : i32
        %mul3A_545 = arith.muli %mul3A_543, %mul3A_544 : i32
        %add3A_546 = arith.addi %mul3A_2, %mul3A_545 : i32
        %lt3A_547 = arith.constant 5 : i32
        %lt3A_548 = arith.constant 245 : i32
        %lt3A_549 = arith.cmpi slt, %lt3A_547, %lt3A_548 : i32
        %lt3A_550 = arith.constant 999936 : i32
        %lt3A_551 = arith.cmpi slt, %add3A_546, %lt3A_550 : i32
        %and3A_552 = arith.andi %lt3A_549, %lt3A_551 : i1
        %convert_element_type3A_553 = arith.extui %and3A_552 : i1 to i32
        %cond3A_554 = arith.constant 0 : i32
        %cond3A_555 = arith.cmpi ne, %convert_element_type3A_553, %cond3A_554 : i32
        scf.if %cond3A_555 {
          %multiple_of3A = tpu.assume_multiple %add3A_546, 128 : i32
          %dma_start3A = arith.constant 5 : i32
          %dma_start3A_574 = arith.constant 0 : i32
          %dma_start3A_575 = arith.constant 0 : i32
          %dma_start3A_576 = tpu.memref_slice %arg14[%dma_start3A, %dma_start3A_574, %dma_start3A_575] : memref<6x64x128xf32, #tpu.memory_space<vmem>> -> memref<1x64x128xf32, #tpu.memory_space<vmem>>
          %dma_start3A_577 = tpu.memref_squeeze %dma_start3A_576 : memref<1x64x128xf32, #tpu.memory_space<vmem>> -> memref<64x128xf32, #tpu.memory_space<vmem>>
          %dma_start3A_578 = arith.constant 0 : i32
          %dma_start3A_579 = tpu.memref_slice %arg5[%dma_start3A_578, %multiple_of3A] : memref<64x1000000xf32, #tpu.memory_space<hbm>> -> memref<64x128xf32, #tpu.memory_space<hbm>>
          %dma_start3A_580 = arith.constant 0 : i32
          %dma_start3A_581 = arith.constant 0 : i32
          %dma_start3A_582 = tpu.memref_slice %arg14[%dma_start3A, %dma_start3A_580, %dma_start3A_581] : memref<6x64x128xf32, #tpu.memory_space<vmem>> -> memref<1x64x128xf32, #tpu.memory_space<vmem>>
          %dma_start3A_583 = tpu.memref_squeeze %dma_start3A_582 : memref<1x64x128xf32, #tpu.memory_space<vmem>> -> memref<64x128xf32, #tpu.memory_space<vmem>>
          %dma_start3A_584 = arith.constant 0 : i32
          %dma_start3A_585 = tpu.memref_slice %arg5[%dma_start3A_584, %multiple_of3A] : memref<64x1000000xf32, #tpu.memory_space<hbm>> -> memref<64x128xf32, #tpu.memory_space<hbm>>
          tpu.enqueue_dma source(%dma_start3A_585 : memref<64x128xf32, #tpu.memory_space<hbm>>) target(%dma_start3A_583 : memref<64x128xf32, #tpu.memory_space<vmem>>) target_semaphore(%arg25 : memref<!tpu.dma_semaphore, #tpu.memory_space<semaphore_mem>>)
        } else {
        }
        %eq3A_556 = arith.constant 999936 : i32
        %eq3A_557 = arith.cmpi eq, %add3A_546, %eq3A_556 : i32
        %and3A_558 = arith.andi %lt3A_549, %eq3A_557 : i1
        %convert_element_type3A_559 = arith.extui %and3A_558 : i1 to i32
        %cond3A_560 = arith.constant 0 : i32
        %cond3A_561 = arith.cmpi ne, %convert_element_type3A_559, %cond3A_560 : i32
        scf.if %cond3A_561 {
          %dma_start3A = arith.constant 5 : i32
          %dma_start3A_574 = arith.constant 0 : i32
          %dma_start3A_575 = arith.constant 0 : i32
          %dma_start3A_576 = tpu.memref_slice %arg14[%dma_start3A, %dma_start3A_574, %dma_start3A_575] : memref<6x64x128xf32, #tpu.memory_space<vmem>> -> memref<1x64x128xf32, #tpu.memory_space<vmem>>
          %dma_start3A_577 = tpu.memref_squeeze %dma_start3A_576 : memref<1x64x128xf32, #tpu.memory_space<vmem>> -> memref<64x128xf32, #tpu.memory_space<vmem>>
          %dma_start3A_578 = arith.constant 0 : i32
          %dma_start3A_579 = arith.constant 0 : i32
          %dma_start3A_580 = tpu.memref_slice %arg14[%dma_start3A, %dma_start3A_578, %dma_start3A_579] : memref<6x64x128xf32, #tpu.memory_space<vmem>> -> memref<1x64x128xf32, #tpu.memory_space<vmem>>
          %dma_start3A_581 = tpu.memref_squeeze %dma_start3A_580 : memref<1x64x128xf32, #tpu.memory_space<vmem>> -> memref<64x128xf32, #tpu.memory_space<vmem>>
          tpu.enqueue_dma source(%arg6 : memref<64x128xf32, #tpu.memory_space<hbm>>) target(%dma_start3A_581 : memref<64x128xf32, #tpu.memory_space<vmem>>) target_semaphore(%arg25 : memref<!tpu.dma_semaphore, #tpu.memory_space<semaphore_mem>>)
        } else {
        }
        %scan3A_562 = arith.constant 0 : i32
        %scan3A_563 = arith.constant 0 : i32
        %scan3A_564 = arith.constant 41 : i32
        %scan3A_565 = arith.addi %scan3A_563, %scan3A_564 : i32
        %scan3A_566 = arith.constant 1 : i32
        %scan3A_567 = scf.for %scan3A_574 = %scan3A_563 to %scan3A_565 step %scan3A_566 iter_args(%scan3A_575 = %scan3A_562) -> (i32)  : i32 {
          %mul3A_576 = arith.constant 6 : i32
          %mul3A_577 = arith.muli %scan3A_574, %mul3A_576 : i32
          %add3A_578 = arith.constant 0 : i32
          %add3A_579 = arith.addi %mul3A_577, %add3A_578 : i32
          %mul3A_580 = arith.constant 128 : i32
          %mul3A_581 = arith.muli %add3A_579, %mul3A_580 : i32
          %add3A_582 = arith.addi %mul3A_2, %mul3A_581 : i32
          %lt3A_583 = arith.constant 245 : i32
          %lt3A_584 = arith.cmpi slt, %add3A_579, %lt3A_583 : i32
          %le3A = arith.constant 999936 : i32
          %le3A_585 = arith.cmpi sle, %add3A_582, %le3A : i32
          %and3A_586 = arith.andi %lt3A_584, %le3A_585 : i1
          %convert_element_type3A_587 = arith.extui %and3A_586 : i1 to i32
          %cond3A_588 = arith.constant 0 : i32
          %cond3A_589 = arith.cmpi ne, %convert_element_type3A_587, %cond3A_588 : i32
          scf.if %cond3A_589 {
            %dma_wait3A = arith.constant 0 : i32
            %dma_wait3A_858 = arith.constant 0 : i32
            %dma_wait3A_859 = arith.constant 0 : i32
            %dma_wait3A_860 = tpu.memref_slice %arg14[%dma_wait3A, %dma_wait3A_858, %dma_wait3A_859] : memref<6x64x128xf32, #tpu.memory_space<vmem>> -> memref<1x64x128xf32, #tpu.memory_space<vmem>>
            %dma_wait3A_861 = tpu.memref_squeeze %dma_wait3A_860 : memref<1x64x128xf32, #tpu.memory_space<vmem>> -> memref<64x128xf32, #tpu.memory_space<vmem>>
            %dma_wait3A_862 = arith.constant 0 : i32
            %dma_wait3A_863 = arith.constant 0 : i32
            %dma_wait3A_864 = tpu.memref_slice %arg5[%dma_wait3A_862, %dma_wait3A_863] : memref<64x1000000xf32, #tpu.memory_space<hbm>> -> memref<64x128xf32, #tpu.memory_space<hbm>>
            %dma_wait3A_865 = arith.constant 0 : i32
            %dma_wait3A_866 = arith.constant 0 : i32
            %dma_wait3A_867 = tpu.memref_slice %arg14[%dma_wait3A, %dma_wait3A_865, %dma_wait3A_866] : memref<6x64x128xf32, #tpu.memory_space<vmem>> -> memref<1x64x128xf32, #tpu.memory_space<vmem>>
            %dma_wait3A_868 = tpu.memref_squeeze %dma_wait3A_867 : memref<1x64x128xf32, #tpu.memory_space<vmem>> -> memref<64x128xf32, #tpu.memory_space<vmem>>
            %dma_wait3A_869 = arith.constant 0 : i32
            %dma_wait3A_870 = arith.constant 0 : i32
            %dma_wait3A_871 = tpu.memref_slice %arg5[%dma_wait3A_869, %dma_wait3A_870] : memref<64x1000000xf32, #tpu.memory_space<hbm>> -> memref<64x128xf32, #tpu.memory_space<hbm>>
            tpu.wait_dma2 semaphore(%arg20 : memref<!tpu.dma_semaphore, #tpu.memory_space<semaphore_mem>>) src(%dma_wait3A_871 : memref<64x128xf32, #tpu.memory_space<hbm>>) dst(%dma_wait3A_868 : memref<64x128xf32, #tpu.memory_space<vmem>>)
          } else {
          }
          %add3A_590 = arith.constant 1 : i32
          %add3A_591 = arith.addi %mul3A_577, %add3A_590 : i32
          %mul3A_592 = arith.constant 128 : i32
          %mul3A_593 = arith.muli %add3A_591, %mul3A_592 : i32
          %add3A_594 = arith.addi %mul3A_2, %mul3A_593 : i32
          %lt3A_595 = arith.constant 245 : i32
          %lt3A_596 = arith.cmpi slt, %add3A_591, %lt3A_595 : i32
          %le3A_597 = arith.constant 999936 : i32
          %le3A_598 = arith.cmpi sle, %add3A_594, %le3A_597 : i32
          %and3A_599 = arith.andi %lt3A_596, %le3A_598 : i1
          %convert_element_type3A_600 = arith.extui %and3A_599 : i1 to i32
          %cond3A_601 = arith.constant 0 : i32
          %cond3A_602 = arith.cmpi ne, %convert_element_type3A_600, %cond3A_601 : i32
          scf.if %cond3A_602 {
            %dma_wait3A = arith.constant 1 : i32
            %dma_wait3A_858 = arith.constant 0 : i32
            %dma_wait3A_859 = arith.constant 0 : i32
            %dma_wait3A_860 = tpu.memref_slice %arg14[%dma_wait3A, %dma_wait3A_858, %dma_wait3A_859] : memref<6x64x128xf32, #tpu.memory_space<vmem>> -> memref<1x64x128xf32, #tpu.memory_space<vmem>>
            %dma_wait3A_861 = tpu.memref_squeeze %dma_wait3A_860 : memref<1x64x128xf32, #tpu.memory_space<vmem>> -> memref<64x128xf32, #tpu.memory_space<vmem>>
            %dma_wait3A_862 = arith.constant 0 : i32
            %dma_wait3A_863 = arith.constant 0 : i32
            %dma_wait3A_864 = tpu.memref_slice %arg5[%dma_wait3A_862, %dma_wait3A_863] : memref<64x1000000xf32, #tpu.memory_space<hbm>> -> memref<64x128xf32, #tpu.memory_space<hbm>>
            %dma_wait3A_865 = arith.constant 0 : i32
            %dma_wait3A_866 = arith.constant 0 : i32
            %dma_wait3A_867 = tpu.memref_slice %arg14[%dma_wait3A, %dma_wait3A_865, %dma_wait3A_866] : memref<6x64x128xf32, #tpu.memory_space<vmem>> -> memref<1x64x128xf32, #tpu.memory_space<vmem>>
            %dma_wait3A_868 = tpu.memref_squeeze %dma_wait3A_867 : memref<1x64x128xf32, #tpu.memory_space<vmem>> -> memref<64x128xf32, #tpu.memory_space<vmem>>
            %dma_wait3A_869 = arith.constant 0 : i32
            %dma_wait3A_870 = arith.constant 0 : i32
            %dma_wait3A_871 = tpu.memref_slice %arg5[%dma_wait3A_869, %dma_wait3A_870] : memref<64x1000000xf32, #tpu.memory_space<hbm>> -> memref<64x128xf32, #tpu.memory_space<hbm>>
            tpu.wait_dma2 semaphore(%arg21 : memref<!tpu.dma_semaphore, #tpu.memory_space<semaphore_mem>>) src(%dma_wait3A_871 : memref<64x128xf32, #tpu.memory_space<hbm>>) dst(%dma_wait3A_868 : memref<64x128xf32, #tpu.memory_space<vmem>>)
          } else {
          }
          %add3A_603 = arith.constant 2 : i32
          %add3A_604 = arith.addi %mul3A_577, %add3A_603 : i32
          %mul3A_605 = arith.constant 128 : i32
          %mul3A_606 = arith.muli %add3A_604, %mul3A_605 : i32
          %add3A_607 = arith.addi %mul3A_2, %mul3A_606 : i32
          %lt3A_608 = arith.constant 245 : i32
          %lt3A_609 = arith.cmpi slt, %add3A_604, %lt3A_608 : i32
          %le3A_610 = arith.constant 999936 : i32
          %le3A_611 = arith.cmpi sle, %add3A_607, %le3A_610 : i32
          %and3A_612 = arith.andi %lt3A_609, %le3A_611 : i1
          %convert_element_type3A_613 = arith.extui %and3A_612 : i1 to i32
          %cond3A_614 = arith.constant 0 : i32
          %cond3A_615 = arith.cmpi ne, %convert_element_type3A_613, %cond3A_614 : i32
          scf.if %cond3A_615 {
            %dma_wait3A = arith.constant 2 : i32
            %dma_wait3A_858 = arith.constant 0 : i32
            %dma_wait3A_859 = arith.constant 0 : i32
            %dma_wait3A_860 = tpu.memref_slice %arg14[%dma_wait3A, %dma_wait3A_858, %dma_wait3A_859] : memref<6x64x128xf32, #tpu.memory_space<vmem>> -> memref<1x64x128xf32, #tpu.memory_space<vmem>>
            %dma_wait3A_861 = tpu.memref_squeeze %dma_wait3A_860 : memref<1x64x128xf32, #tpu.memory_space<vmem>> -> memref<64x128xf32, #tpu.memory_space<vmem>>
            %dma_wait3A_862 = arith.constant 0 : i32
            %dma_wait3A_863 = arith.constant 0 : i32
            %dma_wait3A_864 = tpu.memref_slice %arg5[%dma_wait3A_862, %dma_wait3A_863] : memref<64x1000000xf32, #tpu.memory_space<hbm>> -> memref<64x128xf32, #tpu.memory_space<hbm>>
            %dma_wait3A_865 = arith.constant 0 : i32
            %dma_wait3A_866 = arith.constant 0 : i32
            %dma_wait3A_867 = tpu.memref_slice %arg14[%dma_wait3A, %dma_wait3A_865, %dma_wait3A_866] : memref<6x64x128xf32, #tpu.memory_space<vmem>> -> memref<1x64x128xf32, #tpu.memory_space<vmem>>
            %dma_wait3A_868 = tpu.memref_squeeze %dma_wait3A_867 : memref<1x64x128xf32, #tpu.memory_space<vmem>> -> memref<64x128xf32, #tpu.memory_space<vmem>>
            %dma_wait3A_869 = arith.constant 0 : i32
            %dma_wait3A_870 = arith.constant 0 : i32
            %dma_wait3A_871 = tpu.memref_slice %arg5[%dma_wait3A_869, %dma_wait3A_870] : memref<64x1000000xf32, #tpu.memory_space<hbm>> -> memref<64x128xf32, #tpu.memory_space<hbm>>
            tpu.wait_dma2 semaphore(%arg22 : memref<!tpu.dma_semaphore, #tpu.memory_space<semaphore_mem>>) src(%dma_wait3A_871 : memref<64x128xf32, #tpu.memory_space<hbm>>) dst(%dma_wait3A_868 : memref<64x128xf32, #tpu.memory_space<vmem>>)
          } else {
          }
          %add3A_616 = arith.constant 3 : i32
          %add3A_617 = arith.addi %mul3A_577, %add3A_616 : i32
          %mul3A_618 = arith.constant 128 : i32
          %mul3A_619 = arith.muli %add3A_617, %mul3A_618 : i32
          %add3A_620 = arith.addi %mul3A_2, %mul3A_619 : i32
          %lt3A_621 = arith.constant 245 : i32
          %lt3A_622 = arith.cmpi slt, %add3A_617, %lt3A_621 : i32
          %le3A_623 = arith.constant 999936 : i32
          %le3A_624 = arith.cmpi sle, %add3A_620, %le3A_623 : i32
          %and3A_625 = arith.andi %lt3A_622, %le3A_624 : i1
          %convert_element_type3A_626 = arith.extui %and3A_625 : i1 to i32
          %cond3A_627 = arith.constant 0 : i32
          %cond3A_628 = arith.cmpi ne, %convert_element_type3A_626, %cond3A_627 : i32
          scf.if %cond3A_628 {
            %dma_wait3A = arith.constant 3 : i32
            %dma_wait3A_858 = arith.constant 0 : i32
            %dma_wait3A_859 = arith.constant 0 : i32
            %dma_wait3A_860 = tpu.memref_slice %arg14[%dma_wait3A, %dma_wait3A_858, %dma_wait3A_859] : memref<6x64x128xf32, #tpu.memory_space<vmem>> -> memref<1x64x128xf32, #tpu.memory_space<vmem>>
            %dma_wait3A_861 = tpu.memref_squeeze %dma_wait3A_860 : memref<1x64x128xf32, #tpu.memory_space<vmem>> -> memref<64x128xf32, #tpu.memory_space<vmem>>
            %dma_wait3A_862 = arith.constant 0 : i32
            %dma_wait3A_863 = arith.constant 0 : i32
            %dma_wait3A_864 = tpu.memref_slice %arg5[%dma_wait3A_862, %dma_wait3A_863] : memref<64x1000000xf32, #tpu.memory_space<hbm>> -> memref<64x128xf32, #tpu.memory_space<hbm>>
            %dma_wait3A_865 = arith.constant 0 : i32
            %dma_wait3A_866 = arith.constant 0 : i32
            %dma_wait3A_867 = tpu.memref_slice %arg14[%dma_wait3A, %dma_wait3A_865, %dma_wait3A_866] : memref<6x64x128xf32, #tpu.memory_space<vmem>> -> memref<1x64x128xf32, #tpu.memory_space<vmem>>
            %dma_wait3A_868 = tpu.memref_squeeze %dma_wait3A_867 : memref<1x64x128xf32, #tpu.memory_space<vmem>> -> memref<64x128xf32, #tpu.memory_space<vmem>>
            %dma_wait3A_869 = arith.constant 0 : i32
            %dma_wait3A_870 = arith.constant 0 : i32
            %dma_wait3A_871 = tpu.memref_slice %arg5[%dma_wait3A_869, %dma_wait3A_870] : memref<64x1000000xf32, #tpu.memory_space<hbm>> -> memref<64x128xf32, #tpu.memory_space<hbm>>
            tpu.wait_dma2 semaphore(%arg23 : memref<!tpu.dma_semaphore, #tpu.memory_space<semaphore_mem>>) src(%dma_wait3A_871 : memref<64x128xf32, #tpu.memory_space<hbm>>) dst(%dma_wait3A_868 : memref<64x128xf32, #tpu.memory_space<vmem>>)
          } else {
          }
          %add3A_629 = arith.constant 4 : i32
          %add3A_630 = arith.addi %mul3A_577, %add3A_629 : i32
          %mul3A_631 = arith.constant 128 : i32
          %mul3A_632 = arith.muli %add3A_630, %mul3A_631 : i32
          %add3A_633 = arith.addi %mul3A_2, %mul3A_632 : i32
          %lt3A_634 = arith.constant 245 : i32
          %lt3A_635 = arith.cmpi slt, %add3A_630, %lt3A_634 : i32
          %le3A_636 = arith.constant 999936 : i32
          %le3A_637 = arith.cmpi sle, %add3A_633, %le3A_636 : i32
          %and3A_638 = arith.andi %lt3A_635, %le3A_637 : i1
          %convert_element_type3A_639 = arith.extui %and3A_638 : i1 to i32
          %cond3A_640 = arith.constant 0 : i32
          %cond3A_641 = arith.cmpi ne, %convert_element_type3A_639, %cond3A_640 : i32
          scf.if %cond3A_641 {
            %dma_wait3A = arith.constant 4 : i32
            %dma_wait3A_858 = arith.constant 0 : i32
            %dma_wait3A_859 = arith.constant 0 : i32
            %dma_wait3A_860 = tpu.memref_slice %arg14[%dma_wait3A, %dma_wait3A_858, %dma_wait3A_859] : memref<6x64x128xf32, #tpu.memory_space<vmem>> -> memref<1x64x128xf32, #tpu.memory_space<vmem>>
            %dma_wait3A_861 = tpu.memref_squeeze %dma_wait3A_860 : memref<1x64x128xf32, #tpu.memory_space<vmem>> -> memref<64x128xf32, #tpu.memory_space<vmem>>
            %dma_wait3A_862 = arith.constant 0 : i32
            %dma_wait3A_863 = arith.constant 0 : i32
            %dma_wait3A_864 = tpu.memref_slice %arg5[%dma_wait3A_862, %dma_wait3A_863] : memref<64x1000000xf32, #tpu.memory_space<hbm>> -> memref<64x128xf32, #tpu.memory_space<hbm>>
            %dma_wait3A_865 = arith.constant 0 : i32
            %dma_wait3A_866 = arith.constant 0 : i32
            %dma_wait3A_867 = tpu.memref_slice %arg14[%dma_wait3A, %dma_wait3A_865, %dma_wait3A_866] : memref<6x64x128xf32, #tpu.memory_space<vmem>> -> memref<1x64x128xf32, #tpu.memory_space<vmem>>
            %dma_wait3A_868 = tpu.memref_squeeze %dma_wait3A_867 : memref<1x64x128xf32, #tpu.memory_space<vmem>> -> memref<64x128xf32, #tpu.memory_space<vmem>>
            %dma_wait3A_869 = arith.constant 0 : i32
            %dma_wait3A_870 = arith.constant 0 : i32
            %dma_wait3A_871 = tpu.memref_slice %arg5[%dma_wait3A_869, %dma_wait3A_870] : memref<64x1000000xf32, #tpu.memory_space<hbm>> -> memref<64x128xf32, #tpu.memory_space<hbm>>
            tpu.wait_dma2 semaphore(%arg24 : memref<!tpu.dma_semaphore, #tpu.memory_space<semaphore_mem>>) src(%dma_wait3A_871 : memref<64x128xf32, #tpu.memory_space<hbm>>) dst(%dma_wait3A_868 : memref<64x128xf32, #tpu.memory_space<vmem>>)
          } else {
          }
          %add3A_642 = arith.constant 5 : i32
          %add3A_643 = arith.addi %mul3A_577, %add3A_642 : i32
          %mul3A_644 = arith.constant 128 : i32
          %mul3A_645 = arith.muli %add3A_643, %mul3A_644 : i32
          %add3A_646 = arith.addi %mul3A_2, %mul3A_645 : i32
          %lt3A_647 = arith.constant 245 : i32
          %lt3A_648 = arith.cmpi slt, %add3A_643, %lt3A_647 : i32
          %le3A_649 = arith.constant 999936 : i32
          %le3A_650 = arith.cmpi sle, %add3A_646, %le3A_649 : i32
          %and3A_651 = arith.andi %lt3A_648, %le3A_650 : i1
          %convert_element_type3A_652 = arith.extui %and3A_651 : i1 to i32
          %cond3A_653 = arith.constant 0 : i32
          %cond3A_654 = arith.cmpi ne, %convert_element_type3A_652, %cond3A_653 : i32
          scf.if %cond3A_654 {
            %dma_wait3A = arith.constant 5 : i32
            %dma_wait3A_858 = arith.constant 0 : i32
            %dma_wait3A_859 = arith.constant 0 : i32
            %dma_wait3A_860 = tpu.memref_slice %arg14[%dma_wait3A, %dma_wait3A_858, %dma_wait3A_859] : memref<6x64x128xf32, #tpu.memory_space<vmem>> -> memref<1x64x128xf32, #tpu.memory_space<vmem>>
            %dma_wait3A_861 = tpu.memref_squeeze %dma_wait3A_860 : memref<1x64x128xf32, #tpu.memory_space<vmem>> -> memref<64x128xf32, #tpu.memory_space<vmem>>
            %dma_wait3A_862 = arith.constant 0 : i32
            %dma_wait3A_863 = arith.constant 0 : i32
            %dma_wait3A_864 = tpu.memref_slice %arg5[%dma_wait3A_862, %dma_wait3A_863] : memref<64x1000000xf32, #tpu.memory_space<hbm>> -> memref<64x128xf32, #tpu.memory_space<hbm>>
            %dma_wait3A_865 = arith.constant 0 : i32
            %dma_wait3A_866 = arith.constant 0 : i32
            %dma_wait3A_867 = tpu.memref_slice %arg14[%dma_wait3A, %dma_wait3A_865, %dma_wait3A_866] : memref<6x64x128xf32, #tpu.memory_space<vmem>> -> memref<1x64x128xf32, #tpu.memory_space<vmem>>
            %dma_wait3A_868 = tpu.memref_squeeze %dma_wait3A_867 : memref<1x64x128xf32, #tpu.memory_space<vmem>> -> memref<64x128xf32, #tpu.memory_space<vmem>>
            %dma_wait3A_869 = arith.constant 0 : i32
            %dma_wait3A_870 = arith.constant 0 : i32
            %dma_wait3A_871 = tpu.memref_slice %arg5[%dma_wait3A_869, %dma_wait3A_870] : memref<64x1000000xf32, #tpu.memory_space<hbm>> -> memref<64x128xf32, #tpu.memory_space<hbm>>
            tpu.wait_dma2 semaphore(%arg25 : memref<!tpu.dma_semaphore, #tpu.memory_space<semaphore_mem>>) src(%dma_wait3A_871 : memref<64x128xf32, #tpu.memory_space<hbm>>) dst(%dma_wait3A_868 : memref<64x128xf32, #tpu.memory_space<vmem>>)
          } else {
          }
          %shift_right_arithmetic3A = arith.constant 4 : i32
          %shift_right_arithmetic3A_655 = arith.shrsi %mul3A_577, %shift_right_arithmetic3A : i32
          %mul3A_656 = arith.constant 16 : i32
          %mul3A_657 = arith.muli %shift_right_arithmetic3A_655, %mul3A_656 : i32
          %multiple_of3A = tpu.assume_multiple %mul3A_657, 16 : i32
          %get3A_658 = arith.index_cast %multiple_of3A : i32 to index
          %get3A_659 = tpu.vector_load %arg12[%get3A_658] {strides = array<i32>} : memref<256xi32, #tpu.memory_space<vmem>>, vector<16xi32>,
          %iota3A = tpu.iota {dimensions = array<i32: 0>} : vector<16xi32>
          %and3A_660 = arith.constant 15 : i32
          %and3A_661 = arith.andi %mul3A_577, %and3A_660 : i32
          %eq3A_662 = vector.broadcast %and3A_661 : i32 to vector<16xi32>
          %eq3A_663 = arith.cmpi eq, %iota3A, %eq3A_662 : vector<16xi32>
          %jit3A_664 = arith.constant 0 : i32
          %broadcast_in_dim3A_665 = vector.broadcast %jit3A_664 : i32 to vector<16xi32>
          %select_n3A_666 = arith.select %eq3A_663, %get3A_659, %broadcast_in_dim3A_665 : vector<16xi1>, vector<16xi32>
          %reduce_sum3A_667 = arith.constant true
          %reduce_sum3A_668 = vector.broadcast %reduce_sum3A_667 : i1 to vector<16xi1>
          %reduce_sum3A_669 = tpu.scan <sum>, %select_n3A_666 masked %reduce_sum3A_668 : vector<16xi32>, vector<16xi1> -> vector<16xi32>
          %reduce_sum3A_670 = vector.extract %reduce_sum3A_669[15] : i32 from vector<16xi32>
          %add3A_671 = arith.constant 6 : i32
          %add3A_672 = arith.addi %mul3A_577, %add3A_671 : i32
          %shift_right_arithmetic3A_673 = arith.constant 4 : i32
          %shift_right_arithmetic3A_674 = arith.shrsi %add3A_672, %shift_right_arithmetic3A_673 : i32
          %mul3A_675 = arith.constant 16 : i32
          %mul3A_676 = arith.muli %shift_right_arithmetic3A_674, %mul3A_675 : i32
          %multiple_of3A_677 = tpu.assume_multiple %mul3A_676, 16 : i32
          %get3A_678 = arith.index_cast %multiple_of3A_677 : i32 to index
          %get3A_679 = tpu.vector_load %arg12[%get3A_678] {strides = array<i32>} : memref<256xi32, #tpu.memory_space<vmem>>, vector<16xi32>,
          %iota3A_680 = tpu.iota {dimensions = array<i32: 0>} : vector<16xi32>
          %and3A_681 = arith.constant 15 : i32
          %and3A_682 = arith.andi %add3A_672, %and3A_681 : i32
          %eq3A_683 = vector.broadcast %and3A_682 : i32 to vector<16xi32>
          %eq3A_684 = arith.cmpi eq, %iota3A_680, %eq3A_683 : vector<16xi32>
          %jit3A_685 = arith.constant 0 : i32
          %broadcast_in_dim3A_686 = vector.broadcast %jit3A_685 : i32 to vector<16xi32>
          %select_n3A_687 = arith.select %eq3A_684, %get3A_679, %broadcast_in_dim3A_686 : vector<16xi1>, vector<16xi32>
          %reduce_sum3A_688 = arith.constant true
          %reduce_sum3A_689 = vector.broadcast %reduce_sum3A_688 : i1 to vector<16xi1>
          %reduce_sum3A_690 = tpu.scan <sum>, %select_n3A_687 masked %reduce_sum3A_689 : vector<16xi32>, vector<16xi1> -> vector<16xi32>
          %reduce_sum3A_691 = vector.extract %reduce_sum3A_690[15] : i32 from vector<16xi32>
          %sub3A_692 = arith.subi %reduce_sum3A_691, %reduce_sum3A_670 : i32
          %add3A_693 = arith.constant 16 : i32
          %add3A_694 = arith.addi %sub3A_692, %add3A_693 : i32
          %sub3A_695 = arith.constant 1 : i32
          %sub3A_696 = arith.subi %add3A_694, %sub3A_695 : i32
          %jit3A_697 = arith.constant 16 : i32
          %div3A_698 = arith.divsi %sub3A_696, %jit3A_697 : i32
          %sign3A_699 = arith.constant 0 : i32
          %sign3A_700 = arith.cmpi sgt, %sub3A_696, %sign3A_699 : i32
          %sign3A_701 = arith.extui %sign3A_700 : i1 to i32
          %sign3A_702 = arith.constant 0 : i32
          %sign3A_703 = arith.cmpi slt, %sub3A_696, %sign3A_702 : i32
          %sign3A_704 = arith.extui %sign3A_703 : i1 to i32
          %sign3A_705 = arith.subi %sign3A_701, %sign3A_704 : i32
          %sign3A_706 = arith.constant 0 : i32
          %sign3A_707 = arith.cmpi sgt, %jit3A_697, %sign3A_706 : i32
          %sign3A_708 = arith.extui %sign3A_707 : i1 to i32
          %sign3A_709 = arith.constant 0 : i32
          %sign3A_710 = arith.cmpi slt, %jit3A_697, %sign3A_709 : i32
          %sign3A_711 = arith.extui %sign3A_710 : i1 to i32
          %sign3A_712 = arith.subi %sign3A_708, %sign3A_711 : i32
          %ne3A_713 = arith.cmpi ne, %sign3A_705, %sign3A_712 : i32
          %rem3A_714 = arith.remsi %sub3A_696, %jit3A_697 : i32
          %ne3A_715 = arith.constant 0 : i32
          %ne3A_716 = arith.cmpi ne, %rem3A_714, %ne3A_715 : i32
          %and3A_717 = arith.andi %ne3A_713, %ne3A_716 : i1
          %sub3A_718 = arith.constant 1 : i32
          %sub3A_719 = arith.subi %div3A_698, %sub3A_718 : i32
          %select_n3A_720 = arith.select %and3A_717, %sub3A_719, %div3A_698 : i32
          %while3A_721 = arith.constant 0 : i32
          %while3A_722 = arith.subi %select_n3A_720, %while3A_721 : i32
          %while3A_723 = arith.addi %while3A_721, %while3A_722 : i32
          %while3A_724 = arith.constant 1 : i32
          %while3A_725 = arith.divsi %while3A_722, %while3A_724 : i32
          %while3A_726 = arith.muli %while3A_725, %while3A_724 : i32
          %while3A_727 = arith.addi %while3A_721, %while3A_726 : i32
          %while3A_728 = arith.constant 1 : i32
          %while3A_729 = scf.for %while3A_858 = %while3A_721 to %while3A_727 step %while3A_728 iter_args(%while3A_859 = %scan3A_575) -> (i32)  : i32 {
            %mul3A_860 = arith.constant 16 : i32
            %mul3A_861 = arith.muli %while3A_858, %mul3A_860 : i32
            %add3A_862 = arith.addi %reduce_sum3A_670, %mul3A_861 : i32
            %iota3A_863 = tpu.iota {dimensions = array<i32: 0>} : vector<16xi32>
            %add3A_864 = vector.broadcast %add3A_862 : i32 to vector<16xi32>
            %add3A_865 = arith.addi %add3A_864, %iota3A_863 : vector<16xi32>
            %lt3A_866 = vector.broadcast %reduce_sum3A_691 : i32 to vector<16xi32>
            %lt3A_867 = arith.cmpi slt, %add3A_865, %lt3A_866 : vector<16xi32>
            %gather3A = tpu.vector_load_idx %arg10[%add3A_865] masked %lt3A_867 : memref<8192xi32, #tpu.memory_space<vmem>>[vector<16xi32>], vector<16xi32>, vector<16xi1>
            %shift_right_arithmetic3A_868 = arith.constant 21 : i32
            %shift_right_arithmetic3A_869 = vector.broadcast %shift_right_arithmetic3A_868 : i32 to vector<16xi32>
            %shift_right_arithmetic3A_870 = arith.shrsi %gather3A, %shift_right_arithmetic3A_869 : vector<16xi32>
            %sub3A_871 = vector.broadcast %mul3A_577 : i32 to vector<16xi32>
            %sub3A_872 = arith.subi %shift_right_arithmetic3A_870, %sub3A_871 : vector<16xi32>
            %shift_right_arithmetic3A_873 = arith.constant 14 : i32
            %shift_right_arithmetic3A_874 = vector.broadcast %shift_right_arithmetic3A_873 : i32 to vector<16xi32>
            %shift_right_arithmetic3A_875 = arith.shrsi %gather3A, %shift_right_arithmetic3A_874 : vector<16xi32>
            %and3A_876 = arith.constant 127 : i32
            %and3A_877 = vector.broadcast %and3A_876 : i32 to vector<16xi32>
            %and3A_878 = arith.andi %shift_right_arithmetic3A_875, %and3A_877 : vector<16xi32>
            %and3A_879 = arith.constant 16383 : i32
            %and3A_880 = vector.broadcast %and3A_879 : i32 to vector<16xi32>
            %and3A_881 = arith.andi %gather3A, %and3A_880 : vector<16xi32>
            %convert_element_type3A_882 = arith.extui %lt3A_867 : vector<16xi1> to vector<16xi32>
            %cumsum3A_883 = arith.constant true
            %cumsum3A_884 = vector.broadcast %cumsum3A_883 : i1 to vector<16xi1>
            %cumsum3A_885 = tpu.scan <sum>, %convert_element_type3A_882 masked %cumsum3A_884 : vector<16xi32>, vector<16xi1> -> vector<16xi32>
            %add3A_886 = vector.broadcast %while3A_859 : i32 to vector<16xi32>
            %add3A_887 = arith.addi %add3A_886, %cumsum3A_885 : vector<16xi32>
            %sub3A_888 = arith.constant 1 : i32
            %sub3A_889 = vector.broadcast %sub3A_888 : i32 to vector<16xi32>
            %sub3A_890 = arith.subi %add3A_887, %sub3A_889 : vector<16xi32>
            %broadcast_in_dim3A_891 = arith.constant 0 : i32
            %broadcast_in_dim3A_892 = vector.broadcast %broadcast_in_dim3A_891 : i32 to vector<16xi32>
            %gather3A_893 = tpu.vector_load_idx %arg14[%sub3A_872, %broadcast_in_dim3A_892, %and3A_878] masked %lt3A_867 : memref<6x64x128xf32, #tpu.memory_space<vmem>>[vector<16xi32>, vector<16xi32>, vector<16xi32>], vector<16xf32>, vector<16xi1>
            %broadcast_in_dim3A_894 = arith.constant 1 : i32
            %broadcast_in_dim3A_895 = vector.broadcast %broadcast_in_dim3A_894 : i32 to vector<16xi32>
            %gather3A_896 = tpu.vector_load_idx %arg14[%sub3A_872, %broadcast_in_dim3A_895, %and3A_878] masked %lt3A_867 : memref<6x64x128xf32, #tpu.memory_space<vmem>>[vector<16xi32>, vector<16xi32>, vector<16xi32>], vector<16xf32>, vector<16xi1>
            %broadcast_in_dim3A_897 = arith.constant 2 : i32
            %broadcast_in_dim3A_898 = vector.broadcast %broadcast_in_dim3A_897 : i32 to vector<16xi32>
            %gather3A_899 = tpu.vector_load_idx %arg14[%sub3A_872, %broadcast_in_dim3A_898, %and3A_878] masked %lt3A_867 : memref<6x64x128xf32, #tpu.memory_space<vmem>>[vector<16xi32>, vector<16xi32>, vector<16xi32>], vector<16xf32>, vector<16xi1>
            %broadcast_in_dim3A_900 = arith.constant 3 : i32
            %broadcast_in_dim3A_901 = vector.broadcast %broadcast_in_dim3A_900 : i32 to vector<16xi32>
            %gather3A_902 = tpu.vector_load_idx %arg14[%sub3A_872, %broadcast_in_dim3A_901, %and3A_878] masked %lt3A_867 : memref<6x64x128xf32, #tpu.memory_space<vmem>>[vector<16xi32>, vector<16xi32>, vector<16xi32>], vector<16xf32>, vector<16xi1>
            %broadcast_in_dim3A_903 = arith.constant 4 : i32
            %broadcast_in_dim3A_904 = vector.broadcast %broadcast_in_dim3A_903 : i32 to vector<16xi32>
            %gather3A_905 = tpu.vector_load_idx %arg14[%sub3A_872, %broadcast_in_dim3A_904, %and3A_878] masked %lt3A_867 : memref<6x64x128xf32, #tpu.memory_space<vmem>>[vector<16xi32>, vector<16xi32>, vector<16xi32>], vector<16xf32>, vector<16xi1>
            %broadcast_in_dim3A_906 = arith.constant 5 : i32
            %broadcast_in_dim3A_907 = vector.broadcast %broadcast_in_dim3A_906 : i32 to vector<16xi32>
            %gather3A_908 = tpu.vector_load_idx %arg14[%sub3A_872, %broadcast_in_dim3A_907, %and3A_878] masked %lt3A_867 : memref<6x64x128xf32, #tpu.memory_space<vmem>>[vector<16xi32>, vector<16xi32>, vector<16xi32>], vector<16xf32>, vector<16xi1>
            %broadcast_in_dim3A_909 = arith.constant 6 : i32
            %broadcast_in_dim3A_910 = vector.broadcast %broadcast_in_dim3A_909 : i32 to vector<16xi32>
            %gather3A_911 = tpu.vector_load_idx %arg14[%sub3A_872, %broadcast_in_dim3A_910, %and3A_878] masked %lt3A_867 : memref<6x64x128xf32, #tpu.memory_space<vmem>>[vector<16xi32>, vector<16xi32>, vector<16xi32>], vector<16xf32>, vector<16xi1>
            %broadcast_in_dim3A_912 = arith.constant 7 : i32
            %broadcast_in_dim3A_913 = vector.broadcast %broadcast_in_dim3A_912 : i32 to vector<16xi32>
            %gather3A_914 = tpu.vector_load_idx %arg14[%sub3A_872, %broadcast_in_dim3A_913, %and3A_878] masked %lt3A_867 : memref<6x64x128xf32, #tpu.memory_space<vmem>>[vector<16xi32>, vector<16xi32>, vector<16xi32>], vector<16xf32>, vector<16xi1>
            %broadcast_in_dim3A_915 = arith.constant 0 : i32
            %broadcast_in_dim3A_916 = vector.broadcast %broadcast_in_dim3A_915 : i32 to vector<16xi32>
            tpu.vector_store_idx %arg15[%sub3A_890, %broadcast_in_dim3A_916], %gather3A_893 masked %lt3A_867 : memref<128x128xf32, #tpu.memory_space<vmem>>[vector<16xi32>, vector<16xi32>], vector<16xf32>, vector<16xi1>
            %broadcast_in_dim3A_917 = arith.constant 1 : i32
            %broadcast_in_dim3A_918 = vector.broadcast %broadcast_in_dim3A_917 : i32 to vector<16xi32>
            tpu.vector_store_idx %arg15[%sub3A_890, %broadcast_in_dim3A_918], %gather3A_896 masked %lt3A_867 : memref<128x128xf32, #tpu.memory_space<vmem>>[vector<16xi32>, vector<16xi32>], vector<16xf32>, vector<16xi1>
            %broadcast_in_dim3A_919 = arith.constant 2 : i32
            %broadcast_in_dim3A_920 = vector.broadcast %broadcast_in_dim3A_919 : i32 to vector<16xi32>
            tpu.vector_store_idx %arg15[%sub3A_890, %broadcast_in_dim3A_920], %gather3A_899 masked %lt3A_867 : memref<128x128xf32, #tpu.memory_space<vmem>>[vector<16xi32>, vector<16xi32>], vector<16xf32>, vector<16xi1>
            %broadcast_in_dim3A_921 = arith.constant 3 : i32
            %broadcast_in_dim3A_922 = vector.broadcast %broadcast_in_dim3A_921 : i32 to vector<16xi32>
            tpu.vector_store_idx %arg15[%sub3A_890, %broadcast_in_dim3A_922], %gather3A_902 masked %lt3A_867 : memref<128x128xf32, #tpu.memory_space<vmem>>[vector<16xi32>, vector<16xi32>], vector<16xf32>, vector<16xi1>
            %broadcast_in_dim3A_923 = arith.constant 4 : i32
            %broadcast_in_dim3A_924 = vector.broadcast %broadcast_in_dim3A_923 : i32 to vector<16xi32>
            tpu.vector_store_idx %arg15[%sub3A_890, %broadcast_in_dim3A_924], %gather3A_905 masked %lt3A_867 : memref<128x128xf32, #tpu.memory_space<vmem>>[vector<16xi32>, vector<16xi32>], vector<16xf32>, vector<16xi1>
            %broadcast_in_dim3A_925 = arith.constant 5 : i32
            %broadcast_in_dim3A_926 = vector.broadcast %broadcast_in_dim3A_925 : i32 to vector<16xi32>
            tpu.vector_store_idx %arg15[%sub3A_890, %broadcast_in_dim3A_926], %gather3A_908 masked %lt3A_867 : memref<128x128xf32, #tpu.memory_space<vmem>>[vector<16xi32>, vector<16xi32>], vector<16xf32>, vector<16xi1>
            %broadcast_in_dim3A_927 = arith.constant 6 : i32
            %broadcast_in_dim3A_928 = vector.broadcast %broadcast_in_dim3A_927 : i32 to vector<16xi32>
            tpu.vector_store_idx %arg15[%sub3A_890, %broadcast_in_dim3A_928], %gather3A_911 masked %lt3A_867 : memref<128x128xf32, #tpu.memory_space<vmem>>[vector<16xi32>, vector<16xi32>], vector<16xf32>, vector<16xi1>
            %broadcast_in_dim3A_929 = arith.constant 7 : i32
            %broadcast_in_dim3A_930 = vector.broadcast %broadcast_in_dim3A_929 : i32 to vector<16xi32>
            tpu.vector_store_idx %arg15[%sub3A_890, %broadcast_in_dim3A_930], %gather3A_914 masked %lt3A_867 : memref<128x128xf32, #tpu.memory_space<vmem>>[vector<16xi32>, vector<16xi32>], vector<16xf32>, vector<16xi1>
            %broadcast_in_dim3A_931 = arith.constant 8 : i32
            %broadcast_in_dim3A_932 = vector.broadcast %broadcast_in_dim3A_931 : i32 to vector<16xi32>
            %gather3A_933 = tpu.vector_load_idx %arg14[%sub3A_872, %broadcast_in_dim3A_932, %and3A_878] masked %lt3A_867 : memref<6x64x128xf32, #tpu.memory_space<vmem>>[vector<16xi32>, vector<16xi32>, vector<16xi32>], vector<16xf32>, vector<16xi1>
            %broadcast_in_dim3A_934 = arith.constant 9 : i32
            %broadcast_in_dim3A_935 = vector.broadcast %broadcast_in_dim3A_934 : i32 to vector<16xi32>
            %gather3A_936 = tpu.vector_load_idx %arg14[%sub3A_872, %broadcast_in_dim3A_935, %and3A_878] masked %lt3A_867 : memref<6x64x128xf32, #tpu.memory_space<vmem>>[vector<16xi32>, vector<16xi32>, vector<16xi32>], vector<16xf32>, vector<16xi1>
            %broadcast_in_dim3A_937 = arith.constant 10 : i32
            %broadcast_in_dim3A_938 = vector.broadcast %broadcast_in_dim3A_937 : i32 to vector<16xi32>
            %gather3A_939 = tpu.vector_load_idx %arg14[%sub3A_872, %broadcast_in_dim3A_938, %and3A_878] masked %lt3A_867 : memref<6x64x128xf32, #tpu.memory_space<vmem>>[vector<16xi32>, vector<16xi32>, vector<16xi32>], vector<16xf32>, vector<16xi1>
            %broadcast_in_dim3A_940 = arith.constant 11 : i32
            %broadcast_in_dim3A_941 = vector.broadcast %broadcast_in_dim3A_940 : i32 to vector<16xi32>
            %gather3A_942 = tpu.vector_load_idx %arg14[%sub3A_872, %broadcast_in_dim3A_941, %and3A_878] masked %lt3A_867 : memref<6x64x128xf32, #tpu.memory_space<vmem>>[vector<16xi32>, vector<16xi32>, vector<16xi32>], vector<16xf32>, vector<16xi1>
            %broadcast_in_dim3A_943 = arith.constant 12 : i32
            %broadcast_in_dim3A_944 = vector.broadcast %broadcast_in_dim3A_943 : i32 to vector<16xi32>
            %gather3A_945 = tpu.vector_load_idx %arg14[%sub3A_872, %broadcast_in_dim3A_944, %and3A_878] masked %lt3A_867 : memref<6x64x128xf32, #tpu.memory_space<vmem>>[vector<16xi32>, vector<16xi32>, vector<16xi32>], vector<16xf32>, vector<16xi1>
            %broadcast_in_dim3A_946 = arith.constant 13 : i32
            %broadcast_in_dim3A_947 = vector.broadcast %broadcast_in_dim3A_946 : i32 to vector<16xi32>
            %gather3A_948 = tpu.vector_load_idx %arg14[%sub3A_872, %broadcast_in_dim3A_947, %and3A_878] masked %lt3A_867 : memref<6x64x128xf32, #tpu.memory_space<vmem>>[vector<16xi32>, vector<16xi32>, vector<16xi32>], vector<16xf32>, vector<16xi1>
            %broadcast_in_dim3A_949 = arith.constant 14 : i32
            %broadcast_in_dim3A_950 = vector.broadcast %broadcast_in_dim3A_949 : i32 to vector<16xi32>
            %gather3A_951 = tpu.vector_load_idx %arg14[%sub3A_872, %broadcast_in_dim3A_950, %and3A_878] masked %lt3A_867 : memref<6x64x128xf32, #tpu.memory_space<vmem>>[vector<16xi32>, vector<16xi32>, vector<16xi32>], vector<16xf32>, vector<16xi1>
            %broadcast_in_dim3A_952 = arith.constant 15 : i32
            %broadcast_in_dim3A_953 = vector.broadcast %broadcast_in_dim3A_952 : i32 to vector<16xi32>
            %gather3A_954 = tpu.vector_load_idx %arg14[%sub3A_872, %broadcast_in_dim3A_953, %and3A_878] masked %lt3A_867 : memref<6x64x128xf32, #tpu.memory_space<vmem>>[vector<16xi32>, vector<16xi32>, vector<16xi32>], vector<16xf32>, vector<16xi1>
            %broadcast_in_dim3A_955 = arith.constant 8 : i32
            %broadcast_in_dim3A_956 = vector.broadcast %broadcast_in_dim3A_955 : i32 to vector<16xi32>
            tpu.vector_store_idx %arg15[%sub3A_890, %broadcast_in_dim3A_956], %gather3A_933 masked %lt3A_867 : memref<128x128xf32, #tpu.memory_space<vmem>>[vector<16xi32>, vector<16xi32>], vector<16xf32>, vector<16xi1>
            %broadcast_in_dim3A_957 = arith.constant 9 : i32
            %broadcast_in_dim3A_958 = vector.broadcast %broadcast_in_dim3A_957 : i32 to vector<16xi32>
            tpu.vector_store_idx %arg15[%sub3A_890, %broadcast_in_dim3A_958], %gather3A_936 masked %lt3A_867 : memref<128x128xf32, #tpu.memory_space<vmem>>[vector<16xi32>, vector<16xi32>], vector<16xf32>, vector<16xi1>
            %broadcast_in_dim3A_959 = arith.constant 10 : i32
            %broadcast_in_dim3A_960 = vector.broadcast %broadcast_in_dim3A_959 : i32 to vector<16xi32>
            tpu.vector_store_idx %arg15[%sub3A_890, %broadcast_in_dim3A_960], %gather3A_939 masked %lt3A_867 : memref<128x128xf32, #tpu.memory_space<vmem>>[vector<16xi32>, vector<16xi32>], vector<16xf32>, vector<16xi1>
            %broadcast_in_dim3A_961 = arith.constant 11 : i32
            %broadcast_in_dim3A_962 = vector.broadcast %broadcast_in_dim3A_961 : i32 to vector<16xi32>
            tpu.vector_store_idx %arg15[%sub3A_890, %broadcast_in_dim3A_962], %gather3A_942 masked %lt3A_867 : memref<128x128xf32, #tpu.memory_space<vmem>>[vector<16xi32>, vector<16xi32>], vector<16xf32>, vector<16xi1>
            %broadcast_in_dim3A_963 = arith.constant 12 : i32
            %broadcast_in_dim3A_964 = vector.broadcast %broadcast_in_dim3A_963 : i32 to vector<16xi32>
            tpu.vector_store_idx %arg15[%sub3A_890, %broadcast_in_dim3A_964], %gather3A_945 masked %lt3A_867 : memref<128x128xf32, #tpu.memory_space<vmem>>[vector<16xi32>, vector<16xi32>], vector<16xf32>, vector<16xi1>
            %broadcast_in_dim3A_965 = arith.constant 13 : i32
            %broadcast_in_dim3A_966 = vector.broadcast %broadcast_in_dim3A_965 : i32 to vector<16xi32>
            tpu.vector_store_idx %arg15[%sub3A_890, %broadcast_in_dim3A_966], %gather3A_948 masked %lt3A_867 : memref<128x128xf32, #tpu.memory_space<vmem>>[vector<16xi32>, vector<16xi32>], vector<16xf32>, vector<16xi1>
            %broadcast_in_dim3A_967 = arith.constant 14 : i32
            %broadcast_in_dim3A_968 = vector.broadcast %broadcast_in_dim3A_967 : i32 to vector<16xi32>
            tpu.vector_store_idx %arg15[%sub3A_890, %broadcast_in_dim3A_968], %gather3A_951 masked %lt3A_867 : memref<128x128xf32, #tpu.memory_space<vmem>>[vector<16xi32>, vector<16xi32>], vector<16xf32>, vector<16xi1>
            %broadcast_in_dim3A_969 = arith.constant 15 : i32
            %broadcast_in_dim3A_970 = vector.broadcast %broadcast_in_dim3A_969 : i32 to vector<16xi32>
            tpu.vector_store_idx %arg15[%sub3A_890, %broadcast_in_dim3A_970], %gather3A_954 masked %lt3A_867 : memref<128x128xf32, #tpu.memory_space<vmem>>[vector<16xi32>, vector<16xi32>], vector<16xf32>, vector<16xi1>
            %broadcast_in_dim3A_971 = arith.constant 16 : i32
            %broadcast_in_dim3A_972 = vector.broadcast %broadcast_in_dim3A_971 : i32 to vector<16xi32>
            %gather3A_973 = tpu.vector_load_idx %arg14[%sub3A_872, %broadcast_in_dim3A_972, %and3A_878] masked %lt3A_867 : memref<6x64x128xf32, #tpu.memory_space<vmem>>[vector<16xi32>, vector<16xi32>, vector<16xi32>], vector<16xf32>, vector<16xi1>
            %broadcast_in_dim3A_974 = arith.constant 17 : i32
            %broadcast_in_dim3A_975 = vector.broadcast %broadcast_in_dim3A_974 : i32 to vector<16xi32>
            %gather3A_976 = tpu.vector_load_idx %arg14[%sub3A_872, %broadcast_in_dim3A_975, %and3A_878] masked %lt3A_867 : memref<6x64x128xf32, #tpu.memory_space<vmem>>[vector<16xi32>, vector<16xi32>, vector<16xi32>], vector<16xf32>, vector<16xi1>
            %broadcast_in_dim3A_977 = arith.constant 18 : i32
            %broadcast_in_dim3A_978 = vector.broadcast %broadcast_in_dim3A_977 : i32 to vector<16xi32>
            %gather3A_979 = tpu.vector_load_idx %arg14[%sub3A_872, %broadcast_in_dim3A_978, %and3A_878] masked %lt3A_867 : memref<6x64x128xf32, #tpu.memory_space<vmem>>[vector<16xi32>, vector<16xi32>, vector<16xi32>], vector<16xf32>, vector<16xi1>
            %broadcast_in_dim3A_980 = arith.constant 19 : i32
            %broadcast_in_dim3A_981 = vector.broadcast %broadcast_in_dim3A_980 : i32 to vector<16xi32>
            %gather3A_982 = tpu.vector_load_idx %arg14[%sub3A_872, %broadcast_in_dim3A_981, %and3A_878] masked %lt3A_867 : memref<6x64x128xf32, #tpu.memory_space<vmem>>[vector<16xi32>, vector<16xi32>, vector<16xi32>], vector<16xf32>, vector<16xi1>
            %broadcast_in_dim3A_983 = arith.constant 20 : i32
            %broadcast_in_dim3A_984 = vector.broadcast %broadcast_in_dim3A_983 : i32 to vector<16xi32>
            %gather3A_985 = tpu.vector_load_idx %arg14[%sub3A_872, %broadcast_in_dim3A_984, %and3A_878] masked %lt3A_867 : memref<6x64x128xf32, #tpu.memory_space<vmem>>[vector<16xi32>, vector<16xi32>, vector<16xi32>], vector<16xf32>, vector<16xi1>
            %broadcast_in_dim3A_986 = arith.constant 21 : i32
            %broadcast_in_dim3A_987 = vector.broadcast %broadcast_in_dim3A_986 : i32 to vector<16xi32>
            %gather3A_988 = tpu.vector_load_idx %arg14[%sub3A_872, %broadcast_in_dim3A_987, %and3A_878] masked %lt3A_867 : memref<6x64x128xf32, #tpu.memory_space<vmem>>[vector<16xi32>, vector<16xi32>, vector<16xi32>], vector<16xf32>, vector<16xi1>
            %broadcast_in_dim3A_989 = arith.constant 22 : i32
            %broadcast_in_dim3A_990 = vector.broadcast %broadcast_in_dim3A_989 : i32 to vector<16xi32>
            %gather3A_991 = tpu.vector_load_idx %arg14[%sub3A_872, %broadcast_in_dim3A_990, %and3A_878] masked %lt3A_867 : memref<6x64x128xf32, #tpu.memory_space<vmem>>[vector<16xi32>, vector<16xi32>, vector<16xi32>], vector<16xf32>, vector<16xi1>
            %broadcast_in_dim3A_992 = arith.constant 23 : i32
            %broadcast_in_dim3A_993 = vector.broadcast %broadcast_in_dim3A_992 : i32 to vector<16xi32>
            %gather3A_994 = tpu.vector_load_idx %arg14[%sub3A_872, %broadcast_in_dim3A_993, %and3A_878] masked %lt3A_867 : memref<6x64x128xf32, #tpu.memory_space<vmem>>[vector<16xi32>, vector<16xi32>, vector<16xi32>], vector<16xf32>, vector<16xi1>
            %broadcast_in_dim3A_995 = arith.constant 16 : i32
            %broadcast_in_dim3A_996 = vector.broadcast %broadcast_in_dim3A_995 : i32 to vector<16xi32>
            tpu.vector_store_idx %arg15[%sub3A_890, %broadcast_in_dim3A_996], %gather3A_973 masked %lt3A_867 : memref<128x128xf32, #tpu.memory_space<vmem>>[vector<16xi32>, vector<16xi32>], vector<16xf32>, vector<16xi1>
            %broadcast_in_dim3A_997 = arith.constant 17 : i32
            %broadcast_in_dim3A_998 = vector.broadcast %broadcast_in_dim3A_997 : i32 to vector<16xi32>
            tpu.vector_store_idx %arg15[%sub3A_890, %broadcast_in_dim3A_998], %gather3A_976 masked %lt3A_867 : memref<128x128xf32, #tpu.memory_space<vmem>>[vector<16xi32>, vector<16xi32>], vector<16xf32>, vector<16xi1>
            %broadcast_in_dim3A_999 = arith.constant 18 : i32
            %broadcast_in_dim3A_1000 = vector.broadcast %broadcast_in_dim3A_999 : i32 to vector<16xi32>
            tpu.vector_store_idx %arg15[%sub3A_890, %broadcast_in_dim3A_1000], %gather3A_979 masked %lt3A_867 : memref<128x128xf32, #tpu.memory_space<vmem>>[vector<16xi32>, vector<16xi32>], vector<16xf32>, vector<16xi1>
            %broadcast_in_dim3A_1001 = arith.constant 19 : i32
            %broadcast_in_dim3A_1002 = vector.broadcast %broadcast_in_dim3A_1001 : i32 to vector<16xi32>
            tpu.vector_store_idx %arg15[%sub3A_890, %broadcast_in_dim3A_1002], %gather3A_982 masked %lt3A_867 : memref<128x128xf32, #tpu.memory_space<vmem>>[vector<16xi32>, vector<16xi32>], vector<16xf32>, vector<16xi1>
            %broadcast_in_dim3A_1003 = arith.constant 20 : i32
            %broadcast_in_dim3A_1004 = vector.broadcast %broadcast_in_dim3A_1003 : i32 to vector<16xi32>
            tpu.vector_store_idx %arg15[%sub3A_890, %broadcast_in_dim3A_1004], %gather3A_985 masked %lt3A_867 : memref<128x128xf32, #tpu.memory_space<vmem>>[vector<16xi32>, vector<16xi32>], vector<16xf32>, vector<16xi1>
            %broadcast_in_dim3A_1005 = arith.constant 21 : i32
            %broadcast_in_dim3A_1006 = vector.broadcast %broadcast_in_dim3A_1005 : i32 to vector<16xi32>
            tpu.vector_store_idx %arg15[%sub3A_890, %broadcast_in_dim3A_1006], %gather3A_988 masked %lt3A_867 : memref<128x128xf32, #tpu.memory_space<vmem>>[vector<16xi32>, vector<16xi32>], vector<16xf32>, vector<16xi1>
            %broadcast_in_dim3A_1007 = arith.constant 22 : i32
            %broadcast_in_dim3A_1008 = vector.broadcast %broadcast_in_dim3A_1007 : i32 to vector<16xi32>
            tpu.vector_store_idx %arg15[%sub3A_890, %broadcast_in_dim3A_1008], %gather3A_991 masked %lt3A_867 : memref<128x128xf32, #tpu.memory_space<vmem>>[vector<16xi32>, vector<16xi32>], vector<16xf32>, vector<16xi1>
            %broadcast_in_dim3A_1009 = arith.constant 23 : i32
            %broadcast_in_dim3A_1010 = vector.broadcast %broadcast_in_dim3A_1009 : i32 to vector<16xi32>
            tpu.vector_store_idx %arg15[%sub3A_890, %broadcast_in_dim3A_1010], %gather3A_994 masked %lt3A_867 : memref<128x128xf32, #tpu.memory_space<vmem>>[vector<16xi32>, vector<16xi32>], vector<16xf32>, vector<16xi1>
            %broadcast_in_dim3A_1011 = arith.constant 24 : i32
            %broadcast_in_dim3A_1012 = vector.broadcast %broadcast_in_dim3A_1011 : i32 to vector<16xi32>
            %gather3A_1013 = tpu.vector_load_idx %arg14[%sub3A_872, %broadcast_in_dim3A_1012, %and3A_878] masked %lt3A_867 : memref<6x64x128xf32, #tpu.memory_space<vmem>>[vector<16xi32>, vector<16xi32>, vector<16xi32>], vector<16xf32>, vector<16xi1>
            %broadcast_in_dim3A_1014 = arith.constant 25 : i32
            %broadcast_in_dim3A_1015 = vector.broadcast %broadcast_in_dim3A_1014 : i32 to vector<16xi32>
            %gather3A_1016 = tpu.vector_load_idx %arg14[%sub3A_872, %broadcast_in_dim3A_1015, %and3A_878] masked %lt3A_867 : memref<6x64x128xf32, #tpu.memory_space<vmem>>[vector<16xi32>, vector<16xi32>, vector<16xi32>], vector<16xf32>, vector<16xi1>
            %broadcast_in_dim3A_1017 = arith.constant 26 : i32
            %broadcast_in_dim3A_1018 = vector.broadcast %broadcast_in_dim3A_1017 : i32 to vector<16xi32>
            %gather3A_1019 = tpu.vector_load_idx %arg14[%sub3A_872, %broadcast_in_dim3A_1018, %and3A_878] masked %lt3A_867 : memref<6x64x128xf32, #tpu.memory_space<vmem>>[vector<16xi32>, vector<16xi32>, vector<16xi32>], vector<16xf32>, vector<16xi1>
            %broadcast_in_dim3A_1020 = arith.constant 27 : i32
            %broadcast_in_dim3A_1021 = vector.broadcast %broadcast_in_dim3A_1020 : i32 to vector<16xi32>
            %gather3A_1022 = tpu.vector_load_idx %arg14[%sub3A_872, %broadcast_in_dim3A_1021, %and3A_878] masked %lt3A_867 : memref<6x64x128xf32, #tpu.memory_space<vmem>>[vector<16xi32>, vector<16xi32>, vector<16xi32>], vector<16xf32>, vector<16xi1>
            %broadcast_in_dim3A_1023 = arith.constant 28 : i32
            %broadcast_in_dim3A_1024 = vector.broadcast %broadcast_in_dim3A_1023 : i32 to vector<16xi32>
            %gather3A_1025 = tpu.vector_load_idx %arg14[%sub3A_872, %broadcast_in_dim3A_1024, %and3A_878] masked %lt3A_867 : memref<6x64x128xf32, #tpu.memory_space<vmem>>[vector<16xi32>, vector<16xi32>, vector<16xi32>], vector<16xf32>, vector<16xi1>
            %broadcast_in_dim3A_1026 = arith.constant 29 : i32
            %broadcast_in_dim3A_1027 = vector.broadcast %broadcast_in_dim3A_1026 : i32 to vector<16xi32>
            %gather3A_1028 = tpu.vector_load_idx %arg14[%sub3A_872, %broadcast_in_dim3A_1027, %and3A_878] masked %lt3A_867 : memref<6x64x128xf32, #tpu.memory_space<vmem>>[vector<16xi32>, vector<16xi32>, vector<16xi32>], vector<16xf32>, vector<16xi1>
            %broadcast_in_dim3A_1029 = arith.constant 30 : i32
            %broadcast_in_dim3A_1030 = vector.broadcast %broadcast_in_dim3A_1029 : i32 to vector<16xi32>
            %gather3A_1031 = tpu.vector_load_idx %arg14[%sub3A_872, %broadcast_in_dim3A_1030, %and3A_878] masked %lt3A_867 : memref<6x64x128xf32, #tpu.memory_space<vmem>>[vector<16xi32>, vector<16xi32>, vector<16xi32>], vector<16xf32>, vector<16xi1>
            %broadcast_in_dim3A_1032 = arith.constant 31 : i32
            %broadcast_in_dim3A_1033 = vector.broadcast %broadcast_in_dim3A_1032 : i32 to vector<16xi32>
            %gather3A_1034 = tpu.vector_load_idx %arg14[%sub3A_872, %broadcast_in_dim3A_1033, %and3A_878] masked %lt3A_867 : memref<6x64x128xf32, #tpu.memory_space<vmem>>[vector<16xi32>, vector<16xi32>, vector<16xi32>], vector<16xf32>, vector<16xi1>
            %broadcast_in_dim3A_1035 = arith.constant 24 : i32
            %broadcast_in_dim3A_1036 = vector.broadcast %broadcast_in_dim3A_1035 : i32 to vector<16xi32>
            tpu.vector_store_idx %arg15[%sub3A_890, %broadcast_in_dim3A_1036], %gather3A_1013 masked %lt3A_867 : memref<128x128xf32, #tpu.memory_space<vmem>>[vector<16xi32>, vector<16xi32>], vector<16xf32>, vector<16xi1>
            %broadcast_in_dim3A_1037 = arith.constant 25 : i32
            %broadcast_in_dim3A_1038 = vector.broadcast %broadcast_in_dim3A_1037 : i32 to vector<16xi32>
            tpu.vector_store_idx %arg15[%sub3A_890, %broadcast_in_dim3A_1038], %gather3A_1016 masked %lt3A_867 : memref<128x128xf32, #tpu.memory_space<vmem>>[vector<16xi32>, vector<16xi32>], vector<16xf32>, vector<16xi1>
            %broadcast_in_dim3A_1039 = arith.constant 26 : i32
            %broadcast_in_dim3A_1040 = vector.broadcast %broadcast_in_dim3A_1039 : i32 to vector<16xi32>
            tpu.vector_store_idx %arg15[%sub3A_890, %broadcast_in_dim3A_1040], %gather3A_1019 masked %lt3A_867 : memref<128x128xf32, #tpu.memory_space<vmem>>[vector<16xi32>, vector<16xi32>], vector<16xf32>, vector<16xi1>
            %broadcast_in_dim3A_1041 = arith.constant 27 : i32
            %broadcast_in_dim3A_1042 = vector.broadcast %broadcast_in_dim3A_1041 : i32 to vector<16xi32>
            tpu.vector_store_idx %arg15[%sub3A_890, %broadcast_in_dim3A_1042], %gather3A_1022 masked %lt3A_867 : memref<128x128xf32, #tpu.memory_space<vmem>>[vector<16xi32>, vector<16xi32>], vector<16xf32>, vector<16xi1>
            %broadcast_in_dim3A_1043 = arith.constant 28 : i32
            %broadcast_in_dim3A_1044 = vector.broadcast %broadcast_in_dim3A_1043 : i32 to vector<16xi32>
            tpu.vector_store_idx %arg15[%sub3A_890, %broadcast_in_dim3A_1044], %gather3A_1025 masked %lt3A_867 : memref<128x128xf32, #tpu.memory_space<vmem>>[vector<16xi32>, vector<16xi32>], vector<16xf32>, vector<16xi1>
            %broadcast_in_dim3A_1045 = arith.constant 29 : i32
            %broadcast_in_dim3A_1046 = vector.broadcast %broadcast_in_dim3A_1045 : i32 to vector<16xi32>
            tpu.vector_store_idx %arg15[%sub3A_890, %broadcast_in_dim3A_1046], %gather3A_1028 masked %lt3A_867 : memref<128x128xf32, #tpu.memory_space<vmem>>[vector<16xi32>, vector<16xi32>], vector<16xf32>, vector<16xi1>
            %broadcast_in_dim3A_1047 = arith.constant 30 : i32
            %broadcast_in_dim3A_1048 = vector.broadcast %broadcast_in_dim3A_1047 : i32 to vector<16xi32>
            tpu.vector_store_idx %arg15[%sub3A_890, %broadcast_in_dim3A_1048], %gather3A_1031 masked %lt3A_867 : memref<128x128xf32, #tpu.memory_space<vmem>>[vector<16xi32>, vector<16xi32>], vector<16xf32>, vector<16xi1>
            %broadcast_in_dim3A_1049 = arith.constant 31 : i32
            %broadcast_in_dim3A_1050 = vector.broadcast %broadcast_in_dim3A_1049 : i32 to vector<16xi32>
            tpu.vector_store_idx %arg15[%sub3A_890, %broadcast_in_dim3A_1050], %gather3A_1034 masked %lt3A_867 : memref<128x128xf32, #tpu.memory_space<vmem>>[vector<16xi32>, vector<16xi32>], vector<16xf32>, vector<16xi1>
            %broadcast_in_dim3A_1051 = arith.constant 32 : i32
            %broadcast_in_dim3A_1052 = vector.broadcast %broadcast_in_dim3A_1051 : i32 to vector<16xi32>
            %gather3A_1053 = tpu.vector_load_idx %arg14[%sub3A_872, %broadcast_in_dim3A_1052, %and3A_878] masked %lt3A_867 : memref<6x64x128xf32, #tpu.memory_space<vmem>>[vector<16xi32>, vector<16xi32>, vector<16xi32>], vector<16xf32>, vector<16xi1>
            %broadcast_in_dim3A_1054 = arith.constant 33 : i32
            %broadcast_in_dim3A_1055 = vector.broadcast %broadcast_in_dim3A_1054 : i32 to vector<16xi32>
            %gather3A_1056 = tpu.vector_load_idx %arg14[%sub3A_872, %broadcast_in_dim3A_1055, %and3A_878] masked %lt3A_867 : memref<6x64x128xf32, #tpu.memory_space<vmem>>[vector<16xi32>, vector<16xi32>, vector<16xi32>], vector<16xf32>, vector<16xi1>
            %broadcast_in_dim3A_1057 = arith.constant 34 : i32
            %broadcast_in_dim3A_1058 = vector.broadcast %broadcast_in_dim3A_1057 : i32 to vector<16xi32>
            %gather3A_1059 = tpu.vector_load_idx %arg14[%sub3A_872, %broadcast_in_dim3A_1058, %and3A_878] masked %lt3A_867 : memref<6x64x128xf32, #tpu.memory_space<vmem>>[vector<16xi32>, vector<16xi32>, vector<16xi32>], vector<16xf32>, vector<16xi1>
            %broadcast_in_dim3A_1060 = arith.constant 35 : i32
            %broadcast_in_dim3A_1061 = vector.broadcast %broadcast_in_dim3A_1060 : i32 to vector<16xi32>
            %gather3A_1062 = tpu.vector_load_idx %arg14[%sub3A_872, %broadcast_in_dim3A_1061, %and3A_878] masked %lt3A_867 : memref<6x64x128xf32, #tpu.memory_space<vmem>>[vector<16xi32>, vector<16xi32>, vector<16xi32>], vector<16xf32>, vector<16xi1>
            %broadcast_in_dim3A_1063 = arith.constant 36 : i32
            %broadcast_in_dim3A_1064 = vector.broadcast %broadcast_in_dim3A_1063 : i32 to vector<16xi32>
            %gather3A_1065 = tpu.vector_load_idx %arg14[%sub3A_872, %broadcast_in_dim3A_1064, %and3A_878] masked %lt3A_867 : memref<6x64x128xf32, #tpu.memory_space<vmem>>[vector<16xi32>, vector<16xi32>, vector<16xi32>], vector<16xf32>, vector<16xi1>
            %broadcast_in_dim3A_1066 = arith.constant 37 : i32
            %broadcast_in_dim3A_1067 = vector.broadcast %broadcast_in_dim3A_1066 : i32 to vector<16xi32>
            %gather3A_1068 = tpu.vector_load_idx %arg14[%sub3A_872, %broadcast_in_dim3A_1067, %and3A_878] masked %lt3A_867 : memref<6x64x128xf32, #tpu.memory_space<vmem>>[vector<16xi32>, vector<16xi32>, vector<16xi32>], vector<16xf32>, vector<16xi1>
            %broadcast_in_dim3A_1069 = arith.constant 38 : i32
            %broadcast_in_dim3A_1070 = vector.broadcast %broadcast_in_dim3A_1069 : i32 to vector<16xi32>
            %gather3A_1071 = tpu.vector_load_idx %arg14[%sub3A_872, %broadcast_in_dim3A_1070, %and3A_878] masked %lt3A_867 : memref<6x64x128xf32, #tpu.memory_space<vmem>>[vector<16xi32>, vector<16xi32>, vector<16xi32>], vector<16xf32>, vector<16xi1>
            %broadcast_in_dim3A_1072 = arith.constant 39 : i32
            %broadcast_in_dim3A_1073 = vector.broadcast %broadcast_in_dim3A_1072 : i32 to vector<16xi32>
            %gather3A_1074 = tpu.vector_load_idx %arg14[%sub3A_872, %broadcast_in_dim3A_1073, %and3A_878] masked %lt3A_867 : memref<6x64x128xf32, #tpu.memory_space<vmem>>[vector<16xi32>, vector<16xi32>, vector<16xi32>], vector<16xf32>, vector<16xi1>
            %broadcast_in_dim3A_1075 = arith.constant 32 : i32
            %broadcast_in_dim3A_1076 = vector.broadcast %broadcast_in_dim3A_1075 : i32 to vector<16xi32>
            tpu.vector_store_idx %arg15[%sub3A_890, %broadcast_in_dim3A_1076], %gather3A_1053 masked %lt3A_867 : memref<128x128xf32, #tpu.memory_space<vmem>>[vector<16xi32>, vector<16xi32>], vector<16xf32>, vector<16xi1>
            %broadcast_in_dim3A_1077 = arith.constant 33 : i32
            %broadcast_in_dim3A_1078 = vector.broadcast %broadcast_in_dim3A_1077 : i32 to vector<16xi32>
            tpu.vector_store_idx %arg15[%sub3A_890, %broadcast_in_dim3A_1078], %gather3A_1056 masked %lt3A_867 : memref<128x128xf32, #tpu.memory_space<vmem>>[vector<16xi32>, vector<16xi32>], vector<16xf32>, vector<16xi1>
            %broadcast_in_dim3A_1079 = arith.constant 34 : i32
            %broadcast_in_dim3A_1080 = vector.broadcast %broadcast_in_dim3A_1079 : i32 to vector<16xi32>
            tpu.vector_store_idx %arg15[%sub3A_890, %broadcast_in_dim3A_1080], %gather3A_1059 masked %lt3A_867 : memref<128x128xf32, #tpu.memory_space<vmem>>[vector<16xi32>, vector<16xi32>], vector<16xf32>, vector<16xi1>
            %broadcast_in_dim3A_1081 = arith.constant 35 : i32
            %broadcast_in_dim3A_1082 = vector.broadcast %broadcast_in_dim3A_1081 : i32 to vector<16xi32>
            tpu.vector_store_idx %arg15[%sub3A_890, %broadcast_in_dim3A_1082], %gather3A_1062 masked %lt3A_867 : memref<128x128xf32, #tpu.memory_space<vmem>>[vector<16xi32>, vector<16xi32>], vector<16xf32>, vector<16xi1>
            %broadcast_in_dim3A_1083 = arith.constant 36 : i32
            %broadcast_in_dim3A_1084 = vector.broadcast %broadcast_in_dim3A_1083 : i32 to vector<16xi32>
            tpu.vector_store_idx %arg15[%sub3A_890, %broadcast_in_dim3A_1084], %gather3A_1065 masked %lt3A_867 : memref<128x128xf32, #tpu.memory_space<vmem>>[vector<16xi32>, vector<16xi32>], vector<16xf32>, vector<16xi1>
            %broadcast_in_dim3A_1085 = arith.constant 37 : i32
            %broadcast_in_dim3A_1086 = vector.broadcast %broadcast_in_dim3A_1085 : i32 to vector<16xi32>
            tpu.vector_store_idx %arg15[%sub3A_890, %broadcast_in_dim3A_1086], %gather3A_1068 masked %lt3A_867 : memref<128x128xf32, #tpu.memory_space<vmem>>[vector<16xi32>, vector<16xi32>], vector<16xf32>, vector<16xi1>
            %broadcast_in_dim3A_1087 = arith.constant 38 : i32
            %broadcast_in_dim3A_1088 = vector.broadcast %broadcast_in_dim3A_1087 : i32 to vector<16xi32>
            tpu.vector_store_idx %arg15[%sub3A_890, %broadcast_in_dim3A_1088], %gather3A_1071 masked %lt3A_867 : memref<128x128xf32, #tpu.memory_space<vmem>>[vector<16xi32>, vector<16xi32>], vector<16xf32>, vector<16xi1>
            %broadcast_in_dim3A_1089 = arith.constant 39 : i32
            %broadcast_in_dim3A_1090 = vector.broadcast %broadcast_in_dim3A_1089 : i32 to vector<16xi32>
            tpu.vector_store_idx %arg15[%sub3A_890, %broadcast_in_dim3A_1090], %gather3A_1074 masked %lt3A_867 : memref<128x128xf32, #tpu.memory_space<vmem>>[vector<16xi32>, vector<16xi32>], vector<16xf32>, vector<16xi1>
            %broadcast_in_dim3A_1091 = arith.constant 40 : i32
            %broadcast_in_dim3A_1092 = vector.broadcast %broadcast_in_dim3A_1091 : i32 to vector<16xi32>
            %gather3A_1093 = tpu.vector_load_idx %arg14[%sub3A_872, %broadcast_in_dim3A_1092, %and3A_878] masked %lt3A_867 : memref<6x64x128xf32, #tpu.memory_space<vmem>>[vector<16xi32>, vector<16xi32>, vector<16xi32>], vector<16xf32>, vector<16xi1>
            %broadcast_in_dim3A_1094 = arith.constant 41 : i32
            %broadcast_in_dim3A_1095 = vector.broadcast %broadcast_in_dim3A_1094 : i32 to vector<16xi32>
            %gather3A_1096 = tpu.vector_load_idx %arg14[%sub3A_872, %broadcast_in_dim3A_1095, %and3A_878] masked %lt3A_867 : memref<6x64x128xf32, #tpu.memory_space<vmem>>[vector<16xi32>, vector<16xi32>, vector<16xi32>], vector<16xf32>, vector<16xi1>
            %broadcast_in_dim3A_1097 = arith.constant 42 : i32
            %broadcast_in_dim3A_1098 = vector.broadcast %broadcast_in_dim3A_1097 : i32 to vector<16xi32>
            %gather3A_1099 = tpu.vector_load_idx %arg14[%sub3A_872, %broadcast_in_dim3A_1098, %and3A_878] masked %lt3A_867 : memref<6x64x128xf32, #tpu.memory_space<vmem>>[vector<16xi32>, vector<16xi32>, vector<16xi32>], vector<16xf32>, vector<16xi1>
            %broadcast_in_dim3A_1100 = arith.constant 43 : i32
            %broadcast_in_dim3A_1101 = vector.broadcast %broadcast_in_dim3A_1100 : i32 to vector<16xi32>
            %gather3A_1102 = tpu.vector_load_idx %arg14[%sub3A_872, %broadcast_in_dim3A_1101, %and3A_878] masked %lt3A_867 : memref<6x64x128xf32, #tpu.memory_space<vmem>>[vector<16xi32>, vector<16xi32>, vector<16xi32>], vector<16xf32>, vector<16xi1>
            %broadcast_in_dim3A_1103 = arith.constant 44 : i32
            %broadcast_in_dim3A_1104 = vector.broadcast %broadcast_in_dim3A_1103 : i32 to vector<16xi32>
            %gather3A_1105 = tpu.vector_load_idx %arg14[%sub3A_872, %broadcast_in_dim3A_1104, %and3A_878] masked %lt3A_867 : memref<6x64x128xf32, #tpu.memory_space<vmem>>[vector<16xi32>, vector<16xi32>, vector<16xi32>], vector<16xf32>, vector<16xi1>
            %broadcast_in_dim3A_1106 = arith.constant 45 : i32
            %broadcast_in_dim3A_1107 = vector.broadcast %broadcast_in_dim3A_1106 : i32 to vector<16xi32>
            %gather3A_1108 = tpu.vector_load_idx %arg14[%sub3A_872, %broadcast_in_dim3A_1107, %and3A_878] masked %lt3A_867 : memref<6x64x128xf32, #tpu.memory_space<vmem>>[vector<16xi32>, vector<16xi32>, vector<16xi32>], vector<16xf32>, vector<16xi1>
            %broadcast_in_dim3A_1109 = arith.constant 46 : i32
            %broadcast_in_dim3A_1110 = vector.broadcast %broadcast_in_dim3A_1109 : i32 to vector<16xi32>
            %gather3A_1111 = tpu.vector_load_idx %arg14[%sub3A_872, %broadcast_in_dim3A_1110, %and3A_878] masked %lt3A_867 : memref<6x64x128xf32, #tpu.memory_space<vmem>>[vector<16xi32>, vector<16xi32>, vector<16xi32>], vector<16xf32>, vector<16xi1>
            %broadcast_in_dim3A_1112 = arith.constant 47 : i32
            %broadcast_in_dim3A_1113 = vector.broadcast %broadcast_in_dim3A_1112 : i32 to vector<16xi32>
            %gather3A_1114 = tpu.vector_load_idx %arg14[%sub3A_872, %broadcast_in_dim3A_1113, %and3A_878] masked %lt3A_867 : memref<6x64x128xf32, #tpu.memory_space<vmem>>[vector<16xi32>, vector<16xi32>, vector<16xi32>], vector<16xf32>, vector<16xi1>
            %broadcast_in_dim3A_1115 = arith.constant 40 : i32
            %broadcast_in_dim3A_1116 = vector.broadcast %broadcast_in_dim3A_1115 : i32 to vector<16xi32>
            tpu.vector_store_idx %arg15[%sub3A_890, %broadcast_in_dim3A_1116], %gather3A_1093 masked %lt3A_867 : memref<128x128xf32, #tpu.memory_space<vmem>>[vector<16xi32>, vector<16xi32>], vector<16xf32>, vector<16xi1>
            %broadcast_in_dim3A_1117 = arith.constant 41 : i32
            %broadcast_in_dim3A_1118 = vector.broadcast %broadcast_in_dim3A_1117 : i32 to vector<16xi32>
            tpu.vector_store_idx %arg15[%sub3A_890, %broadcast_in_dim3A_1118], %gather3A_1096 masked %lt3A_867 : memref<128x128xf32, #tpu.memory_space<vmem>>[vector<16xi32>, vector<16xi32>], vector<16xf32>, vector<16xi1>
            %broadcast_in_dim3A_1119 = arith.constant 42 : i32
            %broadcast_in_dim3A_1120 = vector.broadcast %broadcast_in_dim3A_1119 : i32 to vector<16xi32>
            tpu.vector_store_idx %arg15[%sub3A_890, %broadcast_in_dim3A_1120], %gather3A_1099 masked %lt3A_867 : memref<128x128xf32, #tpu.memory_space<vmem>>[vector<16xi32>, vector<16xi32>], vector<16xf32>, vector<16xi1>
            %broadcast_in_dim3A_1121 = arith.constant 43 : i32
            %broadcast_in_dim3A_1122 = vector.broadcast %broadcast_in_dim3A_1121 : i32 to vector<16xi32>
            tpu.vector_store_idx %arg15[%sub3A_890, %broadcast_in_dim3A_1122], %gather3A_1102 masked %lt3A_867 : memref<128x128xf32, #tpu.memory_space<vmem>>[vector<16xi32>, vector<16xi32>], vector<16xf32>, vector<16xi1>
            %broadcast_in_dim3A_1123 = arith.constant 44 : i32
            %broadcast_in_dim3A_1124 = vector.broadcast %broadcast_in_dim3A_1123 : i32 to vector<16xi32>
            tpu.vector_store_idx %arg15[%sub3A_890, %broadcast_in_dim3A_1124], %gather3A_1105 masked %lt3A_867 : memref<128x128xf32, #tpu.memory_space<vmem>>[vector<16xi32>, vector<16xi32>], vector<16xf32>, vector<16xi1>
            %broadcast_in_dim3A_1125 = arith.constant 45 : i32
            %broadcast_in_dim3A_1126 = vector.broadcast %broadcast_in_dim3A_1125 : i32 to vector<16xi32>
            tpu.vector_store_idx %arg15[%sub3A_890, %broadcast_in_dim3A_1126], %gather3A_1108 masked %lt3A_867 : memref<128x128xf32, #tpu.memory_space<vmem>>[vector<16xi32>, vector<16xi32>], vector<16xf32>, vector<16xi1>
            %broadcast_in_dim3A_1127 = arith.constant 46 : i32
            %broadcast_in_dim3A_1128 = vector.broadcast %broadcast_in_dim3A_1127 : i32 to vector<16xi32>
            tpu.vector_store_idx %arg15[%sub3A_890, %broadcast_in_dim3A_1128], %gather3A_1111 masked %lt3A_867 : memref<128x128xf32, #tpu.memory_space<vmem>>[vector<16xi32>, vector<16xi32>], vector<16xf32>, vector<16xi1>
            %broadcast_in_dim3A_1129 = arith.constant 47 : i32
            %broadcast_in_dim3A_1130 = vector.broadcast %broadcast_in_dim3A_1129 : i32 to vector<16xi32>
            tpu.vector_store_idx %arg15[%sub3A_890, %broadcast_in_dim3A_1130], %gather3A_1114 masked %lt3A_867 : memref<128x128xf32, #tpu.memory_space<vmem>>[vector<16xi32>, vector<16xi32>], vector<16xf32>, vector<16xi1>
            %broadcast_in_dim3A_1131 = arith.constant 48 : i32
            %broadcast_in_dim3A_1132 = vector.broadcast %broadcast_in_dim3A_1131 : i32 to vector<16xi32>
            %gather3A_1133 = tpu.vector_load_idx %arg14[%sub3A_872, %broadcast_in_dim3A_1132, %and3A_878] masked %lt3A_867 : memref<6x64x128xf32, #tpu.memory_space<vmem>>[vector<16xi32>, vector<16xi32>, vector<16xi32>], vector<16xf32>, vector<16xi1>
            %broadcast_in_dim3A_1134 = arith.constant 49 : i32
            %broadcast_in_dim3A_1135 = vector.broadcast %broadcast_in_dim3A_1134 : i32 to vector<16xi32>
            %gather3A_1136 = tpu.vector_load_idx %arg14[%sub3A_872, %broadcast_in_dim3A_1135, %and3A_878] masked %lt3A_867 : memref<6x64x128xf32, #tpu.memory_space<vmem>>[vector<16xi32>, vector<16xi32>, vector<16xi32>], vector<16xf32>, vector<16xi1>
            %broadcast_in_dim3A_1137 = arith.constant 50 : i32
            %broadcast_in_dim3A_1138 = vector.broadcast %broadcast_in_dim3A_1137 : i32 to vector<16xi32>
            %gather3A_1139 = tpu.vector_load_idx %arg14[%sub3A_872, %broadcast_in_dim3A_1138, %and3A_878] masked %lt3A_867 : memref<6x64x128xf32, #tpu.memory_space<vmem>>[vector<16xi32>, vector<16xi32>, vector<16xi32>], vector<16xf32>, vector<16xi1>
            %broadcast_in_dim3A_1140 = arith.constant 51 : i32
            %broadcast_in_dim3A_1141 = vector.broadcast %broadcast_in_dim3A_1140 : i32 to vector<16xi32>
            %gather3A_1142 = tpu.vector_load_idx %arg14[%sub3A_872, %broadcast_in_dim3A_1141, %and3A_878] masked %lt3A_867 : memref<6x64x128xf32, #tpu.memory_space<vmem>>[vector<16xi32>, vector<16xi32>, vector<16xi32>], vector<16xf32>, vector<16xi1>
            %broadcast_in_dim3A_1143 = arith.constant 52 : i32
            %broadcast_in_dim3A_1144 = vector.broadcast %broadcast_in_dim3A_1143 : i32 to vector<16xi32>
            %gather3A_1145 = tpu.vector_load_idx %arg14[%sub3A_872, %broadcast_in_dim3A_1144, %and3A_878] masked %lt3A_867 : memref<6x64x128xf32, #tpu.memory_space<vmem>>[vector<16xi32>, vector<16xi32>, vector<16xi32>], vector<16xf32>, vector<16xi1>
            %broadcast_in_dim3A_1146 = arith.constant 53 : i32
            %broadcast_in_dim3A_1147 = vector.broadcast %broadcast_in_dim3A_1146 : i32 to vector<16xi32>
            %gather3A_1148 = tpu.vector_load_idx %arg14[%sub3A_872, %broadcast_in_dim3A_1147, %and3A_878] masked %lt3A_867 : memref<6x64x128xf32, #tpu.memory_space<vmem>>[vector<16xi32>, vector<16xi32>, vector<16xi32>], vector<16xf32>, vector<16xi1>
            %broadcast_in_dim3A_1149 = arith.constant 54 : i32
            %broadcast_in_dim3A_1150 = vector.broadcast %broadcast_in_dim3A_1149 : i32 to vector<16xi32>
            %gather3A_1151 = tpu.vector_load_idx %arg14[%sub3A_872, %broadcast_in_dim3A_1150, %and3A_878] masked %lt3A_867 : memref<6x64x128xf32, #tpu.memory_space<vmem>>[vector<16xi32>, vector<16xi32>, vector<16xi32>], vector<16xf32>, vector<16xi1>
            %broadcast_in_dim3A_1152 = arith.constant 55 : i32
            %broadcast_in_dim3A_1153 = vector.broadcast %broadcast_in_dim3A_1152 : i32 to vector<16xi32>
            %gather3A_1154 = tpu.vector_load_idx %arg14[%sub3A_872, %broadcast_in_dim3A_1153, %and3A_878] masked %lt3A_867 : memref<6x64x128xf32, #tpu.memory_space<vmem>>[vector<16xi32>, vector<16xi32>, vector<16xi32>], vector<16xf32>, vector<16xi1>
            %broadcast_in_dim3A_1155 = arith.constant 48 : i32
            %broadcast_in_dim3A_1156 = vector.broadcast %broadcast_in_dim3A_1155 : i32 to vector<16xi32>
            tpu.vector_store_idx %arg15[%sub3A_890, %broadcast_in_dim3A_1156], %gather3A_1133 masked %lt3A_867 : memref<128x128xf32, #tpu.memory_space<vmem>>[vector<16xi32>, vector<16xi32>], vector<16xf32>, vector<16xi1>
            %broadcast_in_dim3A_1157 = arith.constant 49 : i32
            %broadcast_in_dim3A_1158 = vector.broadcast %broadcast_in_dim3A_1157 : i32 to vector<16xi32>
            tpu.vector_store_idx %arg15[%sub3A_890, %broadcast_in_dim3A_1158], %gather3A_1136 masked %lt3A_867 : memref<128x128xf32, #tpu.memory_space<vmem>>[vector<16xi32>, vector<16xi32>], vector<16xf32>, vector<16xi1>
            %broadcast_in_dim3A_1159 = arith.constant 50 : i32
            %broadcast_in_dim3A_1160 = vector.broadcast %broadcast_in_dim3A_1159 : i32 to vector<16xi32>
            tpu.vector_store_idx %arg15[%sub3A_890, %broadcast_in_dim3A_1160], %gather3A_1139 masked %lt3A_867 : memref<128x128xf32, #tpu.memory_space<vmem>>[vector<16xi32>, vector<16xi32>], vector<16xf32>, vector<16xi1>
            %broadcast_in_dim3A_1161 = arith.constant 51 : i32
            %broadcast_in_dim3A_1162 = vector.broadcast %broadcast_in_dim3A_1161 : i32 to vector<16xi32>
            tpu.vector_store_idx %arg15[%sub3A_890, %broadcast_in_dim3A_1162], %gather3A_1142 masked %lt3A_867 : memref<128x128xf32, #tpu.memory_space<vmem>>[vector<16xi32>, vector<16xi32>], vector<16xf32>, vector<16xi1>
            %broadcast_in_dim3A_1163 = arith.constant 52 : i32
            %broadcast_in_dim3A_1164 = vector.broadcast %broadcast_in_dim3A_1163 : i32 to vector<16xi32>
            tpu.vector_store_idx %arg15[%sub3A_890, %broadcast_in_dim3A_1164], %gather3A_1145 masked %lt3A_867 : memref<128x128xf32, #tpu.memory_space<vmem>>[vector<16xi32>, vector<16xi32>], vector<16xf32>, vector<16xi1>
            %broadcast_in_dim3A_1165 = arith.constant 53 : i32
            %broadcast_in_dim3A_1166 = vector.broadcast %broadcast_in_dim3A_1165 : i32 to vector<16xi32>
            tpu.vector_store_idx %arg15[%sub3A_890, %broadcast_in_dim3A_1166], %gather3A_1148 masked %lt3A_867 : memref<128x128xf32, #tpu.memory_space<vmem>>[vector<16xi32>, vector<16xi32>], vector<16xf32>, vector<16xi1>
            %broadcast_in_dim3A_1167 = arith.constant 54 : i32
            %broadcast_in_dim3A_1168 = vector.broadcast %broadcast_in_dim3A_1167 : i32 to vector<16xi32>
            tpu.vector_store_idx %arg15[%sub3A_890, %broadcast_in_dim3A_1168], %gather3A_1151 masked %lt3A_867 : memref<128x128xf32, #tpu.memory_space<vmem>>[vector<16xi32>, vector<16xi32>], vector<16xf32>, vector<16xi1>
            %broadcast_in_dim3A_1169 = arith.constant 55 : i32
            %broadcast_in_dim3A_1170 = vector.broadcast %broadcast_in_dim3A_1169 : i32 to vector<16xi32>
            tpu.vector_store_idx %arg15[%sub3A_890, %broadcast_in_dim3A_1170], %gather3A_1154 masked %lt3A_867 : memref<128x128xf32, #tpu.memory_space<vmem>>[vector<16xi32>, vector<16xi32>], vector<16xf32>, vector<16xi1>
            %broadcast_in_dim3A_1171 = arith.constant 56 : i32
            %broadcast_in_dim3A_1172 = vector.broadcast %broadcast_in_dim3A_1171 : i32 to vector<16xi32>
            %gather3A_1173 = tpu.vector_load_idx %arg14[%sub3A_872, %broadcast_in_dim3A_1172, %and3A_878] masked %lt3A_867 : memref<6x64x128xf32, #tpu.memory_space<vmem>>[vector<16xi32>, vector<16xi32>, vector<16xi32>], vector<16xf32>, vector<16xi1>
            %broadcast_in_dim3A_1174 = arith.constant 57 : i32
            %broadcast_in_dim3A_1175 = vector.broadcast %broadcast_in_dim3A_1174 : i32 to vector<16xi32>
            %gather3A_1176 = tpu.vector_load_idx %arg14[%sub3A_872, %broadcast_in_dim3A_1175, %and3A_878] masked %lt3A_867 : memref<6x64x128xf32, #tpu.memory_space<vmem>>[vector<16xi32>, vector<16xi32>, vector<16xi32>], vector<16xf32>, vector<16xi1>
            %broadcast_in_dim3A_1177 = arith.constant 58 : i32
            %broadcast_in_dim3A_1178 = vector.broadcast %broadcast_in_dim3A_1177 : i32 to vector<16xi32>
            %gather3A_1179 = tpu.vector_load_idx %arg14[%sub3A_872, %broadcast_in_dim3A_1178, %and3A_878] masked %lt3A_867 : memref<6x64x128xf32, #tpu.memory_space<vmem>>[vector<16xi32>, vector<16xi32>, vector<16xi32>], vector<16xf32>, vector<16xi1>
            %broadcast_in_dim3A_1180 = arith.constant 59 : i32
            %broadcast_in_dim3A_1181 = vector.broadcast %broadcast_in_dim3A_1180 : i32 to vector<16xi32>
            %gather3A_1182 = tpu.vector_load_idx %arg14[%sub3A_872, %broadcast_in_dim3A_1181, %and3A_878] masked %lt3A_867 : memref<6x64x128xf32, #tpu.memory_space<vmem>>[vector<16xi32>, vector<16xi32>, vector<16xi32>], vector<16xf32>, vector<16xi1>
            %broadcast_in_dim3A_1183 = arith.constant 60 : i32
            %broadcast_in_dim3A_1184 = vector.broadcast %broadcast_in_dim3A_1183 : i32 to vector<16xi32>
            %gather3A_1185 = tpu.vector_load_idx %arg14[%sub3A_872, %broadcast_in_dim3A_1184, %and3A_878] masked %lt3A_867 : memref<6x64x128xf32, #tpu.memory_space<vmem>>[vector<16xi32>, vector<16xi32>, vector<16xi32>], vector<16xf32>, vector<16xi1>
            %broadcast_in_dim3A_1186 = arith.constant 61 : i32
            %broadcast_in_dim3A_1187 = vector.broadcast %broadcast_in_dim3A_1186 : i32 to vector<16xi32>
            %gather3A_1188 = tpu.vector_load_idx %arg14[%sub3A_872, %broadcast_in_dim3A_1187, %and3A_878] masked %lt3A_867 : memref<6x64x128xf32, #tpu.memory_space<vmem>>[vector<16xi32>, vector<16xi32>, vector<16xi32>], vector<16xf32>, vector<16xi1>
            %broadcast_in_dim3A_1189 = arith.constant 62 : i32
            %broadcast_in_dim3A_1190 = vector.broadcast %broadcast_in_dim3A_1189 : i32 to vector<16xi32>
            %gather3A_1191 = tpu.vector_load_idx %arg14[%sub3A_872, %broadcast_in_dim3A_1190, %and3A_878] masked %lt3A_867 : memref<6x64x128xf32, #tpu.memory_space<vmem>>[vector<16xi32>, vector<16xi32>, vector<16xi32>], vector<16xf32>, vector<16xi1>
            %broadcast_in_dim3A_1192 = arith.constant 63 : i32
            %broadcast_in_dim3A_1193 = vector.broadcast %broadcast_in_dim3A_1192 : i32 to vector<16xi32>
            %gather3A_1194 = tpu.vector_load_idx %arg14[%sub3A_872, %broadcast_in_dim3A_1193, %and3A_878] masked %lt3A_867 : memref<6x64x128xf32, #tpu.memory_space<vmem>>[vector<16xi32>, vector<16xi32>, vector<16xi32>], vector<16xf32>, vector<16xi1>
            %broadcast_in_dim3A_1195 = arith.constant 56 : i32
            %broadcast_in_dim3A_1196 = vector.broadcast %broadcast_in_dim3A_1195 : i32 to vector<16xi32>
            tpu.vector_store_idx %arg15[%sub3A_890, %broadcast_in_dim3A_1196], %gather3A_1173 masked %lt3A_867 : memref<128x128xf32, #tpu.memory_space<vmem>>[vector<16xi32>, vector<16xi32>], vector<16xf32>, vector<16xi1>
            %broadcast_in_dim3A_1197 = arith.constant 57 : i32
            %broadcast_in_dim3A_1198 = vector.broadcast %broadcast_in_dim3A_1197 : i32 to vector<16xi32>
            tpu.vector_store_idx %arg15[%sub3A_890, %broadcast_in_dim3A_1198], %gather3A_1176 masked %lt3A_867 : memref<128x128xf32, #tpu.memory_space<vmem>>[vector<16xi32>, vector<16xi32>], vector<16xf32>, vector<16xi1>
            %broadcast_in_dim3A_1199 = arith.constant 58 : i32
            %broadcast_in_dim3A_1200 = vector.broadcast %broadcast_in_dim3A_1199 : i32 to vector<16xi32>
            tpu.vector_store_idx %arg15[%sub3A_890, %broadcast_in_dim3A_1200], %gather3A_1179 masked %lt3A_867 : memref<128x128xf32, #tpu.memory_space<vmem>>[vector<16xi32>, vector<16xi32>], vector<16xf32>, vector<16xi1>
            %broadcast_in_dim3A_1201 = arith.constant 59 : i32
            %broadcast_in_dim3A_1202 = vector.broadcast %broadcast_in_dim3A_1201 : i32 to vector<16xi32>
            tpu.vector_store_idx %arg15[%sub3A_890, %broadcast_in_dim3A_1202], %gather3A_1182 masked %lt3A_867 : memref<128x128xf32, #tpu.memory_space<vmem>>[vector<16xi32>, vector<16xi32>], vector<16xf32>, vector<16xi1>
            %broadcast_in_dim3A_1203 = arith.constant 60 : i32
            %broadcast_in_dim3A_1204 = vector.broadcast %broadcast_in_dim3A_1203 : i32 to vector<16xi32>
            tpu.vector_store_idx %arg15[%sub3A_890, %broadcast_in_dim3A_1204], %gather3A_1185 masked %lt3A_867 : memref<128x128xf32, #tpu.memory_space<vmem>>[vector<16xi32>, vector<16xi32>], vector<16xf32>, vector<16xi1>
            %broadcast_in_dim3A_1205 = arith.constant 61 : i32
            %broadcast_in_dim3A_1206 = vector.broadcast %broadcast_in_dim3A_1205 : i32 to vector<16xi32>
            tpu.vector_store_idx %arg15[%sub3A_890, %broadcast_in_dim3A_1206], %gather3A_1188 masked %lt3A_867 : memref<128x128xf32, #tpu.memory_space<vmem>>[vector<16xi32>, vector<16xi32>], vector<16xf32>, vector<16xi1>
            %broadcast_in_dim3A_1207 = arith.constant 62 : i32
            %broadcast_in_dim3A_1208 = vector.broadcast %broadcast_in_dim3A_1207 : i32 to vector<16xi32>
            tpu.vector_store_idx %arg15[%sub3A_890, %broadcast_in_dim3A_1208], %gather3A_1191 masked %lt3A_867 : memref<128x128xf32, #tpu.memory_space<vmem>>[vector<16xi32>, vector<16xi32>], vector<16xf32>, vector<16xi1>
            %broadcast_in_dim3A_1209 = arith.constant 63 : i32
            %broadcast_in_dim3A_1210 = vector.broadcast %broadcast_in_dim3A_1209 : i32 to vector<16xi32>
            tpu.vector_store_idx %arg15[%sub3A_890, %broadcast_in_dim3A_1210], %gather3A_1194 masked %lt3A_867 : memref<128x128xf32, #tpu.memory_space<vmem>>[vector<16xi32>, vector<16xi32>], vector<16xf32>, vector<16xi1>
            %broadcast_in_dim3A_1211 = arith.constant 0 : i32
            %broadcast_in_dim3A_1212 = vector.broadcast %broadcast_in_dim3A_1211 : i32 to vector<16xi32>
            tpu.vector_store_idx %arg16[%broadcast_in_dim3A_1212, %sub3A_890], %and3A_881 masked %lt3A_867 : memref<1x128xi32, #tpu.memory_space<vmem>>[vector<16xi32>, vector<16xi32>], vector<16xi32>, vector<16xi1>
            %convert_element_type3A_1213 = arith.extui %lt3A_867 : vector<16xi1> to vector<16xi32>
            %reduce_sum3A_1214 = arith.constant true
            %reduce_sum3A_1215 = vector.broadcast %reduce_sum3A_1214 : i1 to vector<16xi1>
            %reduce_sum3A_1216 = tpu.scan <sum>, %convert_element_type3A_1213 masked %reduce_sum3A_1215 : vector<16xi32>, vector<16xi1> -> vector<16xi32>
            %reduce_sum3A_1217 = vector.extract %reduce_sum3A_1216[15] : i32 from vector<16xi32>
            %add3A_1218 = arith.addi %while3A_859, %reduce_sum3A_1217 : i32
            %ge3A = arith.constant 112 : i32
            %ge3A_1219 = arith.cmpi sge, %add3A_1218, %ge3A : i32
            %convert_element_type3A_1220 = arith.extui %ge3A_1219 : i1 to i32
            %cond3A_1221 = arith.constant 0 : i32
            %cond3A_1222 = arith.cmpi ne, %convert_element_type3A_1220, %cond3A_1221 : i32
            %cond3A_1223 = scf.if %cond3A_1222 -> (i32) {
              %dma_start3A = arith.constant 0 : i32
              %dma_start3A_1224 = arith.constant 0 : i32
              %dma_start3A_1225 = tpu.memref_slice %arg16[%dma_start3A, %dma_start3A_1224] : memref<1x128xi32, #tpu.memory_space<vmem>> -> memref<1x128xi32, #tpu.memory_space<vmem>>
              %dma_start3A_1226 = tpu.memref_squeeze %dma_start3A_1225 : memref<1x128xi32, #tpu.memory_space<vmem>> -> memref<128xi32, #tpu.memory_space<vmem>>
              %dma_start3A_1227 = arith.constant 0 : i32
              %dma_start3A_1228 = arith.constant 0 : i32
              %dma_start3A_1229 = tpu.memref_slice %arg3[%dma_start3A_1227, %dma_start3A_1228] : memref<16448x128xf32, #tpu.memory_space<hbm>> -> memref<16448x128xf32, #tpu.memory_space<hbm>>
              tpu.enqueue_indirect_dma source(%dma_start3A_1229 : memref<16448x128xf32, #tpu.memory_space<hbm>>) target(%arg17 : memref<128x128xf32, #tpu.memory_space<vmem>>) offsets(%dma_start3A_1226 : memref<128xi32, #tpu.memory_space<vmem>>) semaphore(%arg26 : memref<!tpu.dma_semaphore, #tpu.memory_space<semaphore_mem>>)
              %dma_wait3A = arith.constant 0 : i32
              %dma_wait3A_1230 = arith.constant 0 : i32
              %dma_wait3A_1231 = tpu.memref_slice %arg16[%dma_wait3A, %dma_wait3A_1230] : memref<1x128xi32, #tpu.memory_space<vmem>> -> memref<1x128xi32, #tpu.memory_space<vmem>>
              %dma_wait3A_1232 = tpu.memref_squeeze %dma_wait3A_1231 : memref<1x128xi32, #tpu.memory_space<vmem>> -> memref<128xi32, #tpu.memory_space<vmem>>
              %dma_wait3A_1233 = arith.constant 0 : i32
              %dma_wait3A_1234 = arith.constant 0 : i32
              %dma_wait3A_1235 = tpu.memref_slice %arg3[%dma_wait3A_1233, %dma_wait3A_1234] : memref<16448x128xf32, #tpu.memory_space<hbm>> -> memref<16448x128xf32, #tpu.memory_space<hbm>>
              tpu.wait_indirect_dma semaphore(%arg26 : memref<!tpu.dma_semaphore, #tpu.memory_space<semaphore_mem>>) src(%dma_wait3A_1235 : memref<16448x128xf32, #tpu.memory_space<hbm>>) dst(%arg17 : memref<128x128xf32, #tpu.memory_space<vmem>>)
              %broadcast_in_dim3A_1236 = arith.constant 1 : i32
              %broadcast_in_dim3A_1237 = vector.broadcast %broadcast_in_dim3A_1236 : i32 to vector<16xi32>
              %gather3A_1238 = tpu.vector_load_idx %arg19[%broadcast_in_dim3A_1237] : memref<16xf32, #tpu.memory_space<vmem>>[vector<16xi32>], vector<16xf32>,
              %broadcast_in_dim3A_1239 = arith.constant 5 : i32
              %broadcast_in_dim3A_1240 = vector.broadcast %broadcast_in_dim3A_1239 : i32 to vector<16xi32>
              %gather3A_1241 = tpu.vector_load_idx %arg19[%broadcast_in_dim3A_1240] : memref<16xf32, #tpu.memory_space<vmem>>[vector<16xi32>], vector<16xf32>,
              %broadcast_in_dim3A_1242 = arith.constant 64 : i32
              %broadcast_in_dim3A_1243 = vector.broadcast %broadcast_in_dim3A_1242 : i32 to vector<16xi32>
              %broadcast_in_dim3A_1244 = arith.constant 0 : i32
              %broadcast_in_dim3A_1245 = vector.broadcast %broadcast_in_dim3A_1244 : i32 to vector<16xi32>
              %iota3A_1246 = tpu.iota {dimensions = array<i32: 0>} : vector<16xi32>
              %add3A_1247 = arith.constant 0 : i32
              %add3A_1248 = vector.broadcast %add3A_1247 : i32 to vector<16xi32>
              %add3A_1249 = arith.addi %iota3A_1246, %add3A_1248 : vector<16xi32>
              %gather3A_1250 = tpu.vector_load_idx %arg17[%add3A_1249, %broadcast_in_dim3A_1245] : memref<128x128xf32, #tpu.memory_space<vmem>>[vector<16xi32>, vector<16xi32>], vector<16xf32>,
              %sub3A_1251 = arith.subf %gather3A_1250, %gather3A_1238 : vector<16xf32>
              %mul3A_1252 = arith.mulf %sub3A_1251, %gather3A_1241 : vector<16xf32>
              tpu.vector_store_idx %arg15[%add3A_1249, %broadcast_in_dim3A_1243], %mul3A_1252 : memref<128x128xf32, #tpu.memory_space<vmem>>[vector<16xi32>, vector<16xi32>], vector<16xf32>,
              %iota3A_1253 = tpu.iota {dimensions = array<i32: 0>} : vector<16xi32>
              %add3A_1254 = arith.constant 16 : i32
              %add3A_1255 = vector.broadcast %add3A_1254 : i32 to vector<16xi32>
              %add3A_1256 = arith.addi %iota3A_1253, %add3A_1255 : vector<16xi32>
              %gather3A_1257 = tpu.vector_load_idx %arg17[%add3A_1256, %broadcast_in_dim3A_1245] : memref<128x128xf32, #tpu.memory_space<vmem>>[vector<16xi32>, vector<16xi32>], vector<16xf32>,
              %sub3A_1258 = arith.subf %gather3A_1257, %gather3A_1238 : vector<16xf32>
              %mul3A_1259 = arith.mulf %sub3A_1258, %gather3A_1241 : vector<16xf32>
              tpu.vector_store_idx %arg15[%add3A_1256, %broadcast_in_dim3A_1243], %mul3A_1259 : memref<128x128xf32, #tpu.memory_space<vmem>>[vector<16xi32>, vector<16xi32>], vector<16xf32>,
              %iota3A_1260 = tpu.iota {dimensions = array<i32: 0>} : vector<16xi32>
              %add3A_1261 = arith.constant 32 : i32
              %add3A_1262 = vector.broadcast %add3A_1261 : i32 to vector<16xi32>
              %add3A_1263 = arith.addi %iota3A_1260, %add3A_1262 : vector<16xi32>
              %gather3A_1264 = tpu.vector_load_idx %arg17[%add3A_1263, %broadcast_in_dim3A_1245] : memref<128x128xf32, #tpu.memory_space<vmem>>[vector<16xi32>, vector<16xi32>], vector<16xf32>,
              %sub3A_1265 = arith.subf %gather3A_1264, %gather3A_1238 : vector<16xf32>
              %mul3A_1266 = arith.mulf %sub3A_1265, %gather3A_1241 : vector<16xf32>
              tpu.vector_store_idx %arg15[%add3A_1263, %broadcast_in_dim3A_1243], %mul3A_1266 : memref<128x128xf32, #tpu.memory_space<vmem>>[vector<16xi32>, vector<16xi32>], vector<16xf32>,
              %iota3A_1267 = tpu.iota {dimensions = array<i32: 0>} : vector<16xi32>
              %add3A_1268 = arith.constant 48 : i32
              %add3A_1269 = vector.broadcast %add3A_1268 : i32 to vector<16xi32>
              %add3A_1270 = arith.addi %iota3A_1267, %add3A_1269 : vector<16xi32>
              %gather3A_1271 = tpu.vector_load_idx %arg17[%add3A_1270, %broadcast_in_dim3A_1245] : memref<128x128xf32, #tpu.memory_space<vmem>>[vector<16xi32>, vector<16xi32>], vector<16xf32>,
              %sub3A_1272 = arith.subf %gather3A_1271, %gather3A_1238 : vector<16xf32>
              %mul3A_1273 = arith.mulf %sub3A_1272, %gather3A_1241 : vector<16xf32>
              tpu.vector_store_idx %arg15[%add3A_1270, %broadcast_in_dim3A_1243], %mul3A_1273 : memref<128x128xf32, #tpu.memory_space<vmem>>[vector<16xi32>, vector<16xi32>], vector<16xf32>,
              %iota3A_1274 = tpu.iota {dimensions = array<i32: 0>} : vector<16xi32>
              %add3A_1275 = arith.constant 64 : i32
              %add3A_1276 = vector.broadcast %add3A_1275 : i32 to vector<16xi32>
              %add3A_1277 = arith.addi %iota3A_1274, %add3A_1276 : vector<16xi32>
              %gather3A_1278 = tpu.vector_load_idx %arg17[%add3A_1277, %broadcast_in_dim3A_1245] : memref<128x128xf32, #tpu.memory_space<vmem>>[vector<16xi32>, vector<16xi32>], vector<16xf32>,
              %sub3A_1279 = arith.subf %gather3A_1278, %gather3A_1238 : vector<16xf32>
              %mul3A_1280 = arith.mulf %sub3A_1279, %gather3A_1241 : vector<16xf32>
              tpu.vector_store_idx %arg15[%add3A_1277, %broadcast_in_dim3A_1243], %mul3A_1280 : memref<128x128xf32, #tpu.memory_space<vmem>>[vector<16xi32>, vector<16xi32>], vector<16xf32>,
              %iota3A_1281 = tpu.iota {dimensions = array<i32: 0>} : vector<16xi32>
              %add3A_1282 = arith.constant 80 : i32
              %add3A_1283 = vector.broadcast %add3A_1282 : i32 to vector<16xi32>
              %add3A_1284 = arith.addi %iota3A_1281, %add3A_1283 : vector<16xi32>
              %gather3A_1285 = tpu.vector_load_idx %arg17[%add3A_1284, %broadcast_in_dim3A_1245] : memref<128x128xf32, #tpu.memory_space<vmem>>[vector<16xi32>, vector<16xi32>], vector<16xf32>,
              %sub3A_1286 = arith.subf %gather3A_1285, %gather3A_1238 : vector<16xf32>
              %mul3A_1287 = arith.mulf %sub3A_1286, %gather3A_1241 : vector<16xf32>
              tpu.vector_store_idx %arg15[%add3A_1284, %broadcast_in_dim3A_1243], %mul3A_1287 : memref<128x128xf32, #tpu.memory_space<vmem>>[vector<16xi32>, vector<16xi32>], vector<16xf32>,
              %iota3A_1288 = tpu.iota {dimensions = array<i32: 0>} : vector<16xi32>
              %add3A_1289 = arith.constant 96 : i32
              %add3A_1290 = vector.broadcast %add3A_1289 : i32 to vector<16xi32>
              %add3A_1291 = arith.addi %iota3A_1288, %add3A_1290 : vector<16xi32>
              %gather3A_1292 = tpu.vector_load_idx %arg17[%add3A_1291, %broadcast_in_dim3A_1245] : memref<128x128xf32, #tpu.memory_space<vmem>>[vector<16xi32>, vector<16xi32>], vector<16xf32>,
              %sub3A_1293 = arith.subf %gather3A_1292, %gather3A_1238 : vector<16xf32>
              %mul3A_1294 = arith.mulf %sub3A_1293, %gather3A_1241 : vector<16xf32>
              tpu.vector_store_idx %arg15[%add3A_1291, %broadcast_in_dim3A_1243], %mul3A_1294 : memref<128x128xf32, #tpu.memory_space<vmem>>[vector<16xi32>, vector<16xi32>], vector<16xf32>,
              %iota3A_1295 = tpu.iota {dimensions = array<i32: 0>} : vector<16xi32>
              %add3A_1296 = arith.constant 112 : i32
              %add3A_1297 = vector.broadcast %add3A_1296 : i32 to vector<16xi32>
              %add3A_1298 = arith.addi %iota3A_1295, %add3A_1297 : vector<16xi32>
              %gather3A_1299 = tpu.vector_load_idx %arg17[%add3A_1298, %broadcast_in_dim3A_1245] : memref<128x128xf32, #tpu.memory_space<vmem>>[vector<16xi32>, vector<16xi32>], vector<16xf32>,
              %sub3A_1300 = arith.subf %gather3A_1299, %gather3A_1238 : vector<16xf32>
              %mul3A_1301 = arith.mulf %sub3A_1300, %gather3A_1241 : vector<16xf32>
              tpu.vector_store_idx %arg15[%add3A_1298, %broadcast_in_dim3A_1243], %mul3A_1301 : memref<128x128xf32, #tpu.memory_space<vmem>>[vector<16xi32>, vector<16xi32>], vector<16xf32>,
              %broadcast_in_dim3A_1302 = arith.constant 2 : i32
              %broadcast_in_dim3A_1303 = vector.broadcast %broadcast_in_dim3A_1302 : i32 to vector<16xi32>
              %gather3A_1304 = tpu.vector_load_idx %arg19[%broadcast_in_dim3A_1303] : memref<16xf32, #tpu.memory_space<vmem>>[vector<16xi32>], vector<16xf32>,
              %broadcast_in_dim3A_1305 = arith.constant 6 : i32
              %broadcast_in_dim3A_1306 = vector.broadcast %broadcast_in_dim3A_1305 : i32 to vector<16xi32>
              %gather3A_1307 = tpu.vector_load_idx %arg19[%broadcast_in_dim3A_1306] : memref<16xf32, #tpu.memory_space<vmem>>[vector<16xi32>], vector<16xf32>,
              %broadcast_in_dim3A_1308 = arith.constant 65 : i32
              %broadcast_in_dim3A_1309 = vector.broadcast %broadcast_in_dim3A_1308 : i32 to vector<16xi32>
              %broadcast_in_dim3A_1310 = arith.constant 1 : i32
              %broadcast_in_dim3A_1311 = vector.broadcast %broadcast_in_dim3A_1310 : i32 to vector<16xi32>
              %iota3A_1312 = tpu.iota {dimensions = array<i32: 0>} : vector<16xi32>
              %add3A_1313 = arith.constant 0 : i32
              %add3A_1314 = vector.broadcast %add3A_1313 : i32 to vector<16xi32>
              %add3A_1315 = arith.addi %iota3A_1312, %add3A_1314 : vector<16xi32>
              %gather3A_1316 = tpu.vector_load_idx %arg17[%add3A_1315, %broadcast_in_dim3A_1311] : memref<128x128xf32, #tpu.memory_space<vmem>>[vector<16xi32>, vector<16xi32>], vector<16xf32>,
              %sub3A_1317 = arith.subf %gather3A_1316, %gather3A_1304 : vector<16xf32>
              %mul3A_1318 = arith.mulf %sub3A_1317, %gather3A_1307 : vector<16xf32>
              tpu.vector_store_idx %arg15[%add3A_1315, %broadcast_in_dim3A_1309], %mul3A_1318 : memref<128x128xf32, #tpu.memory_space<vmem>>[vector<16xi32>, vector<16xi32>], vector<16xf32>,
              %iota3A_1319 = tpu.iota {dimensions = array<i32: 0>} : vector<16xi32>
              %add3A_1320 = arith.constant 16 : i32
              %add3A_1321 = vector.broadcast %add3A_1320 : i32 to vector<16xi32>
              %add3A_1322 = arith.addi %iota3A_1319, %add3A_1321 : vector<16xi32>
              %gather3A_1323 = tpu.vector_load_idx %arg17[%add3A_1322, %broadcast_in_dim3A_1311] : memref<128x128xf32, #tpu.memory_space<vmem>>[vector<16xi32>, vector<16xi32>], vector<16xf32>,
              %sub3A_1324 = arith.subf %gather3A_1323, %gather3A_1304 : vector<16xf32>
              %mul3A_1325 = arith.mulf %sub3A_1324, %gather3A_1307 : vector<16xf32>
              tpu.vector_store_idx %arg15[%add3A_1322, %broadcast_in_dim3A_1309], %mul3A_1325 : memref<128x128xf32, #tpu.memory_space<vmem>>[vector<16xi32>, vector<16xi32>], vector<16xf32>,
              %iota3A_1326 = tpu.iota {dimensions = array<i32: 0>} : vector<16xi32>
              %add3A_1327 = arith.constant 32 : i32
              %add3A_1328 = vector.broadcast %add3A_1327 : i32 to vector<16xi32>
              %add3A_1329 = arith.addi %iota3A_1326, %add3A_1328 : vector<16xi32>
              %gather3A_1330 = tpu.vector_load_idx %arg17[%add3A_1329, %broadcast_in_dim3A_1311] : memref<128x128xf32, #tpu.memory_space<vmem>>[vector<16xi32>, vector<16xi32>], vector<16xf32>,
              %sub3A_1331 = arith.subf %gather3A_1330, %gather3A_1304 : vector<16xf32>
              %mul3A_1332 = arith.mulf %sub3A_1331, %gather3A_1307 : vector<16xf32>
              tpu.vector_store_idx %arg15[%add3A_1329, %broadcast_in_dim3A_1309], %mul3A_1332 : memref<128x128xf32, #tpu.memory_space<vmem>>[vector<16xi32>, vector<16xi32>], vector<16xf32>,
              %iota3A_1333 = tpu.iota {dimensions = array<i32: 0>} : vector<16xi32>
              %add3A_1334 = arith.constant 48 : i32
              %add3A_1335 = vector.broadcast %add3A_1334 : i32 to vector<16xi32>
              %add3A_1336 = arith.addi %iota3A_1333, %add3A_1335 : vector<16xi32>
              %gather3A_1337 = tpu.vector_load_idx %arg17[%add3A_1336, %broadcast_in_dim3A_1311] : memref<128x128xf32, #tpu.memory_space<vmem>>[vector<16xi32>, vector<16xi32>], vector<16xf32>,
              %sub3A_1338 = arith.subf %gather3A_1337, %gather3A_1304 : vector<16xf32>
              %mul3A_1339 = arith.mulf %sub3A_1338, %gather3A_1307 : vector<16xf32>
              tpu.vector_store_idx %arg15[%add3A_1336, %broadcast_in_dim3A_1309], %mul3A_1339 : memref<128x128xf32, #tpu.memory_space<vmem>>[vector<16xi32>, vector<16xi32>], vector<16xf32>,
              %iota3A_1340 = tpu.iota {dimensions = array<i32: 0>} : vector<16xi32>
              %add3A_1341 = arith.constant 64 : i32
              %add3A_1342 = vector.broadcast %add3A_1341 : i32 to vector<16xi32>
              %add3A_1343 = arith.addi %iota3A_1340, %add3A_1342 : vector<16xi32>
              %gather3A_1344 = tpu.vector_load_idx %arg17[%add3A_1343, %broadcast_in_dim3A_1311] : memref<128x128xf32, #tpu.memory_space<vmem>>[vector<16xi32>, vector<16xi32>], vector<16xf32>,
              %sub3A_1345 = arith.subf %gather3A_1344, %gather3A_1304 : vector<16xf32>
              %mul3A_1346 = arith.mulf %sub3A_1345, %gather3A_1307 : vector<16xf32>
              tpu.vector_store_idx %arg15[%add3A_1343, %broadcast_in_dim3A_1309], %mul3A_1346 : memref<128x128xf32, #tpu.memory_space<vmem>>[vector<16xi32>, vector<16xi32>], vector<16xf32>,
              %iota3A_1347 = tpu.iota {dimensions = array<i32: 0>} : vector<16xi32>
              %add3A_1348 = arith.constant 80 : i32
              %add3A_1349 = vector.broadcast %add3A_1348 : i32 to vector<16xi32>
              %add3A_1350 = arith.addi %iota3A_1347, %add3A_1349 : vector<16xi32>
              %gather3A_1351 = tpu.vector_load_idx %arg17[%add3A_1350, %broadcast_in_dim3A_1311] : memref<128x128xf32, #tpu.memory_space<vmem>>[vector<16xi32>, vector<16xi32>], vector<16xf32>,
              %sub3A_1352 = arith.subf %gather3A_1351, %gather3A_1304 : vector<16xf32>
              %mul3A_1353 = arith.mulf %sub3A_1352, %gather3A_1307 : vector<16xf32>
              tpu.vector_store_idx %arg15[%add3A_1350, %broadcast_in_dim3A_1309], %mul3A_1353 : memref<128x128xf32, #tpu.memory_space<vmem>>[vector<16xi32>, vector<16xi32>], vector<16xf32>,
              %iota3A_1354 = tpu.iota {dimensions = array<i32: 0>} : vector<16xi32>
              %add3A_1355 = arith.constant 96 : i32
              %add3A_1356 = vector.broadcast %add3A_1355 : i32 to vector<16xi32>
              %add3A_1357 = arith.addi %iota3A_1354, %add3A_1356 : vector<16xi32>
              %gather3A_1358 = tpu.vector_load_idx %arg17[%add3A_1357, %broadcast_in_dim3A_1311] : memref<128x128xf32, #tpu.memory_space<vmem>>[vector<16xi32>, vector<16xi32>], vector<16xf32>,
              %sub3A_1359 = arith.subf %gather3A_1358, %gather3A_1304 : vector<16xf32>
              %mul3A_1360 = arith.mulf %sub3A_1359, %gather3A_1307 : vector<16xf32>
              tpu.vector_store_idx %arg15[%add3A_1357, %broadcast_in_dim3A_1309], %mul3A_1360 : memref<128x128xf32, #tpu.memory_space<vmem>>[vector<16xi32>, vector<16xi32>], vector<16xf32>,
              %iota3A_1361 = tpu.iota {dimensions = array<i32: 0>} : vector<16xi32>
              %add3A_1362 = arith.constant 112 : i32
              %add3A_1363 = vector.broadcast %add3A_1362 : i32 to vector<16xi32>
              %add3A_1364 = arith.addi %iota3A_1361, %add3A_1363 : vector<16xi32>
              %gather3A_1365 = tpu.vector_load_idx %arg17[%add3A_1364, %broadcast_in_dim3A_1311] : memref<128x128xf32, #tpu.memory_space<vmem>>[vector<16xi32>, vector<16xi32>], vector<16xf32>,
              %sub3A_1366 = arith.subf %gather3A_1365, %gather3A_1304 : vector<16xf32>
              %mul3A_1367 = arith.mulf %sub3A_1366, %gather3A_1307 : vector<16xf32>
              tpu.vector_store_idx %arg15[%add3A_1364, %broadcast_in_dim3A_1309], %mul3A_1367 : memref<128x128xf32, #tpu.memory_space<vmem>>[vector<16xi32>, vector<16xi32>], vector<16xf32>,
              %broadcast_in_dim3A_1368 = arith.constant 3 : i32
              %broadcast_in_dim3A_1369 = vector.broadcast %broadcast_in_dim3A_1368 : i32 to vector<16xi32>
              %gather3A_1370 = tpu.vector_load_idx %arg19[%broadcast_in_dim3A_1369] : memref<16xf32, #tpu.memory_space<vmem>>[vector<16xi32>], vector<16xf32>,
              %broadcast_in_dim3A_1371 = arith.constant 7 : i32
              %broadcast_in_dim3A_1372 = vector.broadcast %broadcast_in_dim3A_1371 : i32 to vector<16xi32>
              %gather3A_1373 = tpu.vector_load_idx %arg19[%broadcast_in_dim3A_1372] : memref<16xf32, #tpu.memory_space<vmem>>[vector<16xi32>], vector<16xf32>,
              %broadcast_in_dim3A_1374 = arith.constant 66 : i32
              %broadcast_in_dim3A_1375 = vector.broadcast %broadcast_in_dim3A_1374 : i32 to vector<16xi32>
              %broadcast_in_dim3A_1376 = arith.constant 2 : i32
              %broadcast_in_dim3A_1377 = vector.broadcast %broadcast_in_dim3A_1376 : i32 to vector<16xi32>
              %iota3A_1378 = tpu.iota {dimensions = array<i32: 0>} : vector<16xi32>
              %add3A_1379 = arith.constant 0 : i32
              %add3A_1380 = vector.broadcast %add3A_1379 : i32 to vector<16xi32>
              %add3A_1381 = arith.addi %iota3A_1378, %add3A_1380 : vector<16xi32>
              %gather3A_1382 = tpu.vector_load_idx %arg17[%add3A_1381, %broadcast_in_dim3A_1377] : memref<128x128xf32, #tpu.memory_space<vmem>>[vector<16xi32>, vector<16xi32>], vector<16xf32>,
              %sub3A_1383 = arith.subf %gather3A_1382, %gather3A_1370 : vector<16xf32>
              %mul3A_1384 = arith.mulf %sub3A_1383, %gather3A_1373 : vector<16xf32>
              tpu.vector_store_idx %arg15[%add3A_1381, %broadcast_in_dim3A_1375], %mul3A_1384 : memref<128x128xf32, #tpu.memory_space<vmem>>[vector<16xi32>, vector<16xi32>], vector<16xf32>,
              %iota3A_1385 = tpu.iota {dimensions = array<i32: 0>} : vector<16xi32>
              %add3A_1386 = arith.constant 16 : i32
              %add3A_1387 = vector.broadcast %add3A_1386 : i32 to vector<16xi32>
              %add3A_1388 = arith.addi %iota3A_1385, %add3A_1387 : vector<16xi32>
              %gather3A_1389 = tpu.vector_load_idx %arg17[%add3A_1388, %broadcast_in_dim3A_1377] : memref<128x128xf32, #tpu.memory_space<vmem>>[vector<16xi32>, vector<16xi32>], vector<16xf32>,
              %sub3A_1390 = arith.subf %gather3A_1389, %gather3A_1370 : vector<16xf32>
              %mul3A_1391 = arith.mulf %sub3A_1390, %gather3A_1373 : vector<16xf32>
              tpu.vector_store_idx %arg15[%add3A_1388, %broadcast_in_dim3A_1375], %mul3A_1391 : memref<128x128xf32, #tpu.memory_space<vmem>>[vector<16xi32>, vector<16xi32>], vector<16xf32>,
              %iota3A_1392 = tpu.iota {dimensions = array<i32: 0>} : vector<16xi32>
              %add3A_1393 = arith.constant 32 : i32
              %add3A_1394 = vector.broadcast %add3A_1393 : i32 to vector<16xi32>
              %add3A_1395 = arith.addi %iota3A_1392, %add3A_1394 : vector<16xi32>
              %gather3A_1396 = tpu.vector_load_idx %arg17[%add3A_1395, %broadcast_in_dim3A_1377] : memref<128x128xf32, #tpu.memory_space<vmem>>[vector<16xi32>, vector<16xi32>], vector<16xf32>,
              %sub3A_1397 = arith.subf %gather3A_1396, %gather3A_1370 : vector<16xf32>
              %mul3A_1398 = arith.mulf %sub3A_1397, %gather3A_1373 : vector<16xf32>
              tpu.vector_store_idx %arg15[%add3A_1395, %broadcast_in_dim3A_1375], %mul3A_1398 : memref<128x128xf32, #tpu.memory_space<vmem>>[vector<16xi32>, vector<16xi32>], vector<16xf32>,
              %iota3A_1399 = tpu.iota {dimensions = array<i32: 0>} : vector<16xi32>
              %add3A_1400 = arith.constant 48 : i32
              %add3A_1401 = vector.broadcast %add3A_1400 : i32 to vector<16xi32>
              %add3A_1402 = arith.addi %iota3A_1399, %add3A_1401 : vector<16xi32>
              %gather3A_1403 = tpu.vector_load_idx %arg17[%add3A_1402, %broadcast_in_dim3A_1377] : memref<128x128xf32, #tpu.memory_space<vmem>>[vector<16xi32>, vector<16xi32>], vector<16xf32>,
              %sub3A_1404 = arith.subf %gather3A_1403, %gather3A_1370 : vector<16xf32>
              %mul3A_1405 = arith.mulf %sub3A_1404, %gather3A_1373 : vector<16xf32>
              tpu.vector_store_idx %arg15[%add3A_1402, %broadcast_in_dim3A_1375], %mul3A_1405 : memref<128x128xf32, #tpu.memory_space<vmem>>[vector<16xi32>, vector<16xi32>], vector<16xf32>,
              %iota3A_1406 = tpu.iota {dimensions = array<i32: 0>} : vector<16xi32>
              %add3A_1407 = arith.constant 64 : i32
              %add3A_1408 = vector.broadcast %add3A_1407 : i32 to vector<16xi32>
              %add3A_1409 = arith.addi %iota3A_1406, %add3A_1408 : vector<16xi32>
              %gather3A_1410 = tpu.vector_load_idx %arg17[%add3A_1409, %broadcast_in_dim3A_1377] : memref<128x128xf32, #tpu.memory_space<vmem>>[vector<16xi32>, vector<16xi32>], vector<16xf32>,
              %sub3A_1411 = arith.subf %gather3A_1410, %gather3A_1370 : vector<16xf32>
              %mul3A_1412 = arith.mulf %sub3A_1411, %gather3A_1373 : vector<16xf32>
              tpu.vector_store_idx %arg15[%add3A_1409, %broadcast_in_dim3A_1375], %mul3A_1412 : memref<128x128xf32, #tpu.memory_space<vmem>>[vector<16xi32>, vector<16xi32>], vector<16xf32>,
              %iota3A_1413 = tpu.iota {dimensions = array<i32: 0>} : vector<16xi32>
              %add3A_1414 = arith.constant 80 : i32
              %add3A_1415 = vector.broadcast %add3A_1414 : i32 to vector<16xi32>
              %add3A_1416 = arith.addi %iota3A_1413, %add3A_1415 : vector<16xi32>
              %gather3A_1417 = tpu.vector_load_idx %arg17[%add3A_1416, %broadcast_in_dim3A_1377] : memref<128x128xf32, #tpu.memory_space<vmem>>[vector<16xi32>, vector<16xi32>], vector<16xf32>,
              %sub3A_1418 = arith.subf %gather3A_1417, %gather3A_1370 : vector<16xf32>
              %mul3A_1419 = arith.mulf %sub3A_1418, %gather3A_1373 : vector<16xf32>
              tpu.vector_store_idx %arg15[%add3A_1416, %broadcast_in_dim3A_1375], %mul3A_1419 : memref<128x128xf32, #tpu.memory_space<vmem>>[vector<16xi32>, vector<16xi32>], vector<16xf32>,
              %iota3A_1420 = tpu.iota {dimensions = array<i32: 0>} : vector<16xi32>
              %add3A_1421 = arith.constant 96 : i32
              %add3A_1422 = vector.broadcast %add3A_1421 : i32 to vector<16xi32>
              %add3A_1423 = arith.addi %iota3A_1420, %add3A_1422 : vector<16xi32>
              %gather3A_1424 = tpu.vector_load_idx %arg17[%add3A_1423, %broadcast_in_dim3A_1377] : memref<128x128xf32, #tpu.memory_space<vmem>>[vector<16xi32>, vector<16xi32>], vector<16xf32>,
              %sub3A_1425 = arith.subf %gather3A_1424, %gather3A_1370 : vector<16xf32>
              %mul3A_1426 = arith.mulf %sub3A_1425, %gather3A_1373 : vector<16xf32>
              tpu.vector_store_idx %arg15[%add3A_1423, %broadcast_in_dim3A_1375], %mul3A_1426 : memref<128x128xf32, #tpu.memory_space<vmem>>[vector<16xi32>, vector<16xi32>], vector<16xf32>,
              %iota3A_1427 = tpu.iota {dimensions = array<i32: 0>} : vector<16xi32>
              %add3A_1428 = arith.constant 112 : i32
              %add3A_1429 = vector.broadcast %add3A_1428 : i32 to vector<16xi32>
              %add3A_1430 = arith.addi %iota3A_1427, %add3A_1429 : vector<16xi32>
              %gather3A_1431 = tpu.vector_load_idx %arg17[%add3A_1430, %broadcast_in_dim3A_1377] : memref<128x128xf32, #tpu.memory_space<vmem>>[vector<16xi32>, vector<16xi32>], vector<16xf32>,
              %sub3A_1432 = arith.subf %gather3A_1431, %gather3A_1370 : vector<16xf32>
              %mul3A_1433 = arith.mulf %sub3A_1432, %gather3A_1373 : vector<16xf32>
              tpu.vector_store_idx %arg15[%add3A_1430, %broadcast_in_dim3A_1375], %mul3A_1433 : memref<128x128xf32, #tpu.memory_space<vmem>>[vector<16xi32>, vector<16xi32>], vector<16xf32>,
              %broadcast_in_dim3A_1434 = arith.constant 4 : i32
              %broadcast_in_dim3A_1435 = vector.broadcast %broadcast_in_dim3A_1434 : i32 to vector<16xi32>
              %gather3A_1436 = tpu.vector_load_idx %arg19[%broadcast_in_dim3A_1435] : memref<16xf32, #tpu.memory_space<vmem>>[vector<16xi32>], vector<16xf32>,
              %broadcast_in_dim3A_1437 = arith.constant 8 : i32
              %broadcast_in_dim3A_1438 = vector.broadcast %broadcast_in_dim3A_1437 : i32 to vector<16xi32>
              %gather3A_1439 = tpu.vector_load_idx %arg19[%broadcast_in_dim3A_1438] : memref<16xf32, #tpu.memory_space<vmem>>[vector<16xi32>], vector<16xf32>,
              %broadcast_in_dim3A_1440 = arith.constant 67 : i32
              %broadcast_in_dim3A_1441 = vector.broadcast %broadcast_in_dim3A_1440 : i32 to vector<16xi32>
              %broadcast_in_dim3A_1442 = arith.constant 3 : i32
              %broadcast_in_dim3A_1443 = vector.broadcast %broadcast_in_dim3A_1442 : i32 to vector<16xi32>
              %iota3A_1444 = tpu.iota {dimensions = array<i32: 0>} : vector<16xi32>
              %add3A_1445 = arith.constant 0 : i32
              %add3A_1446 = vector.broadcast %add3A_1445 : i32 to vector<16xi32>
              %add3A_1447 = arith.addi %iota3A_1444, %add3A_1446 : vector<16xi32>
              %gather3A_1448 = tpu.vector_load_idx %arg17[%add3A_1447, %broadcast_in_dim3A_1443] : memref<128x128xf32, #tpu.memory_space<vmem>>[vector<16xi32>, vector<16xi32>], vector<16xf32>,
              %sub3A_1449 = arith.subf %gather3A_1448, %gather3A_1436 : vector<16xf32>
              %mul3A_1450 = arith.mulf %sub3A_1449, %gather3A_1439 : vector<16xf32>
              tpu.vector_store_idx %arg15[%add3A_1447, %broadcast_in_dim3A_1441], %mul3A_1450 : memref<128x128xf32, #tpu.memory_space<vmem>>[vector<16xi32>, vector<16xi32>], vector<16xf32>,
              %iota3A_1451 = tpu.iota {dimensions = array<i32: 0>} : vector<16xi32>
              %add3A_1452 = arith.constant 16 : i32
              %add3A_1453 = vector.broadcast %add3A_1452 : i32 to vector<16xi32>
              %add3A_1454 = arith.addi %iota3A_1451, %add3A_1453 : vector<16xi32>
              %gather3A_1455 = tpu.vector_load_idx %arg17[%add3A_1454, %broadcast_in_dim3A_1443] : memref<128x128xf32, #tpu.memory_space<vmem>>[vector<16xi32>, vector<16xi32>], vector<16xf32>,
              %sub3A_1456 = arith.subf %gather3A_1455, %gather3A_1436 : vector<16xf32>
              %mul3A_1457 = arith.mulf %sub3A_1456, %gather3A_1439 : vector<16xf32>
              tpu.vector_store_idx %arg15[%add3A_1454, %broadcast_in_dim3A_1441], %mul3A_1457 : memref<128x128xf32, #tpu.memory_space<vmem>>[vector<16xi32>, vector<16xi32>], vector<16xf32>,
              %iota3A_1458 = tpu.iota {dimensions = array<i32: 0>} : vector<16xi32>
              %add3A_1459 = arith.constant 32 : i32
              %add3A_1460 = vector.broadcast %add3A_1459 : i32 to vector<16xi32>
              %add3A_1461 = arith.addi %iota3A_1458, %add3A_1460 : vector<16xi32>
              %gather3A_1462 = tpu.vector_load_idx %arg17[%add3A_1461, %broadcast_in_dim3A_1443] : memref<128x128xf32, #tpu.memory_space<vmem>>[vector<16xi32>, vector<16xi32>], vector<16xf32>,
              %sub3A_1463 = arith.subf %gather3A_1462, %gather3A_1436 : vector<16xf32>
              %mul3A_1464 = arith.mulf %sub3A_1463, %gather3A_1439 : vector<16xf32>
              tpu.vector_store_idx %arg15[%add3A_1461, %broadcast_in_dim3A_1441], %mul3A_1464 : memref<128x128xf32, #tpu.memory_space<vmem>>[vector<16xi32>, vector<16xi32>], vector<16xf32>,
              %iota3A_1465 = tpu.iota {dimensions = array<i32: 0>} : vector<16xi32>
              %add3A_1466 = arith.constant 48 : i32
              %add3A_1467 = vector.broadcast %add3A_1466 : i32 to vector<16xi32>
              %add3A_1468 = arith.addi %iota3A_1465, %add3A_1467 : vector<16xi32>
              %gather3A_1469 = tpu.vector_load_idx %arg17[%add3A_1468, %broadcast_in_dim3A_1443] : memref<128x128xf32, #tpu.memory_space<vmem>>[vector<16xi32>, vector<16xi32>], vector<16xf32>,
              %sub3A_1470 = arith.subf %gather3A_1469, %gather3A_1436 : vector<16xf32>
              %mul3A_1471 = arith.mulf %sub3A_1470, %gather3A_1439 : vector<16xf32>
              tpu.vector_store_idx %arg15[%add3A_1468, %broadcast_in_dim3A_1441], %mul3A_1471 : memref<128x128xf32, #tpu.memory_space<vmem>>[vector<16xi32>, vector<16xi32>], vector<16xf32>,
              %iota3A_1472 = tpu.iota {dimensions = array<i32: 0>} : vector<16xi32>
              %add3A_1473 = arith.constant 64 : i32
              %add3A_1474 = vector.broadcast %add3A_1473 : i32 to vector<16xi32>
              %add3A_1475 = arith.addi %iota3A_1472, %add3A_1474 : vector<16xi32>
              %gather3A_1476 = tpu.vector_load_idx %arg17[%add3A_1475, %broadcast_in_dim3A_1443] : memref<128x128xf32, #tpu.memory_space<vmem>>[vector<16xi32>, vector<16xi32>], vector<16xf32>,
              %sub3A_1477 = arith.subf %gather3A_1476, %gather3A_1436 : vector<16xf32>
              %mul3A_1478 = arith.mulf %sub3A_1477, %gather3A_1439 : vector<16xf32>
              tpu.vector_store_idx %arg15[%add3A_1475, %broadcast_in_dim3A_1441], %mul3A_1478 : memref<128x128xf32, #tpu.memory_space<vmem>>[vector<16xi32>, vector<16xi32>], vector<16xf32>,
              %iota3A_1479 = tpu.iota {dimensions = array<i32: 0>} : vector<16xi32>
              %add3A_1480 = arith.constant 80 : i32
              %add3A_1481 = vector.broadcast %add3A_1480 : i32 to vector<16xi32>
              %add3A_1482 = arith.addi %iota3A_1479, %add3A_1481 : vector<16xi32>
              %gather3A_1483 = tpu.vector_load_idx %arg17[%add3A_1482, %broadcast_in_dim3A_1443] : memref<128x128xf32, #tpu.memory_space<vmem>>[vector<16xi32>, vector<16xi32>], vector<16xf32>,
              %sub3A_1484 = arith.subf %gather3A_1483, %gather3A_1436 : vector<16xf32>
              %mul3A_1485 = arith.mulf %sub3A_1484, %gather3A_1439 : vector<16xf32>
              tpu.vector_store_idx %arg15[%add3A_1482, %broadcast_in_dim3A_1441], %mul3A_1485 : memref<128x128xf32, #tpu.memory_space<vmem>>[vector<16xi32>, vector<16xi32>], vector<16xf32>,
              %iota3A_1486 = tpu.iota {dimensions = array<i32: 0>} : vector<16xi32>
              %add3A_1487 = arith.constant 96 : i32
              %add3A_1488 = vector.broadcast %add3A_1487 : i32 to vector<16xi32>
              %add3A_1489 = arith.addi %iota3A_1486, %add3A_1488 : vector<16xi32>
              %gather3A_1490 = tpu.vector_load_idx %arg17[%add3A_1489, %broadcast_in_dim3A_1443] : memref<128x128xf32, #tpu.memory_space<vmem>>[vector<16xi32>, vector<16xi32>], vector<16xf32>,
              %sub3A_1491 = arith.subf %gather3A_1490, %gather3A_1436 : vector<16xf32>
              %mul3A_1492 = arith.mulf %sub3A_1491, %gather3A_1439 : vector<16xf32>
              tpu.vector_store_idx %arg15[%add3A_1489, %broadcast_in_dim3A_1441], %mul3A_1492 : memref<128x128xf32, #tpu.memory_space<vmem>>[vector<16xi32>, vector<16xi32>], vector<16xf32>,
              %iota3A_1493 = tpu.iota {dimensions = array<i32: 0>} : vector<16xi32>
              %add3A_1494 = arith.constant 112 : i32
              %add3A_1495 = vector.broadcast %add3A_1494 : i32 to vector<16xi32>
              %add3A_1496 = arith.addi %iota3A_1493, %add3A_1495 : vector<16xi32>
              %gather3A_1497 = tpu.vector_load_idx %arg17[%add3A_1496, %broadcast_in_dim3A_1443] : memref<128x128xf32, #tpu.memory_space<vmem>>[vector<16xi32>, vector<16xi32>], vector<16xf32>,
              %sub3A_1498 = arith.subf %gather3A_1497, %gather3A_1436 : vector<16xf32>
              %mul3A_1499 = arith.mulf %sub3A_1498, %gather3A_1439 : vector<16xf32>
              tpu.vector_store_idx %arg15[%add3A_1496, %broadcast_in_dim3A_1441], %mul3A_1499 : memref<128x128xf32, #tpu.memory_space<vmem>>[vector<16xi32>, vector<16xi32>], vector<16xf32>,
              %dma_start3A_1500 = arith.constant 0 : i32
              %dma_start3A_1501 = arith.constant 0 : i32
              %dma_start3A_1502 = tpu.memref_slice %arg16[%dma_start3A_1500, %dma_start3A_1501] : memref<1x128xi32, #tpu.memory_space<vmem>> -> memref<1x128xi32, #tpu.memory_space<vmem>>
              %dma_start3A_1503 = tpu.memref_squeeze %dma_start3A_1502 : memref<1x128xi32, #tpu.memory_space<vmem>> -> memref<128xi32, #tpu.memory_space<vmem>>
              %dma_start3A_1504 = arith.constant 0 : i32
              %dma_start3A_1505 = arith.constant 0 : i32
              %dma_start3A_1506 = tpu.memref_slice %arg7[%dma_start3A_1504, %dma_start3A_1505] : memref<16448x128xf32, #tpu.memory_space<hbm>> -> memref<16448x128xf32, #tpu.memory_space<hbm>>
              tpu.enqueue_indirect_dma source(%arg15 : memref<128x128xf32, #tpu.memory_space<vmem>>) target(%dma_start3A_1506 : memref<16448x128xf32, #tpu.memory_space<hbm>>) offsets(%dma_start3A_1503 : memref<128xi32, #tpu.memory_space<vmem>>) semaphore(%arg27 : memref<!tpu.dma_semaphore, #tpu.memory_space<semaphore_mem>>)
              %dma_wait3A_1507 = arith.constant 0 : i32
              %dma_wait3A_1508 = arith.constant 0 : i32
              %dma_wait3A_1509 = tpu.memref_slice %arg16[%dma_wait3A_1507, %dma_wait3A_1508] : memref<1x128xi32, #tpu.memory_space<vmem>> -> memref<1x128xi32, #tpu.memory_space<vmem>>
              %dma_wait3A_1510 = tpu.memref_squeeze %dma_wait3A_1509 : memref<1x128xi32, #tpu.memory_space<vmem>> -> memref<128xi32, #tpu.memory_space<vmem>>
              %dma_wait3A_1511 = arith.constant 0 : i32
              %dma_wait3A_1512 = arith.constant 0 : i32
              %dma_wait3A_1513 = tpu.memref_slice %arg7[%dma_wait3A_1511, %dma_wait3A_1512] : memref<16448x128xf32, #tpu.memory_space<hbm>> -> memref<16448x128xf32, #tpu.memory_space<hbm>>
              tpu.wait_indirect_dma semaphore(%arg27 : memref<!tpu.dma_semaphore, #tpu.memory_space<semaphore_mem>>) src(%arg15 : memref<128x128xf32, #tpu.memory_space<vmem>>) dst(%dma_wait3A_1513 : memref<16448x128xf32, #tpu.memory_space<hbm>>)
              %broadcast_in_dim3A_1514 = arith.constant 16384 : i32
              %broadcast_in_dim3A_1515 = vector.broadcast %broadcast_in_dim3A_1514 : i32 to vector<16xi32>
              %swap3A_1516 = arith.constant 0 : i32
              %swap3A_1517 = arith.index_cast %swap3A_1516 : i32 to index
              %swap3A_1518 = arith.constant 0 : index
              %swap3A_1519 = tpu.vector_load %arg16[%swap3A_1517, %swap3A_1518] {strides = array<i32>} : memref<1x128xi32, #tpu.memory_space<vmem>>, vector<16xi32>,
              tpu.vector_store %arg16[%swap3A_1517, %swap3A_1518], %broadcast_in_dim3A_1515 {strides = array<i32>} : memref<1x128xi32, #tpu.memory_space<vmem>>, vector<16xi32>,
              %broadcast_in_dim3A_1520 = arith.constant 16384 : i32
              %broadcast_in_dim3A_1521 = vector.broadcast %broadcast_in_dim3A_1520 : i32 to vector<16xi32>
              %swap3A_1522 = arith.constant 0 : i32
              %swap3A_1523 = arith.index_cast %swap3A_1522 : i32 to index
              %swap3A_1524 = arith.constant 16 : index
              %swap3A_1525 = tpu.vector_load %arg16[%swap3A_1523, %swap3A_1524] {strides = array<i32>} : memref<1x128xi32, #tpu.memory_space<vmem>>, vector<16xi32>,
              tpu.vector_store %arg16[%swap3A_1523, %swap3A_1524], %broadcast_in_dim3A_1521 {strides = array<i32>} : memref<1x128xi32, #tpu.memory_space<vmem>>, vector<16xi32>,
              %broadcast_in_dim3A_1526 = arith.constant 16384 : i32
              %broadcast_in_dim3A_1527 = vector.broadcast %broadcast_in_dim3A_1526 : i32 to vector<16xi32>
              %swap3A_1528 = arith.constant 0 : i32
              %swap3A_1529 = arith.index_cast %swap3A_1528 : i32 to index
              %swap3A_1530 = arith.constant 32 : index
              %swap3A_1531 = tpu.vector_load %arg16[%swap3A_1529, %swap3A_1530] {strides = array<i32>} : memref<1x128xi32, #tpu.memory_space<vmem>>, vector<16xi32>,
              tpu.vector_store %arg16[%swap3A_1529, %swap3A_1530], %broadcast_in_dim3A_1527 {strides = array<i32>} : memref<1x128xi32, #tpu.memory_space<vmem>>, vector<16xi32>,
              %broadcast_in_dim3A_1532 = arith.constant 16384 : i32
              %broadcast_in_dim3A_1533 = vector.broadcast %broadcast_in_dim3A_1532 : i32 to vector<16xi32>
              %swap3A_1534 = arith.constant 0 : i32
              %swap3A_1535 = arith.index_cast %swap3A_1534 : i32 to index
              %swap3A_1536 = arith.constant 48 : index
              %swap3A_1537 = tpu.vector_load %arg16[%swap3A_1535, %swap3A_1536] {strides = array<i32>} : memref<1x128xi32, #tpu.memory_space<vmem>>, vector<16xi32>,
              tpu.vector_store %arg16[%swap3A_1535, %swap3A_1536], %broadcast_in_dim3A_1533 {strides = array<i32>} : memref<1x128xi32, #tpu.memory_space<vmem>>, vector<16xi32>,
              %broadcast_in_dim3A_1538 = arith.constant 16384 : i32
              %broadcast_in_dim3A_1539 = vector.broadcast %broadcast_in_dim3A_1538 : i32 to vector<16xi32>
              %swap3A_1540 = arith.constant 0 : i32
              %swap3A_1541 = arith.index_cast %swap3A_1540 : i32 to index
              %swap3A_1542 = arith.constant 64 : index
              %swap3A_1543 = tpu.vector_load %arg16[%swap3A_1541, %swap3A_1542] {strides = array<i32>} : memref<1x128xi32, #tpu.memory_space<vmem>>, vector<16xi32>,
              tpu.vector_store %arg16[%swap3A_1541, %swap3A_1542], %broadcast_in_dim3A_1539 {strides = array<i32>} : memref<1x128xi32, #tpu.memory_space<vmem>>, vector<16xi32>,
              %broadcast_in_dim3A_1544 = arith.constant 16384 : i32
              %broadcast_in_dim3A_1545 = vector.broadcast %broadcast_in_dim3A_1544 : i32 to vector<16xi32>
              %swap3A_1546 = arith.constant 0 : i32
              %swap3A_1547 = arith.index_cast %swap3A_1546 : i32 to index
              %swap3A_1548 = arith.constant 80 : index
              %swap3A_1549 = tpu.vector_load %arg16[%swap3A_1547, %swap3A_1548] {strides = array<i32>} : memref<1x128xi32, #tpu.memory_space<vmem>>, vector<16xi32>,
              tpu.vector_store %arg16[%swap3A_1547, %swap3A_1548], %broadcast_in_dim3A_1545 {strides = array<i32>} : memref<1x128xi32, #tpu.memory_space<vmem>>, vector<16xi32>,
              %broadcast_in_dim3A_1550 = arith.constant 16384 : i32
              %broadcast_in_dim3A_1551 = vector.broadcast %broadcast_in_dim3A_1550 : i32 to vector<16xi32>
              %swap3A_1552 = arith.constant 0 : i32
              %swap3A_1553 = arith.index_cast %swap3A_1552 : i32 to index
              %swap3A_1554 = arith.constant 96 : index
              %swap3A_1555 = tpu.vector_load %arg16[%swap3A_1553, %swap3A_1554] {strides = array<i32>} : memref<1x128xi32, #tpu.memory_space<vmem>>, vector<16xi32>,
              tpu.vector_store %arg16[%swap3A_1553, %swap3A_1554], %broadcast_in_dim3A_1551 {strides = array<i32>} : memref<1x128xi32, #tpu.memory_space<vmem>>, vector<16xi32>,
              %broadcast_in_dim3A_1556 = arith.constant 16384 : i32
              %broadcast_in_dim3A_1557 = vector.broadcast %broadcast_in_dim3A_1556 : i32 to vector<16xi32>
              %swap3A_1558 = arith.constant 0 : i32
              %swap3A_1559 = arith.index_cast %swap3A_1558 : i32 to index
              %swap3A_1560 = arith.constant 112 : index
              %swap3A_1561 = tpu.vector_load %arg16[%swap3A_1559, %swap3A_1560] {strides = array<i32>} : memref<1x128xi32, #tpu.memory_space<vmem>>, vector<16xi32>,
              tpu.vector_store %arg16[%swap3A_1559, %swap3A_1560], %broadcast_in_dim3A_1557 {strides = array<i32>} : memref<1x128xi32, #tpu.memory_space<vmem>>, vector<16xi32>,
              %cond3A_1562 = arith.constant 0 : i32
              scf.yield %cond3A_1562 : i32
            } else {
              scf.yield %add3A_1218 : i32
            }
            scf.yield %cond3A_1223 : i32
          }
          %while3A_730 = arith.constant 1 : i32
          %while3A_731 = scf.for %while3A_858 = %while3A_727 to %while3A_723 step %while3A_730 iter_args(%while3A_859 = %while3A_729) -> (i32)  : i32 {
            %mul3A_860 = arith.constant 16 : i32
            %mul3A_861 = arith.muli %while3A_858, %mul3A_860 : i32
            %add3A_862 = arith.addi %reduce_sum3A_670, %mul3A_861 : i32
            %iota3A_863 = tpu.iota {dimensions = array<i32: 0>} : vector<16xi32>
            %add3A_864 = vector.broadcast %add3A_862 : i32 to vector<16xi32>
            %add3A_865 = arith.addi %add3A_864, %iota3A_863 : vector<16xi32>
            %lt3A_866 = vector.broadcast %reduce_sum3A_691 : i32 to vector<16xi32>
            %lt3A_867 = arith.cmpi slt, %add3A_865, %lt3A_866 : vector<16xi32>
            %gather3A = tpu.vector_load_idx %arg10[%add3A_865] masked %lt3A_867 : memref<8192xi32, #tpu.memory_space<vmem>>[vector<16xi32>], vector<16xi32>, vector<16xi1>
            %shift_right_arithmetic3A_868 = arith.constant 21 : i32
            %shift_right_arithmetic3A_869 = vector.broadcast %shift_right_arithmetic3A_868 : i32 to vector<16xi32>
            %shift_right_arithmetic3A_870 = arith.shrsi %gather3A, %shift_right_arithmetic3A_869 : vector<16xi32>
            %sub3A_871 = vector.broadcast %mul3A_577 : i32 to vector<16xi32>
            %sub3A_872 = arith.subi %shift_right_arithmetic3A_870, %sub3A_871 : vector<16xi32>
            %shift_right_arithmetic3A_873 = arith.constant 14 : i32
            %shift_right_arithmetic3A_874 = vector.broadcast %shift_right_arithmetic3A_873 : i32 to vector<16xi32>
            %shift_right_arithmetic3A_875 = arith.shrsi %gather3A, %shift_right_arithmetic3A_874 : vector<16xi32>
            %and3A_876 = arith.constant 127 : i32
            %and3A_877 = vector.broadcast %and3A_876 : i32 to vector<16xi32>
            %and3A_878 = arith.andi %shift_right_arithmetic3A_875, %and3A_877 : vector<16xi32>
            %and3A_879 = arith.constant 16383 : i32
            %and3A_880 = vector.broadcast %and3A_879 : i32 to vector<16xi32>
            %and3A_881 = arith.andi %gather3A, %and3A_880 : vector<16xi32>
            %convert_element_type3A_882 = arith.extui %lt3A_867 : vector<16xi1> to vector<16xi32>
            %cumsum3A_883 = arith.constant true
            %cumsum3A_884 = vector.broadcast %cumsum3A_883 : i1 to vector<16xi1>
            %cumsum3A_885 = tpu.scan <sum>, %convert_element_type3A_882 masked %cumsum3A_884 : vector<16xi32>, vector<16xi1> -> vector<16xi32>
            %add3A_886 = vector.broadcast %while3A_859 : i32 to vector<16xi32>
            %add3A_887 = arith.addi %add3A_886, %cumsum3A_885 : vector<16xi32>
            %sub3A_888 = arith.constant 1 : i32
            %sub3A_889 = vector.broadcast %sub3A_888 : i32 to vector<16xi32>
            %sub3A_890 = arith.subi %add3A_887, %sub3A_889 : vector<16xi32>
            %broadcast_in_dim3A_891 = arith.constant 0 : i32
            %broadcast_in_dim3A_892 = vector.broadcast %broadcast_in_dim3A_891 : i32 to vector<16xi32>
            %gather3A_893 = tpu.vector_load_idx %arg14[%sub3A_872, %broadcast_in_dim3A_892, %and3A_878] masked %lt3A_867 : memref<6x64x128xf32, #tpu.memory_space<vmem>>[vector<16xi32>, vector<16xi32>, vector<16xi32>], vector<16xf32>, vector<16xi1>
            %broadcast_in_dim3A_894 = arith.constant 1 : i32
            %broadcast_in_dim3A_895 = vector.broadcast %broadcast_in_dim3A_894 : i32 to vector<16xi32>
            %gather3A_896 = tpu.vector_load_idx %arg14[%sub3A_872, %broadcast_in_dim3A_895, %and3A_878] masked %lt3A_867 : memref<6x64x128xf32, #tpu.memory_space<vmem>>[vector<16xi32>, vector<16xi32>, vector<16xi32>], vector<16xf32>, vector<16xi1>
            %broadcast_in_dim3A_897 = arith.constant 2 : i32
            %broadcast_in_dim3A_898 = vector.broadcast %broadcast_in_dim3A_897 : i32 to vector<16xi32>
            %gather3A_899 = tpu.vector_load_idx %arg14[%sub3A_872, %broadcast_in_dim3A_898, %and3A_878] masked %lt3A_867 : memref<6x64x128xf32, #tpu.memory_space<vmem>>[vector<16xi32>, vector<16xi32>, vector<16xi32>], vector<16xf32>, vector<16xi1>
            %broadcast_in_dim3A_900 = arith.constant 3 : i32
            %broadcast_in_dim3A_901 = vector.broadcast %broadcast_in_dim3A_900 : i32 to vector<16xi32>
            %gather3A_902 = tpu.vector_load_idx %arg14[%sub3A_872, %broadcast_in_dim3A_901, %and3A_878] masked %lt3A_867 : memref<6x64x128xf32, #tpu.memory_space<vmem>>[vector<16xi32>, vector<16xi32>, vector<16xi32>], vector<16xf32>, vector<16xi1>
            %broadcast_in_dim3A_903 = arith.constant 4 : i32
            %broadcast_in_dim3A_904 = vector.broadcast %broadcast_in_dim3A_903 : i32 to vector<16xi32>
            %gather3A_905 = tpu.vector_load_idx %arg14[%sub3A_872, %broadcast_in_dim3A_904, %and3A_878] masked %lt3A_867 : memref<6x64x128xf32, #tpu.memory_space<vmem>>[vector<16xi32>, vector<16xi32>, vector<16xi32>], vector<16xf32>, vector<16xi1>
            %broadcast_in_dim3A_906 = arith.constant 5 : i32
            %broadcast_in_dim3A_907 = vector.broadcast %broadcast_in_dim3A_906 : i32 to vector<16xi32>
            %gather3A_908 = tpu.vector_load_idx %arg14[%sub3A_872, %broadcast_in_dim3A_907, %and3A_878] masked %lt3A_867 : memref<6x64x128xf32, #tpu.memory_space<vmem>>[vector<16xi32>, vector<16xi32>, vector<16xi32>], vector<16xf32>, vector<16xi1>
            %broadcast_in_dim3A_909 = arith.constant 6 : i32
            %broadcast_in_dim3A_910 = vector.broadcast %broadcast_in_dim3A_909 : i32 to vector<16xi32>
            %gather3A_911 = tpu.vector_load_idx %arg14[%sub3A_872, %broadcast_in_dim3A_910, %and3A_878] masked %lt3A_867 : memref<6x64x128xf32, #tpu.memory_space<vmem>>[vector<16xi32>, vector<16xi32>, vector<16xi32>], vector<16xf32>, vector<16xi1>
            %broadcast_in_dim3A_912 = arith.constant 7 : i32
            %broadcast_in_dim3A_913 = vector.broadcast %broadcast_in_dim3A_912 : i32 to vector<16xi32>
            %gather3A_914 = tpu.vector_load_idx %arg14[%sub3A_872, %broadcast_in_dim3A_913, %and3A_878] masked %lt3A_867 : memref<6x64x128xf32, #tpu.memory_space<vmem>>[vector<16xi32>, vector<16xi32>, vector<16xi32>], vector<16xf32>, vector<16xi1>
            %broadcast_in_dim3A_915 = arith.constant 0 : i32
            %broadcast_in_dim3A_916 = vector.broadcast %broadcast_in_dim3A_915 : i32 to vector<16xi32>
            tpu.vector_store_idx %arg15[%sub3A_890, %broadcast_in_dim3A_916], %gather3A_893 masked %lt3A_867 : memref<128x128xf32, #tpu.memory_space<vmem>>[vector<16xi32>, vector<16xi32>], vector<16xf32>, vector<16xi1>
            %broadcast_in_dim3A_917 = arith.constant 1 : i32
            %broadcast_in_dim3A_918 = vector.broadcast %broadcast_in_dim3A_917 : i32 to vector<16xi32>
            tpu.vector_store_idx %arg15[%sub3A_890, %broadcast_in_dim3A_918], %gather3A_896 masked %lt3A_867 : memref<128x128xf32, #tpu.memory_space<vmem>>[vector<16xi32>, vector<16xi32>], vector<16xf32>, vector<16xi1>
            %broadcast_in_dim3A_919 = arith.constant 2 : i32
            %broadcast_in_dim3A_920 = vector.broadcast %broadcast_in_dim3A_919 : i32 to vector<16xi32>
            tpu.vector_store_idx %arg15[%sub3A_890, %broadcast_in_dim3A_920], %gather3A_899 masked %lt3A_867 : memref<128x128xf32, #tpu.memory_space<vmem>>[vector<16xi32>, vector<16xi32>], vector<16xf32>, vector<16xi1>
            %broadcast_in_dim3A_921 = arith.constant 3 : i32
            %broadcast_in_dim3A_922 = vector.broadcast %broadcast_in_dim3A_921 : i32 to vector<16xi32>
            tpu.vector_store_idx %arg15[%sub3A_890, %broadcast_in_dim3A_922], %gather3A_902 masked %lt3A_867 : memref<128x128xf32, #tpu.memory_space<vmem>>[vector<16xi32>, vector<16xi32>], vector<16xf32>, vector<16xi1>
            %broadcast_in_dim3A_923 = arith.constant 4 : i32
            %broadcast_in_dim3A_924 = vector.broadcast %broadcast_in_dim3A_923 : i32 to vector<16xi32>
            tpu.vector_store_idx %arg15[%sub3A_890, %broadcast_in_dim3A_924], %gather3A_905 masked %lt3A_867 : memref<128x128xf32, #tpu.memory_space<vmem>>[vector<16xi32>, vector<16xi32>], vector<16xf32>, vector<16xi1>
            %broadcast_in_dim3A_925 = arith.constant 5 : i32
            %broadcast_in_dim3A_926 = vector.broadcast %broadcast_in_dim3A_925 : i32 to vector<16xi32>
            tpu.vector_store_idx %arg15[%sub3A_890, %broadcast_in_dim3A_926], %gather3A_908 masked %lt3A_867 : memref<128x128xf32, #tpu.memory_space<vmem>>[vector<16xi32>, vector<16xi32>], vector<16xf32>, vector<16xi1>
            %broadcast_in_dim3A_927 = arith.constant 6 : i32
            %broadcast_in_dim3A_928 = vector.broadcast %broadcast_in_dim3A_927 : i32 to vector<16xi32>
            tpu.vector_store_idx %arg15[%sub3A_890, %broadcast_in_dim3A_928], %gather3A_911 masked %lt3A_867 : memref<128x128xf32, #tpu.memory_space<vmem>>[vector<16xi32>, vector<16xi32>], vector<16xf32>, vector<16xi1>
            %broadcast_in_dim3A_929 = arith.constant 7 : i32
            %broadcast_in_dim3A_930 = vector.broadcast %broadcast_in_dim3A_929 : i32 to vector<16xi32>
            tpu.vector_store_idx %arg15[%sub3A_890, %broadcast_in_dim3A_930], %gather3A_914 masked %lt3A_867 : memref<128x128xf32, #tpu.memory_space<vmem>>[vector<16xi32>, vector<16xi32>], vector<16xf32>, vector<16xi1>
            %broadcast_in_dim3A_931 = arith.constant 8 : i32
            %broadcast_in_dim3A_932 = vector.broadcast %broadcast_in_dim3A_931 : i32 to vector<16xi32>
            %gather3A_933 = tpu.vector_load_idx %arg14[%sub3A_872, %broadcast_in_dim3A_932, %and3A_878] masked %lt3A_867 : memref<6x64x128xf32, #tpu.memory_space<vmem>>[vector<16xi32>, vector<16xi32>, vector<16xi32>], vector<16xf32>, vector<16xi1>
            %broadcast_in_dim3A_934 = arith.constant 9 : i32
            %broadcast_in_dim3A_935 = vector.broadcast %broadcast_in_dim3A_934 : i32 to vector<16xi32>
            %gather3A_936 = tpu.vector_load_idx %arg14[%sub3A_872, %broadcast_in_dim3A_935, %and3A_878] masked %lt3A_867 : memref<6x64x128xf32, #tpu.memory_space<vmem>>[vector<16xi32>, vector<16xi32>, vector<16xi32>], vector<16xf32>, vector<16xi1>
            %broadcast_in_dim3A_937 = arith.constant 10 : i32
            %broadcast_in_dim3A_938 = vector.broadcast %broadcast_in_dim3A_937 : i32 to vector<16xi32>
            %gather3A_939 = tpu.vector_load_idx %arg14[%sub3A_872, %broadcast_in_dim3A_938, %and3A_878] masked %lt3A_867 : memref<6x64x128xf32, #tpu.memory_space<vmem>>[vector<16xi32>, vector<16xi32>, vector<16xi32>], vector<16xf32>, vector<16xi1>
            %broadcast_in_dim3A_940 = arith.constant 11 : i32
            %broadcast_in_dim3A_941 = vector.broadcast %broadcast_in_dim3A_940 : i32 to vector<16xi32>
            %gather3A_942 = tpu.vector_load_idx %arg14[%sub3A_872, %broadcast_in_dim3A_941, %and3A_878] masked %lt3A_867 : memref<6x64x128xf32, #tpu.memory_space<vmem>>[vector<16xi32>, vector<16xi32>, vector<16xi32>], vector<16xf32>, vector<16xi1>
            %broadcast_in_dim3A_943 = arith.constant 12 : i32
            %broadcast_in_dim3A_944 = vector.broadcast %broadcast_in_dim3A_943 : i32 to vector<16xi32>
            %gather3A_945 = tpu.vector_load_idx %arg14[%sub3A_872, %broadcast_in_dim3A_944, %and3A_878] masked %lt3A_867 : memref<6x64x128xf32, #tpu.memory_space<vmem>>[vector<16xi32>, vector<16xi32>, vector<16xi32>], vector<16xf32>, vector<16xi1>
            %broadcast_in_dim3A_946 = arith.constant 13 : i32
            %broadcast_in_dim3A_947 = vector.broadcast %broadcast_in_dim3A_946 : i32 to vector<16xi32>
            %gather3A_948 = tpu.vector_load_idx %arg14[%sub3A_872, %broadcast_in_dim3A_947, %and3A_878] masked %lt3A_867 : memref<6x64x128xf32, #tpu.memory_space<vmem>>[vector<16xi32>, vector<16xi32>, vector<16xi32>], vector<16xf32>, vector<16xi1>
            %broadcast_in_dim3A_949 = arith.constant 14 : i32
            %broadcast_in_dim3A_950 = vector.broadcast %broadcast_in_dim3A_949 : i32 to vector<16xi32>
            %gather3A_951 = tpu.vector_load_idx %arg14[%sub3A_872, %broadcast_in_dim3A_950, %and3A_878] masked %lt3A_867 : memref<6x64x128xf32, #tpu.memory_space<vmem>>[vector<16xi32>, vector<16xi32>, vector<16xi32>], vector<16xf32>, vector<16xi1>
            %broadcast_in_dim3A_952 = arith.constant 15 : i32
            %broadcast_in_dim3A_953 = vector.broadcast %broadcast_in_dim3A_952 : i32 to vector<16xi32>
            %gather3A_954 = tpu.vector_load_idx %arg14[%sub3A_872, %broadcast_in_dim3A_953, %and3A_878] masked %lt3A_867 : memref<6x64x128xf32, #tpu.memory_space<vmem>>[vector<16xi32>, vector<16xi32>, vector<16xi32>], vector<16xf32>, vector<16xi1>
            %broadcast_in_dim3A_955 = arith.constant 8 : i32
            %broadcast_in_dim3A_956 = vector.broadcast %broadcast_in_dim3A_955 : i32 to vector<16xi32>
            tpu.vector_store_idx %arg15[%sub3A_890, %broadcast_in_dim3A_956], %gather3A_933 masked %lt3A_867 : memref<128x128xf32, #tpu.memory_space<vmem>>[vector<16xi32>, vector<16xi32>], vector<16xf32>, vector<16xi1>
            %broadcast_in_dim3A_957 = arith.constant 9 : i32
            %broadcast_in_dim3A_958 = vector.broadcast %broadcast_in_dim3A_957 : i32 to vector<16xi32>
            tpu.vector_store_idx %arg15[%sub3A_890, %broadcast_in_dim3A_958], %gather3A_936 masked %lt3A_867 : memref<128x128xf32, #tpu.memory_space<vmem>>[vector<16xi32>, vector<16xi32>], vector<16xf32>, vector<16xi1>
            %broadcast_in_dim3A_959 = arith.constant 10 : i32
            %broadcast_in_dim3A_960 = vector.broadcast %broadcast_in_dim3A_959 : i32 to vector<16xi32>
            tpu.vector_store_idx %arg15[%sub3A_890, %broadcast_in_dim3A_960], %gather3A_939 masked %lt3A_867 : memref<128x128xf32, #tpu.memory_space<vmem>>[vector<16xi32>, vector<16xi32>], vector<16xf32>, vector<16xi1>
            %broadcast_in_dim3A_961 = arith.constant 11 : i32
            %broadcast_in_dim3A_962 = vector.broadcast %broadcast_in_dim3A_961 : i32 to vector<16xi32>
            tpu.vector_store_idx %arg15[%sub3A_890, %broadcast_in_dim3A_962], %gather3A_942 masked %lt3A_867 : memref<128x128xf32, #tpu.memory_space<vmem>>[vector<16xi32>, vector<16xi32>], vector<16xf32>, vector<16xi1>
            %broadcast_in_dim3A_963 = arith.constant 12 : i32
            %broadcast_in_dim3A_964 = vector.broadcast %broadcast_in_dim3A_963 : i32 to vector<16xi32>
            tpu.vector_store_idx %arg15[%sub3A_890, %broadcast_in_dim3A_964], %gather3A_945 masked %lt3A_867 : memref<128x128xf32, #tpu.memory_space<vmem>>[vector<16xi32>, vector<16xi32>], vector<16xf32>, vector<16xi1>
            %broadcast_in_dim3A_965 = arith.constant 13 : i32
            %broadcast_in_dim3A_966 = vector.broadcast %broadcast_in_dim3A_965 : i32 to vector<16xi32>
            tpu.vector_store_idx %arg15[%sub3A_890, %broadcast_in_dim3A_966], %gather3A_948 masked %lt3A_867 : memref<128x128xf32, #tpu.memory_space<vmem>>[vector<16xi32>, vector<16xi32>], vector<16xf32>, vector<16xi1>
            %broadcast_in_dim3A_967 = arith.constant 14 : i32
            %broadcast_in_dim3A_968 = vector.broadcast %broadcast_in_dim3A_967 : i32 to vector<16xi32>
            tpu.vector_store_idx %arg15[%sub3A_890, %broadcast_in_dim3A_968], %gather3A_951 masked %lt3A_867 : memref<128x128xf32, #tpu.memory_space<vmem>>[vector<16xi32>, vector<16xi32>], vector<16xf32>, vector<16xi1>
            %broadcast_in_dim3A_969 = arith.constant 15 : i32
            %broadcast_in_dim3A_970 = vector.broadcast %broadcast_in_dim3A_969 : i32 to vector<16xi32>
            tpu.vector_store_idx %arg15[%sub3A_890, %broadcast_in_dim3A_970], %gather3A_954 masked %lt3A_867 : memref<128x128xf32, #tpu.memory_space<vmem>>[vector<16xi32>, vector<16xi32>], vector<16xf32>, vector<16xi1>
            %broadcast_in_dim3A_971 = arith.constant 16 : i32
            %broadcast_in_dim3A_972 = vector.broadcast %broadcast_in_dim3A_971 : i32 to vector<16xi32>
            %gather3A_973 = tpu.vector_load_idx %arg14[%sub3A_872, %broadcast_in_dim3A_972, %and3A_878] masked %lt3A_867 : memref<6x64x128xf32, #tpu.memory_space<vmem>>[vector<16xi32>, vector<16xi32>, vector<16xi32>], vector<16xf32>, vector<16xi1>
            %broadcast_in_dim3A_974 = arith.constant 17 : i32
            %broadcast_in_dim3A_975 = vector.broadcast %broadcast_in_dim3A_974 : i32 to vector<16xi32>
            %gather3A_976 = tpu.vector_load_idx %arg14[%sub3A_872, %broadcast_in_dim3A_975, %and3A_878] masked %lt3A_867 : memref<6x64x128xf32, #tpu.memory_space<vmem>>[vector<16xi32>, vector<16xi32>, vector<16xi32>], vector<16xf32>, vector<16xi1>
            %broadcast_in_dim3A_977 = arith.constant 18 : i32
            %broadcast_in_dim3A_978 = vector.broadcast %broadcast_in_dim3A_977 : i32 to vector<16xi32>
            %gather3A_979 = tpu.vector_load_idx %arg14[%sub3A_872, %broadcast_in_dim3A_978, %and3A_878] masked %lt3A_867 : memref<6x64x128xf32, #tpu.memory_space<vmem>>[vector<16xi32>, vector<16xi32>, vector<16xi32>], vector<16xf32>, vector<16xi1>
            %broadcast_in_dim3A_980 = arith.constant 19 : i32
            %broadcast_in_dim3A_981 = vector.broadcast %broadcast_in_dim3A_980 : i32 to vector<16xi32>
            %gather3A_982 = tpu.vector_load_idx %arg14[%sub3A_872, %broadcast_in_dim3A_981, %and3A_878] masked %lt3A_867 : memref<6x64x128xf32, #tpu.memory_space<vmem>>[vector<16xi32>, vector<16xi32>, vector<16xi32>], vector<16xf32>, vector<16xi1>
            %broadcast_in_dim3A_983 = arith.constant 20 : i32
            %broadcast_in_dim3A_984 = vector.broadcast %broadcast_in_dim3A_983 : i32 to vector<16xi32>
            %gather3A_985 = tpu.vector_load_idx %arg14[%sub3A_872, %broadcast_in_dim3A_984, %and3A_878] masked %lt3A_867 : memref<6x64x128xf32, #tpu.memory_space<vmem>>[vector<16xi32>, vector<16xi32>, vector<16xi32>], vector<16xf32>, vector<16xi1>
            %broadcast_in_dim3A_986 = arith.constant 21 : i32
            %broadcast_in_dim3A_987 = vector.broadcast %broadcast_in_dim3A_986 : i32 to vector<16xi32>
            %gather3A_988 = tpu.vector_load_idx %arg14[%sub3A_872, %broadcast_in_dim3A_987, %and3A_878] masked %lt3A_867 : memref<6x64x128xf32, #tpu.memory_space<vmem>>[vector<16xi32>, vector<16xi32>, vector<16xi32>], vector<16xf32>, vector<16xi1>
            %broadcast_in_dim3A_989 = arith.constant 22 : i32
            %broadcast_in_dim3A_990 = vector.broadcast %broadcast_in_dim3A_989 : i32 to vector<16xi32>
            %gather3A_991 = tpu.vector_load_idx %arg14[%sub3A_872, %broadcast_in_dim3A_990, %and3A_878] masked %lt3A_867 : memref<6x64x128xf32, #tpu.memory_space<vmem>>[vector<16xi32>, vector<16xi32>, vector<16xi32>], vector<16xf32>, vector<16xi1>
            %broadcast_in_dim3A_992 = arith.constant 23 : i32
            %broadcast_in_dim3A_993 = vector.broadcast %broadcast_in_dim3A_992 : i32 to vector<16xi32>
            %gather3A_994 = tpu.vector_load_idx %arg14[%sub3A_872, %broadcast_in_dim3A_993, %and3A_878] masked %lt3A_867 : memref<6x64x128xf32, #tpu.memory_space<vmem>>[vector<16xi32>, vector<16xi32>, vector<16xi32>], vector<16xf32>, vector<16xi1>
            %broadcast_in_dim3A_995 = arith.constant 16 : i32
            %broadcast_in_dim3A_996 = vector.broadcast %broadcast_in_dim3A_995 : i32 to vector<16xi32>
            tpu.vector_store_idx %arg15[%sub3A_890, %broadcast_in_dim3A_996], %gather3A_973 masked %lt3A_867 : memref<128x128xf32, #tpu.memory_space<vmem>>[vector<16xi32>, vector<16xi32>], vector<16xf32>, vector<16xi1>
            %broadcast_in_dim3A_997 = arith.constant 17 : i32
            %broadcast_in_dim3A_998 = vector.broadcast %broadcast_in_dim3A_997 : i32 to vector<16xi32>
            tpu.vector_store_idx %arg15[%sub3A_890, %broadcast_in_dim3A_998], %gather3A_976 masked %lt3A_867 : memref<128x128xf32, #tpu.memory_space<vmem>>[vector<16xi32>, vector<16xi32>], vector<16xf32>, vector<16xi1>
            %broadcast_in_dim3A_999 = arith.constant 18 : i32
            %broadcast_in_dim3A_1000 = vector.broadcast %broadcast_in_dim3A_999 : i32 to vector<16xi32>
            tpu.vector_store_idx %arg15[%sub3A_890, %broadcast_in_dim3A_1000], %gather3A_979 masked %lt3A_867 : memref<128x128xf32, #tpu.memory_space<vmem>>[vector<16xi32>, vector<16xi32>], vector<16xf32>, vector<16xi1>
            %broadcast_in_dim3A_1001 = arith.constant 19 : i32
            %broadcast_in_dim3A_1002 = vector.broadcast %broadcast_in_dim3A_1001 : i32 to vector<16xi32>
            tpu.vector_store_idx %arg15[%sub3A_890, %broadcast_in_dim3A_1002], %gather3A_982 masked %lt3A_867 : memref<128x128xf32, #tpu.memory_space<vmem>>[vector<16xi32>, vector<16xi32>], vector<16xf32>, vector<16xi1>
            %broadcast_in_dim3A_1003 = arith.constant 20 : i32
            %broadcast_in_dim3A_1004 = vector.broadcast %broadcast_in_dim3A_1003 : i32 to vector<16xi32>
            tpu.vector_store_idx %arg15[%sub3A_890, %broadcast_in_dim3A_1004], %gather3A_985 masked %lt3A_867 : memref<128x128xf32, #tpu.memory_space<vmem>>[vector<16xi32>, vector<16xi32>], vector<16xf32>, vector<16xi1>
            %broadcast_in_dim3A_1005 = arith.constant 21 : i32
            %broadcast_in_dim3A_1006 = vector.broadcast %broadcast_in_dim3A_1005 : i32 to vector<16xi32>
            tpu.vector_store_idx %arg15[%sub3A_890, %broadcast_in_dim3A_1006], %gather3A_988 masked %lt3A_867 : memref<128x128xf32, #tpu.memory_space<vmem>>[vector<16xi32>, vector<16xi32>], vector<16xf32>, vector<16xi1>
            %broadcast_in_dim3A_1007 = arith.constant 22 : i32
            %broadcast_in_dim3A_1008 = vector.broadcast %broadcast_in_dim3A_1007 : i32 to vector<16xi32>
            tpu.vector_store_idx %arg15[%sub3A_890, %broadcast_in_dim3A_1008], %gather3A_991 masked %lt3A_867 : memref<128x128xf32, #tpu.memory_space<vmem>>[vector<16xi32>, vector<16xi32>], vector<16xf32>, vector<16xi1>
            %broadcast_in_dim3A_1009 = arith.constant 23 : i32
            %broadcast_in_dim3A_1010 = vector.broadcast %broadcast_in_dim3A_1009 : i32 to vector<16xi32>
            tpu.vector_store_idx %arg15[%sub3A_890, %broadcast_in_dim3A_1010], %gather3A_994 masked %lt3A_867 : memref<128x128xf32, #tpu.memory_space<vmem>>[vector<16xi32>, vector<16xi32>], vector<16xf32>, vector<16xi1>
            %broadcast_in_dim3A_1011 = arith.constant 24 : i32
            %broadcast_in_dim3A_1012 = vector.broadcast %broadcast_in_dim3A_1011 : i32 to vector<16xi32>
            %gather3A_1013 = tpu.vector_load_idx %arg14[%sub3A_872, %broadcast_in_dim3A_1012, %and3A_878] masked %lt3A_867 : memref<6x64x128xf32, #tpu.memory_space<vmem>>[vector<16xi32>, vector<16xi32>, vector<16xi32>], vector<16xf32>, vector<16xi1>
            %broadcast_in_dim3A_1014 = arith.constant 25 : i32
            %broadcast_in_dim3A_1015 = vector.broadcast %broadcast_in_dim3A_1014 : i32 to vector<16xi32>
            %gather3A_1016 = tpu.vector_load_idx %arg14[%sub3A_872, %broadcast_in_dim3A_1015, %and3A_878] masked %lt3A_867 : memref<6x64x128xf32, #tpu.memory_space<vmem>>[vector<16xi32>, vector<16xi32>, vector<16xi32>], vector<16xf32>, vector<16xi1>
            %broadcast_in_dim3A_1017 = arith.constant 26 : i32
            %broadcast_in_dim3A_1018 = vector.broadcast %broadcast_in_dim3A_1017 : i32 to vector<16xi32>
            %gather3A_1019 = tpu.vector_load_idx %arg14[%sub3A_872, %broadcast_in_dim3A_1018, %and3A_878] masked %lt3A_867 : memref<6x64x128xf32, #tpu.memory_space<vmem>>[vector<16xi32>, vector<16xi32>, vector<16xi32>], vector<16xf32>, vector<16xi1>
            %broadcast_in_dim3A_1020 = arith.constant 27 : i32
            %broadcast_in_dim3A_1021 = vector.broadcast %broadcast_in_dim3A_1020 : i32 to vector<16xi32>
            %gather3A_1022 = tpu.vector_load_idx %arg14[%sub3A_872, %broadcast_in_dim3A_1021, %and3A_878] masked %lt3A_867 : memref<6x64x128xf32, #tpu.memory_space<vmem>>[vector<16xi32>, vector<16xi32>, vector<16xi32>], vector<16xf32>, vector<16xi1>
            %broadcast_in_dim3A_1023 = arith.constant 28 : i32
            %broadcast_in_dim3A_1024 = vector.broadcast %broadcast_in_dim3A_1023 : i32 to vector<16xi32>
            %gather3A_1025 = tpu.vector_load_idx %arg14[%sub3A_872, %broadcast_in_dim3A_1024, %and3A_878] masked %lt3A_867 : memref<6x64x128xf32, #tpu.memory_space<vmem>>[vector<16xi32>, vector<16xi32>, vector<16xi32>], vector<16xf32>, vector<16xi1>
            %broadcast_in_dim3A_1026 = arith.constant 29 : i32
            %broadcast_in_dim3A_1027 = vector.broadcast %broadcast_in_dim3A_1026 : i32 to vector<16xi32>
            %gather3A_1028 = tpu.vector_load_idx %arg14[%sub3A_872, %broadcast_in_dim3A_1027, %and3A_878] masked %lt3A_867 : memref<6x64x128xf32, #tpu.memory_space<vmem>>[vector<16xi32>, vector<16xi32>, vector<16xi32>], vector<16xf32>, vector<16xi1>
            %broadcast_in_dim3A_1029 = arith.constant 30 : i32
            %broadcast_in_dim3A_1030 = vector.broadcast %broadcast_in_dim3A_1029 : i32 to vector<16xi32>
            %gather3A_1031 = tpu.vector_load_idx %arg14[%sub3A_872, %broadcast_in_dim3A_1030, %and3A_878] masked %lt3A_867 : memref<6x64x128xf32, #tpu.memory_space<vmem>>[vector<16xi32>, vector<16xi32>, vector<16xi32>], vector<16xf32>, vector<16xi1>
            %broadcast_in_dim3A_1032 = arith.constant 31 : i32
            %broadcast_in_dim3A_1033 = vector.broadcast %broadcast_in_dim3A_1032 : i32 to vector<16xi32>
            %gather3A_1034 = tpu.vector_load_idx %arg14[%sub3A_872, %broadcast_in_dim3A_1033, %and3A_878] masked %lt3A_867 : memref<6x64x128xf32, #tpu.memory_space<vmem>>[vector<16xi32>, vector<16xi32>, vector<16xi32>], vector<16xf32>, vector<16xi1>
            %broadcast_in_dim3A_1035 = arith.constant 24 : i32
            %broadcast_in_dim3A_1036 = vector.broadcast %broadcast_in_dim3A_1035 : i32 to vector<16xi32>
            tpu.vector_store_idx %arg15[%sub3A_890, %broadcast_in_dim3A_1036], %gather3A_1013 masked %lt3A_867 : memref<128x128xf32, #tpu.memory_space<vmem>>[vector<16xi32>, vector<16xi32>], vector<16xf32>, vector<16xi1>
            %broadcast_in_dim3A_1037 = arith.constant 25 : i32
            %broadcast_in_dim3A_1038 = vector.broadcast %broadcast_in_dim3A_1037 : i32 to vector<16xi32>
            tpu.vector_store_idx %arg15[%sub3A_890, %broadcast_in_dim3A_1038], %gather3A_1016 masked %lt3A_867 : memref<128x128xf32, #tpu.memory_space<vmem>>[vector<16xi32>, vector<16xi32>], vector<16xf32>, vector<16xi1>
            %broadcast_in_dim3A_1039 = arith.constant 26 : i32
            %broadcast_in_dim3A_1040 = vector.broadcast %broadcast_in_dim3A_1039 : i32 to vector<16xi32>
            tpu.vector_store_idx %arg15[%sub3A_890, %broadcast_in_dim3A_1040], %gather3A_1019 masked %lt3A_867 : memref<128x128xf32, #tpu.memory_space<vmem>>[vector<16xi32>, vector<16xi32>], vector<16xf32>, vector<16xi1>
            %broadcast_in_dim3A_1041 = arith.constant 27 : i32
            %broadcast_in_dim3A_1042 = vector.broadcast %broadcast_in_dim3A_1041 : i32 to vector<16xi32>
            tpu.vector_store_idx %arg15[%sub3A_890, %broadcast_in_dim3A_1042], %gather3A_1022 masked %lt3A_867 : memref<128x128xf32, #tpu.memory_space<vmem>>[vector<16xi32>, vector<16xi32>], vector<16xf32>, vector<16xi1>
            %broadcast_in_dim3A_1043 = arith.constant 28 : i32
            %broadcast_in_dim3A_1044 = vector.broadcast %broadcast_in_dim3A_1043 : i32 to vector<16xi32>
            tpu.vector_store_idx %arg15[%sub3A_890, %broadcast_in_dim3A_1044], %gather3A_1025 masked %lt3A_867 : memref<128x128xf32, #tpu.memory_space<vmem>>[vector<16xi32>, vector<16xi32>], vector<16xf32>, vector<16xi1>
            %broadcast_in_dim3A_1045 = arith.constant 29 : i32
            %broadcast_in_dim3A_1046 = vector.broadcast %broadcast_in_dim3A_1045 : i32 to vector<16xi32>
            tpu.vector_store_idx %arg15[%sub3A_890, %broadcast_in_dim3A_1046], %gather3A_1028 masked %lt3A_867 : memref<128x128xf32, #tpu.memory_space<vmem>>[vector<16xi32>, vector<16xi32>], vector<16xf32>, vector<16xi1>
            %broadcast_in_dim3A_1047 = arith.constant 30 : i32
            %broadcast_in_dim3A_1048 = vector.broadcast %broadcast_in_dim3A_1047 : i32 to vector<16xi32>
            tpu.vector_store_idx %arg15[%sub3A_890, %broadcast_in_dim3A_1048], %gather3A_1031 masked %lt3A_867 : memref<128x128xf32, #tpu.memory_space<vmem>>[vector<16xi32>, vector<16xi32>], vector<16xf32>, vector<16xi1>
            %broadcast_in_dim3A_1049 = arith.constant 31 : i32
            %broadcast_in_dim3A_1050 = vector.broadcast %broadcast_in_dim3A_1049 : i32 to vector<16xi32>
            tpu.vector_store_idx %arg15[%sub3A_890, %broadcast_in_dim3A_1050], %gather3A_1034 masked %lt3A_867 : memref<128x128xf32, #tpu.memory_space<vmem>>[vector<16xi32>, vector<16xi32>], vector<16xf32>, vector<16xi1>
            %broadcast_in_dim3A_1051 = arith.constant 32 : i32
            %broadcast_in_dim3A_1052 = vector.broadcast %broadcast_in_dim3A_1051 : i32 to vector<16xi32>
            %gather3A_1053 = tpu.vector_load_idx %arg14[%sub3A_872, %broadcast_in_dim3A_1052, %and3A_878] masked %lt3A_867 : memref<6x64x128xf32, #tpu.memory_space<vmem>>[vector<16xi32>, vector<16xi32>, vector<16xi32>], vector<16xf32>, vector<16xi1>
            %broadcast_in_dim3A_1054 = arith.constant 33 : i32
            %broadcast_in_dim3A_1055 = vector.broadcast %broadcast_in_dim3A_1054 : i32 to vector<16xi32>
            %gather3A_1056 = tpu.vector_load_idx %arg14[%sub3A_872, %broadcast_in_dim3A_1055, %and3A_878] masked %lt3A_867 : memref<6x64x128xf32, #tpu.memory_space<vmem>>[vector<16xi32>, vector<16xi32>, vector<16xi32>], vector<16xf32>, vector<16xi1>
            %broadcast_in_dim3A_1057 = arith.constant 34 : i32
            %broadcast_in_dim3A_1058 = vector.broadcast %broadcast_in_dim3A_1057 : i32 to vector<16xi32>
            %gather3A_1059 = tpu.vector_load_idx %arg14[%sub3A_872, %broadcast_in_dim3A_1058, %and3A_878] masked %lt3A_867 : memref<6x64x128xf32, #tpu.memory_space<vmem>>[vector<16xi32>, vector<16xi32>, vector<16xi32>], vector<16xf32>, vector<16xi1>
            %broadcast_in_dim3A_1060 = arith.constant 35 : i32
            %broadcast_in_dim3A_1061 = vector.broadcast %broadcast_in_dim3A_1060 : i32 to vector<16xi32>
            %gather3A_1062 = tpu.vector_load_idx %arg14[%sub3A_872, %broadcast_in_dim3A_1061, %and3A_878] masked %lt3A_867 : memref<6x64x128xf32, #tpu.memory_space<vmem>>[vector<16xi32>, vector<16xi32>, vector<16xi32>], vector<16xf32>, vector<16xi1>
            %broadcast_in_dim3A_1063 = arith.constant 36 : i32
            %broadcast_in_dim3A_1064 = vector.broadcast %broadcast_in_dim3A_1063 : i32 to vector<16xi32>
            %gather3A_1065 = tpu.vector_load_idx %arg14[%sub3A_872, %broadcast_in_dim3A_1064, %and3A_878] masked %lt3A_867 : memref<6x64x128xf32, #tpu.memory_space<vmem>>[vector<16xi32>, vector<16xi32>, vector<16xi32>], vector<16xf32>, vector<16xi1>
            %broadcast_in_dim3A_1066 = arith.constant 37 : i32
            %broadcast_in_dim3A_1067 = vector.broadcast %broadcast_in_dim3A_1066 : i32 to vector<16xi32>
            %gather3A_1068 = tpu.vector_load_idx %arg14[%sub3A_872, %broadcast_in_dim3A_1067, %and3A_878] masked %lt3A_867 : memref<6x64x128xf32, #tpu.memory_space<vmem>>[vector<16xi32>, vector<16xi32>, vector<16xi32>], vector<16xf32>, vector<16xi1>
            %broadcast_in_dim3A_1069 = arith.constant 38 : i32
            %broadcast_in_dim3A_1070 = vector.broadcast %broadcast_in_dim3A_1069 : i32 to vector<16xi32>
            %gather3A_1071 = tpu.vector_load_idx %arg14[%sub3A_872, %broadcast_in_dim3A_1070, %and3A_878] masked %lt3A_867 : memref<6x64x128xf32, #tpu.memory_space<vmem>>[vector<16xi32>, vector<16xi32>, vector<16xi32>], vector<16xf32>, vector<16xi1>
            %broadcast_in_dim3A_1072 = arith.constant 39 : i32
            %broadcast_in_dim3A_1073 = vector.broadcast %broadcast_in_dim3A_1072 : i32 to vector<16xi32>
            %gather3A_1074 = tpu.vector_load_idx %arg14[%sub3A_872, %broadcast_in_dim3A_1073, %and3A_878] masked %lt3A_867 : memref<6x64x128xf32, #tpu.memory_space<vmem>>[vector<16xi32>, vector<16xi32>, vector<16xi32>], vector<16xf32>, vector<16xi1>
            %broadcast_in_dim3A_1075 = arith.constant 32 : i32
            %broadcast_in_dim3A_1076 = vector.broadcast %broadcast_in_dim3A_1075 : i32 to vector<16xi32>
            tpu.vector_store_idx %arg15[%sub3A_890, %broadcast_in_dim3A_1076], %gather3A_1053 masked %lt3A_867 : memref<128x128xf32, #tpu.memory_space<vmem>>[vector<16xi32>, vector<16xi32>], vector<16xf32>, vector<16xi1>
            %broadcast_in_dim3A_1077 = arith.constant 33 : i32
            %broadcast_in_dim3A_1078 = vector.broadcast %broadcast_in_dim3A_1077 : i32 to vector<16xi32>
            tpu.vector_store_idx %arg15[%sub3A_890, %broadcast_in_dim3A_1078], %gather3A_1056 masked %lt3A_867 : memref<128x128xf32, #tpu.memory_space<vmem>>[vector<16xi32>, vector<16xi32>], vector<16xf32>, vector<16xi1>
            %broadcast_in_dim3A_1079 = arith.constant 34 : i32
            %broadcast_in_dim3A_1080 = vector.broadcast %broadcast_in_dim3A_1079 : i32 to vector<16xi32>
            tpu.vector_store_idx %arg15[%sub3A_890, %broadcast_in_dim3A_1080], %gather3A_1059 masked %lt3A_867 : memref<128x128xf32, #tpu.memory_space<vmem>>[vector<16xi32>, vector<16xi32>], vector<16xf32>, vector<16xi1>
            %broadcast_in_dim3A_1081 = arith.constant 35 : i32
            %broadcast_in_dim3A_1082 = vector.broadcast %broadcast_in_dim3A_1081 : i32 to vector<16xi32>
            tpu.vector_store_idx %arg15[%sub3A_890, %broadcast_in_dim3A_1082], %gather3A_1062 masked %lt3A_867 : memref<128x128xf32, #tpu.memory_space<vmem>>[vector<16xi32>, vector<16xi32>], vector<16xf32>, vector<16xi1>
            %broadcast_in_dim3A_1083 = arith.constant 36 : i32
            %broadcast_in_dim3A_1084 = vector.broadcast %broadcast_in_dim3A_1083 : i32 to vector<16xi32>
            tpu.vector_store_idx %arg15[%sub3A_890, %broadcast_in_dim3A_1084], %gather3A_1065 masked %lt3A_867 : memref<128x128xf32, #tpu.memory_space<vmem>>[vector<16xi32>, vector<16xi32>], vector<16xf32>, vector<16xi1>
            %broadcast_in_dim3A_1085 = arith.constant 37 : i32
            %broadcast_in_dim3A_1086 = vector.broadcast %broadcast_in_dim3A_1085 : i32 to vector<16xi32>
            tpu.vector_store_idx %arg15[%sub3A_890, %broadcast_in_dim3A_1086], %gather3A_1068 masked %lt3A_867 : memref<128x128xf32, #tpu.memory_space<vmem>>[vector<16xi32>, vector<16xi32>], vector<16xf32>, vector<16xi1>
            %broadcast_in_dim3A_1087 = arith.constant 38 : i32
            %broadcast_in_dim3A_1088 = vector.broadcast %broadcast_in_dim3A_1087 : i32 to vector<16xi32>
            tpu.vector_store_idx %arg15[%sub3A_890, %broadcast_in_dim3A_1088], %gather3A_1071 masked %lt3A_867 : memref<128x128xf32, #tpu.memory_space<vmem>>[vector<16xi32>, vector<16xi32>], vector<16xf32>, vector<16xi1>
            %broadcast_in_dim3A_1089 = arith.constant 39 : i32
            %broadcast_in_dim3A_1090 = vector.broadcast %broadcast_in_dim3A_1089 : i32 to vector<16xi32>
            tpu.vector_store_idx %arg15[%sub3A_890, %broadcast_in_dim3A_1090], %gather3A_1074 masked %lt3A_867 : memref<128x128xf32, #tpu.memory_space<vmem>>[vector<16xi32>, vector<16xi32>], vector<16xf32>, vector<16xi1>
            %broadcast_in_dim3A_1091 = arith.constant 40 : i32
            %broadcast_in_dim3A_1092 = vector.broadcast %broadcast_in_dim3A_1091 : i32 to vector<16xi32>
            %gather3A_1093 = tpu.vector_load_idx %arg14[%sub3A_872, %broadcast_in_dim3A_1092, %and3A_878] masked %lt3A_867 : memref<6x64x128xf32, #tpu.memory_space<vmem>>[vector<16xi32>, vector<16xi32>, vector<16xi32>], vector<16xf32>, vector<16xi1>
            %broadcast_in_dim3A_1094 = arith.constant 41 : i32
            %broadcast_in_dim3A_1095 = vector.broadcast %broadcast_in_dim3A_1094 : i32 to vector<16xi32>
            %gather3A_1096 = tpu.vector_load_idx %arg14[%sub3A_872, %broadcast_in_dim3A_1095, %and3A_878] masked %lt3A_867 : memref<6x64x128xf32, #tpu.memory_space<vmem>>[vector<16xi32>, vector<16xi32>, vector<16xi32>], vector<16xf32>, vector<16xi1>
            %broadcast_in_dim3A_1097 = arith.constant 42 : i32
            %broadcast_in_dim3A_1098 = vector.broadcast %broadcast_in_dim3A_1097 : i32 to vector<16xi32>
            %gather3A_1099 = tpu.vector_load_idx %arg14[%sub3A_872, %broadcast_in_dim3A_1098, %and3A_878] masked %lt3A_867 : memref<6x64x128xf32, #tpu.memory_space<vmem>>[vector<16xi32>, vector<16xi32>, vector<16xi32>], vector<16xf32>, vector<16xi1>
            %broadcast_in_dim3A_1100 = arith.constant 43 : i32
            %broadcast_in_dim3A_1101 = vector.broadcast %broadcast_in_dim3A_1100 : i32 to vector<16xi32>
            %gather3A_1102 = tpu.vector_load_idx %arg14[%sub3A_872, %broadcast_in_dim3A_1101, %and3A_878] masked %lt3A_867 : memref<6x64x128xf32, #tpu.memory_space<vmem>>[vector<16xi32>, vector<16xi32>, vector<16xi32>], vector<16xf32>, vector<16xi1>
            %broadcast_in_dim3A_1103 = arith.constant 44 : i32
            %broadcast_in_dim3A_1104 = vector.broadcast %broadcast_in_dim3A_1103 : i32 to vector<16xi32>
            %gather3A_1105 = tpu.vector_load_idx %arg14[%sub3A_872, %broadcast_in_dim3A_1104, %and3A_878] masked %lt3A_867 : memref<6x64x128xf32, #tpu.memory_space<vmem>>[vector<16xi32>, vector<16xi32>, vector<16xi32>], vector<16xf32>, vector<16xi1>
            %broadcast_in_dim3A_1106 = arith.constant 45 : i32
            %broadcast_in_dim3A_1107 = vector.broadcast %broadcast_in_dim3A_1106 : i32 to vector<16xi32>
            %gather3A_1108 = tpu.vector_load_idx %arg14[%sub3A_872, %broadcast_in_dim3A_1107, %and3A_878] masked %lt3A_867 : memref<6x64x128xf32, #tpu.memory_space<vmem>>[vector<16xi32>, vector<16xi32>, vector<16xi32>], vector<16xf32>, vector<16xi1>
            %broadcast_in_dim3A_1109 = arith.constant 46 : i32
            %broadcast_in_dim3A_1110 = vector.broadcast %broadcast_in_dim3A_1109 : i32 to vector<16xi32>
            %gather3A_1111 = tpu.vector_load_idx %arg14[%sub3A_872, %broadcast_in_dim3A_1110, %and3A_878] masked %lt3A_867 : memref<6x64x128xf32, #tpu.memory_space<vmem>>[vector<16xi32>, vector<16xi32>, vector<16xi32>], vector<16xf32>, vector<16xi1>
            %broadcast_in_dim3A_1112 = arith.constant 47 : i32
            %broadcast_in_dim3A_1113 = vector.broadcast %broadcast_in_dim3A_1112 : i32 to vector<16xi32>
            %gather3A_1114 = tpu.vector_load_idx %arg14[%sub3A_872, %broadcast_in_dim3A_1113, %and3A_878] masked %lt3A_867 : memref<6x64x128xf32, #tpu.memory_space<vmem>>[vector<16xi32>, vector<16xi32>, vector<16xi32>], vector<16xf32>, vector<16xi1>
            %broadcast_in_dim3A_1115 = arith.constant 40 : i32
            %broadcast_in_dim3A_1116 = vector.broadcast %broadcast_in_dim3A_1115 : i32 to vector<16xi32>
            tpu.vector_store_idx %arg15[%sub3A_890, %broadcast_in_dim3A_1116], %gather3A_1093 masked %lt3A_867 : memref<128x128xf32, #tpu.memory_space<vmem>>[vector<16xi32>, vector<16xi32>], vector<16xf32>, vector<16xi1>
            %broadcast_in_dim3A_1117 = arith.constant 41 : i32
            %broadcast_in_dim3A_1118 = vector.broadcast %broadcast_in_dim3A_1117 : i32 to vector<16xi32>
            tpu.vector_store_idx %arg15[%sub3A_890, %broadcast_in_dim3A_1118], %gather3A_1096 masked %lt3A_867 : memref<128x128xf32, #tpu.memory_space<vmem>>[vector<16xi32>, vector<16xi32>], vector<16xf32>, vector<16xi1>
            %broadcast_in_dim3A_1119 = arith.constant 42 : i32
            %broadcast_in_dim3A_1120 = vector.broadcast %broadcast_in_dim3A_1119 : i32 to vector<16xi32>
            tpu.vector_store_idx %arg15[%sub3A_890, %broadcast_in_dim3A_1120], %gather3A_1099 masked %lt3A_867 : memref<128x128xf32, #tpu.memory_space<vmem>>[vector<16xi32>, vector<16xi32>], vector<16xf32>, vector<16xi1>
            %broadcast_in_dim3A_1121 = arith.constant 43 : i32
            %broadcast_in_dim3A_1122 = vector.broadcast %broadcast_in_dim3A_1121 : i32 to vector<16xi32>
            tpu.vector_store_idx %arg15[%sub3A_890, %broadcast_in_dim3A_1122], %gather3A_1102 masked %lt3A_867 : memref<128x128xf32, #tpu.memory_space<vmem>>[vector<16xi32>, vector<16xi32>], vector<16xf32>, vector<16xi1>
            %broadcast_in_dim3A_1123 = arith.constant 44 : i32
            %broadcast_in_dim3A_1124 = vector.broadcast %broadcast_in_dim3A_1123 : i32 to vector<16xi32>
            tpu.vector_store_idx %arg15[%sub3A_890, %broadcast_in_dim3A_1124], %gather3A_1105 masked %lt3A_867 : memref<128x128xf32, #tpu.memory_space<vmem>>[vector<16xi32>, vector<16xi32>], vector<16xf32>, vector<16xi1>
            %broadcast_in_dim3A_1125 = arith.constant 45 : i32
            %broadcast_in_dim3A_1126 = vector.broadcast %broadcast_in_dim3A_1125 : i32 to vector<16xi32>
            tpu.vector_store_idx %arg15[%sub3A_890, %broadcast_in_dim3A_1126], %gather3A_1108 masked %lt3A_867 : memref<128x128xf32, #tpu.memory_space<vmem>>[vector<16xi32>, vector<16xi32>], vector<16xf32>, vector<16xi1>
            %broadcast_in_dim3A_1127 = arith.constant 46 : i32
            %broadcast_in_dim3A_1128 = vector.broadcast %broadcast_in_dim3A_1127 : i32 to vector<16xi32>
            tpu.vector_store_idx %arg15[%sub3A_890, %broadcast_in_dim3A_1128], %gather3A_1111 masked %lt3A_867 : memref<128x128xf32, #tpu.memory_space<vmem>>[vector<16xi32>, vector<16xi32>], vector<16xf32>, vector<16xi1>
            %broadcast_in_dim3A_1129 = arith.constant 47 : i32
            %broadcast_in_dim3A_1130 = vector.broadcast %broadcast_in_dim3A_1129 : i32 to vector<16xi32>
            tpu.vector_store_idx %arg15[%sub3A_890, %broadcast_in_dim3A_1130], %gather3A_1114 masked %lt3A_867 : memref<128x128xf32, #tpu.memory_space<vmem>>[vector<16xi32>, vector<16xi32>], vector<16xf32>, vector<16xi1>
            %broadcast_in_dim3A_1131 = arith.constant 48 : i32
            %broadcast_in_dim3A_1132 = vector.broadcast %broadcast_in_dim3A_1131 : i32 to vector<16xi32>
            %gather3A_1133 = tpu.vector_load_idx %arg14[%sub3A_872, %broadcast_in_dim3A_1132, %and3A_878] masked %lt3A_867 : memref<6x64x128xf32, #tpu.memory_space<vmem>>[vector<16xi32>, vector<16xi32>, vector<16xi32>], vector<16xf32>, vector<16xi1>
            %broadcast_in_dim3A_1134 = arith.constant 49 : i32
            %broadcast_in_dim3A_1135 = vector.broadcast %broadcast_in_dim3A_1134 : i32 to vector<16xi32>
            %gather3A_1136 = tpu.vector_load_idx %arg14[%sub3A_872, %broadcast_in_dim3A_1135, %and3A_878] masked %lt3A_867 : memref<6x64x128xf32, #tpu.memory_space<vmem>>[vector<16xi32>, vector<16xi32>, vector<16xi32>], vector<16xf32>, vector<16xi1>
            %broadcast_in_dim3A_1137 = arith.constant 50 : i32
            %broadcast_in_dim3A_1138 = vector.broadcast %broadcast_in_dim3A_1137 : i32 to vector<16xi32>
            %gather3A_1139 = tpu.vector_load_idx %arg14[%sub3A_872, %broadcast_in_dim3A_1138, %and3A_878] masked %lt3A_867 : memref<6x64x128xf32, #tpu.memory_space<vmem>>[vector<16xi32>, vector<16xi32>, vector<16xi32>], vector<16xf32>, vector<16xi1>
            %broadcast_in_dim3A_1140 = arith.constant 51 : i32
            %broadcast_in_dim3A_1141 = vector.broadcast %broadcast_in_dim3A_1140 : i32 to vector<16xi32>
            %gather3A_1142 = tpu.vector_load_idx %arg14[%sub3A_872, %broadcast_in_dim3A_1141, %and3A_878] masked %lt3A_867 : memref<6x64x128xf32, #tpu.memory_space<vmem>>[vector<16xi32>, vector<16xi32>, vector<16xi32>], vector<16xf32>, vector<16xi1>
            %broadcast_in_dim3A_1143 = arith.constant 52 : i32
            %broadcast_in_dim3A_1144 = vector.broadcast %broadcast_in_dim3A_1143 : i32 to vector<16xi32>
            %gather3A_1145 = tpu.vector_load_idx %arg14[%sub3A_872, %broadcast_in_dim3A_1144, %and3A_878] masked %lt3A_867 : memref<6x64x128xf32, #tpu.memory_space<vmem>>[vector<16xi32>, vector<16xi32>, vector<16xi32>], vector<16xf32>, vector<16xi1>
            %broadcast_in_dim3A_1146 = arith.constant 53 : i32
            %broadcast_in_dim3A_1147 = vector.broadcast %broadcast_in_dim3A_1146 : i32 to vector<16xi32>
            %gather3A_1148 = tpu.vector_load_idx %arg14[%sub3A_872, %broadcast_in_dim3A_1147, %and3A_878] masked %lt3A_867 : memref<6x64x128xf32, #tpu.memory_space<vmem>>[vector<16xi32>, vector<16xi32>, vector<16xi32>], vector<16xf32>, vector<16xi1>
            %broadcast_in_dim3A_1149 = arith.constant 54 : i32
            %broadcast_in_dim3A_1150 = vector.broadcast %broadcast_in_dim3A_1149 : i32 to vector<16xi32>
            %gather3A_1151 = tpu.vector_load_idx %arg14[%sub3A_872, %broadcast_in_dim3A_1150, %and3A_878] masked %lt3A_867 : memref<6x64x128xf32, #tpu.memory_space<vmem>>[vector<16xi32>, vector<16xi32>, vector<16xi32>], vector<16xf32>, vector<16xi1>
            %broadcast_in_dim3A_1152 = arith.constant 55 : i32
            %broadcast_in_dim3A_1153 = vector.broadcast %broadcast_in_dim3A_1152 : i32 to vector<16xi32>
            %gather3A_1154 = tpu.vector_load_idx %arg14[%sub3A_872, %broadcast_in_dim3A_1153, %and3A_878] masked %lt3A_867 : memref<6x64x128xf32, #tpu.memory_space<vmem>>[vector<16xi32>, vector<16xi32>, vector<16xi32>], vector<16xf32>, vector<16xi1>
            %broadcast_in_dim3A_1155 = arith.constant 48 : i32
            %broadcast_in_dim3A_1156 = vector.broadcast %broadcast_in_dim3A_1155 : i32 to vector<16xi32>
            tpu.vector_store_idx %arg15[%sub3A_890, %broadcast_in_dim3A_1156], %gather3A_1133 masked %lt3A_867 : memref<128x128xf32, #tpu.memory_space<vmem>>[vector<16xi32>, vector<16xi32>], vector<16xf32>, vector<16xi1>
            %broadcast_in_dim3A_1157 = arith.constant 49 : i32
            %broadcast_in_dim3A_1158 = vector.broadcast %broadcast_in_dim3A_1157 : i32 to vector<16xi32>
            tpu.vector_store_idx %arg15[%sub3A_890, %broadcast_in_dim3A_1158], %gather3A_1136 masked %lt3A_867 : memref<128x128xf32, #tpu.memory_space<vmem>>[vector<16xi32>, vector<16xi32>], vector<16xf32>, vector<16xi1>
            %broadcast_in_dim3A_1159 = arith.constant 50 : i32
            %broadcast_in_dim3A_1160 = vector.broadcast %broadcast_in_dim3A_1159 : i32 to vector<16xi32>
            tpu.vector_store_idx %arg15[%sub3A_890, %broadcast_in_dim3A_1160], %gather3A_1139 masked %lt3A_867 : memref<128x128xf32, #tpu.memory_space<vmem>>[vector<16xi32>, vector<16xi32>], vector<16xf32>, vector<16xi1>
            %broadcast_in_dim3A_1161 = arith.constant 51 : i32
            %broadcast_in_dim3A_1162 = vector.broadcast %broadcast_in_dim3A_1161 : i32 to vector<16xi32>
            tpu.vector_store_idx %arg15[%sub3A_890, %broadcast_in_dim3A_1162], %gather3A_1142 masked %lt3A_867 : memref<128x128xf32, #tpu.memory_space<vmem>>[vector<16xi32>, vector<16xi32>], vector<16xf32>, vector<16xi1>
            %broadcast_in_dim3A_1163 = arith.constant 52 : i32
            %broadcast_in_dim3A_1164 = vector.broadcast %broadcast_in_dim3A_1163 : i32 to vector<16xi32>
            tpu.vector_store_idx %arg15[%sub3A_890, %broadcast_in_dim3A_1164], %gather3A_1145 masked %lt3A_867 : memref<128x128xf32, #tpu.memory_space<vmem>>[vector<16xi32>, vector<16xi32>], vector<16xf32>, vector<16xi1>
            %broadcast_in_dim3A_1165 = arith.constant 53 : i32
            %broadcast_in_dim3A_1166 = vector.broadcast %broadcast_in_dim3A_1165 : i32 to vector<16xi32>
            tpu.vector_store_idx %arg15[%sub3A_890, %broadcast_in_dim3A_1166], %gather3A_1148 masked %lt3A_867 : memref<128x128xf32, #tpu.memory_space<vmem>>[vector<16xi32>, vector<16xi32>], vector<16xf32>, vector<16xi1>
            %broadcast_in_dim3A_1167 = arith.constant 54 : i32
            %broadcast_in_dim3A_1168 = vector.broadcast %broadcast_in_dim3A_1167 : i32 to vector<16xi32>
            tpu.vector_store_idx %arg15[%sub3A_890, %broadcast_in_dim3A_1168], %gather3A_1151 masked %lt3A_867 : memref<128x128xf32, #tpu.memory_space<vmem>>[vector<16xi32>, vector<16xi32>], vector<16xf32>, vector<16xi1>
            %broadcast_in_dim3A_1169 = arith.constant 55 : i32
            %broadcast_in_dim3A_1170 = vector.broadcast %broadcast_in_dim3A_1169 : i32 to vector<16xi32>
            tpu.vector_store_idx %arg15[%sub3A_890, %broadcast_in_dim3A_1170], %gather3A_1154 masked %lt3A_867 : memref<128x128xf32, #tpu.memory_space<vmem>>[vector<16xi32>, vector<16xi32>], vector<16xf32>, vector<16xi1>
            %broadcast_in_dim3A_1171 = arith.constant 56 : i32
            %broadcast_in_dim3A_1172 = vector.broadcast %broadcast_in_dim3A_1171 : i32 to vector<16xi32>
            %gather3A_1173 = tpu.vector_load_idx %arg14[%sub3A_872, %broadcast_in_dim3A_1172, %and3A_878] masked %lt3A_867 : memref<6x64x128xf32, #tpu.memory_space<vmem>>[vector<16xi32>, vector<16xi32>, vector<16xi32>], vector<16xf32>, vector<16xi1>
            %broadcast_in_dim3A_1174 = arith.constant 57 : i32
            %broadcast_in_dim3A_1175 = vector.broadcast %broadcast_in_dim3A_1174 : i32 to vector<16xi32>
            %gather3A_1176 = tpu.vector_load_idx %arg14[%sub3A_872, %broadcast_in_dim3A_1175, %and3A_878] masked %lt3A_867 : memref<6x64x128xf32, #tpu.memory_space<vmem>>[vector<16xi32>, vector<16xi32>, vector<16xi32>], vector<16xf32>, vector<16xi1>
            %broadcast_in_dim3A_1177 = arith.constant 58 : i32
            %broadcast_in_dim3A_1178 = vector.broadcast %broadcast_in_dim3A_1177 : i32 to vector<16xi32>
            %gather3A_1179 = tpu.vector_load_idx %arg14[%sub3A_872, %broadcast_in_dim3A_1178, %and3A_878] masked %lt3A_867 : memref<6x64x128xf32, #tpu.memory_space<vmem>>[vector<16xi32>, vector<16xi32>, vector<16xi32>], vector<16xf32>, vector<16xi1>
            %broadcast_in_dim3A_1180 = arith.constant 59 : i32
            %broadcast_in_dim3A_1181 = vector.broadcast %broadcast_in_dim3A_1180 : i32 to vector<16xi32>
            %gather3A_1182 = tpu.vector_load_idx %arg14[%sub3A_872, %broadcast_in_dim3A_1181, %and3A_878] masked %lt3A_867 : memref<6x64x128xf32, #tpu.memory_space<vmem>>[vector<16xi32>, vector<16xi32>, vector<16xi32>], vector<16xf32>, vector<16xi1>
            %broadcast_in_dim3A_1183 = arith.constant 60 : i32
            %broadcast_in_dim3A_1184 = vector.broadcast %broadcast_in_dim3A_1183 : i32 to vector<16xi32>
            %gather3A_1185 = tpu.vector_load_idx %arg14[%sub3A_872, %broadcast_in_dim3A_1184, %and3A_878] masked %lt3A_867 : memref<6x64x128xf32, #tpu.memory_space<vmem>>[vector<16xi32>, vector<16xi32>, vector<16xi32>], vector<16xf32>, vector<16xi1>
            %broadcast_in_dim3A_1186 = arith.constant 61 : i32
            %broadcast_in_dim3A_1187 = vector.broadcast %broadcast_in_dim3A_1186 : i32 to vector<16xi32>
            %gather3A_1188 = tpu.vector_load_idx %arg14[%sub3A_872, %broadcast_in_dim3A_1187, %and3A_878] masked %lt3A_867 : memref<6x64x128xf32, #tpu.memory_space<vmem>>[vector<16xi32>, vector<16xi32>, vector<16xi32>], vector<16xf32>, vector<16xi1>
            %broadcast_in_dim3A_1189 = arith.constant 62 : i32
            %broadcast_in_dim3A_1190 = vector.broadcast %broadcast_in_dim3A_1189 : i32 to vector<16xi32>
            %gather3A_1191 = tpu.vector_load_idx %arg14[%sub3A_872, %broadcast_in_dim3A_1190, %and3A_878] masked %lt3A_867 : memref<6x64x128xf32, #tpu.memory_space<vmem>>[vector<16xi32>, vector<16xi32>, vector<16xi32>], vector<16xf32>, vector<16xi1>
            %broadcast_in_dim3A_1192 = arith.constant 63 : i32
            %broadcast_in_dim3A_1193 = vector.broadcast %broadcast_in_dim3A_1192 : i32 to vector<16xi32>
            %gather3A_1194 = tpu.vector_load_idx %arg14[%sub3A_872, %broadcast_in_dim3A_1193, %and3A_878] masked %lt3A_867 : memref<6x64x128xf32, #tpu.memory_space<vmem>>[vector<16xi32>, vector<16xi32>, vector<16xi32>], vector<16xf32>, vector<16xi1>
            %broadcast_in_dim3A_1195 = arith.constant 56 : i32
            %broadcast_in_dim3A_1196 = vector.broadcast %broadcast_in_dim3A_1195 : i32 to vector<16xi32>
            tpu.vector_store_idx %arg15[%sub3A_890, %broadcast_in_dim3A_1196], %gather3A_1173 masked %lt3A_867 : memref<128x128xf32, #tpu.memory_space<vmem>>[vector<16xi32>, vector<16xi32>], vector<16xf32>, vector<16xi1>
            %broadcast_in_dim3A_1197 = arith.constant 57 : i32
            %broadcast_in_dim3A_1198 = vector.broadcast %broadcast_in_dim3A_1197 : i32 to vector<16xi32>
            tpu.vector_store_idx %arg15[%sub3A_890, %broadcast_in_dim3A_1198], %gather3A_1176 masked %lt3A_867 : memref<128x128xf32, #tpu.memory_space<vmem>>[vector<16xi32>, vector<16xi32>], vector<16xf32>, vector<16xi1>
            %broadcast_in_dim3A_1199 = arith.constant 58 : i32
            %broadcast_in_dim3A_1200 = vector.broadcast %broadcast_in_dim3A_1199 : i32 to vector<16xi32>
            tpu.vector_store_idx %arg15[%sub3A_890, %broadcast_in_dim3A_1200], %gather3A_1179 masked %lt3A_867 : memref<128x128xf32, #tpu.memory_space<vmem>>[vector<16xi32>, vector<16xi32>], vector<16xf32>, vector<16xi1>
            %broadcast_in_dim3A_1201 = arith.constant 59 : i32
            %broadcast_in_dim3A_1202 = vector.broadcast %broadcast_in_dim3A_1201 : i32 to vector<16xi32>
            tpu.vector_store_idx %arg15[%sub3A_890, %broadcast_in_dim3A_1202], %gather3A_1182 masked %lt3A_867 : memref<128x128xf32, #tpu.memory_space<vmem>>[vector<16xi32>, vector<16xi32>], vector<16xf32>, vector<16xi1>
            %broadcast_in_dim3A_1203 = arith.constant 60 : i32
            %broadcast_in_dim3A_1204 = vector.broadcast %broadcast_in_dim3A_1203 : i32 to vector<16xi32>
            tpu.vector_store_idx %arg15[%sub3A_890, %broadcast_in_dim3A_1204], %gather3A_1185 masked %lt3A_867 : memref<128x128xf32, #tpu.memory_space<vmem>>[vector<16xi32>, vector<16xi32>], vector<16xf32>, vector<16xi1>
            %broadcast_in_dim3A_1205 = arith.constant 61 : i32
            %broadcast_in_dim3A_1206 = vector.broadcast %broadcast_in_dim3A_1205 : i32 to vector<16xi32>
            tpu.vector_store_idx %arg15[%sub3A_890, %broadcast_in_dim3A_1206], %gather3A_1188 masked %lt3A_867 : memref<128x128xf32, #tpu.memory_space<vmem>>[vector<16xi32>, vector<16xi32>], vector<16xf32>, vector<16xi1>
            %broadcast_in_dim3A_1207 = arith.constant 62 : i32
            %broadcast_in_dim3A_1208 = vector.broadcast %broadcast_in_dim3A_1207 : i32 to vector<16xi32>
            tpu.vector_store_idx %arg15[%sub3A_890, %broadcast_in_dim3A_1208], %gather3A_1191 masked %lt3A_867 : memref<128x128xf32, #tpu.memory_space<vmem>>[vector<16xi32>, vector<16xi32>], vector<16xf32>, vector<16xi1>
            %broadcast_in_dim3A_1209 = arith.constant 63 : i32
            %broadcast_in_dim3A_1210 = vector.broadcast %broadcast_in_dim3A_1209 : i32 to vector<16xi32>
            tpu.vector_store_idx %arg15[%sub3A_890, %broadcast_in_dim3A_1210], %gather3A_1194 masked %lt3A_867 : memref<128x128xf32, #tpu.memory_space<vmem>>[vector<16xi32>, vector<16xi32>], vector<16xf32>, vector<16xi1>
            %broadcast_in_dim3A_1211 = arith.constant 0 : i32
            %broadcast_in_dim3A_1212 = vector.broadcast %broadcast_in_dim3A_1211 : i32 to vector<16xi32>
            tpu.vector_store_idx %arg16[%broadcast_in_dim3A_1212, %sub3A_890], %and3A_881 masked %lt3A_867 : memref<1x128xi32, #tpu.memory_space<vmem>>[vector<16xi32>, vector<16xi32>], vector<16xi32>, vector<16xi1>
            %convert_element_type3A_1213 = arith.extui %lt3A_867 : vector<16xi1> to vector<16xi32>
            %reduce_sum3A_1214 = arith.constant true
            %reduce_sum3A_1215 = vector.broadcast %reduce_sum3A_1214 : i1 to vector<16xi1>
            %reduce_sum3A_1216 = tpu.scan <sum>, %convert_element_type3A_1213 masked %reduce_sum3A_1215 : vector<16xi32>, vector<16xi1> -> vector<16xi32>
            %reduce_sum3A_1217 = vector.extract %reduce_sum3A_1216[15] : i32 from vector<16xi32>
            %add3A_1218 = arith.addi %while3A_859, %reduce_sum3A_1217 : i32
            %ge3A = arith.constant 112 : i32
            %ge3A_1219 = arith.cmpi sge, %add3A_1218, %ge3A : i32
            %convert_element_type3A_1220 = arith.extui %ge3A_1219 : i1 to i32
            %cond3A_1221 = arith.constant 0 : i32
            %cond3A_1222 = arith.cmpi ne, %convert_element_type3A_1220, %cond3A_1221 : i32
            %cond3A_1223 = scf.if %cond3A_1222 -> (i32) {
              %dma_start3A = arith.constant 0 : i32
              %dma_start3A_1224 = arith.constant 0 : i32
              %dma_start3A_1225 = tpu.memref_slice %arg16[%dma_start3A, %dma_start3A_1224] : memref<1x128xi32, #tpu.memory_space<vmem>> -> memref<1x128xi32, #tpu.memory_space<vmem>>
              %dma_start3A_1226 = tpu.memref_squeeze %dma_start3A_1225 : memref<1x128xi32, #tpu.memory_space<vmem>> -> memref<128xi32, #tpu.memory_space<vmem>>
              %dma_start3A_1227 = arith.constant 0 : i32
              %dma_start3A_1228 = arith.constant 0 : i32
              %dma_start3A_1229 = tpu.memref_slice %arg3[%dma_start3A_1227, %dma_start3A_1228] : memref<16448x128xf32, #tpu.memory_space<hbm>> -> memref<16448x128xf32, #tpu.memory_space<hbm>>
              tpu.enqueue_indirect_dma source(%dma_start3A_1229 : memref<16448x128xf32, #tpu.memory_space<hbm>>) target(%arg17 : memref<128x128xf32, #tpu.memory_space<vmem>>) offsets(%dma_start3A_1226 : memref<128xi32, #tpu.memory_space<vmem>>) semaphore(%arg26 : memref<!tpu.dma_semaphore, #tpu.memory_space<semaphore_mem>>)
              %dma_wait3A = arith.constant 0 : i32
              %dma_wait3A_1230 = arith.constant 0 : i32
              %dma_wait3A_1231 = tpu.memref_slice %arg16[%dma_wait3A, %dma_wait3A_1230] : memref<1x128xi32, #tpu.memory_space<vmem>> -> memref<1x128xi32, #tpu.memory_space<vmem>>
              %dma_wait3A_1232 = tpu.memref_squeeze %dma_wait3A_1231 : memref<1x128xi32, #tpu.memory_space<vmem>> -> memref<128xi32, #tpu.memory_space<vmem>>
              %dma_wait3A_1233 = arith.constant 0 : i32
              %dma_wait3A_1234 = arith.constant 0 : i32
              %dma_wait3A_1235 = tpu.memref_slice %arg3[%dma_wait3A_1233, %dma_wait3A_1234] : memref<16448x128xf32, #tpu.memory_space<hbm>> -> memref<16448x128xf32, #tpu.memory_space<hbm>>
              tpu.wait_indirect_dma semaphore(%arg26 : memref<!tpu.dma_semaphore, #tpu.memory_space<semaphore_mem>>) src(%dma_wait3A_1235 : memref<16448x128xf32, #tpu.memory_space<hbm>>) dst(%arg17 : memref<128x128xf32, #tpu.memory_space<vmem>>)
              %broadcast_in_dim3A_1236 = arith.constant 1 : i32
              %broadcast_in_dim3A_1237 = vector.broadcast %broadcast_in_dim3A_1236 : i32 to vector<16xi32>
              %gather3A_1238 = tpu.vector_load_idx %arg19[%broadcast_in_dim3A_1237] : memref<16xf32, #tpu.memory_space<vmem>>[vector<16xi32>], vector<16xf32>,
              %broadcast_in_dim3A_1239 = arith.constant 5 : i32
              %broadcast_in_dim3A_1240 = vector.broadcast %broadcast_in_dim3A_1239 : i32 to vector<16xi32>
              %gather3A_1241 = tpu.vector_load_idx %arg19[%broadcast_in_dim3A_1240] : memref<16xf32, #tpu.memory_space<vmem>>[vector<16xi32>], vector<16xf32>,
              %broadcast_in_dim3A_1242 = arith.constant 64 : i32
              %broadcast_in_dim3A_1243 = vector.broadcast %broadcast_in_dim3A_1242 : i32 to vector<16xi32>
              %broadcast_in_dim3A_1244 = arith.constant 0 : i32
              %broadcast_in_dim3A_1245 = vector.broadcast %broadcast_in_dim3A_1244 : i32 to vector<16xi32>
              %iota3A_1246 = tpu.iota {dimensions = array<i32: 0>} : vector<16xi32>
              %add3A_1247 = arith.constant 0 : i32
              %add3A_1248 = vector.broadcast %add3A_1247 : i32 to vector<16xi32>
              %add3A_1249 = arith.addi %iota3A_1246, %add3A_1248 : vector<16xi32>
              %gather3A_1250 = tpu.vector_load_idx %arg17[%add3A_1249, %broadcast_in_dim3A_1245] : memref<128x128xf32, #tpu.memory_space<vmem>>[vector<16xi32>, vector<16xi32>], vector<16xf32>,
              %sub3A_1251 = arith.subf %gather3A_1250, %gather3A_1238 : vector<16xf32>
              %mul3A_1252 = arith.mulf %sub3A_1251, %gather3A_1241 : vector<16xf32>
              tpu.vector_store_idx %arg15[%add3A_1249, %broadcast_in_dim3A_1243], %mul3A_1252 : memref<128x128xf32, #tpu.memory_space<vmem>>[vector<16xi32>, vector<16xi32>], vector<16xf32>,
              %iota3A_1253 = tpu.iota {dimensions = array<i32: 0>} : vector<16xi32>
              %add3A_1254 = arith.constant 16 : i32
              %add3A_1255 = vector.broadcast %add3A_1254 : i32 to vector<16xi32>
              %add3A_1256 = arith.addi %iota3A_1253, %add3A_1255 : vector<16xi32>
              %gather3A_1257 = tpu.vector_load_idx %arg17[%add3A_1256, %broadcast_in_dim3A_1245] : memref<128x128xf32, #tpu.memory_space<vmem>>[vector<16xi32>, vector<16xi32>], vector<16xf32>,
              %sub3A_1258 = arith.subf %gather3A_1257, %gather3A_1238 : vector<16xf32>
              %mul3A_1259 = arith.mulf %sub3A_1258, %gather3A_1241 : vector<16xf32>
              tpu.vector_store_idx %arg15[%add3A_1256, %broadcast_in_dim3A_1243], %mul3A_1259 : memref<128x128xf32, #tpu.memory_space<vmem>>[vector<16xi32>, vector<16xi32>], vector<16xf32>,
              %iota3A_1260 = tpu.iota {dimensions = array<i32: 0>} : vector<16xi32>
              %add3A_1261 = arith.constant 32 : i32
              %add3A_1262 = vector.broadcast %add3A_1261 : i32 to vector<16xi32>
              %add3A_1263 = arith.addi %iota3A_1260, %add3A_1262 : vector<16xi32>
              %gather3A_1264 = tpu.vector_load_idx %arg17[%add3A_1263, %broadcast_in_dim3A_1245] : memref<128x128xf32, #tpu.memory_space<vmem>>[vector<16xi32>, vector<16xi32>], vector<16xf32>,
              %sub3A_1265 = arith.subf %gather3A_1264, %gather3A_1238 : vector<16xf32>
              %mul3A_1266 = arith.mulf %sub3A_1265, %gather3A_1241 : vector<16xf32>
              tpu.vector_store_idx %arg15[%add3A_1263, %broadcast_in_dim3A_1243], %mul3A_1266 : memref<128x128xf32, #tpu.memory_space<vmem>>[vector<16xi32>, vector<16xi32>], vector<16xf32>,
              %iota3A_1267 = tpu.iota {dimensions = array<i32: 0>} : vector<16xi32>
              %add3A_1268 = arith.constant 48 : i32
              %add3A_1269 = vector.broadcast %add3A_1268 : i32 to vector<16xi32>
              %add3A_1270 = arith.addi %iota3A_1267, %add3A_1269 : vector<16xi32>
              %gather3A_1271 = tpu.vector_load_idx %arg17[%add3A_1270, %broadcast_in_dim3A_1245] : memref<128x128xf32, #tpu.memory_space<vmem>>[vector<16xi32>, vector<16xi32>], vector<16xf32>,
              %sub3A_1272 = arith.subf %gather3A_1271, %gather3A_1238 : vector<16xf32>
              %mul3A_1273 = arith.mulf %sub3A_1272, %gather3A_1241 : vector<16xf32>
              tpu.vector_store_idx %arg15[%add3A_1270, %broadcast_in_dim3A_1243], %mul3A_1273 : memref<128x128xf32, #tpu.memory_space<vmem>>[vector<16xi32>, vector<16xi32>], vector<16xf32>,
              %iota3A_1274 = tpu.iota {dimensions = array<i32: 0>} : vector<16xi32>
              %add3A_1275 = arith.constant 64 : i32
              %add3A_1276 = vector.broadcast %add3A_1275 : i32 to vector<16xi32>
              %add3A_1277 = arith.addi %iota3A_1274, %add3A_1276 : vector<16xi32>
              %gather3A_1278 = tpu.vector_load_idx %arg17[%add3A_1277, %broadcast_in_dim3A_1245] : memref<128x128xf32, #tpu.memory_space<vmem>>[vector<16xi32>, vector<16xi32>], vector<16xf32>,
              %sub3A_1279 = arith.subf %gather3A_1278, %gather3A_1238 : vector<16xf32>
              %mul3A_1280 = arith.mulf %sub3A_1279, %gather3A_1241 : vector<16xf32>
              tpu.vector_store_idx %arg15[%add3A_1277, %broadcast_in_dim3A_1243], %mul3A_1280 : memref<128x128xf32, #tpu.memory_space<vmem>>[vector<16xi32>, vector<16xi32>], vector<16xf32>,
              %iota3A_1281 = tpu.iota {dimensions = array<i32: 0>} : vector<16xi32>
              %add3A_1282 = arith.constant 80 : i32
              %add3A_1283 = vector.broadcast %add3A_1282 : i32 to vector<16xi32>
              %add3A_1284 = arith.addi %iota3A_1281, %add3A_1283 : vector<16xi32>
              %gather3A_1285 = tpu.vector_load_idx %arg17[%add3A_1284, %broadcast_in_dim3A_1245] : memref<128x128xf32, #tpu.memory_space<vmem>>[vector<16xi32>, vector<16xi32>], vector<16xf32>,
              %sub3A_1286 = arith.subf %gather3A_1285, %gather3A_1238 : vector<16xf32>
              %mul3A_1287 = arith.mulf %sub3A_1286, %gather3A_1241 : vector<16xf32>
              tpu.vector_store_idx %arg15[%add3A_1284, %broadcast_in_dim3A_1243], %mul3A_1287 : memref<128x128xf32, #tpu.memory_space<vmem>>[vector<16xi32>, vector<16xi32>], vector<16xf32>,
              %iota3A_1288 = tpu.iota {dimensions = array<i32: 0>} : vector<16xi32>
              %add3A_1289 = arith.constant 96 : i32
              %add3A_1290 = vector.broadcast %add3A_1289 : i32 to vector<16xi32>
              %add3A_1291 = arith.addi %iota3A_1288, %add3A_1290 : vector<16xi32>
              %gather3A_1292 = tpu.vector_load_idx %arg17[%add3A_1291, %broadcast_in_dim3A_1245] : memref<128x128xf32, #tpu.memory_space<vmem>>[vector<16xi32>, vector<16xi32>], vector<16xf32>,
              %sub3A_1293 = arith.subf %gather3A_1292, %gather3A_1238 : vector<16xf32>
              %mul3A_1294 = arith.mulf %sub3A_1293, %gather3A_1241 : vector<16xf32>
              tpu.vector_store_idx %arg15[%add3A_1291, %broadcast_in_dim3A_1243], %mul3A_1294 : memref<128x128xf32, #tpu.memory_space<vmem>>[vector<16xi32>, vector<16xi32>], vector<16xf32>,
              %iota3A_1295 = tpu.iota {dimensions = array<i32: 0>} : vector<16xi32>
              %add3A_1296 = arith.constant 112 : i32
              %add3A_1297 = vector.broadcast %add3A_1296 : i32 to vector<16xi32>
              %add3A_1298 = arith.addi %iota3A_1295, %add3A_1297 : vector<16xi32>
              %gather3A_1299 = tpu.vector_load_idx %arg17[%add3A_1298, %broadcast_in_dim3A_1245] : memref<128x128xf32, #tpu.memory_space<vmem>>[vector<16xi32>, vector<16xi32>], vector<16xf32>,
              %sub3A_1300 = arith.subf %gather3A_1299, %gather3A_1238 : vector<16xf32>
              %mul3A_1301 = arith.mulf %sub3A_1300, %gather3A_1241 : vector<16xf32>
              tpu.vector_store_idx %arg15[%add3A_1298, %broadcast_in_dim3A_1243], %mul3A_1301 : memref<128x128xf32, #tpu.memory_space<vmem>>[vector<16xi32>, vector<16xi32>], vector<16xf32>,
              %broadcast_in_dim3A_1302 = arith.constant 2 : i32
              %broadcast_in_dim3A_1303 = vector.broadcast %broadcast_in_dim3A_1302 : i32 to vector<16xi32>
              %gather3A_1304 = tpu.vector_load_idx %arg19[%broadcast_in_dim3A_1303] : memref<16xf32, #tpu.memory_space<vmem>>[vector<16xi32>], vector<16xf32>,
              %broadcast_in_dim3A_1305 = arith.constant 6 : i32
              %broadcast_in_dim3A_1306 = vector.broadcast %broadcast_in_dim3A_1305 : i32 to vector<16xi32>
              %gather3A_1307 = tpu.vector_load_idx %arg19[%broadcast_in_dim3A_1306] : memref<16xf32, #tpu.memory_space<vmem>>[vector<16xi32>], vector<16xf32>,
              %broadcast_in_dim3A_1308 = arith.constant 65 : i32
              %broadcast_in_dim3A_1309 = vector.broadcast %broadcast_in_dim3A_1308 : i32 to vector<16xi32>
              %broadcast_in_dim3A_1310 = arith.constant 1 : i32
              %broadcast_in_dim3A_1311 = vector.broadcast %broadcast_in_dim3A_1310 : i32 to vector<16xi32>
              %iota3A_1312 = tpu.iota {dimensions = array<i32: 0>} : vector<16xi32>
              %add3A_1313 = arith.constant 0 : i32
              %add3A_1314 = vector.broadcast %add3A_1313 : i32 to vector<16xi32>
              %add3A_1315 = arith.addi %iota3A_1312, %add3A_1314 : vector<16xi32>
              %gather3A_1316 = tpu.vector_load_idx %arg17[%add3A_1315, %broadcast_in_dim3A_1311] : memref<128x128xf32, #tpu.memory_space<vmem>>[vector<16xi32>, vector<16xi32>], vector<16xf32>,
              %sub3A_1317 = arith.subf %gather3A_1316, %gather3A_1304 : vector<16xf32>
              %mul3A_1318 = arith.mulf %sub3A_1317, %gather3A_1307 : vector<16xf32>
              tpu.vector_store_idx %arg15[%add3A_1315, %broadcast_in_dim3A_1309], %mul3A_1318 : memref<128x128xf32, #tpu.memory_space<vmem>>[vector<16xi32>, vector<16xi32>], vector<16xf32>,
              %iota3A_1319 = tpu.iota {dimensions = array<i32: 0>} : vector<16xi32>
              %add3A_1320 = arith.constant 16 : i32
              %add3A_1321 = vector.broadcast %add3A_1320 : i32 to vector<16xi32>
              %add3A_1322 = arith.addi %iota3A_1319, %add3A_1321 : vector<16xi32>
              %gather3A_1323 = tpu.vector_load_idx %arg17[%add3A_1322, %broadcast_in_dim3A_1311] : memref<128x128xf32, #tpu.memory_space<vmem>>[vector<16xi32>, vector<16xi32>], vector<16xf32>,
              %sub3A_1324 = arith.subf %gather3A_1323, %gather3A_1304 : vector<16xf32>
              %mul3A_1325 = arith.mulf %sub3A_1324, %gather3A_1307 : vector<16xf32>
              tpu.vector_store_idx %arg15[%add3A_1322, %broadcast_in_dim3A_1309], %mul3A_1325 : memref<128x128xf32, #tpu.memory_space<vmem>>[vector<16xi32>, vector<16xi32>], vector<16xf32>,
              %iota3A_1326 = tpu.iota {dimensions = array<i32: 0>} : vector<16xi32>
              %add3A_1327 = arith.constant 32 : i32
              %add3A_1328 = vector.broadcast %add3A_1327 : i32 to vector<16xi32>
              %add3A_1329 = arith.addi %iota3A_1326, %add3A_1328 : vector<16xi32>
              %gather3A_1330 = tpu.vector_load_idx %arg17[%add3A_1329, %broadcast_in_dim3A_1311] : memref<128x128xf32, #tpu.memory_space<vmem>>[vector<16xi32>, vector<16xi32>], vector<16xf32>,
              %sub3A_1331 = arith.subf %gather3A_1330, %gather3A_1304 : vector<16xf32>
              %mul3A_1332 = arith.mulf %sub3A_1331, %gather3A_1307 : vector<16xf32>
              tpu.vector_store_idx %arg15[%add3A_1329, %broadcast_in_dim3A_1309], %mul3A_1332 : memref<128x128xf32, #tpu.memory_space<vmem>>[vector<16xi32>, vector<16xi32>], vector<16xf32>,
              %iota3A_1333 = tpu.iota {dimensions = array<i32: 0>} : vector<16xi32>
              %add3A_1334 = arith.constant 48 : i32
              %add3A_1335 = vector.broadcast %add3A_1334 : i32 to vector<16xi32>
              %add3A_1336 = arith.addi %iota3A_1333, %add3A_1335 : vector<16xi32>
              %gather3A_1337 = tpu.vector_load_idx %arg17[%add3A_1336, %broadcast_in_dim3A_1311] : memref<128x128xf32, #tpu.memory_space<vmem>>[vector<16xi32>, vector<16xi32>], vector<16xf32>,
              %sub3A_1338 = arith.subf %gather3A_1337, %gather3A_1304 : vector<16xf32>
              %mul3A_1339 = arith.mulf %sub3A_1338, %gather3A_1307 : vector<16xf32>
              tpu.vector_store_idx %arg15[%add3A_1336, %broadcast_in_dim3A_1309], %mul3A_1339 : memref<128x128xf32, #tpu.memory_space<vmem>>[vector<16xi32>, vector<16xi32>], vector<16xf32>,
              %iota3A_1340 = tpu.iota {dimensions = array<i32: 0>} : vector<16xi32>
              %add3A_1341 = arith.constant 64 : i32
              %add3A_1342 = vector.broadcast %add3A_1341 : i32 to vector<16xi32>
              %add3A_1343 = arith.addi %iota3A_1340, %add3A_1342 : vector<16xi32>
              %gather3A_1344 = tpu.vector_load_idx %arg17[%add3A_1343, %broadcast_in_dim3A_1311] : memref<128x128xf32, #tpu.memory_space<vmem>>[vector<16xi32>, vector<16xi32>], vector<16xf32>,
              %sub3A_1345 = arith.subf %gather3A_1344, %gather3A_1304 : vector<16xf32>
              %mul3A_1346 = arith.mulf %sub3A_1345, %gather3A_1307 : vector<16xf32>
              tpu.vector_store_idx %arg15[%add3A_1343, %broadcast_in_dim3A_1309], %mul3A_1346 : memref<128x128xf32, #tpu.memory_space<vmem>>[vector<16xi32>, vector<16xi32>], vector<16xf32>,
              %iota3A_1347 = tpu.iota {dimensions = array<i32: 0>} : vector<16xi32>
              %add3A_1348 = arith.constant 80 : i32
              %add3A_1349 = vector.broadcast %add3A_1348 : i32 to vector<16xi32>
              %add3A_1350 = arith.addi %iota3A_1347, %add3A_1349 : vector<16xi32>
              %gather3A_1351 = tpu.vector_load_idx %arg17[%add3A_1350, %broadcast_in_dim3A_1311] : memref<128x128xf32, #tpu.memory_space<vmem>>[vector<16xi32>, vector<16xi32>], vector<16xf32>,
              %sub3A_1352 = arith.subf %gather3A_1351, %gather3A_1304 : vector<16xf32>
              %mul3A_1353 = arith.mulf %sub3A_1352, %gather3A_1307 : vector<16xf32>
              tpu.vector_store_idx %arg15[%add3A_1350, %broadcast_in_dim3A_1309], %mul3A_1353 : memref<128x128xf32, #tpu.memory_space<vmem>>[vector<16xi32>, vector<16xi32>], vector<16xf32>,
              %iota3A_1354 = tpu.iota {dimensions = array<i32: 0>} : vector<16xi32>
              %add3A_1355 = arith.constant 96 : i32
              %add3A_1356 = vector.broadcast %add3A_1355 : i32 to vector<16xi32>
              %add3A_1357 = arith.addi %iota3A_1354, %add3A_1356 : vector<16xi32>
              %gather3A_1358 = tpu.vector_load_idx %arg17[%add3A_1357, %broadcast_in_dim3A_1311] : memref<128x128xf32, #tpu.memory_space<vmem>>[vector<16xi32>, vector<16xi32>], vector<16xf32>,
              %sub3A_1359 = arith.subf %gather3A_1358, %gather3A_1304 : vector<16xf32>
              %mul3A_1360 = arith.mulf %sub3A_1359, %gather3A_1307 : vector<16xf32>
              tpu.vector_store_idx %arg15[%add3A_1357, %broadcast_in_dim3A_1309], %mul3A_1360 : memref<128x128xf32, #tpu.memory_space<vmem>>[vector<16xi32>, vector<16xi32>], vector<16xf32>,
              %iota3A_1361 = tpu.iota {dimensions = array<i32: 0>} : vector<16xi32>
              %add3A_1362 = arith.constant 112 : i32
              %add3A_1363 = vector.broadcast %add3A_1362 : i32 to vector<16xi32>
              %add3A_1364 = arith.addi %iota3A_1361, %add3A_1363 : vector<16xi32>
              %gather3A_1365 = tpu.vector_load_idx %arg17[%add3A_1364, %broadcast_in_dim3A_1311] : memref<128x128xf32, #tpu.memory_space<vmem>>[vector<16xi32>, vector<16xi32>], vector<16xf32>,
              %sub3A_1366 = arith.subf %gather3A_1365, %gather3A_1304 : vector<16xf32>
              %mul3A_1367 = arith.mulf %sub3A_1366, %gather3A_1307 : vector<16xf32>
              tpu.vector_store_idx %arg15[%add3A_1364, %broadcast_in_dim3A_1309], %mul3A_1367 : memref<128x128xf32, #tpu.memory_space<vmem>>[vector<16xi32>, vector<16xi32>], vector<16xf32>,
              %broadcast_in_dim3A_1368 = arith.constant 3 : i32
              %broadcast_in_dim3A_1369 = vector.broadcast %broadcast_in_dim3A_1368 : i32 to vector<16xi32>
              %gather3A_1370 = tpu.vector_load_idx %arg19[%broadcast_in_dim3A_1369] : memref<16xf32, #tpu.memory_space<vmem>>[vector<16xi32>], vector<16xf32>,
              %broadcast_in_dim3A_1371 = arith.constant 7 : i32
              %broadcast_in_dim3A_1372 = vector.broadcast %broadcast_in_dim3A_1371 : i32 to vector<16xi32>
              %gather3A_1373 = tpu.vector_load_idx %arg19[%broadcast_in_dim3A_1372] : memref<16xf32, #tpu.memory_space<vmem>>[vector<16xi32>], vector<16xf32>,
              %broadcast_in_dim3A_1374 = arith.constant 66 : i32
              %broadcast_in_dim3A_1375 = vector.broadcast %broadcast_in_dim3A_1374 : i32 to vector<16xi32>
              %broadcast_in_dim3A_1376 = arith.constant 2 : i32
              %broadcast_in_dim3A_1377 = vector.broadcast %broadcast_in_dim3A_1376 : i32 to vector<16xi32>
              %iota3A_1378 = tpu.iota {dimensions = array<i32: 0>} : vector<16xi32>
              %add3A_1379 = arith.constant 0 : i32
              %add3A_1380 = vector.broadcast %add3A_1379 : i32 to vector<16xi32>
              %add3A_1381 = arith.addi %iota3A_1378, %add3A_1380 : vector<16xi32>
              %gather3A_1382 = tpu.vector_load_idx %arg17[%add3A_1381, %broadcast_in_dim3A_1377] : memref<128x128xf32, #tpu.memory_space<vmem>>[vector<16xi32>, vector<16xi32>], vector<16xf32>,
              %sub3A_1383 = arith.subf %gather3A_1382, %gather3A_1370 : vector<16xf32>
              %mul3A_1384 = arith.mulf %sub3A_1383, %gather3A_1373 : vector<16xf32>
              tpu.vector_store_idx %arg15[%add3A_1381, %broadcast_in_dim3A_1375], %mul3A_1384 : memref<128x128xf32, #tpu.memory_space<vmem>>[vector<16xi32>, vector<16xi32>], vector<16xf32>,
              %iota3A_1385 = tpu.iota {dimensions = array<i32: 0>} : vector<16xi32>
              %add3A_1386 = arith.constant 16 : i32
              %add3A_1387 = vector.broadcast %add3A_1386 : i32 to vector<16xi32>
              %add3A_1388 = arith.addi %iota3A_1385, %add3A_1387 : vector<16xi32>
              %gather3A_1389 = tpu.vector_load_idx %arg17[%add3A_1388, %broadcast_in_dim3A_1377] : memref<128x128xf32, #tpu.memory_space<vmem>>[vector<16xi32>, vector<16xi32>], vector<16xf32>,
              %sub3A_1390 = arith.subf %gather3A_1389, %gather3A_1370 : vector<16xf32>
              %mul3A_1391 = arith.mulf %sub3A_1390, %gather3A_1373 : vector<16xf32>
              tpu.vector_store_idx %arg15[%add3A_1388, %broadcast_in_dim3A_1375], %mul3A_1391 : memref<128x128xf32, #tpu.memory_space<vmem>>[vector<16xi32>, vector<16xi32>], vector<16xf32>,
              %iota3A_1392 = tpu.iota {dimensions = array<i32: 0>} : vector<16xi32>
              %add3A_1393 = arith.constant 32 : i32
              %add3A_1394 = vector.broadcast %add3A_1393 : i32 to vector<16xi32>
              %add3A_1395 = arith.addi %iota3A_1392, %add3A_1394 : vector<16xi32>
              %gather3A_1396 = tpu.vector_load_idx %arg17[%add3A_1395, %broadcast_in_dim3A_1377] : memref<128x128xf32, #tpu.memory_space<vmem>>[vector<16xi32>, vector<16xi32>], vector<16xf32>,
              %sub3A_1397 = arith.subf %gather3A_1396, %gather3A_1370 : vector<16xf32>
              %mul3A_1398 = arith.mulf %sub3A_1397, %gather3A_1373 : vector<16xf32>
              tpu.vector_store_idx %arg15[%add3A_1395, %broadcast_in_dim3A_1375], %mul3A_1398 : memref<128x128xf32, #tpu.memory_space<vmem>>[vector<16xi32>, vector<16xi32>], vector<16xf32>,
              %iota3A_1399 = tpu.iota {dimensions = array<i32: 0>} : vector<16xi32>
              %add3A_1400 = arith.constant 48 : i32
              %add3A_1401 = vector.broadcast %add3A_1400 : i32 to vector<16xi32>
              %add3A_1402 = arith.addi %iota3A_1399, %add3A_1401 : vector<16xi32>
              %gather3A_1403 = tpu.vector_load_idx %arg17[%add3A_1402, %broadcast_in_dim3A_1377] : memref<128x128xf32, #tpu.memory_space<vmem>>[vector<16xi32>, vector<16xi32>], vector<16xf32>,
              %sub3A_1404 = arith.subf %gather3A_1403, %gather3A_1370 : vector<16xf32>
              %mul3A_1405 = arith.mulf %sub3A_1404, %gather3A_1373 : vector<16xf32>
              tpu.vector_store_idx %arg15[%add3A_1402, %broadcast_in_dim3A_1375], %mul3A_1405 : memref<128x128xf32, #tpu.memory_space<vmem>>[vector<16xi32>, vector<16xi32>], vector<16xf32>,
              %iota3A_1406 = tpu.iota {dimensions = array<i32: 0>} : vector<16xi32>
              %add3A_1407 = arith.constant 64 : i32
              %add3A_1408 = vector.broadcast %add3A_1407 : i32 to vector<16xi32>
              %add3A_1409 = arith.addi %iota3A_1406, %add3A_1408 : vector<16xi32>
              %gather3A_1410 = tpu.vector_load_idx %arg17[%add3A_1409, %broadcast_in_dim3A_1377] : memref<128x128xf32, #tpu.memory_space<vmem>>[vector<16xi32>, vector<16xi32>], vector<16xf32>,
              %sub3A_1411 = arith.subf %gather3A_1410, %gather3A_1370 : vector<16xf32>
              %mul3A_1412 = arith.mulf %sub3A_1411, %gather3A_1373 : vector<16xf32>
              tpu.vector_store_idx %arg15[%add3A_1409, %broadcast_in_dim3A_1375], %mul3A_1412 : memref<128x128xf32, #tpu.memory_space<vmem>>[vector<16xi32>, vector<16xi32>], vector<16xf32>,
              %iota3A_1413 = tpu.iota {dimensions = array<i32: 0>} : vector<16xi32>
              %add3A_1414 = arith.constant 80 : i32
              %add3A_1415 = vector.broadcast %add3A_1414 : i32 to vector<16xi32>
              %add3A_1416 = arith.addi %iota3A_1413, %add3A_1415 : vector<16xi32>
              %gather3A_1417 = tpu.vector_load_idx %arg17[%add3A_1416, %broadcast_in_dim3A_1377] : memref<128x128xf32, #tpu.memory_space<vmem>>[vector<16xi32>, vector<16xi32>], vector<16xf32>,
              %sub3A_1418 = arith.subf %gather3A_1417, %gather3A_1370 : vector<16xf32>
              %mul3A_1419 = arith.mulf %sub3A_1418, %gather3A_1373 : vector<16xf32>
              tpu.vector_store_idx %arg15[%add3A_1416, %broadcast_in_dim3A_1375], %mul3A_1419 : memref<128x128xf32, #tpu.memory_space<vmem>>[vector<16xi32>, vector<16xi32>], vector<16xf32>,
              %iota3A_1420 = tpu.iota {dimensions = array<i32: 0>} : vector<16xi32>
              %add3A_1421 = arith.constant 96 : i32
              %add3A_1422 = vector.broadcast %add3A_1421 : i32 to vector<16xi32>
              %add3A_1423 = arith.addi %iota3A_1420, %add3A_1422 : vector<16xi32>
              %gather3A_1424 = tpu.vector_load_idx %arg17[%add3A_1423, %broadcast_in_dim3A_1377] : memref<128x128xf32, #tpu.memory_space<vmem>>[vector<16xi32>, vector<16xi32>], vector<16xf32>,
              %sub3A_1425 = arith.subf %gather3A_1424, %gather3A_1370 : vector<16xf32>
              %mul3A_1426 = arith.mulf %sub3A_1425, %gather3A_1373 : vector<16xf32>
              tpu.vector_store_idx %arg15[%add3A_1423, %broadcast_in_dim3A_1375], %mul3A_1426 : memref<128x128xf32, #tpu.memory_space<vmem>>[vector<16xi32>, vector<16xi32>], vector<16xf32>,
              %iota3A_1427 = tpu.iota {dimensions = array<i32: 0>} : vector<16xi32>
              %add3A_1428 = arith.constant 112 : i32
              %add3A_1429 = vector.broadcast %add3A_1428 : i32 to vector<16xi32>
              %add3A_1430 = arith.addi %iota3A_1427, %add3A_1429 : vector<16xi32>
              %gather3A_1431 = tpu.vector_load_idx %arg17[%add3A_1430, %broadcast_in_dim3A_1377] : memref<128x128xf32, #tpu.memory_space<vmem>>[vector<16xi32>, vector<16xi32>], vector<16xf32>,
              %sub3A_1432 = arith.subf %gather3A_1431, %gather3A_1370 : vector<16xf32>
              %mul3A_1433 = arith.mulf %sub3A_1432, %gather3A_1373 : vector<16xf32>
              tpu.vector_store_idx %arg15[%add3A_1430, %broadcast_in_dim3A_1375], %mul3A_1433 : memref<128x128xf32, #tpu.memory_space<vmem>>[vector<16xi32>, vector<16xi32>], vector<16xf32>,
              %broadcast_in_dim3A_1434 = arith.constant 4 : i32
              %broadcast_in_dim3A_1435 = vector.broadcast %broadcast_in_dim3A_1434 : i32 to vector<16xi32>
              %gather3A_1436 = tpu.vector_load_idx %arg19[%broadcast_in_dim3A_1435] : memref<16xf32, #tpu.memory_space<vmem>>[vector<16xi32>], vector<16xf32>,
              %broadcast_in_dim3A_1437 = arith.constant 8 : i32
              %broadcast_in_dim3A_1438 = vector.broadcast %broadcast_in_dim3A_1437 : i32 to vector<16xi32>
              %gather3A_1439 = tpu.vector_load_idx %arg19[%broadcast_in_dim3A_1438] : memref<16xf32, #tpu.memory_space<vmem>>[vector<16xi32>], vector<16xf32>,
              %broadcast_in_dim3A_1440 = arith.constant 67 : i32
              %broadcast_in_dim3A_1441 = vector.broadcast %broadcast_in_dim3A_1440 : i32 to vector<16xi32>
              %broadcast_in_dim3A_1442 = arith.constant 3 : i32
              %broadcast_in_dim3A_1443 = vector.broadcast %broadcast_in_dim3A_1442 : i32 to vector<16xi32>
              %iota3A_1444 = tpu.iota {dimensions = array<i32: 0>} : vector<16xi32>
              %add3A_1445 = arith.constant 0 : i32
              %add3A_1446 = vector.broadcast %add3A_1445 : i32 to vector<16xi32>
              %add3A_1447 = arith.addi %iota3A_1444, %add3A_1446 : vector<16xi32>
              %gather3A_1448 = tpu.vector_load_idx %arg17[%add3A_1447, %broadcast_in_dim3A_1443] : memref<128x128xf32, #tpu.memory_space<vmem>>[vector<16xi32>, vector<16xi32>], vector<16xf32>,
              %sub3A_1449 = arith.subf %gather3A_1448, %gather3A_1436 : vector<16xf32>
              %mul3A_1450 = arith.mulf %sub3A_1449, %gather3A_1439 : vector<16xf32>
              tpu.vector_store_idx %arg15[%add3A_1447, %broadcast_in_dim3A_1441], %mul3A_1450 : memref<128x128xf32, #tpu.memory_space<vmem>>[vector<16xi32>, vector<16xi32>], vector<16xf32>,
              %iota3A_1451 = tpu.iota {dimensions = array<i32: 0>} : vector<16xi32>
              %add3A_1452 = arith.constant 16 : i32
              %add3A_1453 = vector.broadcast %add3A_1452 : i32 to vector<16xi32>
              %add3A_1454 = arith.addi %iota3A_1451, %add3A_1453 : vector<16xi32>
              %gather3A_1455 = tpu.vector_load_idx %arg17[%add3A_1454, %broadcast_in_dim3A_1443] : memref<128x128xf32, #tpu.memory_space<vmem>>[vector<16xi32>, vector<16xi32>], vector<16xf32>,
              %sub3A_1456 = arith.subf %gather3A_1455, %gather3A_1436 : vector<16xf32>
              %mul3A_1457 = arith.mulf %sub3A_1456, %gather3A_1439 : vector<16xf32>
              tpu.vector_store_idx %arg15[%add3A_1454, %broadcast_in_dim3A_1441], %mul3A_1457 : memref<128x128xf32, #tpu.memory_space<vmem>>[vector<16xi32>, vector<16xi32>], vector<16xf32>,
              %iota3A_1458 = tpu.iota {dimensions = array<i32: 0>} : vector<16xi32>
              %add3A_1459 = arith.constant 32 : i32
              %add3A_1460 = vector.broadcast %add3A_1459 : i32 to vector<16xi32>
              %add3A_1461 = arith.addi %iota3A_1458, %add3A_1460 : vector<16xi32>
              %gather3A_1462 = tpu.vector_load_idx %arg17[%add3A_1461, %broadcast_in_dim3A_1443] : memref<128x128xf32, #tpu.memory_space<vmem>>[vector<16xi32>, vector<16xi32>], vector<16xf32>,
              %sub3A_1463 = arith.subf %gather3A_1462, %gather3A_1436 : vector<16xf32>
              %mul3A_1464 = arith.mulf %sub3A_1463, %gather3A_1439 : vector<16xf32>
              tpu.vector_store_idx %arg15[%add3A_1461, %broadcast_in_dim3A_1441], %mul3A_1464 : memref<128x128xf32, #tpu.memory_space<vmem>>[vector<16xi32>, vector<16xi32>], vector<16xf32>,
              %iota3A_1465 = tpu.iota {dimensions = array<i32: 0>} : vector<16xi32>
              %add3A_1466 = arith.constant 48 : i32
              %add3A_1467 = vector.broadcast %add3A_1466 : i32 to vector<16xi32>
              %add3A_1468 = arith.addi %iota3A_1465, %add3A_1467 : vector<16xi32>
              %gather3A_1469 = tpu.vector_load_idx %arg17[%add3A_1468, %broadcast_in_dim3A_1443] : memref<128x128xf32, #tpu.memory_space<vmem>>[vector<16xi32>, vector<16xi32>], vector<16xf32>,
              %sub3A_1470 = arith.subf %gather3A_1469, %gather3A_1436 : vector<16xf32>
              %mul3A_1471 = arith.mulf %sub3A_1470, %gather3A_1439 : vector<16xf32>
              tpu.vector_store_idx %arg15[%add3A_1468, %broadcast_in_dim3A_1441], %mul3A_1471 : memref<128x128xf32, #tpu.memory_space<vmem>>[vector<16xi32>, vector<16xi32>], vector<16xf32>,
              %iota3A_1472 = tpu.iota {dimensions = array<i32: 0>} : vector<16xi32>
              %add3A_1473 = arith.constant 64 : i32
              %add3A_1474 = vector.broadcast %add3A_1473 : i32 to vector<16xi32>
              %add3A_1475 = arith.addi %iota3A_1472, %add3A_1474 : vector<16xi32>
              %gather3A_1476 = tpu.vector_load_idx %arg17[%add3A_1475, %broadcast_in_dim3A_1443] : memref<128x128xf32, #tpu.memory_space<vmem>>[vector<16xi32>, vector<16xi32>], vector<16xf32>,
              %sub3A_1477 = arith.subf %gather3A_1476, %gather3A_1436 : vector<16xf32>
              %mul3A_1478 = arith.mulf %sub3A_1477, %gather3A_1439 : vector<16xf32>
              tpu.vector_store_idx %arg15[%add3A_1475, %broadcast_in_dim3A_1441], %mul3A_1478 : memref<128x128xf32, #tpu.memory_space<vmem>>[vector<16xi32>, vector<16xi32>], vector<16xf32>,
              %iota3A_1479 = tpu.iota {dimensions = array<i32: 0>} : vector<16xi32>
              %add3A_1480 = arith.constant 80 : i32
              %add3A_1481 = vector.broadcast %add3A_1480 : i32 to vector<16xi32>
              %add3A_1482 = arith.addi %iota3A_1479, %add3A_1481 : vector<16xi32>
              %gather3A_1483 = tpu.vector_load_idx %arg17[%add3A_1482, %broadcast_in_dim3A_1443] : memref<128x128xf32, #tpu.memory_space<vmem>>[vector<16xi32>, vector<16xi32>], vector<16xf32>,
              %sub3A_1484 = arith.subf %gather3A_1483, %gather3A_1436 : vector<16xf32>
              %mul3A_1485 = arith.mulf %sub3A_1484, %gather3A_1439 : vector<16xf32>
              tpu.vector_store_idx %arg15[%add3A_1482, %broadcast_in_dim3A_1441], %mul3A_1485 : memref<128x128xf32, #tpu.memory_space<vmem>>[vector<16xi32>, vector<16xi32>], vector<16xf32>,
              %iota3A_1486 = tpu.iota {dimensions = array<i32: 0>} : vector<16xi32>
              %add3A_1487 = arith.constant 96 : i32
              %add3A_1488 = vector.broadcast %add3A_1487 : i32 to vector<16xi32>
              %add3A_1489 = arith.addi %iota3A_1486, %add3A_1488 : vector<16xi32>
              %gather3A_1490 = tpu.vector_load_idx %arg17[%add3A_1489, %broadcast_in_dim3A_1443] : memref<128x128xf32, #tpu.memory_space<vmem>>[vector<16xi32>, vector<16xi32>], vector<16xf32>,
              %sub3A_1491 = arith.subf %gather3A_1490, %gather3A_1436 : vector<16xf32>
              %mul3A_1492 = arith.mulf %sub3A_1491, %gather3A_1439 : vector<16xf32>
              tpu.vector_store_idx %arg15[%add3A_1489, %broadcast_in_dim3A_1441], %mul3A_1492 : memref<128x128xf32, #tpu.memory_space<vmem>>[vector<16xi32>, vector<16xi32>], vector<16xf32>,
              %iota3A_1493 = tpu.iota {dimensions = array<i32: 0>} : vector<16xi32>
              %add3A_1494 = arith.constant 112 : i32
              %add3A_1495 = vector.broadcast %add3A_1494 : i32 to vector<16xi32>
              %add3A_1496 = arith.addi %iota3A_1493, %add3A_1495 : vector<16xi32>
              %gather3A_1497 = tpu.vector_load_idx %arg17[%add3A_1496, %broadcast_in_dim3A_1443] : memref<128x128xf32, #tpu.memory_space<vmem>>[vector<16xi32>, vector<16xi32>], vector<16xf32>,
              %sub3A_1498 = arith.subf %gather3A_1497, %gather3A_1436 : vector<16xf32>
              %mul3A_1499 = arith.mulf %sub3A_1498, %gather3A_1439 : vector<16xf32>
              tpu.vector_store_idx %arg15[%add3A_1496, %broadcast_in_dim3A_1441], %mul3A_1499 : memref<128x128xf32, #tpu.memory_space<vmem>>[vector<16xi32>, vector<16xi32>], vector<16xf32>,
              %dma_start3A_1500 = arith.constant 0 : i32
              %dma_start3A_1501 = arith.constant 0 : i32
              %dma_start3A_1502 = tpu.memref_slice %arg16[%dma_start3A_1500, %dma_start3A_1501] : memref<1x128xi32, #tpu.memory_space<vmem>> -> memref<1x128xi32, #tpu.memory_space<vmem>>
              %dma_start3A_1503 = tpu.memref_squeeze %dma_start3A_1502 : memref<1x128xi32, #tpu.memory_space<vmem>> -> memref<128xi32, #tpu.memory_space<vmem>>
              %dma_start3A_1504 = arith.constant 0 : i32
              %dma_start3A_1505 = arith.constant 0 : i32
              %dma_start3A_1506 = tpu.memref_slice %arg7[%dma_start3A_1504, %dma_start3A_1505] : memref<16448x128xf32, #tpu.memory_space<hbm>> -> memref<16448x128xf32, #tpu.memory_space<hbm>>
              tpu.enqueue_indirect_dma source(%arg15 : memref<128x128xf32, #tpu.memory_space<vmem>>) target(%dma_start3A_1506 : memref<16448x128xf32, #tpu.memory_space<hbm>>) offsets(%dma_start3A_1503 : memref<128xi32, #tpu.memory_space<vmem>>) semaphore(%arg27 : memref<!tpu.dma_semaphore, #tpu.memory_space<semaphore_mem>>)
              %dma_wait3A_1507 = arith.constant 0 : i32
              %dma_wait3A_1508 = arith.constant 0 : i32
              %dma_wait3A_1509 = tpu.memref_slice %arg16[%dma_wait3A_1507, %dma_wait3A_1508] : memref<1x128xi32, #tpu.memory_space<vmem>> -> memref<1x128xi32, #tpu.memory_space<vmem>>
              %dma_wait3A_1510 = tpu.memref_squeeze %dma_wait3A_1509 : memref<1x128xi32, #tpu.memory_space<vmem>> -> memref<128xi32, #tpu.memory_space<vmem>>
              %dma_wait3A_1511 = arith.constant 0 : i32
              %dma_wait3A_1512 = arith.constant 0 : i32
              %dma_wait3A_1513 = tpu.memref_slice %arg7[%dma_wait3A_1511, %dma_wait3A_1512] : memref<16448x128xf32, #tpu.memory_space<hbm>> -> memref<16448x128xf32, #tpu.memory_space<hbm>>
              tpu.wait_indirect_dma semaphore(%arg27 : memref<!tpu.dma_semaphore, #tpu.memory_space<semaphore_mem>>) src(%arg15 : memref<128x128xf32, #tpu.memory_space<vmem>>) dst(%dma_wait3A_1513 : memref<16448x128xf32, #tpu.memory_space<hbm>>)
              %broadcast_in_dim3A_1514 = arith.constant 16384 : i32
              %broadcast_in_dim3A_1515 = vector.broadcast %broadcast_in_dim3A_1514 : i32 to vector<16xi32>
              %swap3A_1516 = arith.constant 0 : i32
              %swap3A_1517 = arith.index_cast %swap3A_1516 : i32 to index
              %swap3A_1518 = arith.constant 0 : index
              %swap3A_1519 = tpu.vector_load %arg16[%swap3A_1517, %swap3A_1518] {strides = array<i32>} : memref<1x128xi32, #tpu.memory_space<vmem>>, vector<16xi32>,
              tpu.vector_store %arg16[%swap3A_1517, %swap3A_1518], %broadcast_in_dim3A_1515 {strides = array<i32>} : memref<1x128xi32, #tpu.memory_space<vmem>>, vector<16xi32>,
              %broadcast_in_dim3A_1520 = arith.constant 16384 : i32
              %broadcast_in_dim3A_1521 = vector.broadcast %broadcast_in_dim3A_1520 : i32 to vector<16xi32>
              %swap3A_1522 = arith.constant 0 : i32
              %swap3A_1523 = arith.index_cast %swap3A_1522 : i32 to index
              %swap3A_1524 = arith.constant 16 : index
              %swap3A_1525 = tpu.vector_load %arg16[%swap3A_1523, %swap3A_1524] {strides = array<i32>} : memref<1x128xi32, #tpu.memory_space<vmem>>, vector<16xi32>,
              tpu.vector_store %arg16[%swap3A_1523, %swap3A_1524], %broadcast_in_dim3A_1521 {strides = array<i32>} : memref<1x128xi32, #tpu.memory_space<vmem>>, vector<16xi32>,
              %broadcast_in_dim3A_1526 = arith.constant 16384 : i32
              %broadcast_in_dim3A_1527 = vector.broadcast %broadcast_in_dim3A_1526 : i32 to vector<16xi32>
              %swap3A_1528 = arith.constant 0 : i32
              %swap3A_1529 = arith.index_cast %swap3A_1528 : i32 to index
              %swap3A_1530 = arith.constant 32 : index
              %swap3A_1531 = tpu.vector_load %arg16[%swap3A_1529, %swap3A_1530] {strides = array<i32>} : memref<1x128xi32, #tpu.memory_space<vmem>>, vector<16xi32>,
              tpu.vector_store %arg16[%swap3A_1529, %swap3A_1530], %broadcast_in_dim3A_1527 {strides = array<i32>} : memref<1x128xi32, #tpu.memory_space<vmem>>, vector<16xi32>,
              %broadcast_in_dim3A_1532 = arith.constant 16384 : i32
              %broadcast_in_dim3A_1533 = vector.broadcast %broadcast_in_dim3A_1532 : i32 to vector<16xi32>
              %swap3A_1534 = arith.constant 0 : i32
              %swap3A_1535 = arith.index_cast %swap3A_1534 : i32 to index
              %swap3A_1536 = arith.constant 48 : index
              %swap3A_1537 = tpu.vector_load %arg16[%swap3A_1535, %swap3A_1536] {strides = array<i32>} : memref<1x128xi32, #tpu.memory_space<vmem>>, vector<16xi32>,
              tpu.vector_store %arg16[%swap3A_1535, %swap3A_1536], %broadcast_in_dim3A_1533 {strides = array<i32>} : memref<1x128xi32, #tpu.memory_space<vmem>>, vector<16xi32>,
              %broadcast_in_dim3A_1538 = arith.constant 16384 : i32
              %broadcast_in_dim3A_1539 = vector.broadcast %broadcast_in_dim3A_1538 : i32 to vector<16xi32>
              %swap3A_1540 = arith.constant 0 : i32
              %swap3A_1541 = arith.index_cast %swap3A_1540 : i32 to index
              %swap3A_1542 = arith.constant 64 : index
              %swap3A_1543 = tpu.vector_load %arg16[%swap3A_1541, %swap3A_1542] {strides = array<i32>} : memref<1x128xi32, #tpu.memory_space<vmem>>, vector<16xi32>,
              tpu.vector_store %arg16[%swap3A_1541, %swap3A_1542], %broadcast_in_dim3A_1539 {strides = array<i32>} : memref<1x128xi32, #tpu.memory_space<vmem>>, vector<16xi32>,
              %broadcast_in_dim3A_1544 = arith.constant 16384 : i32
              %broadcast_in_dim3A_1545 = vector.broadcast %broadcast_in_dim3A_1544 : i32 to vector<16xi32>
              %swap3A_1546 = arith.constant 0 : i32
              %swap3A_1547 = arith.index_cast %swap3A_1546 : i32 to index
              %swap3A_1548 = arith.constant 80 : index
              %swap3A_1549 = tpu.vector_load %arg16[%swap3A_1547, %swap3A_1548] {strides = array<i32>} : memref<1x128xi32, #tpu.memory_space<vmem>>, vector<16xi32>,
              tpu.vector_store %arg16[%swap3A_1547, %swap3A_1548], %broadcast_in_dim3A_1545 {strides = array<i32>} : memref<1x128xi32, #tpu.memory_space<vmem>>, vector<16xi32>,
              %broadcast_in_dim3A_1550 = arith.constant 16384 : i32
              %broadcast_in_dim3A_1551 = vector.broadcast %broadcast_in_dim3A_1550 : i32 to vector<16xi32>
              %swap3A_1552 = arith.constant 0 : i32
              %swap3A_1553 = arith.index_cast %swap3A_1552 : i32 to index
              %swap3A_1554 = arith.constant 96 : index
              %swap3A_1555 = tpu.vector_load %arg16[%swap3A_1553, %swap3A_1554] {strides = array<i32>} : memref<1x128xi32, #tpu.memory_space<vmem>>, vector<16xi32>,
              tpu.vector_store %arg16[%swap3A_1553, %swap3A_1554], %broadcast_in_dim3A_1551 {strides = array<i32>} : memref<1x128xi32, #tpu.memory_space<vmem>>, vector<16xi32>,
              %broadcast_in_dim3A_1556 = arith.constant 16384 : i32
              %broadcast_in_dim3A_1557 = vector.broadcast %broadcast_in_dim3A_1556 : i32 to vector<16xi32>
              %swap3A_1558 = arith.constant 0 : i32
              %swap3A_1559 = arith.index_cast %swap3A_1558 : i32 to index
              %swap3A_1560 = arith.constant 112 : index
              %swap3A_1561 = tpu.vector_load %arg16[%swap3A_1559, %swap3A_1560] {strides = array<i32>} : memref<1x128xi32, #tpu.memory_space<vmem>>, vector<16xi32>,
              tpu.vector_store %arg16[%swap3A_1559, %swap3A_1560], %broadcast_in_dim3A_1557 {strides = array<i32>} : memref<1x128xi32, #tpu.memory_space<vmem>>, vector<16xi32>,
              %cond3A_1562 = arith.constant 0 : i32
              scf.yield %cond3A_1562 : i32
            } else {
              scf.yield %add3A_1218 : i32
            }
            scf.yield %cond3A_1223 : i32
          }
          %add3A_732 = arith.constant 6 : i32
          %add3A_733 = arith.addi %mul3A_577, %add3A_732 : i32
          %add3A_734 = arith.constant 0 : i32
          %add3A_735 = arith.addi %add3A_733, %add3A_734 : i32
          %mul3A_736 = arith.constant 128 : i32
          %mul3A_737 = arith.muli %add3A_735, %mul3A_736 : i32
          %add3A_738 = arith.addi %mul3A_2, %mul3A_737 : i32
          %lt3A_739 = arith.constant 245 : i32
          %lt3A_740 = arith.cmpi slt, %add3A_735, %lt3A_739 : i32
          %lt3A_741 = arith.constant 999936 : i32
          %lt3A_742 = arith.cmpi slt, %add3A_738, %lt3A_741 : i32
          %and3A_743 = arith.andi %lt3A_740, %lt3A_742 : i1
          %convert_element_type3A_744 = arith.extui %and3A_743 : i1 to i32
          %cond3A_745 = arith.constant 0 : i32
          %cond3A_746 = arith.cmpi ne, %convert_element_type3A_744, %cond3A_745 : i32
          scf.if %cond3A_746 {
            %multiple_of3A_858 = tpu.assume_multiple %add3A_738, 128 : i32
            %dma_start3A = arith.constant 0 : i32
            %dma_start3A_859 = arith.constant 0 : i32
            %dma_start3A_860 = arith.constant 0 : i32
            %dma_start3A_861 = tpu.memref_slice %arg14[%dma_start3A, %dma_start3A_859, %dma_start3A_860] : memref<6x64x128xf32, #tpu.memory_space<vmem>> -> memref<1x64x128xf32, #tpu.memory_space<vmem>>
            %dma_start3A_862 = tpu.memref_squeeze %dma_start3A_861 : memref<1x64x128xf32, #tpu.memory_space<vmem>> -> memref<64x128xf32, #tpu.memory_space<vmem>>
            %dma_start3A_863 = arith.constant 0 : i32
            %dma_start3A_864 = tpu.memref_slice %arg5[%dma_start3A_863, %multiple_of3A_858] : memref<64x1000000xf32, #tpu.memory_space<hbm>> -> memref<64x128xf32, #tpu.memory_space<hbm>>
            %dma_start3A_865 = arith.constant 0 : i32
            %dma_start3A_866 = arith.constant 0 : i32
            %dma_start3A_867 = tpu.memref_slice %arg14[%dma_start3A, %dma_start3A_865, %dma_start3A_866] : memref<6x64x128xf32, #tpu.memory_space<vmem>> -> memref<1x64x128xf32, #tpu.memory_space<vmem>>
            %dma_start3A_868 = tpu.memref_squeeze %dma_start3A_867 : memref<1x64x128xf32, #tpu.memory_space<vmem>> -> memref<64x128xf32, #tpu.memory_space<vmem>>
            %dma_start3A_869 = arith.constant 0 : i32
            %dma_start3A_870 = tpu.memref_slice %arg5[%dma_start3A_869, %multiple_of3A_858] : memref<64x1000000xf32, #tpu.memory_space<hbm>> -> memref<64x128xf32, #tpu.memory_space<hbm>>
            tpu.enqueue_dma source(%dma_start3A_870 : memref<64x128xf32, #tpu.memory_space<hbm>>) target(%dma_start3A_868 : memref<64x128xf32, #tpu.memory_space<vmem>>) target_semaphore(%arg20 : memref<!tpu.dma_semaphore, #tpu.memory_space<semaphore_mem>>)
          } else {
          }
          %eq3A_747 = arith.constant 999936 : i32
          %eq3A_748 = arith.cmpi eq, %add3A_738, %eq3A_747 : i32
          %and3A_749 = arith.andi %lt3A_740, %eq3A_748 : i1
          %convert_element_type3A_750 = arith.extui %and3A_749 : i1 to i32
          %cond3A_751 = arith.constant 0 : i32
          %cond3A_752 = arith.cmpi ne, %convert_element_type3A_750, %cond3A_751 : i32
          scf.if %cond3A_752 {
            %dma_start3A = arith.constant 0 : i32
            %dma_start3A_858 = arith.constant 0 : i32
            %dma_start3A_859 = arith.constant 0 : i32
            %dma_start3A_860 = tpu.memref_slice %arg14[%dma_start3A, %dma_start3A_858, %dma_start3A_859] : memref<6x64x128xf32, #tpu.memory_space<vmem>> -> memref<1x64x128xf32, #tpu.memory_space<vmem>>
            %dma_start3A_861 = tpu.memref_squeeze %dma_start3A_860 : memref<1x64x128xf32, #tpu.memory_space<vmem>> -> memref<64x128xf32, #tpu.memory_space<vmem>>
            %dma_start3A_862 = arith.constant 0 : i32
            %dma_start3A_863 = arith.constant 0 : i32
            %dma_start3A_864 = tpu.memref_slice %arg14[%dma_start3A, %dma_start3A_862, %dma_start3A_863] : memref<6x64x128xf32, #tpu.memory_space<vmem>> -> memref<1x64x128xf32, #tpu.memory_space<vmem>>
            %dma_start3A_865 = tpu.memref_squeeze %dma_start3A_864 : memref<1x64x128xf32, #tpu.memory_space<vmem>> -> memref<64x128xf32, #tpu.memory_space<vmem>>
            tpu.enqueue_dma source(%arg6 : memref<64x128xf32, #tpu.memory_space<hbm>>) target(%dma_start3A_865 : memref<64x128xf32, #tpu.memory_space<vmem>>) target_semaphore(%arg20 : memref<!tpu.dma_semaphore, #tpu.memory_space<semaphore_mem>>)
          } else {
          }
          %add3A_753 = arith.constant 6 : i32
          %add3A_754 = arith.addi %mul3A_577, %add3A_753 : i32
          %add3A_755 = arith.constant 1 : i32
          %add3A_756 = arith.addi %add3A_754, %add3A_755 : i32
          %mul3A_757 = arith.constant 128 : i32
          %mul3A_758 = arith.muli %add3A_756, %mul3A_757 : i32
          %add3A_759 = arith.addi %mul3A_2, %mul3A_758 : i32
          %lt3A_760 = arith.constant 245 : i32
          %lt3A_761 = arith.cmpi slt, %add3A_756, %lt3A_760 : i32
          %lt3A_762 = arith.constant 999936 : i32
          %lt3A_763 = arith.cmpi slt, %add3A_759, %lt3A_762 : i32
          %and3A_764 = arith.andi %lt3A_761, %lt3A_763 : i1
          %convert_element_type3A_765 = arith.extui %and3A_764 : i1 to i32
          %cond3A_766 = arith.constant 0 : i32
          %cond3A_767 = arith.cmpi ne, %convert_element_type3A_765, %cond3A_766 : i32
          scf.if %cond3A_767 {
            %multiple_of3A_858 = tpu.assume_multiple %add3A_759, 128 : i32
            %dma_start3A = arith.constant 1 : i32
            %dma_start3A_859 = arith.constant 0 : i32
            %dma_start3A_860 = arith.constant 0 : i32
            %dma_start3A_861 = tpu.memref_slice %arg14[%dma_start3A, %dma_start3A_859, %dma_start3A_860] : memref<6x64x128xf32, #tpu.memory_space<vmem>> -> memref<1x64x128xf32, #tpu.memory_space<vmem>>
            %dma_start3A_862 = tpu.memref_squeeze %dma_start3A_861 : memref<1x64x128xf32, #tpu.memory_space<vmem>> -> memref<64x128xf32, #tpu.memory_space<vmem>>
            %dma_start3A_863 = arith.constant 0 : i32
            %dma_start3A_864 = tpu.memref_slice %arg5[%dma_start3A_863, %multiple_of3A_858] : memref<64x1000000xf32, #tpu.memory_space<hbm>> -> memref<64x128xf32, #tpu.memory_space<hbm>>
            %dma_start3A_865 = arith.constant 0 : i32
            %dma_start3A_866 = arith.constant 0 : i32
            %dma_start3A_867 = tpu.memref_slice %arg14[%dma_start3A, %dma_start3A_865, %dma_start3A_866] : memref<6x64x128xf32, #tpu.memory_space<vmem>> -> memref<1x64x128xf32, #tpu.memory_space<vmem>>
            %dma_start3A_868 = tpu.memref_squeeze %dma_start3A_867 : memref<1x64x128xf32, #tpu.memory_space<vmem>> -> memref<64x128xf32, #tpu.memory_space<vmem>>
            %dma_start3A_869 = arith.constant 0 : i32
            %dma_start3A_870 = tpu.memref_slice %arg5[%dma_start3A_869, %multiple_of3A_858] : memref<64x1000000xf32, #tpu.memory_space<hbm>> -> memref<64x128xf32, #tpu.memory_space<hbm>>
            tpu.enqueue_dma source(%dma_start3A_870 : memref<64x128xf32, #tpu.memory_space<hbm>>) target(%dma_start3A_868 : memref<64x128xf32, #tpu.memory_space<vmem>>) target_semaphore(%arg21 : memref<!tpu.dma_semaphore, #tpu.memory_space<semaphore_mem>>)
          } else {
          }
          %eq3A_768 = arith.constant 999936 : i32
          %eq3A_769 = arith.cmpi eq, %add3A_759, %eq3A_768 : i32
          %and3A_770 = arith.andi %lt3A_761, %eq3A_769 : i1
          %convert_element_type3A_771 = arith.extui %and3A_770 : i1 to i32
          %cond3A_772 = arith.constant 0 : i32
          %cond3A_773 = arith.cmpi ne, %convert_element_type3A_771, %cond3A_772 : i32
          scf.if %cond3A_773 {
            %dma_start3A = arith.constant 1 : i32
            %dma_start3A_858 = arith.constant 0 : i32
            %dma_start3A_859 = arith.constant 0 : i32
            %dma_start3A_860 = tpu.memref_slice %arg14[%dma_start3A, %dma_start3A_858, %dma_start3A_859] : memref<6x64x128xf32, #tpu.memory_space<vmem>> -> memref<1x64x128xf32, #tpu.memory_space<vmem>>
            %dma_start3A_861 = tpu.memref_squeeze %dma_start3A_860 : memref<1x64x128xf32, #tpu.memory_space<vmem>> -> memref<64x128xf32, #tpu.memory_space<vmem>>
            %dma_start3A_862 = arith.constant 0 : i32
            %dma_start3A_863 = arith.constant 0 : i32
            %dma_start3A_864 = tpu.memref_slice %arg14[%dma_start3A, %dma_start3A_862, %dma_start3A_863] : memref<6x64x128xf32, #tpu.memory_space<vmem>> -> memref<1x64x128xf32, #tpu.memory_space<vmem>>
            %dma_start3A_865 = tpu.memref_squeeze %dma_start3A_864 : memref<1x64x128xf32, #tpu.memory_space<vmem>> -> memref<64x128xf32, #tpu.memory_space<vmem>>
            tpu.enqueue_dma source(%arg6 : memref<64x128xf32, #tpu.memory_space<hbm>>) target(%dma_start3A_865 : memref<64x128xf32, #tpu.memory_space<vmem>>) target_semaphore(%arg21 : memref<!tpu.dma_semaphore, #tpu.memory_space<semaphore_mem>>)
          } else {
          }
          %add3A_774 = arith.constant 6 : i32
          %add3A_775 = arith.addi %mul3A_577, %add3A_774 : i32
          %add3A_776 = arith.constant 2 : i32
          %add3A_777 = arith.addi %add3A_775, %add3A_776 : i32
          %mul3A_778 = arith.constant 128 : i32
          %mul3A_779 = arith.muli %add3A_777, %mul3A_778 : i32
          %add3A_780 = arith.addi %mul3A_2, %mul3A_779 : i32
          %lt3A_781 = arith.constant 245 : i32
          %lt3A_782 = arith.cmpi slt, %add3A_777, %lt3A_781 : i32
          %lt3A_783 = arith.constant 999936 : i32
          %lt3A_784 = arith.cmpi slt, %add3A_780, %lt3A_783 : i32
          %and3A_785 = arith.andi %lt3A_782, %lt3A_784 : i1
          %convert_element_type3A_786 = arith.extui %and3A_785 : i1 to i32
          %cond3A_787 = arith.constant 0 : i32
          %cond3A_788 = arith.cmpi ne, %convert_element_type3A_786, %cond3A_787 : i32
          scf.if %cond3A_788 {
            %multiple_of3A_858 = tpu.assume_multiple %add3A_780, 128 : i32
            %dma_start3A = arith.constant 2 : i32
            %dma_start3A_859 = arith.constant 0 : i32
            %dma_start3A_860 = arith.constant 0 : i32
            %dma_start3A_861 = tpu.memref_slice %arg14[%dma_start3A, %dma_start3A_859, %dma_start3A_860] : memref<6x64x128xf32, #tpu.memory_space<vmem>> -> memref<1x64x128xf32, #tpu.memory_space<vmem>>
            %dma_start3A_862 = tpu.memref_squeeze %dma_start3A_861 : memref<1x64x128xf32, #tpu.memory_space<vmem>> -> memref<64x128xf32, #tpu.memory_space<vmem>>
            %dma_start3A_863 = arith.constant 0 : i32
            %dma_start3A_864 = tpu.memref_slice %arg5[%dma_start3A_863, %multiple_of3A_858] : memref<64x1000000xf32, #tpu.memory_space<hbm>> -> memref<64x128xf32, #tpu.memory_space<hbm>>
            %dma_start3A_865 = arith.constant 0 : i32
            %dma_start3A_866 = arith.constant 0 : i32
            %dma_start3A_867 = tpu.memref_slice %arg14[%dma_start3A, %dma_start3A_865, %dma_start3A_866] : memref<6x64x128xf32, #tpu.memory_space<vmem>> -> memref<1x64x128xf32, #tpu.memory_space<vmem>>
            %dma_start3A_868 = tpu.memref_squeeze %dma_start3A_867 : memref<1x64x128xf32, #tpu.memory_space<vmem>> -> memref<64x128xf32, #tpu.memory_space<vmem>>
            %dma_start3A_869 = arith.constant 0 : i32
            %dma_start3A_870 = tpu.memref_slice %arg5[%dma_start3A_869, %multiple_of3A_858] : memref<64x1000000xf32, #tpu.memory_space<hbm>> -> memref<64x128xf32, #tpu.memory_space<hbm>>
            tpu.enqueue_dma source(%dma_start3A_870 : memref<64x128xf32, #tpu.memory_space<hbm>>) target(%dma_start3A_868 : memref<64x128xf32, #tpu.memory_space<vmem>>) target_semaphore(%arg22 : memref<!tpu.dma_semaphore, #tpu.memory_space<semaphore_mem>>)
          } else {
          }
          %eq3A_789 = arith.constant 999936 : i32
          %eq3A_790 = arith.cmpi eq, %add3A_780, %eq3A_789 : i32
          %and3A_791 = arith.andi %lt3A_782, %eq3A_790 : i1
          %convert_element_type3A_792 = arith.extui %and3A_791 : i1 to i32
          %cond3A_793 = arith.constant 0 : i32
          %cond3A_794 = arith.cmpi ne, %convert_element_type3A_792, %cond3A_793 : i32
          scf.if %cond3A_794 {
            %dma_start3A = arith.constant 2 : i32
            %dma_start3A_858 = arith.constant 0 : i32
            %dma_start3A_859 = arith.constant 0 : i32
            %dma_start3A_860 = tpu.memref_slice %arg14[%dma_start3A, %dma_start3A_858, %dma_start3A_859] : memref<6x64x128xf32, #tpu.memory_space<vmem>> -> memref<1x64x128xf32, #tpu.memory_space<vmem>>
            %dma_start3A_861 = tpu.memref_squeeze %dma_start3A_860 : memref<1x64x128xf32, #tpu.memory_space<vmem>> -> memref<64x128xf32, #tpu.memory_space<vmem>>
            %dma_start3A_862 = arith.constant 0 : i32
            %dma_start3A_863 = arith.constant 0 : i32
            %dma_start3A_864 = tpu.memref_slice %arg14[%dma_start3A, %dma_start3A_862, %dma_start3A_863] : memref<6x64x128xf32, #tpu.memory_space<vmem>> -> memref<1x64x128xf32, #tpu.memory_space<vmem>>
            %dma_start3A_865 = tpu.memref_squeeze %dma_start3A_864 : memref<1x64x128xf32, #tpu.memory_space<vmem>> -> memref<64x128xf32, #tpu.memory_space<vmem>>
            tpu.enqueue_dma source(%arg6 : memref<64x128xf32, #tpu.memory_space<hbm>>) target(%dma_start3A_865 : memref<64x128xf32, #tpu.memory_space<vmem>>) target_semaphore(%arg22 : memref<!tpu.dma_semaphore, #tpu.memory_space<semaphore_mem>>)
          } else {
          }
          %add3A_795 = arith.constant 6 : i32
          %add3A_796 = arith.addi %mul3A_577, %add3A_795 : i32
          %add3A_797 = arith.constant 3 : i32
          %add3A_798 = arith.addi %add3A_796, %add3A_797 : i32
          %mul3A_799 = arith.constant 128 : i32
          %mul3A_800 = arith.muli %add3A_798, %mul3A_799 : i32
          %add3A_801 = arith.addi %mul3A_2, %mul3A_800 : i32
          %lt3A_802 = arith.constant 245 : i32
          %lt3A_803 = arith.cmpi slt, %add3A_798, %lt3A_802 : i32
          %lt3A_804 = arith.constant 999936 : i32
          %lt3A_805 = arith.cmpi slt, %add3A_801, %lt3A_804 : i32
          %and3A_806 = arith.andi %lt3A_803, %lt3A_805 : i1
          %convert_element_type3A_807 = arith.extui %and3A_806 : i1 to i32
          %cond3A_808 = arith.constant 0 : i32
          %cond3A_809 = arith.cmpi ne, %convert_element_type3A_807, %cond3A_808 : i32
          scf.if %cond3A_809 {
            %multiple_of3A_858 = tpu.assume_multiple %add3A_801, 128 : i32
            %dma_start3A = arith.constant 3 : i32
            %dma_start3A_859 = arith.constant 0 : i32
            %dma_start3A_860 = arith.constant 0 : i32
            %dma_start3A_861 = tpu.memref_slice %arg14[%dma_start3A, %dma_start3A_859, %dma_start3A_860] : memref<6x64x128xf32, #tpu.memory_space<vmem>> -> memref<1x64x128xf32, #tpu.memory_space<vmem>>
            %dma_start3A_862 = tpu.memref_squeeze %dma_start3A_861 : memref<1x64x128xf32, #tpu.memory_space<vmem>> -> memref<64x128xf32, #tpu.memory_space<vmem>>
            %dma_start3A_863 = arith.constant 0 : i32
            %dma_start3A_864 = tpu.memref_slice %arg5[%dma_start3A_863, %multiple_of3A_858] : memref<64x1000000xf32, #tpu.memory_space<hbm>> -> memref<64x128xf32, #tpu.memory_space<hbm>>
            %dma_start3A_865 = arith.constant 0 : i32
            %dma_start3A_866 = arith.constant 0 : i32
            %dma_start3A_867 = tpu.memref_slice %arg14[%dma_start3A, %dma_start3A_865, %dma_start3A_866] : memref<6x64x128xf32, #tpu.memory_space<vmem>> -> memref<1x64x128xf32, #tpu.memory_space<vmem>>
            %dma_start3A_868 = tpu.memref_squeeze %dma_start3A_867 : memref<1x64x128xf32, #tpu.memory_space<vmem>> -> memref<64x128xf32, #tpu.memory_space<vmem>>
            %dma_start3A_869 = arith.constant 0 : i32
            %dma_start3A_870 = tpu.memref_slice %arg5[%dma_start3A_869, %multiple_of3A_858] : memref<64x1000000xf32, #tpu.memory_space<hbm>> -> memref<64x128xf32, #tpu.memory_space<hbm>>
            tpu.enqueue_dma source(%dma_start3A_870 : memref<64x128xf32, #tpu.memory_space<hbm>>) target(%dma_start3A_868 : memref<64x128xf32, #tpu.memory_space<vmem>>) target_semaphore(%arg23 : memref<!tpu.dma_semaphore, #tpu.memory_space<semaphore_mem>>)
          } else {
          }
          %eq3A_810 = arith.constant 999936 : i32
          %eq3A_811 = arith.cmpi eq, %add3A_801, %eq3A_810 : i32
          %and3A_812 = arith.andi %lt3A_803, %eq3A_811 : i1
          %convert_element_type3A_813 = arith.extui %and3A_812 : i1 to i32
          %cond3A_814 = arith.constant 0 : i32
          %cond3A_815 = arith.cmpi ne, %convert_element_type3A_813, %cond3A_814 : i32
          scf.if %cond3A_815 {
            %dma_start3A = arith.constant 3 : i32
            %dma_start3A_858 = arith.constant 0 : i32
            %dma_start3A_859 = arith.constant 0 : i32
            %dma_start3A_860 = tpu.memref_slice %arg14[%dma_start3A, %dma_start3A_858, %dma_start3A_859] : memref<6x64x128xf32, #tpu.memory_space<vmem>> -> memref<1x64x128xf32, #tpu.memory_space<vmem>>
            %dma_start3A_861 = tpu.memref_squeeze %dma_start3A_860 : memref<1x64x128xf32, #tpu.memory_space<vmem>> -> memref<64x128xf32, #tpu.memory_space<vmem>>
            %dma_start3A_862 = arith.constant 0 : i32
            %dma_start3A_863 = arith.constant 0 : i32
            %dma_start3A_864 = tpu.memref_slice %arg14[%dma_start3A, %dma_start3A_862, %dma_start3A_863] : memref<6x64x128xf32, #tpu.memory_space<vmem>> -> memref<1x64x128xf32, #tpu.memory_space<vmem>>
            %dma_start3A_865 = tpu.memref_squeeze %dma_start3A_864 : memref<1x64x128xf32, #tpu.memory_space<vmem>> -> memref<64x128xf32, #tpu.memory_space<vmem>>
            tpu.enqueue_dma source(%arg6 : memref<64x128xf32, #tpu.memory_space<hbm>>) target(%dma_start3A_865 : memref<64x128xf32, #tpu.memory_space<vmem>>) target_semaphore(%arg23 : memref<!tpu.dma_semaphore, #tpu.memory_space<semaphore_mem>>)
          } else {
          }
          %add3A_816 = arith.constant 6 : i32
          %add3A_817 = arith.addi %mul3A_577, %add3A_816 : i32
          %add3A_818 = arith.constant 4 : i32
          %add3A_819 = arith.addi %add3A_817, %add3A_818 : i32
          %mul3A_820 = arith.constant 128 : i32
          %mul3A_821 = arith.muli %add3A_819, %mul3A_820 : i32
          %add3A_822 = arith.addi %mul3A_2, %mul3A_821 : i32
          %lt3A_823 = arith.constant 245 : i32
          %lt3A_824 = arith.cmpi slt, %add3A_819, %lt3A_823 : i32
          %lt3A_825 = arith.constant 999936 : i32
          %lt3A_826 = arith.cmpi slt, %add3A_822, %lt3A_825 : i32
          %and3A_827 = arith.andi %lt3A_824, %lt3A_826 : i1
          %convert_element_type3A_828 = arith.extui %and3A_827 : i1 to i32
          %cond3A_829 = arith.constant 0 : i32
          %cond3A_830 = arith.cmpi ne, %convert_element_type3A_828, %cond3A_829 : i32
          scf.if %cond3A_830 {
            %multiple_of3A_858 = tpu.assume_multiple %add3A_822, 128 : i32
            %dma_start3A = arith.constant 4 : i32
            %dma_start3A_859 = arith.constant 0 : i32
            %dma_start3A_860 = arith.constant 0 : i32
            %dma_start3A_861 = tpu.memref_slice %arg14[%dma_start3A, %dma_start3A_859, %dma_start3A_860] : memref<6x64x128xf32, #tpu.memory_space<vmem>> -> memref<1x64x128xf32, #tpu.memory_space<vmem>>
            %dma_start3A_862 = tpu.memref_squeeze %dma_start3A_861 : memref<1x64x128xf32, #tpu.memory_space<vmem>> -> memref<64x128xf32, #tpu.memory_space<vmem>>
            %dma_start3A_863 = arith.constant 0 : i32
            %dma_start3A_864 = tpu.memref_slice %arg5[%dma_start3A_863, %multiple_of3A_858] : memref<64x1000000xf32, #tpu.memory_space<hbm>> -> memref<64x128xf32, #tpu.memory_space<hbm>>
            %dma_start3A_865 = arith.constant 0 : i32
            %dma_start3A_866 = arith.constant 0 : i32
            %dma_start3A_867 = tpu.memref_slice %arg14[%dma_start3A, %dma_start3A_865, %dma_start3A_866] : memref<6x64x128xf32, #tpu.memory_space<vmem>> -> memref<1x64x128xf32, #tpu.memory_space<vmem>>
            %dma_start3A_868 = tpu.memref_squeeze %dma_start3A_867 : memref<1x64x128xf32, #tpu.memory_space<vmem>> -> memref<64x128xf32, #tpu.memory_space<vmem>>
            %dma_start3A_869 = arith.constant 0 : i32
            %dma_start3A_870 = tpu.memref_slice %arg5[%dma_start3A_869, %multiple_of3A_858] : memref<64x1000000xf32, #tpu.memory_space<hbm>> -> memref<64x128xf32, #tpu.memory_space<hbm>>
            tpu.enqueue_dma source(%dma_start3A_870 : memref<64x128xf32, #tpu.memory_space<hbm>>) target(%dma_start3A_868 : memref<64x128xf32, #tpu.memory_space<vmem>>) target_semaphore(%arg24 : memref<!tpu.dma_semaphore, #tpu.memory_space<semaphore_mem>>)
          } else {
          }
          %eq3A_831 = arith.constant 999936 : i32
          %eq3A_832 = arith.cmpi eq, %add3A_822, %eq3A_831 : i32
          %and3A_833 = arith.andi %lt3A_824, %eq3A_832 : i1
          %convert_element_type3A_834 = arith.extui %and3A_833 : i1 to i32
          %cond3A_835 = arith.constant 0 : i32
          %cond3A_836 = arith.cmpi ne, %convert_element_type3A_834, %cond3A_835 : i32
          scf.if %cond3A_836 {
            %dma_start3A = arith.constant 4 : i32
            %dma_start3A_858 = arith.constant 0 : i32
            %dma_start3A_859 = arith.constant 0 : i32
            %dma_start3A_860 = tpu.memref_slice %arg14[%dma_start3A, %dma_start3A_858, %dma_start3A_859] : memref<6x64x128xf32, #tpu.memory_space<vmem>> -> memref<1x64x128xf32, #tpu.memory_space<vmem>>
            %dma_start3A_861 = tpu.memref_squeeze %dma_start3A_860 : memref<1x64x128xf32, #tpu.memory_space<vmem>> -> memref<64x128xf32, #tpu.memory_space<vmem>>
            %dma_start3A_862 = arith.constant 0 : i32
            %dma_start3A_863 = arith.constant 0 : i32
            %dma_start3A_864 = tpu.memref_slice %arg14[%dma_start3A, %dma_start3A_862, %dma_start3A_863] : memref<6x64x128xf32, #tpu.memory_space<vmem>> -> memref<1x64x128xf32, #tpu.memory_space<vmem>>
            %dma_start3A_865 = tpu.memref_squeeze %dma_start3A_864 : memref<1x64x128xf32, #tpu.memory_space<vmem>> -> memref<64x128xf32, #tpu.memory_space<vmem>>
            tpu.enqueue_dma source(%arg6 : memref<64x128xf32, #tpu.memory_space<hbm>>) target(%dma_start3A_865 : memref<64x128xf32, #tpu.memory_space<vmem>>) target_semaphore(%arg24 : memref<!tpu.dma_semaphore, #tpu.memory_space<semaphore_mem>>)
          } else {
          }
          %add3A_837 = arith.constant 6 : i32
          %add3A_838 = arith.addi %mul3A_577, %add3A_837 : i32
          %add3A_839 = arith.constant 5 : i32
          %add3A_840 = arith.addi %add3A_838, %add3A_839 : i32
          %mul3A_841 = arith.constant 128 : i32
          %mul3A_842 = arith.muli %add3A_840, %mul3A_841 : i32
          %add3A_843 = arith.addi %mul3A_2, %mul3A_842 : i32
          %lt3A_844 = arith.constant 245 : i32
          %lt3A_845 = arith.cmpi slt, %add3A_840, %lt3A_844 : i32
          %lt3A_846 = arith.constant 999936 : i32
          %lt3A_847 = arith.cmpi slt, %add3A_843, %lt3A_846 : i32
          %and3A_848 = arith.andi %lt3A_845, %lt3A_847 : i1
          %convert_element_type3A_849 = arith.extui %and3A_848 : i1 to i32
          %cond3A_850 = arith.constant 0 : i32
          %cond3A_851 = arith.cmpi ne, %convert_element_type3A_849, %cond3A_850 : i32
          scf.if %cond3A_851 {
            %multiple_of3A_858 = tpu.assume_multiple %add3A_843, 128 : i32
            %dma_start3A = arith.constant 5 : i32
            %dma_start3A_859 = arith.constant 0 : i32
            %dma_start3A_860 = arith.constant 0 : i32
            %dma_start3A_861 = tpu.memref_slice %arg14[%dma_start3A, %dma_start3A_859, %dma_start3A_860] : memref<6x64x128xf32, #tpu.memory_space<vmem>> -> memref<1x64x128xf32, #tpu.memory_space<vmem>>
            %dma_start3A_862 = tpu.memref_squeeze %dma_start3A_861 : memref<1x64x128xf32, #tpu.memory_space<vmem>> -> memref<64x128xf32, #tpu.memory_space<vmem>>
            %dma_start3A_863 = arith.constant 0 : i32
            %dma_start3A_864 = tpu.memref_slice %arg5[%dma_start3A_863, %multiple_of3A_858] : memref<64x1000000xf32, #tpu.memory_space<hbm>> -> memref<64x128xf32, #tpu.memory_space<hbm>>
            %dma_start3A_865 = arith.constant 0 : i32
            %dma_start3A_866 = arith.constant 0 : i32
            %dma_start3A_867 = tpu.memref_slice %arg14[%dma_start3A, %dma_start3A_865, %dma_start3A_866] : memref<6x64x128xf32, #tpu.memory_space<vmem>> -> memref<1x64x128xf32, #tpu.memory_space<vmem>>
            %dma_start3A_868 = tpu.memref_squeeze %dma_start3A_867 : memref<1x64x128xf32, #tpu.memory_space<vmem>> -> memref<64x128xf32, #tpu.memory_space<vmem>>
            %dma_start3A_869 = arith.constant 0 : i32
            %dma_start3A_870 = tpu.memref_slice %arg5[%dma_start3A_869, %multiple_of3A_858] : memref<64x1000000xf32, #tpu.memory_space<hbm>> -> memref<64x128xf32, #tpu.memory_space<hbm>>
            tpu.enqueue_dma source(%dma_start3A_870 : memref<64x128xf32, #tpu.memory_space<hbm>>) target(%dma_start3A_868 : memref<64x128xf32, #tpu.memory_space<vmem>>) target_semaphore(%arg25 : memref<!tpu.dma_semaphore, #tpu.memory_space<semaphore_mem>>)
          } else {
          }
          %eq3A_852 = arith.constant 999936 : i32
          %eq3A_853 = arith.cmpi eq, %add3A_843, %eq3A_852 : i32
          %and3A_854 = arith.andi %lt3A_845, %eq3A_853 : i1
          %convert_element_type3A_855 = arith.extui %and3A_854 : i1 to i32
          %cond3A_856 = arith.constant 0 : i32
          %cond3A_857 = arith.cmpi ne, %convert_element_type3A_855, %cond3A_856 : i32
          scf.if %cond3A_857 {
            %dma_start3A = arith.constant 5 : i32
            %dma_start3A_858 = arith.constant 0 : i32
            %dma_start3A_859 = arith.constant 0 : i32
            %dma_start3A_860 = tpu.memref_slice %arg14[%dma_start3A, %dma_start3A_858, %dma_start3A_859] : memref<6x64x128xf32, #tpu.memory_space<vmem>> -> memref<1x64x128xf32, #tpu.memory_space<vmem>>
            %dma_start3A_861 = tpu.memref_squeeze %dma_start3A_860 : memref<1x64x128xf32, #tpu.memory_space<vmem>> -> memref<64x128xf32, #tpu.memory_space<vmem>>
            %dma_start3A_862 = arith.constant 0 : i32
            %dma_start3A_863 = arith.constant 0 : i32
            %dma_start3A_864 = tpu.memref_slice %arg14[%dma_start3A, %dma_start3A_862, %dma_start3A_863] : memref<6x64x128xf32, #tpu.memory_space<vmem>> -> memref<1x64x128xf32, #tpu.memory_space<vmem>>
            %dma_start3A_865 = tpu.memref_squeeze %dma_start3A_864 : memref<1x64x128xf32, #tpu.memory_space<vmem>> -> memref<64x128xf32, #tpu.memory_space<vmem>>
            tpu.enqueue_dma source(%arg6 : memref<64x128xf32, #tpu.memory_space<hbm>>) target(%dma_start3A_865 : memref<64x128xf32, #tpu.memory_space<vmem>>) target_semaphore(%arg25 : memref<!tpu.dma_semaphore, #tpu.memory_space<semaphore_mem>>)
          } else {
          }
          scf.yield %while3A_731 : i32
        }
        %scan3A_568 = arith.constant 41 : i32
        %gt3A_569 = arith.constant 0 : i32
        %gt3A_570 = arith.cmpi sgt, %scan3A_567, %gt3A_569 : i32
        %convert_element_type3A_571 = arith.extui %gt3A_570 : i1 to i32
        %cond3A_572 = arith.constant 0 : i32
        %cond3A_573 = arith.cmpi ne, %convert_element_type3A_571, %cond3A_572 : i32
        scf.if %cond3A_573 {
          %dma_start3A = arith.constant 0 : i32
          %dma_start3A_574 = arith.constant 0 : i32
          %dma_start3A_575 = tpu.memref_slice %arg16[%dma_start3A, %dma_start3A_574] : memref<1x128xi32, #tpu.memory_space<vmem>> -> memref<1x128xi32, #tpu.memory_space<vmem>>
          %dma_start3A_576 = tpu.memref_squeeze %dma_start3A_575 : memref<1x128xi32, #tpu.memory_space<vmem>> -> memref<128xi32, #tpu.memory_space<vmem>>
          %dma_start3A_577 = arith.constant 0 : i32
          %dma_start3A_578 = arith.constant 0 : i32
          %dma_start3A_579 = tpu.memref_slice %arg3[%dma_start3A_577, %dma_start3A_578] : memref<16448x128xf32, #tpu.memory_space<hbm>> -> memref<16448x128xf32, #tpu.memory_space<hbm>>
          tpu.enqueue_indirect_dma source(%dma_start3A_579 : memref<16448x128xf32, #tpu.memory_space<hbm>>) target(%arg17 : memref<128x128xf32, #tpu.memory_space<vmem>>) offsets(%dma_start3A_576 : memref<128xi32, #tpu.memory_space<vmem>>) semaphore(%arg26 : memref<!tpu.dma_semaphore, #tpu.memory_space<semaphore_mem>>)
          %dma_wait3A = arith.constant 0 : i32
          %dma_wait3A_580 = arith.constant 0 : i32
          %dma_wait3A_581 = tpu.memref_slice %arg16[%dma_wait3A, %dma_wait3A_580] : memref<1x128xi32, #tpu.memory_space<vmem>> -> memref<1x128xi32, #tpu.memory_space<vmem>>
          %dma_wait3A_582 = tpu.memref_squeeze %dma_wait3A_581 : memref<1x128xi32, #tpu.memory_space<vmem>> -> memref<128xi32, #tpu.memory_space<vmem>>
          %dma_wait3A_583 = arith.constant 0 : i32
          %dma_wait3A_584 = arith.constant 0 : i32
          %dma_wait3A_585 = tpu.memref_slice %arg3[%dma_wait3A_583, %dma_wait3A_584] : memref<16448x128xf32, #tpu.memory_space<hbm>> -> memref<16448x128xf32, #tpu.memory_space<hbm>>
          tpu.wait_indirect_dma semaphore(%arg26 : memref<!tpu.dma_semaphore, #tpu.memory_space<semaphore_mem>>) src(%dma_wait3A_585 : memref<16448x128xf32, #tpu.memory_space<hbm>>) dst(%arg17 : memref<128x128xf32, #tpu.memory_space<vmem>>)
          %broadcast_in_dim3A_586 = arith.constant 1 : i32
          %broadcast_in_dim3A_587 = vector.broadcast %broadcast_in_dim3A_586 : i32 to vector<16xi32>
          %gather3A = tpu.vector_load_idx %arg19[%broadcast_in_dim3A_587] : memref<16xf32, #tpu.memory_space<vmem>>[vector<16xi32>], vector<16xf32>,
          %broadcast_in_dim3A_588 = arith.constant 5 : i32
          %broadcast_in_dim3A_589 = vector.broadcast %broadcast_in_dim3A_588 : i32 to vector<16xi32>
          %gather3A_590 = tpu.vector_load_idx %arg19[%broadcast_in_dim3A_589] : memref<16xf32, #tpu.memory_space<vmem>>[vector<16xi32>], vector<16xf32>,
          %broadcast_in_dim3A_591 = arith.constant 64 : i32
          %broadcast_in_dim3A_592 = vector.broadcast %broadcast_in_dim3A_591 : i32 to vector<16xi32>
          %broadcast_in_dim3A_593 = arith.constant 0 : i32
          %broadcast_in_dim3A_594 = vector.broadcast %broadcast_in_dim3A_593 : i32 to vector<16xi32>
          %iota3A = tpu.iota {dimensions = array<i32: 0>} : vector<16xi32>
          %add3A_595 = arith.constant 0 : i32
          %add3A_596 = vector.broadcast %add3A_595 : i32 to vector<16xi32>
          %add3A_597 = arith.addi %iota3A, %add3A_596 : vector<16xi32>
          %gather3A_598 = tpu.vector_load_idx %arg17[%add3A_597, %broadcast_in_dim3A_594] : memref<128x128xf32, #tpu.memory_space<vmem>>[vector<16xi32>, vector<16xi32>], vector<16xf32>,
          %sub3A_599 = arith.subf %gather3A_598, %gather3A : vector<16xf32>
          %mul3A_600 = arith.mulf %sub3A_599, %gather3A_590 : vector<16xf32>
          tpu.vector_store_idx %arg15[%add3A_597, %broadcast_in_dim3A_592], %mul3A_600 : memref<128x128xf32, #tpu.memory_space<vmem>>[vector<16xi32>, vector<16xi32>], vector<16xf32>,
          %iota3A_601 = tpu.iota {dimensions = array<i32: 0>} : vector<16xi32>
          %add3A_602 = arith.constant 16 : i32
          %add3A_603 = vector.broadcast %add3A_602 : i32 to vector<16xi32>
          %add3A_604 = arith.addi %iota3A_601, %add3A_603 : vector<16xi32>
          %gather3A_605 = tpu.vector_load_idx %arg17[%add3A_604, %broadcast_in_dim3A_594] : memref<128x128xf32, #tpu.memory_space<vmem>>[vector<16xi32>, vector<16xi32>], vector<16xf32>,
          %sub3A_606 = arith.subf %gather3A_605, %gather3A : vector<16xf32>
          %mul3A_607 = arith.mulf %sub3A_606, %gather3A_590 : vector<16xf32>
          tpu.vector_store_idx %arg15[%add3A_604, %broadcast_in_dim3A_592], %mul3A_607 : memref<128x128xf32, #tpu.memory_space<vmem>>[vector<16xi32>, vector<16xi32>], vector<16xf32>,
          %iota3A_608 = tpu.iota {dimensions = array<i32: 0>} : vector<16xi32>
          %add3A_609 = arith.constant 32 : i32
          %add3A_610 = vector.broadcast %add3A_609 : i32 to vector<16xi32>
          %add3A_611 = arith.addi %iota3A_608, %add3A_610 : vector<16xi32>
          %gather3A_612 = tpu.vector_load_idx %arg17[%add3A_611, %broadcast_in_dim3A_594] : memref<128x128xf32, #tpu.memory_space<vmem>>[vector<16xi32>, vector<16xi32>], vector<16xf32>,
          %sub3A_613 = arith.subf %gather3A_612, %gather3A : vector<16xf32>
          %mul3A_614 = arith.mulf %sub3A_613, %gather3A_590 : vector<16xf32>
          tpu.vector_store_idx %arg15[%add3A_611, %broadcast_in_dim3A_592], %mul3A_614 : memref<128x128xf32, #tpu.memory_space<vmem>>[vector<16xi32>, vector<16xi32>], vector<16xf32>,
          %iota3A_615 = tpu.iota {dimensions = array<i32: 0>} : vector<16xi32>
          %add3A_616 = arith.constant 48 : i32
          %add3A_617 = vector.broadcast %add3A_616 : i32 to vector<16xi32>
          %add3A_618 = arith.addi %iota3A_615, %add3A_617 : vector<16xi32>
          %gather3A_619 = tpu.vector_load_idx %arg17[%add3A_618, %broadcast_in_dim3A_594] : memref<128x128xf32, #tpu.memory_space<vmem>>[vector<16xi32>, vector<16xi32>], vector<16xf32>,
          %sub3A_620 = arith.subf %gather3A_619, %gather3A : vector<16xf32>
          %mul3A_621 = arith.mulf %sub3A_620, %gather3A_590 : vector<16xf32>
          tpu.vector_store_idx %arg15[%add3A_618, %broadcast_in_dim3A_592], %mul3A_621 : memref<128x128xf32, #tpu.memory_space<vmem>>[vector<16xi32>, vector<16xi32>], vector<16xf32>,
          %iota3A_622 = tpu.iota {dimensions = array<i32: 0>} : vector<16xi32>
          %add3A_623 = arith.constant 64 : i32
          %add3A_624 = vector.broadcast %add3A_623 : i32 to vector<16xi32>
          %add3A_625 = arith.addi %iota3A_622, %add3A_624 : vector<16xi32>
          %gather3A_626 = tpu.vector_load_idx %arg17[%add3A_625, %broadcast_in_dim3A_594] : memref<128x128xf32, #tpu.memory_space<vmem>>[vector<16xi32>, vector<16xi32>], vector<16xf32>,
          %sub3A_627 = arith.subf %gather3A_626, %gather3A : vector<16xf32>
          %mul3A_628 = arith.mulf %sub3A_627, %gather3A_590 : vector<16xf32>
          tpu.vector_store_idx %arg15[%add3A_625, %broadcast_in_dim3A_592], %mul3A_628 : memref<128x128xf32, #tpu.memory_space<vmem>>[vector<16xi32>, vector<16xi32>], vector<16xf32>,
          %iota3A_629 = tpu.iota {dimensions = array<i32: 0>} : vector<16xi32>
          %add3A_630 = arith.constant 80 : i32
          %add3A_631 = vector.broadcast %add3A_630 : i32 to vector<16xi32>
          %add3A_632 = arith.addi %iota3A_629, %add3A_631 : vector<16xi32>
          %gather3A_633 = tpu.vector_load_idx %arg17[%add3A_632, %broadcast_in_dim3A_594] : memref<128x128xf32, #tpu.memory_space<vmem>>[vector<16xi32>, vector<16xi32>], vector<16xf32>,
          %sub3A_634 = arith.subf %gather3A_633, %gather3A : vector<16xf32>
          %mul3A_635 = arith.mulf %sub3A_634, %gather3A_590 : vector<16xf32>
          tpu.vector_store_idx %arg15[%add3A_632, %broadcast_in_dim3A_592], %mul3A_635 : memref<128x128xf32, #tpu.memory_space<vmem>>[vector<16xi32>, vector<16xi32>], vector<16xf32>,
          %iota3A_636 = tpu.iota {dimensions = array<i32: 0>} : vector<16xi32>
          %add3A_637 = arith.constant 96 : i32
          %add3A_638 = vector.broadcast %add3A_637 : i32 to vector<16xi32>
          %add3A_639 = arith.addi %iota3A_636, %add3A_638 : vector<16xi32>
          %gather3A_640 = tpu.vector_load_idx %arg17[%add3A_639, %broadcast_in_dim3A_594] : memref<128x128xf32, #tpu.memory_space<vmem>>[vector<16xi32>, vector<16xi32>], vector<16xf32>,
          %sub3A_641 = arith.subf %gather3A_640, %gather3A : vector<16xf32>
          %mul3A_642 = arith.mulf %sub3A_641, %gather3A_590 : vector<16xf32>
          tpu.vector_store_idx %arg15[%add3A_639, %broadcast_in_dim3A_592], %mul3A_642 : memref<128x128xf32, #tpu.memory_space<vmem>>[vector<16xi32>, vector<16xi32>], vector<16xf32>,
          %iota3A_643 = tpu.iota {dimensions = array<i32: 0>} : vector<16xi32>
          %add3A_644 = arith.constant 112 : i32
          %add3A_645 = vector.broadcast %add3A_644 : i32 to vector<16xi32>
          %add3A_646 = arith.addi %iota3A_643, %add3A_645 : vector<16xi32>
          %gather3A_647 = tpu.vector_load_idx %arg17[%add3A_646, %broadcast_in_dim3A_594] : memref<128x128xf32, #tpu.memory_space<vmem>>[vector<16xi32>, vector<16xi32>], vector<16xf32>,
          %sub3A_648 = arith.subf %gather3A_647, %gather3A : vector<16xf32>
          %mul3A_649 = arith.mulf %sub3A_648, %gather3A_590 : vector<16xf32>
          tpu.vector_store_idx %arg15[%add3A_646, %broadcast_in_dim3A_592], %mul3A_649 : memref<128x128xf32, #tpu.memory_space<vmem>>[vector<16xi32>, vector<16xi32>], vector<16xf32>,
          %broadcast_in_dim3A_650 = arith.constant 2 : i32
          %broadcast_in_dim3A_651 = vector.broadcast %broadcast_in_dim3A_650 : i32 to vector<16xi32>
          %gather3A_652 = tpu.vector_load_idx %arg19[%broadcast_in_dim3A_651] : memref<16xf32, #tpu.memory_space<vmem>>[vector<16xi32>], vector<16xf32>,
          %broadcast_in_dim3A_653 = arith.constant 6 : i32
          %broadcast_in_dim3A_654 = vector.broadcast %broadcast_in_dim3A_653 : i32 to vector<16xi32>
          %gather3A_655 = tpu.vector_load_idx %arg19[%broadcast_in_dim3A_654] : memref<16xf32, #tpu.memory_space<vmem>>[vector<16xi32>], vector<16xf32>,
          %broadcast_in_dim3A_656 = arith.constant 65 : i32
          %broadcast_in_dim3A_657 = vector.broadcast %broadcast_in_dim3A_656 : i32 to vector<16xi32>
          %broadcast_in_dim3A_658 = arith.constant 1 : i32
          %broadcast_in_dim3A_659 = vector.broadcast %broadcast_in_dim3A_658 : i32 to vector<16xi32>
          %iota3A_660 = tpu.iota {dimensions = array<i32: 0>} : vector<16xi32>
          %add3A_661 = arith.constant 0 : i32
          %add3A_662 = vector.broadcast %add3A_661 : i32 to vector<16xi32>
          %add3A_663 = arith.addi %iota3A_660, %add3A_662 : vector<16xi32>
          %gather3A_664 = tpu.vector_load_idx %arg17[%add3A_663, %broadcast_in_dim3A_659] : memref<128x128xf32, #tpu.memory_space<vmem>>[vector<16xi32>, vector<16xi32>], vector<16xf32>,
          %sub3A_665 = arith.subf %gather3A_664, %gather3A_652 : vector<16xf32>
          %mul3A_666 = arith.mulf %sub3A_665, %gather3A_655 : vector<16xf32>
          tpu.vector_store_idx %arg15[%add3A_663, %broadcast_in_dim3A_657], %mul3A_666 : memref<128x128xf32, #tpu.memory_space<vmem>>[vector<16xi32>, vector<16xi32>], vector<16xf32>,
          %iota3A_667 = tpu.iota {dimensions = array<i32: 0>} : vector<16xi32>
          %add3A_668 = arith.constant 16 : i32
          %add3A_669 = vector.broadcast %add3A_668 : i32 to vector<16xi32>
          %add3A_670 = arith.addi %iota3A_667, %add3A_669 : vector<16xi32>
          %gather3A_671 = tpu.vector_load_idx %arg17[%add3A_670, %broadcast_in_dim3A_659] : memref<128x128xf32, #tpu.memory_space<vmem>>[vector<16xi32>, vector<16xi32>], vector<16xf32>,
          %sub3A_672 = arith.subf %gather3A_671, %gather3A_652 : vector<16xf32>
          %mul3A_673 = arith.mulf %sub3A_672, %gather3A_655 : vector<16xf32>
          tpu.vector_store_idx %arg15[%add3A_670, %broadcast_in_dim3A_657], %mul3A_673 : memref<128x128xf32, #tpu.memory_space<vmem>>[vector<16xi32>, vector<16xi32>], vector<16xf32>,
          %iota3A_674 = tpu.iota {dimensions = array<i32: 0>} : vector<16xi32>
          %add3A_675 = arith.constant 32 : i32
          %add3A_676 = vector.broadcast %add3A_675 : i32 to vector<16xi32>
          %add3A_677 = arith.addi %iota3A_674, %add3A_676 : vector<16xi32>
          %gather3A_678 = tpu.vector_load_idx %arg17[%add3A_677, %broadcast_in_dim3A_659] : memref<128x128xf32, #tpu.memory_space<vmem>>[vector<16xi32>, vector<16xi32>], vector<16xf32>,
          %sub3A_679 = arith.subf %gather3A_678, %gather3A_652 : vector<16xf32>
          %mul3A_680 = arith.mulf %sub3A_679, %gather3A_655 : vector<16xf32>
          tpu.vector_store_idx %arg15[%add3A_677, %broadcast_in_dim3A_657], %mul3A_680 : memref<128x128xf32, #tpu.memory_space<vmem>>[vector<16xi32>, vector<16xi32>], vector<16xf32>,
          %iota3A_681 = tpu.iota {dimensions = array<i32: 0>} : vector<16xi32>
          %add3A_682 = arith.constant 48 : i32
          %add3A_683 = vector.broadcast %add3A_682 : i32 to vector<16xi32>
          %add3A_684 = arith.addi %iota3A_681, %add3A_683 : vector<16xi32>
          %gather3A_685 = tpu.vector_load_idx %arg17[%add3A_684, %broadcast_in_dim3A_659] : memref<128x128xf32, #tpu.memory_space<vmem>>[vector<16xi32>, vector<16xi32>], vector<16xf32>,
          %sub3A_686 = arith.subf %gather3A_685, %gather3A_652 : vector<16xf32>
          %mul3A_687 = arith.mulf %sub3A_686, %gather3A_655 : vector<16xf32>
          tpu.vector_store_idx %arg15[%add3A_684, %broadcast_in_dim3A_657], %mul3A_687 : memref<128x128xf32, #tpu.memory_space<vmem>>[vector<16xi32>, vector<16xi32>], vector<16xf32>,
          %iota3A_688 = tpu.iota {dimensions = array<i32: 0>} : vector<16xi32>
          %add3A_689 = arith.constant 64 : i32
          %add3A_690 = vector.broadcast %add3A_689 : i32 to vector<16xi32>
          %add3A_691 = arith.addi %iota3A_688, %add3A_690 : vector<16xi32>
          %gather3A_692 = tpu.vector_load_idx %arg17[%add3A_691, %broadcast_in_dim3A_659] : memref<128x128xf32, #tpu.memory_space<vmem>>[vector<16xi32>, vector<16xi32>], vector<16xf32>,
          %sub3A_693 = arith.subf %gather3A_692, %gather3A_652 : vector<16xf32>
          %mul3A_694 = arith.mulf %sub3A_693, %gather3A_655 : vector<16xf32>
          tpu.vector_store_idx %arg15[%add3A_691, %broadcast_in_dim3A_657], %mul3A_694 : memref<128x128xf32, #tpu.memory_space<vmem>>[vector<16xi32>, vector<16xi32>], vector<16xf32>,
          %iota3A_695 = tpu.iota {dimensions = array<i32: 0>} : vector<16xi32>
          %add3A_696 = arith.constant 80 : i32
          %add3A_697 = vector.broadcast %add3A_696 : i32 to vector<16xi32>
          %add3A_698 = arith.addi %iota3A_695, %add3A_697 : vector<16xi32>
          %gather3A_699 = tpu.vector_load_idx %arg17[%add3A_698, %broadcast_in_dim3A_659] : memref<128x128xf32, #tpu.memory_space<vmem>>[vector<16xi32>, vector<16xi32>], vector<16xf32>,
          %sub3A_700 = arith.subf %gather3A_699, %gather3A_652 : vector<16xf32>
          %mul3A_701 = arith.mulf %sub3A_700, %gather3A_655 : vector<16xf32>
          tpu.vector_store_idx %arg15[%add3A_698, %broadcast_in_dim3A_657], %mul3A_701 : memref<128x128xf32, #tpu.memory_space<vmem>>[vector<16xi32>, vector<16xi32>], vector<16xf32>,
          %iota3A_702 = tpu.iota {dimensions = array<i32: 0>} : vector<16xi32>
          %add3A_703 = arith.constant 96 : i32
          %add3A_704 = vector.broadcast %add3A_703 : i32 to vector<16xi32>
          %add3A_705 = arith.addi %iota3A_702, %add3A_704 : vector<16xi32>
          %gather3A_706 = tpu.vector_load_idx %arg17[%add3A_705, %broadcast_in_dim3A_659] : memref<128x128xf32, #tpu.memory_space<vmem>>[vector<16xi32>, vector<16xi32>], vector<16xf32>,
          %sub3A_707 = arith.subf %gather3A_706, %gather3A_652 : vector<16xf32>
          %mul3A_708 = arith.mulf %sub3A_707, %gather3A_655 : vector<16xf32>
          tpu.vector_store_idx %arg15[%add3A_705, %broadcast_in_dim3A_657], %mul3A_708 : memref<128x128xf32, #tpu.memory_space<vmem>>[vector<16xi32>, vector<16xi32>], vector<16xf32>,
          %iota3A_709 = tpu.iota {dimensions = array<i32: 0>} : vector<16xi32>
          %add3A_710 = arith.constant 112 : i32
          %add3A_711 = vector.broadcast %add3A_710 : i32 to vector<16xi32>
          %add3A_712 = arith.addi %iota3A_709, %add3A_711 : vector<16xi32>
          %gather3A_713 = tpu.vector_load_idx %arg17[%add3A_712, %broadcast_in_dim3A_659] : memref<128x128xf32, #tpu.memory_space<vmem>>[vector<16xi32>, vector<16xi32>], vector<16xf32>,
          %sub3A_714 = arith.subf %gather3A_713, %gather3A_652 : vector<16xf32>
          %mul3A_715 = arith.mulf %sub3A_714, %gather3A_655 : vector<16xf32>
          tpu.vector_store_idx %arg15[%add3A_712, %broadcast_in_dim3A_657], %mul3A_715 : memref<128x128xf32, #tpu.memory_space<vmem>>[vector<16xi32>, vector<16xi32>], vector<16xf32>,
          %broadcast_in_dim3A_716 = arith.constant 3 : i32
          %broadcast_in_dim3A_717 = vector.broadcast %broadcast_in_dim3A_716 : i32 to vector<16xi32>
          %gather3A_718 = tpu.vector_load_idx %arg19[%broadcast_in_dim3A_717] : memref<16xf32, #tpu.memory_space<vmem>>[vector<16xi32>], vector<16xf32>,
          %broadcast_in_dim3A_719 = arith.constant 7 : i32
          %broadcast_in_dim3A_720 = vector.broadcast %broadcast_in_dim3A_719 : i32 to vector<16xi32>
          %gather3A_721 = tpu.vector_load_idx %arg19[%broadcast_in_dim3A_720] : memref<16xf32, #tpu.memory_space<vmem>>[vector<16xi32>], vector<16xf32>,
          %broadcast_in_dim3A_722 = arith.constant 66 : i32
          %broadcast_in_dim3A_723 = vector.broadcast %broadcast_in_dim3A_722 : i32 to vector<16xi32>
          %broadcast_in_dim3A_724 = arith.constant 2 : i32
          %broadcast_in_dim3A_725 = vector.broadcast %broadcast_in_dim3A_724 : i32 to vector<16xi32>
          %iota3A_726 = tpu.iota {dimensions = array<i32: 0>} : vector<16xi32>
          %add3A_727 = arith.constant 0 : i32
          %add3A_728 = vector.broadcast %add3A_727 : i32 to vector<16xi32>
          %add3A_729 = arith.addi %iota3A_726, %add3A_728 : vector<16xi32>
          %gather3A_730 = tpu.vector_load_idx %arg17[%add3A_729, %broadcast_in_dim3A_725] : memref<128x128xf32, #tpu.memory_space<vmem>>[vector<16xi32>, vector<16xi32>], vector<16xf32>,
          %sub3A_731 = arith.subf %gather3A_730, %gather3A_718 : vector<16xf32>
          %mul3A_732 = arith.mulf %sub3A_731, %gather3A_721 : vector<16xf32>
          tpu.vector_store_idx %arg15[%add3A_729, %broadcast_in_dim3A_723], %mul3A_732 : memref<128x128xf32, #tpu.memory_space<vmem>>[vector<16xi32>, vector<16xi32>], vector<16xf32>,
          %iota3A_733 = tpu.iota {dimensions = array<i32: 0>} : vector<16xi32>
          %add3A_734 = arith.constant 16 : i32
          %add3A_735 = vector.broadcast %add3A_734 : i32 to vector<16xi32>
          %add3A_736 = arith.addi %iota3A_733, %add3A_735 : vector<16xi32>
          %gather3A_737 = tpu.vector_load_idx %arg17[%add3A_736, %broadcast_in_dim3A_725] : memref<128x128xf32, #tpu.memory_space<vmem>>[vector<16xi32>, vector<16xi32>], vector<16xf32>,
          %sub3A_738 = arith.subf %gather3A_737, %gather3A_718 : vector<16xf32>
          %mul3A_739 = arith.mulf %sub3A_738, %gather3A_721 : vector<16xf32>
          tpu.vector_store_idx %arg15[%add3A_736, %broadcast_in_dim3A_723], %mul3A_739 : memref<128x128xf32, #tpu.memory_space<vmem>>[vector<16xi32>, vector<16xi32>], vector<16xf32>,
          %iota3A_740 = tpu.iota {dimensions = array<i32: 0>} : vector<16xi32>
          %add3A_741 = arith.constant 32 : i32
          %add3A_742 = vector.broadcast %add3A_741 : i32 to vector<16xi32>
          %add3A_743 = arith.addi %iota3A_740, %add3A_742 : vector<16xi32>
          %gather3A_744 = tpu.vector_load_idx %arg17[%add3A_743, %broadcast_in_dim3A_725] : memref<128x128xf32, #tpu.memory_space<vmem>>[vector<16xi32>, vector<16xi32>], vector<16xf32>,
          %sub3A_745 = arith.subf %gather3A_744, %gather3A_718 : vector<16xf32>
          %mul3A_746 = arith.mulf %sub3A_745, %gather3A_721 : vector<16xf32>
          tpu.vector_store_idx %arg15[%add3A_743, %broadcast_in_dim3A_723], %mul3A_746 : memref<128x128xf32, #tpu.memory_space<vmem>>[vector<16xi32>, vector<16xi32>], vector<16xf32>,
          %iota3A_747 = tpu.iota {dimensions = array<i32: 0>} : vector<16xi32>
          %add3A_748 = arith.constant 48 : i32
          %add3A_749 = vector.broadcast %add3A_748 : i32 to vector<16xi32>
          %add3A_750 = arith.addi %iota3A_747, %add3A_749 : vector<16xi32>
          %gather3A_751 = tpu.vector_load_idx %arg17[%add3A_750, %broadcast_in_dim3A_725] : memref<128x128xf32, #tpu.memory_space<vmem>>[vector<16xi32>, vector<16xi32>], vector<16xf32>,
          %sub3A_752 = arith.subf %gather3A_751, %gather3A_718 : vector<16xf32>
          %mul3A_753 = arith.mulf %sub3A_752, %gather3A_721 : vector<16xf32>
          tpu.vector_store_idx %arg15[%add3A_750, %broadcast_in_dim3A_723], %mul3A_753 : memref<128x128xf32, #tpu.memory_space<vmem>>[vector<16xi32>, vector<16xi32>], vector<16xf32>,
          %iota3A_754 = tpu.iota {dimensions = array<i32: 0>} : vector<16xi32>
          %add3A_755 = arith.constant 64 : i32
          %add3A_756 = vector.broadcast %add3A_755 : i32 to vector<16xi32>
          %add3A_757 = arith.addi %iota3A_754, %add3A_756 : vector<16xi32>
          %gather3A_758 = tpu.vector_load_idx %arg17[%add3A_757, %broadcast_in_dim3A_725] : memref<128x128xf32, #tpu.memory_space<vmem>>[vector<16xi32>, vector<16xi32>], vector<16xf32>,
          %sub3A_759 = arith.subf %gather3A_758, %gather3A_718 : vector<16xf32>
          %mul3A_760 = arith.mulf %sub3A_759, %gather3A_721 : vector<16xf32>
          tpu.vector_store_idx %arg15[%add3A_757, %broadcast_in_dim3A_723], %mul3A_760 : memref<128x128xf32, #tpu.memory_space<vmem>>[vector<16xi32>, vector<16xi32>], vector<16xf32>,
          %iota3A_761 = tpu.iota {dimensions = array<i32: 0>} : vector<16xi32>
          %add3A_762 = arith.constant 80 : i32
          %add3A_763 = vector.broadcast %add3A_762 : i32 to vector<16xi32>
          %add3A_764 = arith.addi %iota3A_761, %add3A_763 : vector<16xi32>
          %gather3A_765 = tpu.vector_load_idx %arg17[%add3A_764, %broadcast_in_dim3A_725] : memref<128x128xf32, #tpu.memory_space<vmem>>[vector<16xi32>, vector<16xi32>], vector<16xf32>,
          %sub3A_766 = arith.subf %gather3A_765, %gather3A_718 : vector<16xf32>
          %mul3A_767 = arith.mulf %sub3A_766, %gather3A_721 : vector<16xf32>
          tpu.vector_store_idx %arg15[%add3A_764, %broadcast_in_dim3A_723], %mul3A_767 : memref<128x128xf32, #tpu.memory_space<vmem>>[vector<16xi32>, vector<16xi32>], vector<16xf32>,
          %iota3A_768 = tpu.iota {dimensions = array<i32: 0>} : vector<16xi32>
          %add3A_769 = arith.constant 96 : i32
          %add3A_770 = vector.broadcast %add3A_769 : i32 to vector<16xi32>
          %add3A_771 = arith.addi %iota3A_768, %add3A_770 : vector<16xi32>
          %gather3A_772 = tpu.vector_load_idx %arg17[%add3A_771, %broadcast_in_dim3A_725] : memref<128x128xf32, #tpu.memory_space<vmem>>[vector<16xi32>, vector<16xi32>], vector<16xf32>,
          %sub3A_773 = arith.subf %gather3A_772, %gather3A_718 : vector<16xf32>
          %mul3A_774 = arith.mulf %sub3A_773, %gather3A_721 : vector<16xf32>
          tpu.vector_store_idx %arg15[%add3A_771, %broadcast_in_dim3A_723], %mul3A_774 : memref<128x128xf32, #tpu.memory_space<vmem>>[vector<16xi32>, vector<16xi32>], vector<16xf32>,
          %iota3A_775 = tpu.iota {dimensions = array<i32: 0>} : vector<16xi32>
          %add3A_776 = arith.constant 112 : i32
          %add3A_777 = vector.broadcast %add3A_776 : i32 to vector<16xi32>
          %add3A_778 = arith.addi %iota3A_775, %add3A_777 : vector<16xi32>
          %gather3A_779 = tpu.vector_load_idx %arg17[%add3A_778, %broadcast_in_dim3A_725] : memref<128x128xf32, #tpu.memory_space<vmem>>[vector<16xi32>, vector<16xi32>], vector<16xf32>,
          %sub3A_780 = arith.subf %gather3A_779, %gather3A_718 : vector<16xf32>
          %mul3A_781 = arith.mulf %sub3A_780, %gather3A_721 : vector<16xf32>
          tpu.vector_store_idx %arg15[%add3A_778, %broadcast_in_dim3A_723], %mul3A_781 : memref<128x128xf32, #tpu.memory_space<vmem>>[vector<16xi32>, vector<16xi32>], vector<16xf32>,
          %broadcast_in_dim3A_782 = arith.constant 4 : i32
          %broadcast_in_dim3A_783 = vector.broadcast %broadcast_in_dim3A_782 : i32 to vector<16xi32>
          %gather3A_784 = tpu.vector_load_idx %arg19[%broadcast_in_dim3A_783] : memref<16xf32, #tpu.memory_space<vmem>>[vector<16xi32>], vector<16xf32>,
          %broadcast_in_dim3A_785 = arith.constant 8 : i32
          %broadcast_in_dim3A_786 = vector.broadcast %broadcast_in_dim3A_785 : i32 to vector<16xi32>
          %gather3A_787 = tpu.vector_load_idx %arg19[%broadcast_in_dim3A_786] : memref<16xf32, #tpu.memory_space<vmem>>[vector<16xi32>], vector<16xf32>,
          %broadcast_in_dim3A_788 = arith.constant 67 : i32
          %broadcast_in_dim3A_789 = vector.broadcast %broadcast_in_dim3A_788 : i32 to vector<16xi32>
          %broadcast_in_dim3A_790 = arith.constant 3 : i32
          %broadcast_in_dim3A_791 = vector.broadcast %broadcast_in_dim3A_790 : i32 to vector<16xi32>
          %iota3A_792 = tpu.iota {dimensions = array<i32: 0>} : vector<16xi32>
          %add3A_793 = arith.constant 0 : i32
          %add3A_794 = vector.broadcast %add3A_793 : i32 to vector<16xi32>
          %add3A_795 = arith.addi %iota3A_792, %add3A_794 : vector<16xi32>
          %gather3A_796 = tpu.vector_load_idx %arg17[%add3A_795, %broadcast_in_dim3A_791] : memref<128x128xf32, #tpu.memory_space<vmem>>[vector<16xi32>, vector<16xi32>], vector<16xf32>,
          %sub3A_797 = arith.subf %gather3A_796, %gather3A_784 : vector<16xf32>
          %mul3A_798 = arith.mulf %sub3A_797, %gather3A_787 : vector<16xf32>
          tpu.vector_store_idx %arg15[%add3A_795, %broadcast_in_dim3A_789], %mul3A_798 : memref<128x128xf32, #tpu.memory_space<vmem>>[vector<16xi32>, vector<16xi32>], vector<16xf32>,
          %iota3A_799 = tpu.iota {dimensions = array<i32: 0>} : vector<16xi32>
          %add3A_800 = arith.constant 16 : i32
          %add3A_801 = vector.broadcast %add3A_800 : i32 to vector<16xi32>
          %add3A_802 = arith.addi %iota3A_799, %add3A_801 : vector<16xi32>
          %gather3A_803 = tpu.vector_load_idx %arg17[%add3A_802, %broadcast_in_dim3A_791] : memref<128x128xf32, #tpu.memory_space<vmem>>[vector<16xi32>, vector<16xi32>], vector<16xf32>,
          %sub3A_804 = arith.subf %gather3A_803, %gather3A_784 : vector<16xf32>
          %mul3A_805 = arith.mulf %sub3A_804, %gather3A_787 : vector<16xf32>
          tpu.vector_store_idx %arg15[%add3A_802, %broadcast_in_dim3A_789], %mul3A_805 : memref<128x128xf32, #tpu.memory_space<vmem>>[vector<16xi32>, vector<16xi32>], vector<16xf32>,
          %iota3A_806 = tpu.iota {dimensions = array<i32: 0>} : vector<16xi32>
          %add3A_807 = arith.constant 32 : i32
          %add3A_808 = vector.broadcast %add3A_807 : i32 to vector<16xi32>
          %add3A_809 = arith.addi %iota3A_806, %add3A_808 : vector<16xi32>
          %gather3A_810 = tpu.vector_load_idx %arg17[%add3A_809, %broadcast_in_dim3A_791] : memref<128x128xf32, #tpu.memory_space<vmem>>[vector<16xi32>, vector<16xi32>], vector<16xf32>,
          %sub3A_811 = arith.subf %gather3A_810, %gather3A_784 : vector<16xf32>
          %mul3A_812 = arith.mulf %sub3A_811, %gather3A_787 : vector<16xf32>
          tpu.vector_store_idx %arg15[%add3A_809, %broadcast_in_dim3A_789], %mul3A_812 : memref<128x128xf32, #tpu.memory_space<vmem>>[vector<16xi32>, vector<16xi32>], vector<16xf32>,
          %iota3A_813 = tpu.iota {dimensions = array<i32: 0>} : vector<16xi32>
          %add3A_814 = arith.constant 48 : i32
          %add3A_815 = vector.broadcast %add3A_814 : i32 to vector<16xi32>
          %add3A_816 = arith.addi %iota3A_813, %add3A_815 : vector<16xi32>
          %gather3A_817 = tpu.vector_load_idx %arg17[%add3A_816, %broadcast_in_dim3A_791] : memref<128x128xf32, #tpu.memory_space<vmem>>[vector<16xi32>, vector<16xi32>], vector<16xf32>,
          %sub3A_818 = arith.subf %gather3A_817, %gather3A_784 : vector<16xf32>
          %mul3A_819 = arith.mulf %sub3A_818, %gather3A_787 : vector<16xf32>
          tpu.vector_store_idx %arg15[%add3A_816, %broadcast_in_dim3A_789], %mul3A_819 : memref<128x128xf32, #tpu.memory_space<vmem>>[vector<16xi32>, vector<16xi32>], vector<16xf32>,
          %iota3A_820 = tpu.iota {dimensions = array<i32: 0>} : vector<16xi32>
          %add3A_821 = arith.constant 64 : i32
          %add3A_822 = vector.broadcast %add3A_821 : i32 to vector<16xi32>
          %add3A_823 = arith.addi %iota3A_820, %add3A_822 : vector<16xi32>
          %gather3A_824 = tpu.vector_load_idx %arg17[%add3A_823, %broadcast_in_dim3A_791] : memref<128x128xf32, #tpu.memory_space<vmem>>[vector<16xi32>, vector<16xi32>], vector<16xf32>,
          %sub3A_825 = arith.subf %gather3A_824, %gather3A_784 : vector<16xf32>
          %mul3A_826 = arith.mulf %sub3A_825, %gather3A_787 : vector<16xf32>
          tpu.vector_store_idx %arg15[%add3A_823, %broadcast_in_dim3A_789], %mul3A_826 : memref<128x128xf32, #tpu.memory_space<vmem>>[vector<16xi32>, vector<16xi32>], vector<16xf32>,
          %iota3A_827 = tpu.iota {dimensions = array<i32: 0>} : vector<16xi32>
          %add3A_828 = arith.constant 80 : i32
          %add3A_829 = vector.broadcast %add3A_828 : i32 to vector<16xi32>
          %add3A_830 = arith.addi %iota3A_827, %add3A_829 : vector<16xi32>
          %gather3A_831 = tpu.vector_load_idx %arg17[%add3A_830, %broadcast_in_dim3A_791] : memref<128x128xf32, #tpu.memory_space<vmem>>[vector<16xi32>, vector<16xi32>], vector<16xf32>,
          %sub3A_832 = arith.subf %gather3A_831, %gather3A_784 : vector<16xf32>
          %mul3A_833 = arith.mulf %sub3A_832, %gather3A_787 : vector<16xf32>
          tpu.vector_store_idx %arg15[%add3A_830, %broadcast_in_dim3A_789], %mul3A_833 : memref<128x128xf32, #tpu.memory_space<vmem>>[vector<16xi32>, vector<16xi32>], vector<16xf32>,
          %iota3A_834 = tpu.iota {dimensions = array<i32: 0>} : vector<16xi32>
          %add3A_835 = arith.constant 96 : i32
          %add3A_836 = vector.broadcast %add3A_835 : i32 to vector<16xi32>
          %add3A_837 = arith.addi %iota3A_834, %add3A_836 : vector<16xi32>
          %gather3A_838 = tpu.vector_load_idx %arg17[%add3A_837, %broadcast_in_dim3A_791] : memref<128x128xf32, #tpu.memory_space<vmem>>[vector<16xi32>, vector<16xi32>], vector<16xf32>,
          %sub3A_839 = arith.subf %gather3A_838, %gather3A_784 : vector<16xf32>
          %mul3A_840 = arith.mulf %sub3A_839, %gather3A_787 : vector<16xf32>
          tpu.vector_store_idx %arg15[%add3A_837, %broadcast_in_dim3A_789], %mul3A_840 : memref<128x128xf32, #tpu.memory_space<vmem>>[vector<16xi32>, vector<16xi32>], vector<16xf32>,
          %iota3A_841 = tpu.iota {dimensions = array<i32: 0>} : vector<16xi32>
          %add3A_842 = arith.constant 112 : i32
          %add3A_843 = vector.broadcast %add3A_842 : i32 to vector<16xi32>
          %add3A_844 = arith.addi %iota3A_841, %add3A_843 : vector<16xi32>
          %gather3A_845 = tpu.vector_load_idx %arg17[%add3A_844, %broadcast_in_dim3A_791] : memref<128x128xf32, #tpu.memory_space<vmem>>[vector<16xi32>, vector<16xi32>], vector<16xf32>,
          %sub3A_846 = arith.subf %gather3A_845, %gather3A_784 : vector<16xf32>
          %mul3A_847 = arith.mulf %sub3A_846, %gather3A_787 : vector<16xf32>
          tpu.vector_store_idx %arg15[%add3A_844, %broadcast_in_dim3A_789], %mul3A_847 : memref<128x128xf32, #tpu.memory_space<vmem>>[vector<16xi32>, vector<16xi32>], vector<16xf32>,
          %dma_start3A_848 = arith.constant 0 : i32
          %dma_start3A_849 = arith.constant 0 : i32
          %dma_start3A_850 = tpu.memref_slice %arg16[%dma_start3A_848, %dma_start3A_849] : memref<1x128xi32, #tpu.memory_space<vmem>> -> memref<1x128xi32, #tpu.memory_space<vmem>>
          %dma_start3A_851 = tpu.memref_squeeze %dma_start3A_850 : memref<1x128xi32, #tpu.memory_space<vmem>> -> memref<128xi32, #tpu.memory_space<vmem>>
          %dma_start3A_852 = arith.constant 0 : i32
          %dma_start3A_853 = arith.constant 0 : i32
          %dma_start3A_854 = tpu.memref_slice %arg7[%dma_start3A_852, %dma_start3A_853] : memref<16448x128xf32, #tpu.memory_space<hbm>> -> memref<16448x128xf32, #tpu.memory_space<hbm>>
          tpu.enqueue_indirect_dma source(%arg15 : memref<128x128xf32, #tpu.memory_space<vmem>>) target(%dma_start3A_854 : memref<16448x128xf32, #tpu.memory_space<hbm>>) offsets(%dma_start3A_851 : memref<128xi32, #tpu.memory_space<vmem>>) semaphore(%arg27 : memref<!tpu.dma_semaphore, #tpu.memory_space<semaphore_mem>>)
          %dma_wait3A_855 = arith.constant 0 : i32
          %dma_wait3A_856 = arith.constant 0 : i32
          %dma_wait3A_857 = tpu.memref_slice %arg16[%dma_wait3A_855, %dma_wait3A_856] : memref<1x128xi32, #tpu.memory_space<vmem>> -> memref<1x128xi32, #tpu.memory_space<vmem>>
          %dma_wait3A_858 = tpu.memref_squeeze %dma_wait3A_857 : memref<1x128xi32, #tpu.memory_space<vmem>> -> memref<128xi32, #tpu.memory_space<vmem>>
          %dma_wait3A_859 = arith.constant 0 : i32
          %dma_wait3A_860 = arith.constant 0 : i32
          %dma_wait3A_861 = tpu.memref_slice %arg7[%dma_wait3A_859, %dma_wait3A_860] : memref<16448x128xf32, #tpu.memory_space<hbm>> -> memref<16448x128xf32, #tpu.memory_space<hbm>>
          tpu.wait_indirect_dma semaphore(%arg27 : memref<!tpu.dma_semaphore, #tpu.memory_space<semaphore_mem>>) src(%arg15 : memref<128x128xf32, #tpu.memory_space<vmem>>) dst(%dma_wait3A_861 : memref<16448x128xf32, #tpu.memory_space<hbm>>)
          %broadcast_in_dim3A_862 = arith.constant 16384 : i32
          %broadcast_in_dim3A_863 = vector.broadcast %broadcast_in_dim3A_862 : i32 to vector<16xi32>
          %swap3A_864 = arith.constant 0 : i32
          %swap3A_865 = arith.index_cast %swap3A_864 : i32 to index
          %swap3A_866 = arith.constant 0 : index
          %swap3A_867 = tpu.vector_load %arg16[%swap3A_865, %swap3A_866] {strides = array<i32>} : memref<1x128xi32, #tpu.memory_space<vmem>>, vector<16xi32>,
          tpu.vector_store %arg16[%swap3A_865, %swap3A_866], %broadcast_in_dim3A_863 {strides = array<i32>} : memref<1x128xi32, #tpu.memory_space<vmem>>, vector<16xi32>,
          %broadcast_in_dim3A_868 = arith.constant 16384 : i32
          %broadcast_in_dim3A_869 = vector.broadcast %broadcast_in_dim3A_868 : i32 to vector<16xi32>
          %swap3A_870 = arith.constant 0 : i32
          %swap3A_871 = arith.index_cast %swap3A_870 : i32 to index
          %swap3A_872 = arith.constant 16 : index
          %swap3A_873 = tpu.vector_load %arg16[%swap3A_871, %swap3A_872] {strides = array<i32>} : memref<1x128xi32, #tpu.memory_space<vmem>>, vector<16xi32>,
          tpu.vector_store %arg16[%swap3A_871, %swap3A_872], %broadcast_in_dim3A_869 {strides = array<i32>} : memref<1x128xi32, #tpu.memory_space<vmem>>, vector<16xi32>,
          %broadcast_in_dim3A_874 = arith.constant 16384 : i32
          %broadcast_in_dim3A_875 = vector.broadcast %broadcast_in_dim3A_874 : i32 to vector<16xi32>
          %swap3A_876 = arith.constant 0 : i32
          %swap3A_877 = arith.index_cast %swap3A_876 : i32 to index
          %swap3A_878 = arith.constant 32 : index
          %swap3A_879 = tpu.vector_load %arg16[%swap3A_877, %swap3A_878] {strides = array<i32>} : memref<1x128xi32, #tpu.memory_space<vmem>>, vector<16xi32>,
          tpu.vector_store %arg16[%swap3A_877, %swap3A_878], %broadcast_in_dim3A_875 {strides = array<i32>} : memref<1x128xi32, #tpu.memory_space<vmem>>, vector<16xi32>,
          %broadcast_in_dim3A_880 = arith.constant 16384 : i32
          %broadcast_in_dim3A_881 = vector.broadcast %broadcast_in_dim3A_880 : i32 to vector<16xi32>
          %swap3A_882 = arith.constant 0 : i32
          %swap3A_883 = arith.index_cast %swap3A_882 : i32 to index
          %swap3A_884 = arith.constant 48 : index
          %swap3A_885 = tpu.vector_load %arg16[%swap3A_883, %swap3A_884] {strides = array<i32>} : memref<1x128xi32, #tpu.memory_space<vmem>>, vector<16xi32>,
          tpu.vector_store %arg16[%swap3A_883, %swap3A_884], %broadcast_in_dim3A_881 {strides = array<i32>} : memref<1x128xi32, #tpu.memory_space<vmem>>, vector<16xi32>,
          %broadcast_in_dim3A_886 = arith.constant 16384 : i32
          %broadcast_in_dim3A_887 = vector.broadcast %broadcast_in_dim3A_886 : i32 to vector<16xi32>
          %swap3A_888 = arith.constant 0 : i32
          %swap3A_889 = arith.index_cast %swap3A_888 : i32 to index
          %swap3A_890 = arith.constant 64 : index
          %swap3A_891 = tpu.vector_load %arg16[%swap3A_889, %swap3A_890] {strides = array<i32>} : memref<1x128xi32, #tpu.memory_space<vmem>>, vector<16xi32>,
          tpu.vector_store %arg16[%swap3A_889, %swap3A_890], %broadcast_in_dim3A_887 {strides = array<i32>} : memref<1x128xi32, #tpu.memory_space<vmem>>, vector<16xi32>,
          %broadcast_in_dim3A_892 = arith.constant 16384 : i32
          %broadcast_in_dim3A_893 = vector.broadcast %broadcast_in_dim3A_892 : i32 to vector<16xi32>
          %swap3A_894 = arith.constant 0 : i32
          %swap3A_895 = arith.index_cast %swap3A_894 : i32 to index
          %swap3A_896 = arith.constant 80 : index
          %swap3A_897 = tpu.vector_load %arg16[%swap3A_895, %swap3A_896] {strides = array<i32>} : memref<1x128xi32, #tpu.memory_space<vmem>>, vector<16xi32>,
          tpu.vector_store %arg16[%swap3A_895, %swap3A_896], %broadcast_in_dim3A_893 {strides = array<i32>} : memref<1x128xi32, #tpu.memory_space<vmem>>, vector<16xi32>,
          %broadcast_in_dim3A_898 = arith.constant 16384 : i32
          %broadcast_in_dim3A_899 = vector.broadcast %broadcast_in_dim3A_898 : i32 to vector<16xi32>
          %swap3A_900 = arith.constant 0 : i32
          %swap3A_901 = arith.index_cast %swap3A_900 : i32 to index
          %swap3A_902 = arith.constant 96 : index
          %swap3A_903 = tpu.vector_load %arg16[%swap3A_901, %swap3A_902] {strides = array<i32>} : memref<1x128xi32, #tpu.memory_space<vmem>>, vector<16xi32>,
          tpu.vector_store %arg16[%swap3A_901, %swap3A_902], %broadcast_in_dim3A_899 {strides = array<i32>} : memref<1x128xi32, #tpu.memory_space<vmem>>, vector<16xi32>,
          %broadcast_in_dim3A_904 = arith.constant 16384 : i32
          %broadcast_in_dim3A_905 = vector.broadcast %broadcast_in_dim3A_904 : i32 to vector<16xi32>
          %swap3A_906 = arith.constant 0 : i32
          %swap3A_907 = arith.index_cast %swap3A_906 : i32 to index
          %swap3A_908 = arith.constant 112 : index
          %swap3A_909 = tpu.vector_load %arg16[%swap3A_907, %swap3A_908] {strides = array<i32>} : memref<1x128xi32, #tpu.memory_space<vmem>>, vector<16xi32>,
          tpu.vector_store %arg16[%swap3A_907, %swap3A_908], %broadcast_in_dim3A_905 {strides = array<i32>} : memref<1x128xi32, #tpu.memory_space<vmem>>, vector<16xi32>,
        } else {
        }
      } else {
      }
      scf.yield %cond3A_63 : i32
    }
    %scan3A_56 = arith.constant 2 : i32
    return
  }
}

</mosaic_0001>

<sc_bundles>
// kernel: kernel.3.cloned.1.call-start
scs
__scs_entry_jumppad:
0x0: {  	(pc) =	sbr.rel $0x88, $3  }
0x1: {  	(tag) =	ssettag $0x0;
	lr =	simm.s32 $0x1  }
0x2: {  	[smem:$0x3F99] =	sst lr;
	_ =	strace $0xD0000000  }
0x3: {  	_ = 	snop  }
0x4: {  	_ = 	snop  }
0x5: {  	_ = 	snop  }
0x6: {  	_ = 	snop  }
0x7: {  	_ = 	snop  }
__scs_overlays_trampoline_lowered:
0x8: {  	[smem:$0x3FA8] =	sst s0  }
0x9: {  	[smem:$0x3FA9] =	sst s1  }
0xa: {  	[smem:$0x3FAA] =	sst s2  }
0xb: {  	[smem:$0x3FAB] =	sst s3  }
0xc: {  	[smem:$0x3FAC] =	sst s4  }
0xd: {  	[smem:$0x3FAD] =	sst s5  }
0xe: {  	[smem:$0x3FAE] =	sst s6  }
0xf: {  	[smem:$0x3FAF] =	sst s7  }
0x10: {  	[smem:$0x3FB0] =	sst s8  }
0x11: {  	[smem:$0x3FB1] =	sst s9;
	s0 =	simm.s32 @!p0 $0x0  }
0x12: {  	s1 =	sld [smem:$0x3F97];
	s0 =	simm.s32 @p0 $0x1  }
0x13: {  	[smem:$0x3FB2] =	sst s0;
	s0 =	simm.s32 @!p1 $0x0  }
0x14: {  	s2 =	sld [smem:$0x3F96];
	s0 =	simm.s32 @p1 $0x1  }
0x15: {  	[smem:$0x3FB3] =	sst s0;
	s0 =	simm.s32 @!p2 $0x0  }
0x16: {  	s3 =	sld [smem:$0x3FDB];
	s0 =	simm.s32 @p2 $0x1  }
0x17: {  	s4 =	simm.s32 $0x1BF5;
	[smem:$0x3FB5] =	sst s0  }
0x18: {  	s0 =	sld [smem:$0x3F98];
	_ =	swait.ge [sflag:s4], $0x0  }
0x19: {  	s7 =	sld [smem:$0x3F99]  }
0x1a: {  	s8 =	sadd.s32 $0xFFFFE003, lr  }
0x1b: {  	s9 =	sadd.s32 $0xFFFFFEF7, lr;
	s5 =	simm.s32 $0xFFFFFFFF;
	p2 =	slt.u32 s8, $0xFFFFF086  }
0x1c: {  	p1 =	slt.u32 s9, $0xF7A;
	s5 =	simm.s32 @!p2 $0x0  }
0x1d: {  	s5 =	simm.s32 @p1 $0x1;
	p0 =	seq.s32 s7, s2  }
0x1e: {  	s7 =	smul.u32 @!p0 $0xF7A, s2;
	p2 =	seq.s32 @!p0 s5, $0x0  }
0x1f: {  	s9 =	smul.u32 $0xF7A, s1;
	s8 =	simm.s32 @!p0 $0x1BF5;
	p2 =	por !p2, p0  }
0x20: {  	[sflag:s8] =	ssyncset.s32 @!p0 $0xFFFFF086;
	s6 =	sadd.s32 @!p0 s3, s7;
	s7 =	simm.s32 @!p0 $0x108  }
0x21: {  	s3 =	sadd.s32 s3, s9;
	s6 =	sadd.s32 @!p0 $0x88, s6;
	s7 =	simm.s32 @p2 $0x1082  }
0x22: {  	[simem:s7], [sflag:s8] =	dma.local @!p0 [hbm:s6], $0xF7A  }
0x23: {  	s9 =	sor.u32 $0xD0000000, s2;
	s6 =	simm.s32 $0x108;
	_ =	swait.ge @!p0 [sflag:s8], $0x0  }
0x24: {  	s3 =	sadd.s32 $0x88, s3;
	s6 =	simm.s32 @!p1 $0x1082;
	[sflag:s4] =	ssyncset.s32 $0xFFFFF086  }
0x25: {  	[simem:s6], [sflag:s4] =	dma.local [hbm:s3], $0xF7A  }
0x26: {  	[smem:$0x3F99] =	sst s1;
	(tag) =	ssettag s2;
	_ =	strace s9  }
0x27: {  	s1 =	sld [smem:$0x3FA9]  }
0x28: {  	s2 =	sld [smem:$0x3FAA]  }
0x29: {  	s4 =	sld [smem:$0x3FAC]  }
0x2a: {  	p0 =	seq.s32 s5, $0x0;
	s5 =	sld [smem:$0x3FAD]  }
0x2b: {  	s6 =	sld [smem:$0x3FAE]  }
0x2c: {  	s7 =	sld [smem:$0x3FAF]  }
0x2d: {  	s3 =	simm.s32 $0x108;
	s8 =	sld [smem:$0x3FB0]  }
0x2e: {  	s3 =	simm.s32 @!p0 $0x1082;
	s9 =	sld [smem:$0x3FB1]  }
0x2f: {  	lr =	sadd.s32 s0, s3;
	s0 =	sld [smem:$0x3FA8]  }
0x30: {  	s3 =	sld [smem:$0x3FAB]  }
0x31: {  	[smem:$0x3FB4] =	sst s10  }
0x32: {  	s10 =	sld [smem:$0x3FB2];
	_ =	sdelay $0x3  }
0x33: {  	p0 =	seq.s32 s10, $0x1;
	s10 =	sld [smem:$0x3FB4];
	_ =	sdelay $0x3  }
0x34: {  	[smem:$0x3FB4] =	sst s10  }
0x35: {  	s10 =	sld [smem:$0x3FB3];
	_ =	sdelay $0x3  }
0x36: {  	p1 =	seq.s32 s10, $0x1;
	s10 =	sld [smem:$0x3FB4];
	_ =	sdelay $0x3  }
0x37: {  	[smem:$0x3FB4] =	sst s10  }
0x38: {  	s10 =	sld [smem:$0x3FB5]  }
0x39: {  	_ = 	snop;
	(pc) =	sbr.ind lr, $3  }
0x3a: {  	_ = 	snop  }
0x3b: {  	_ = 	snop  }
0x3c: {  	p2 =	seq.s32 s10, $0x1;
	s10 =	sld [smem:$0x3FB4]  }
0x3d: {  	_ =	shalt  }
0x3e: {  	_ =	shalt  }
0x3f: {  	_ =	shalt  }
0x40: {  	_ =	shalt  }
0x41: {  	_ =	shalt  }
0x42: {  	_ =	shalt  }
0x43: {  	_ =	shalt  }
0x44: {  	_ =	shalt  }
0x45: {  	_ =	shalt  }
0x46: {  	_ =	shalt  }
0x47: {  	_ =	shalt  }
0x48: {  	_ =	shalt  }
0x49: {  	_ =	shalt  }
0x4a: {  	_ =	shalt  }
0x4b: {  	_ =	shalt  }
0x4c: {  	_ =	shalt  }
0x4d: {  	_ =	shalt  }
0x4e: {  	_ =	shalt  }
0x4f: {  	_ =	shalt  }
0x50: {  	_ =	shalt  }
0x51: {  	_ =	shalt  }
0x52: {  	_ =	shalt  }
0x53: {  	_ =	shalt  }
0x54: {  	_ =	shalt  }
0x55: {  	_ =	shalt  }
0x56: {  	_ =	shalt  }
0x57: {  	_ =	shalt  }
0x58: {  	_ =	shalt  }
0x59: {  	_ =	shalt  }
0x5a: {  	_ =	shalt  }
0x5b: {  	_ =	shalt  }
0x5c: {  	_ =	shalt  }
0x5d: {  	_ =	shalt  }
0x5e: {  	_ =	shalt  }
0x5f: {  	_ =	shalt  }
0x60: {  	_ =	shalt  }
0x61: {  	_ =	shalt  }
0x62: {  	_ =	shalt  }
0x63: {  	_ =	shalt  }
0x64: {  	_ =	shalt  }
0x65: {  	_ =	shalt  }
0x66: {  	_ =	shalt  }
0x67: {  	_ =	shalt  }
0x68: {  	_ =	shalt  }
0x69: {  	_ =	shalt  }
0x6a: {  	_ =	shalt  }
0x6b: {  	_ =	shalt  }
0x6c: {  	_ =	shalt  }
0x6d: {  	_ =	shalt  }
0x6e: {  	_ =	shalt  }
0x6f: {  	_ =	shalt  }
0x70: {  	_ =	shalt  }
0x71: {  	_ =	shalt  }
0x72: {  	_ =	shalt  }
0x73: {  	_ =	shalt  }
0x74: {  	_ =	shalt  }
0x75: {  	_ =	shalt  }
0x76: {  	_ =	shalt  }
0x77: {  	_ =	shalt  }
0x78: {  	_ =	shalt  }
0x79: {  	_ =	shalt  }
0x7a: {  	_ =	shalt  }
0x7b: {  	_ =	shalt  }
0x7c: {  	_ =	shalt  }
0x7d: {  	_ =	shalt  }
0x7e: {  	_ =	shalt  }
0x7f: {  	_ =	shalt  }
0x80: {  	_ =	shalt  }
0x81: {  	_ =	shalt  }
0x82: {  	_ =	shalt  }
0x83: {  	_ =	shalt  }
0x84: {  	_ =	shalt  }
0x85: {  	_ =	shalt  }
0x86: {  	_ =	shalt  }
0x87: {  	_ =	shalt  }
.Lfunc_end0:
.L_simem_size_0:
called_computation_lowered:
.L_overlay_start_0:
0x88: {  	s2 =	sld [smem:$0x3FD9]  }
0x89: {  	s3 =	sld [smem:$0x3FFE];
	_ =	sdelay $0x1  }
0x8a: {  	s1 =	srdreg.scid  }
0x8b: {  	s0 =	sand.u32 $0x1, s1  }
0x8c: {  	s17 =	sshll.u32 s0, $0xA;
	s2 =	sadd.s32 s3, s2  }
0x8d: {  	s2 =	sadd.s32 s2, s17  }
0x8e: {  	[smem:$0x3FC0] =	sst s2  }
0x8f: {  	_ = 	snop  }
0x90: {  	s2 =	sld [smem:$0x3FC9]  }
0x91: {  	s18 =	sld [smem:$0x3FC4]  }
0x92: {  	s4 =	sld [smem:$0x3FD0];
	(tm) =	ssettm $0x1  }
0x93: {  	s5 =	sld [smem:$0x3FFB];
	_ =	sdelay $0x3  }
0x94: {  	_ =	strace s5  }
0x95: {  	s5 =	sld [smem:$0x3FFC];
	_ =	sdelay $0x3  }
0x96: {  	_ =	strace s5  }
0x97: {  	s5 =	sld [smem:$0x3FFD];
	_ =	sdelay $0x3  }
0x98: {  	_ =	strace s5  }
0x99: {  	_ =	strace $0x8FFFFFFF  }
0x9a: {  	s19 =	sld [smem:$0x3FDB];
	_ =	sdelay $0x1  }
0x9b: {  	s6 =	simm.s32 $_scs_section_size  }
0x9c: {  	s7 =	simm.s32 $_size__tile_overlayer_lowered;
	s8 =	simm.s32 $_tile_overlayer_lowered  }
0x9d: {  	s22 =	simm.s32 $0x1BFF;
	s21 =	sshll.u32 s8, $0x1;
	s5 =	sadd.s32 s6, s19  }
0x9e: {  	s9 =	simm.s32 $0x0;
	s20 =	sshll.u32 s7, $0x1;
	s7 =	sadd.s32 s21, s5  }
0x9f: {  	[timem:s9], [sflag:s22] =	dma.local [hbm:s7], s20  }
0xa0: {  	_ =	swait.ge [sflag:s22], s20  }
0xa1: {  	s6 =	ssub.s32 $0x0, s20;
	[sflag:s22] =	ssyncset.done $0x0  }
0xa2: {  	[sflag:s22] =	ssyncadd.s32 s6;
	_ =	sdelay $0x1  }
0xa3: {  	s23 =	simm.s32 $0x1B8B  }
0xa4: {  	_ =	swait.ge [sflag:s23], $0x1  }
0xa5: {  	[sflag:s23] =	ssyncset.done $0x0  }
0xa6: {  	s25 =	simm.s32 $0x1B8E;
	s24 =	sld [smem:$0x3FFE];
	[sflag:s23] =	ssyncadd.s32 $0xFFFFFFFF  }
0xa7: {  	s26 =	simm.s32 $execute0_lowered;
	[smem:$0x3FD2] =	sst s25  }
0xa8: {  	s7 =	sshll.u32 s26, $0x1;
	_ =	strace $0x80000046;
	[dreg:$0x1] =	wrdreg $0xFFFFFFFF  }
0xa9: {  	s28 =	simm.s32 $_size_execute0_lowered;
	s5 =	sadd.s32 s5, s7;
	[dreg:$0x0] =	wrdreg $0x0  }
0xaa: {  	s7 =	sshll.u32 s28, $0x1;
	[dreg:$0x2] =	wrdreg s5  }
0xab: {  	[dreg:$0x3] =	wrdreg s7  }
0xac: {  	[dreg:$0x4] =	wrdreg $0xC0  }
0xad: {  	_ =	task [dreg:s9], $0x5FFFF  }
0xae: {  	[dreg:$0x1] =	wrdreg $0xFFFFFFFF  }
0xaf: {  	[dreg:$0x0] =	wrdreg $0x60  }
0xb0: {  	[dreg:$0x2] =	wrdreg s2  }
0xb1: {  	[dreg:$0x3] =	wrdreg s24  }
0xb2: {  	[dreg:$0x4] =	wrdreg s18  }
0xb3: {  	[dreg:$0x5] =	wrdreg s4  }
0xb4: {  	[dreg:$0x6] =	wrdreg $0x9  }
0xb5: {  	_ =	task.clear_ibuf [dreg:s9], $0x7FFFF;
	_ =	strace $0x90000046  }
0xb6: {  	s29 =	simm.s32 $0x9;
	_ =	strace $0x80000048  }
0xb7: {  	_ =	swait.ge [sflag:s29], $0x1  }
0xb8: {  	[sflag:s29] =	ssyncadd.s32 $0xFFFFFFFF  }
0xb9: {  	_ =	strace $0x90000048  }
0xba: {  	_ =	sfence  }
0xbb: {  	s30 =	sld [smem:$0x0];
	_ =	sdelay $0x2  }
0xbc: {  	s31 =	sshll.u32 s1, $0xD;
	s1 =	sshrl.u32 s1, $0x2  }
0xbd: {  	s3 =	sand.u32 $0x4000, s31;
	s1 =	sadd.s32 s1, s30  }
0xbe: {  	s0 =	sor.u32 s3, s0;
	s1 =	sshll.u32 s1, $0x11  }
0xbf: {  	s0 =	sor.u32 s1, s0  }
0xc0: {  	s0 =	sadd.s32 $0x8F2B, s0  }
0xc1: {  	[sflag:s0] =	ssyncadd.remote.s32 $0x1  }
0xc2: {  	_ =	sfence.sel $0xFFFF  }
0xc3: {  	[dreg:$0x0] =	wrdreg $0xFFFFFFFF;
	(pc) =	sbr.abs _section_cstart, $3  }
0xc4: {  	[dreg:$0x1] =	wrdreg $0xFFFFFFFF  }
0xc5: {  	_ =	task.clear_ibuf [dreg:s9], $0x2FFFF;
	_ =	strace $0x9FFFFFFF  }
0xc6: {  	(tm) =	ssettm $0x7FFFFFFF  }
0xc7: {  	_ =	shalt  }
tec
execute0_lowered:
.L_overlay_start_1:
0x0: {  	(tag) =	ssettag $0x1  }
0x1: {  	s0 =	rddreg [dreg:$0x1]  }
0x2: {  	s2 =	rddreg [dreg:$0x2];
	s5 =	simm.s32 $0x0;
	s1 =	srdreg.scid  }
0x3: {  	s3 =	stileid.u32;
	s28 =	simm.s32 $0x1AB80;
	s29 =	simm.s32 $0x9  }
0x4: {  	s30 =	simm.s32 $0x2000;
	s31 =	simm.s32 $0x6000;
	[smem:$0x7FF] =	sst s5  }
0x5: {  	s1 =	sand.u32 $0x1, s1;
	s3 =	sshll.u32 s3, $0x1;
	s6 =	sadd.s32 $0x200, s0  }
0x6: {  	s9 =	sadd.s32 $0x40600, s0;
	s4 =	ssub.s32 $0x2, s1;
	s1 =	sor.u32 s1, s3  }
0x7: {  	_ =	strace $0x80000047;
	[dreg:$0x5] =	wrdreg s9;
	s7 =	smul.u32 $0x7A80, s1  }
0x8: {  	s9 =	sadd.s32 $0x40800, s0;
	s8 =	sshrl.u32 s4, $0x1;
	s1 =	simm.s32 $0x8  }
0x9: {  	s10 =	ssub.s32 s4, s8;
	s11 =	sadd.s32 $0x7A80, s7;
	s8 =	sadd.s32 s2, s7  }
0xa: {  	s12 =	sadd.s32 $0x80, s7;
	s13 =	sadd.s32 $0x100, s7;
	[dreg:$0x6] =	wrdreg s8  }
0xb: {  	s15 =	sadd.s32 $0x180, s7;
	s16 =	sadd.s32 $0x200, s7;
	[dreg:$0x9] =	wrdreg s12  }
0xc: {  	s17 =	sadd.s32 $0x280, s7;
	s20 =	sadd.s32 $0x380, s7;
	[dreg:$0xa] =	wrdreg s13  }
0xd: {  	s21 =	sadd.s32 $0x400, s7;
	s22 =	sadd.s32 $0x480, s7;
	[dreg:$0xb] =	wrdreg s15  }
0xe: {  	s0 =	smax.u32 s10, $0x1;
	s23 =	sadd.s32 $0x500, s7;
	[dreg:$0xf] =	wrdreg s20  }
0xf: {  	s24 =	sadd.s32 $0x580, s7;
	s10 =	simm.s32 $0x0;
	[dreg:$0x10] =	wrdreg s21  }
0x10: {  	s3 =	sadd.s32 s2, s12;
	s14 =	sadd.s32 s2, s13;
	[dreg:$0x11] =	wrdreg s22  }
0x11: {  	s26 =	smov.u32 s16;
	s18 =	sadd.s32 s2, s16;
	[dreg:$0x12] =	wrdreg s0  }
0x12: {  	s25 =	smov.u32 s17;
	s19 =	sadd.s32 s2, s17;
	[dreg:$0x13] =	wrdreg s23  }
0x13: {  	[dreg:$0x14] =	wrdreg s24;
	s0 =	simm.s32 $0x6200;
	s8 =	simm.s32 $0x400  }
.Ltmp0:
0x14: {  	v2 =	vimm.s32 $0x4000;
	v3 =	vlaneseq.u32;
	s24 =	simm.s32 $0x7A1400;
	[dreg:$0x7] =	wrdreg s3;
	(pc) =	sbr.rel .LBB2_1-.Ltmp0, $4  }
0x15: {  	v4 =	vimm.s32 $0x0;
	v6 =	vimm.s32 $0x1;
	v7 =	vimm.s32 $0x5;
	s12 =	simm.s32 $0x6300;
	s13 =	simm.s32 $0x12300;
	[dreg:$0x8] =	wrdreg s14  }
0x16: {  	v8 =	vimm.s32 $0x2;
	v9 =	vimm.s32 $0x6;
	v10 =	vimm.s32 $0x3;
	s20 =	simm.s32 $0x7;
	s3 =	sadd.s32 s2, s15;
	[dreg:$0xd] =	wrdreg s18  }
0x17: {  	v11 =	vimm.s32 $0x7;
	v12 =	vimm.s32 $0x4;
	v13 =	vimm.s32 $0x8;
	[dreg:$0xe] =	wrdreg s19;
	s14 =	simm.s32 $0x16300;
	s18 =	simm.s32 $0x80  }
0x18: {  	v5 =	vmul.u32 $0xFFFFFFFF, v3;
	v1 =	vmov s7;
	v0 =	vmov s11;
	s19 =	simm.s32 $0x16380;
	[dreg:$0xc] =	wrdreg s3;
	s3 =	simm.s32 $0x4000  }
.LBB2_51:
0x19: {  	s10 =	rddreg [dreg:$0x15]  }
0x1a: {  	s4 =	rddreg [dreg:$0x12];
	s10 =	sadd.s32 $0x1, s10  }
0x1b: {  	p0 =	sne.s32 s10, s4  }
.Ltmp1:
0x1c: {  	_ = 	snop;
	(pc) =	sbr.rel @!p0 .LBB2_52-.Ltmp1, $1  }
0x1d: {  	_ =	sdelay $0x3  }
.LBB2_1:
0x1e: {  	[dreg:$0x15] =	wrdreg s10  }
0x1f: {  	s4 =	rddreg [dreg:$0x5]  }
0x20: {  	[tilespmem:s28], [sflag:$0x9] =	stream.linear.gather [hbm4b:s4+s5], $0x80, $0x38;
	[tilespmem:$0x1AC00] =	vst v63  }
0x21: {  	_ =	swait.ge [sflag:s29], $0x80  }
0x22: {  	[sflag:s29] =	ssyncset.done $0x0  }
0x23: {  	[sflag:s29] =	ssyncadd.s32 $0xFFFFFF80  }
0x24: {  	[tilespmem:$0x16300] =	vst v2  }
0x25: {  	[tilespmem:$0x16310] =	vst v2  }
0x26: {  	[tilespmem:$0x16320] =	vst v2  }
.Ltmp2:
0x27: {  	[tilespmem:$0x16330] =	vst v2;
	(pc) =	sbr.rel .LBB2_2-.Ltmp2, $4  }
0x28: {  	[tilespmem:$0x16340] =	vst v2  }
0x29: {  	[tilespmem:$0x16350] =	vst v2  }
0x2a: {  	p1 =	por $0x1, $0x1;
	s23 =	simm.s32 $0x0;
	[tilespmem:$0x16360] =	vst v2  }
0x2b: {  	s10 =	simm.s32 $0x0;
	s4 =	simm.s32 $0x0;
	[dreg:$0x16] =	wrdreg s23;
	[tilespmem:$0x16370] =	vst v2  }
.LBB2_50:
.Ltmp3:
0x2c: {  	(pc) =	sbr.rel @!p0 .LBB2_51-.Ltmp3, $4  }
0x2d: {  	_ = 	snop  }
0x2e: {  	s10 =	rddreg [dreg:$0x16]  }
0x2f: {  	s10 =	sadd.s32 $0xFFFFE000, s10  }
0x30: {  	p1 =	por $0x0, $0x0;
	[dreg:$0x16] =	wrdreg s10;
	s10 =	simm.s32 $0x2000  }
.LBB2_2:
.Ltmp4:
0x31: {  	(pc) =	sbr.rel @!p1 .LBB2_7-.Ltmp4, $2  }
0x32: {  	_ =	sdelay $0x2  }
0x33: {  	p0 =	por p1, p1  }
0x34: {  	v14 =	vmov s10;
	s11 =	simm.s32 $0x0;
	s4 =	simm.s32 $0x0;
	s15 =	simm.s32 $0x0  }
.LBB2_4:
0x35: {  	s16 =	sshll.u32 s15, $0x8;
	s17 =	rddreg [dreg:$0x0]  }
0x36: {  	s22 =	simm.s32 $0x1A380;
	s16 =	sadd.s32 s17, s16  }
0x37: {  	[tilespmem:s22], [sflag:$0x9] =	stream.linear.gather [hbm4b:s16+s11], $0x800, $0x38;
	[tilespmem:$0x1AC00] =	vst v63  }
0x38: {  	_ =	swait.ge [sflag:s29], $0x800  }
0x39: {  	[sflag:s29] =	ssyncset.done $0x0  }
0x3a: {  	[sflag:s29] =	ssyncadd.s32 $0xFFFFF800  }
0x3b: {  	v15 =	vld [tilespmem:s22+$0x0];
	_ =	sdelay $0x4  }
0x3c: {  	vm0 =	vge.s32 v15, v1;
	vm1 =	vlt.s32 v15, v0  }
0x3d: {  	vm0 =	vmand vm0, vm1  }
0x3e: {  	v16 =	vsel vm0, $0x1, v4  }
0x3f: {  	(xrf0) =	vadd.scan.msk.s32 $0xffff, v16;
	_ =	sdelay $0x2  }
0x40: {  	v16 =	vmov s4  }
0x41: {  	v16 =	vadd.s32 $0xFFFFFFFF, v16  }
0x42: {  	v16 =	vbroadcast v16, $0x0  }
0x43: {  	v17, _, _ =	vpop (xrf0)  }
0x44: {  	v16 =	vadd.s32 v17, v16;
	(v2sf) =	vpush v17, $0xF  }
0x45: {  	vm15 =	vge.s32 v16, v14;
	vm2 =	vlt.s32 v16, $0x2000  }
0x46: {  	vm1 =	vmand vm15, vm2  }
0x47: {  	vm0 =	vmand vm0, vm1;
	_ =	sdelay $0x3  }
0x48: {  	s16 =	sshll.u32 s15, $0xB  }
0x49: {  	s23 =	sor.u32 s16, s11  }
0x4a: {  	[tilespmem:v16+s5+$0x0] =	vst.idx.msk vm0, v15;
	v15 =	vor.u32 s23, v3  }
0x4b: {  	s21 =	simm.s32 $0x1A390;
	[tilespmem:v16+s30+$0x0] =	vst.idx.msk vm0, v15  }
0x4c: {  	s17 =	simm.s32 $0x10;
	s22 =	simm.s32 $0x20;
	v15 =	vld [tilespmem:s21+$0x0]  }
.LBB2_5:
0x4d: {  	p1 =	sne.s32 s22, $0x7F0;
	_ =	sdelay $0x2  }
0x4e: {  	s23 =	spop (v2sf)  }
0x4f: {  	vm0 =	vge.s32 v15, v1;
	vm1 =	vlt.s32 v15, v0;
	s4 =	sadd.s32 s4, s23  }
0x50: {  	vm0 =	vmand vm0, vm1;
	v16 =	vmov s4  }
0x51: {  	v17 =	vsel vm0, $0x1, v4;
	v16 =	vadd.s32 $0xFFFFFFFF, v16  }
0x52: {  	v16 =	vbroadcast v16, $0x0;
	(xrf0) =	vadd.scan.msk.s32 $0xffff, v17;
	_ =	sdelay $0x5  }
0x53: {  	v17, _, _ =	vpop (xrf0)  }
0x54: {  	v16 =	vadd.s32 v17, v16;
	(v2sf) =	vpush v17, $0xF  }
0x55: {  	vm1 =	vge.s32 v16, v14;
	vm2 =	vlt.s32 v16, $0x2000  }
0x56: {  	vm1 =	vmand vm1, vm2  }
0x57: {  	vm0 =	vmand vm0, vm1;
	_ =	sdelay $0x3  }
.Ltmp5:
0x58: {  	(pc) =	sbr.rel @p1 .LBB2_5-.Ltmp5, $4  }
0x59: {  	s23 =	sor.u32 s16, s17;
	s17 =	smov.u32 s22  }
0x5a: {  	v17 =	vor.u32 s23, v3;
	[tilespmem:v16+s5+$0x0] =	vst.idx.msk vm0, v15  }
0x5b: {  	s21 =	sadd.s32 $0x10, s21;
	[tilespmem:v16+s30+$0x0] =	vst.idx.msk vm0, v17  }
0x5c: {  	s22 =	sadd.s32 $0x10, s22;
	v15 =	vld [tilespmem:s21+$0x0]  }
0x5d: {  	_ =	sdelay $0x3  }
0x5e: {  	vm0 =	vge.s32 v15, v1;
	vm1 =	vlt.s32 v15, v0  }
0x5f: {  	vm0 =	vmand vm0, vm1  }
0x60: {  	v16 =	vsel vm0, $0x1, v4  }
0x61: {  	(xrf0) =	vadd.scan.msk.s32 $0xffff, v16;
	_ =	sdelay $0x5  }
0x62: {  	v16, _, _ =	vpop (xrf0)  }
0x63: {  	s21 =	spop (v2sf);
	(v2sf) =	vpush v16, $0xF  }
0x64: {  	s4 =	sadd.s32 s4, s21  }
0x65: {  	v17 =	vmov s4  }
0x66: {  	v17 =	vadd.s32 $0xFFFFFFFF, v17  }
0x67: {  	v17 =	vbroadcast v17, $0x0;
	_ =	sdelay $0x1  }
0x68: {  	v16 =	vadd.s32 v16, v17  }
0x69: {  	vm15 =	vge.s32 v16, v14;
	vm2 =	vlt.s32 v16, $0x2000  }
0x6a: {  	vm1 =	vmand vm15, vm2  }
0x6b: {  	vm0 =	vmand vm0, vm1  }
0x6c: {  	s15 =	sadd.s32 $0x1, s15  }
0x6d: {  	p1 =	seq.s32 s15, $0x8  }
.Ltmp6:
0x6e: {  	_ = 	snop;
	(pc) =	sbr.rel @!p1 .LBB2_4-.Ltmp6, $4  }
.Ltmp7:
0x6f: {  	_ = 	snop;
	(pc) =	sbr.rel @p1 .LBB2_12-.Ltmp7, $4  }
0x70: {  	s16 =	sor.u32 s16, s17  }
0x71: {  	v63 =	vor.u32 s16, v3;
	[tilespmem:v16+s5+$0x0] =	vst.idx.msk vm0, v15;
	s23 =	spop (v2sf)  }
0x72: {  	[tilespmem:v16+s30+$0x0] =	vst.idx.msk vm0, v63;
	s4 =	sadd.s32 s4, s23  }
0x73: {  	_ = 	snop  }
.LBB2_7:
0x74: {  	p1 =	sle.s32 s4, s10  }
.Ltmp8:
0x75: {  	_ = 	snop;
	(pc) =	sbr.rel @p1 .LBB2_12-.Ltmp8, $1  }
0x76: {  	_ =	sdelay $0x3  }
0x77: {  	s4 =	sadd.s32 $0x2000, s10  }
0x78: {  	v14 =	vmov s10;
	s11 =	simm.s32 $0x0;
	s15 =	simm.s32 $0x0;
	v15 =	vmov s4;
	s4 =	simm.s32 $0x0  }
.LBB2_9:
0x79: {  	s16 =	sshll.u32 s15, $0x8;
	s17 =	rddreg [dreg:$0x0]  }
0x7a: {  	s22 =	simm.s32 $0x1A380;
	s16 =	sadd.s32 s17, s16  }
0x7b: {  	[tilespmem:s22], [sflag:$0x9] =	stream.linear.gather [hbm4b:s16+s11], $0x800, $0x38;
	[tilespmem:$0x1AC00] =	vst v63  }
0x7c: {  	_ =	swait.ge [sflag:s29], $0x800  }
0x7d: {  	[sflag:s29] =	ssyncset.done $0x0  }
0x7e: {  	[sflag:s29] =	ssyncadd.s32 $0xFFFFF800  }
0x7f: {  	v16 =	vld [tilespmem:s22+$0x0];
	_ =	sdelay $0x4  }
0x80: {  	vm0 =	vge.s32 v16, v1;
	vm1 =	vlt.s32 v16, v0  }
0x81: {  	vm0 =	vmand vm0, vm1  }
0x82: {  	v17 =	vsel vm0, $0x1, v4  }
0x83: {  	(xrf0) =	vadd.scan.msk.s32 $0xffff, v17;
	_ =	sdelay $0x2  }
0x84: {  	v17 =	vmov s4  }
0x85: {  	v17 =	vadd.s32 $0xFFFFFFFF, v17  }
0x86: {  	v17 =	vbroadcast v17, $0x0  }
0x87: {  	v18, _, _ =	vpop (xrf0)  }
0x88: {  	v17 =	vadd.s32 v18, v17;
	(v2sf) =	vpush v18, $0xF  }
0x89: {  	vm15 =	vge.s32 v17, v14;
	vm2 =	vlt.s32 v17, v15  }
0x8a: {  	v19 =	vsub.s32 v17, v14;
	vm1 =	vmand vm15, vm2  }
0x8b: {  	v17 =	vand.u32 $0x7F, v17;
	v19 =	vand.u32 $0xFFFFFF80, v19;
	vm0 =	vmand vm0, vm1  }
0x8c: {  	v17 =	vor.u32 v17, v19;
	_ =	sdelay $0x2  }
0x8d: {  	s16 =	sshll.u32 s15, $0xB  }
0x8e: {  	s23 =	sor.u32 s16, s11  }
0x8f: {  	[tilespmem:v17+s5+$0x0] =	vst.idx.msk vm0, v16;
	v16 =	vor.u32 s23, v3  }
0x90: {  	s21 =	simm.s32 $0x1A390;
	[tilespmem:v17+s30+$0x0] =	vst.idx.msk vm0, v16  }
0x91: {  	s17 =	simm.s32 $0x10;
	s22 =	simm.s32 $0x20;
	v16 =	vld [tilespmem:s21+$0x0]  }
.LBB2_10:
0x92: {  	p1 =	sne.s32 s22, $0x7F0;
	_ =	sdelay $0x2  }
0x93: {  	s23 =	spop (v2sf)  }
0x94: {  	vm0 =	vge.s32 v16, v1;
	vm1 =	vlt.s32 v16, v0;
	s4 =	sadd.s32 s4, s23  }
0x95: {  	vm0 =	vmand vm0, vm1;
	v17 =	vmov s4  }
0x96: {  	v18 =	vsel vm0, $0x1, v4;
	v17 =	vadd.s32 $0xFFFFFFFF, v17  }
0x97: {  	v17 =	vbroadcast v17, $0x0;
	(xrf0) =	vadd.scan.msk.s32 $0xffff, v18;
	_ =	sdelay $0x5  }
0x98: {  	v18, _, _ =	vpop (xrf0)  }
0x99: {  	v17 =	vadd.s32 v18, v17;
	(v2sf) =	vpush v18, $0xF  }
0x9a: {  	vm1 =	vge.s32 v17, v14;
	vm2 =	vlt.s32 v17, v15;
	v18 =	vsub.s32 v17, v14  }
0x9b: {  	v17 =	vand.u32 $0x7F, v17;
	vm1 =	vmand vm1, vm2;
	v18 =	vand.u32 $0xFFFFFF80, v18  }
0x9c: {  	vm0 =	vmand vm0, vm1;
	v17 =	vor.u32 v17, v18;
	_ =	sdelay $0x3  }
.Ltmp9:
0x9d: {  	(pc) =	sbr.rel @p1 .LBB2_10-.Ltmp9, $4  }
0x9e: {  	s23 =	sor.u32 s16, s17;
	s17 =	smov.u32 s22  }
0x9f: {  	v18 =	vor.u32 s23, v3;
	[tilespmem:v17+s5+$0x0] =	vst.idx.msk vm0, v16  }
0xa0: {  	s21 =	sadd.s32 $0x10, s21;
	[tilespmem:v17+s30+$0x0] =	vst.idx.msk vm0, v18  }
0xa1: {  	s22 =	sadd.s32 $0x10, s22;
	v16 =	vld [tilespmem:s21+$0x0]  }
0xa2: {  	_ =	sdelay $0x3  }
0xa3: {  	vm0 =	vge.s32 v16, v1;
	vm1 =	vlt.s32 v16, v0  }
0xa4: {  	vm0 =	vmand vm0, vm1  }
0xa5: {  	v17 =	vsel vm0, $0x1, v4  }
0xa6: {  	(xrf0) =	vadd.scan.msk.s32 $0xffff, v17;
	_ =	sdelay $0x5  }
0xa7: {  	v17, _, _ =	vpop (xrf0)  }
0xa8: {  	s21 =	spop (v2sf);
	(v2sf) =	vpush v17, $0xF  }
0xa9: {  	s4 =	sadd.s32 s4, s21  }
0xaa: {  	v18 =	vmov s4  }
0xab: {  	v18 =	vadd.s32 $0xFFFFFFFF, v18  }
0xac: {  	v18 =	vbroadcast v18, $0x0;
	_ =	sdelay $0x1  }
0xad: {  	v17 =	vadd.s32 v17, v18  }
0xae: {  	vm15 =	vge.s32 v17, v14;
	vm2 =	vlt.s32 v17, v15  }
0xaf: {  	v18 =	vsub.s32 v17, v14;
	vm1 =	vmand vm15, vm2  }
0xb0: {  	v17 =	vand.u32 $0x7F, v17;
	v18 =	vand.u32 $0xFFFFFF80, v18;
	vm0 =	vmand vm0, vm1  }
0xb1: {  	s15 =	sadd.s32 $0x1, s15;
	v17 =	vor.u32 v17, v18  }
0xb2: {  	p1 =	sne.s32 s15, $0x8  }
.Ltmp10:
0xb3: {  	_ = 	snop;
	(pc) =	sbr.rel @p1 .LBB2_9-.Ltmp10, $4  }
0xb4: {  	_ = 	snop  }
0xb5: {  	s16 =	sor.u32 s16, s17  }
0xb6: {  	v63 =	vor.u32 s16, v3;
	[tilespmem:v17+s5+$0x0] =	vst.idx.msk vm0, v16;
	s23 =	spop (v2sf)  }
0xb7: {  	[tilespmem:v17+s30+$0x0] =	vst.idx.msk vm0, v63;
	s4 =	sadd.s32 s4, s23  }
.LBB2_12:
0xb8: {  	s10 =	ssub.s32 s4, s10  }
0xb9: {  	p1 =	slt.s32 s10, $0x1  }
.Ltmp11:
0xba: {  	_ = 	snop;
	(pc) =	sbr.rel @p1 .LBB2_50-.Ltmp11, $1  }
0xbb: {  	_ =	sdelay $0x3  }
0xbc: {  	[tilespmem:$0x6000] =	vst v4  }
0xbd: {  	[tilespmem:$0x6010] =	vst v4  }
0xbe: {  	[tilespmem:$0x6020] =	vst v4  }
0xbf: {  	[tilespmem:$0x6030] =	vst v4  }
0xc0: {  	[tilespmem:$0x6040] =	vst v4;
	s11 =	rddreg [dreg:$0x16]  }
0xc1: {  	[tilespmem:$0x6050] =	vst v4;
	s11 =	sadd.s32 s11, s4  }
0xc2: {  	[tilespmem:$0x6060] =	vst v4;
	p1 =	sgt.s32 s11, $0x0  }
0xc3: {  	[tilespmem:$0x6070] =	vst v4;
	s11 =	simm.s32 @!p1 $0x0  }
0xc4: {  	[tilespmem:$0x6080] =	vst v4;
	s11 =	smin.u32 s11, $0x2000  }
0xc5: {  	[tilespmem:$0x6090] =	vst v4;
	s11 =	sadd.s32 $0xF, s11  }
0xc6: {  	[tilespmem:$0x60A0] =	vst v4;
	s11 =	sshrl.u32 s11, $0x4  }
0xc7: {  	[tilespmem:$0x60B0] =	vst v4;
	p2 =	sne.s32 s11, $0x1  }
.Ltmp12:
0xc8: {  	[tilespmem:$0x60C0] =	vst v4;
	(pc) =	sbr.rel @!p2 .LBB2_14-.Ltmp12, $4  }
0xc9: {  	[tilespmem:$0x60D0] =	vst v4  }
0xca: {  	[tilespmem:$0x60E0] =	vst v4  }
0xcb: {  	s15 =	smin.u32 s10, $0x2000;
	[tilespmem:$0x60F0] =	vst v4;
	s10 =	simm.s32 $0x0  }
0xcc: {  	v14 =	vadd.s32 s15, v5;
	v15 =	vld [tilespmem:s10+$0x0];
	p1 =	por $0x0, $0x0;
	s11 =	sadd.s32 $0xFFFFFFFF, s11  }
0xcd: {  	_ =	sdelay $0x3  }
0xce: {  	v16 =	vmov s10;
	v15 =	vsub.s32 v15, v1  }
0xcf: {  	vm0 =	vlt.s32 v16, v14;
	v15 =	vshra.s32 v15, $0x7  }
0xd0: {  	v15 =	vnsel vm0, $0xFF, v15  }
0xd1: {  	p4 =	sne.s32 s11, $0x1  }
.Ltmp13:
0xd2: {  	_ = 	snop;
	(pc) =	sbr.rel @!p4 .LBB2_16-.Ltmp13, $3  }
0xd3: {  	_ =	sdelay $0x1  }
0xd4: {  	s16 =	simm.s32 $0x10;
	[tilespmem:v15+s31+$0x0] =	vst.idx.add.s32.msk vm0, v6  }
0xd5: {  	s17 =	sadd.s32 $0xFFFFFFFF, s11;
	p3 =	por $0x1, $0x1;
	s15 =	simm.s32 $0x0;
	v15 =	vld [tilespmem:s16+$0x0]  }
.LBB2_17:
0xd6: {  	p4 =	sne.s32 s17, $0x1;
	_ =	sdelay $0x2  }
0xd7: {  	s15 =	sadd.s32 $0x10, s15  }
0xd8: {  	v16 =	vmov s15;
	v15 =	vsub.s32 v15, v1  }
0xd9: {  	vm0 =	vlt.s32 v16, v14;
	v15 =	vshra.s32 v15, $0x7  }
0xda: {  	v15 =	vnsel vm0, $0xFF, v15;
	_ =	sdelay $0x1  }
.Ltmp14:
0xdb: {  	(pc) =	sbr.rel @p4 .LBB2_17-.Ltmp14, $3  }
0xdc: {  	_ =	sdelay $0x1  }
0xdd: {  	s16 =	sadd.s32 $0x10, s16;
	[tilespmem:v15+s31+$0x0] =	vst.idx.add.s32.msk vm0, v6  }
0xde: {  	s17 =	sadd.s32 $0xFFFFFFFF, s17;
	v15 =	vld [tilespmem:s16+$0x0]  }
.LBB2_18:
0xdf: {  	_ =	sdelay $0x1  }
0xe0: {  	s15 =	sadd.s32 @p3 $0x10, s15;
	s16 =	simm.s32 $0x0  }
0xe1: {  	s16 =	smov.u32 @p3 s15  }
0xe2: {  	v16 =	vmov s16;
	v15 =	vsub.s32 v15, v1  }
0xe3: {  	vm0 =	vlt.s32 v16, v14;
	v15 =	vshra.s32 v15, $0x7  }
0xe4: {  	v15 =	vnsel vm0, $0xFF, v15;
	_ =	sdelay $0x4  }
0xe5: {  	[tilespmem:v15+s31+$0x0] =	vst.idx.add.s32.msk vm0, v6  }
0xe6: {  	v15 =	vld [tilespmem:$0x6000]  }
0xe7: {  	v16 =	vld [tilespmem:$0x6010];
	_ =	sdelay $0x1  }
0xe8: {  	v17 =	vld [tilespmem:$0x6020];
	_ =	sdelay $0x1  }
0xe9: {  	v18 =	vld [tilespmem:$0x6030];
	(xrf0) =	vadd.scan.msk.s32 $0xffff, v15  }
0xea: {  	(xrf0) =	vadd.scan.msk.s32 $0xffff, v16  }
0xeb: {  	v19 =	vld [tilespmem:$0x6040]  }
0xec: {  	(xrf0) =	vadd.scan.msk.s32 $0xffff, v17  }
0xed: {  	v20 =	vld [tilespmem:$0x6050]  }
0xee: {  	(xrf0) =	vadd.scan.msk.s32 $0xffff, v18  }
0xef: {  	v22 =	vld [tilespmem:$0x6060];
	v21, _, _ =	vpop (xrf0)  }
0xf0: {  	(xrf0) =	vadd.scan.msk.s32 $0xffff, v19;
	(v2sf) =	vpush v21, $0xF;
	v23, _, _ =	vpop (xrf0)  }
0xf1: {  	v24 =	vld [tilespmem:$0x6070];
	(v2sf) =	vpush v23, $0xF  }
0xf2: {  	(xrf0) =	vadd.scan.msk.s32 $0xffff, v20;
	v25, _, _ =	vpop (xrf0)  }
0xf3: {  	v26 =	vld [tilespmem:$0x6080];
	(v2sf) =	vpush v25, $0xF  }
0xf4: {  	(xrf0) =	vadd.scan.msk.s32 $0xffff, v22;
	v27, _, _ =	vpop (xrf0)  }
0xf5: {  	v28 =	vld [tilespmem:$0x6090];
	(v2sf) =	vpush v27, $0xF  }
0xf6: {  	v29, _, _ =	vpop (xrf0);
	(xrf0) =	vadd.scan.msk.s32 $0xffff, v24  }
0xf7: {  	v30 =	vld [tilespmem:$0x60A0];
	(v2sf) =	vpush v29, $0xF  }
0xf8: {  	v31, _, _ =	vpop (xrf0);
	(xrf0) =	vadd.scan.msk.s32 $0xffff, v26  }
0xf9: {  	v32 =	vld [tilespmem:$0x60B0];
	(v2sf) =	vpush v31, $0xF  }
0xfa: {  	v33, _, _ =	vpop (xrf0);
	(xrf0) =	vadd.scan.msk.s32 $0xffff, v28  }
0xfb: {  	v34 =	vld [tilespmem:$0x60C0];
	v36 =	vbroadcast v21, $0xF;
	(v2sf) =	vpush v33, $0xF  }
0xfc: {  	v35, _, _ =	vpop (xrf0);
	(xrf0) =	vadd.scan.msk.s32 $0xffff, v30  }
0xfd: {  	v16 =	vsub.s32 v36, v16;
	(v2sf) =	vpush v35, $0xF  }
0xfe: {  	v37 =	vld [tilespmem:$0x60D0];
	v15 =	vsub.s32 v21, v15;
	v54, _, _ =	vpop (xrf0);
	(xrf0) =	vadd.scan.msk.s32 $0xffff, v32  }
0xff: {  	[tilespmem:$0x6100] =	vst v15;
	v17 =	vsub.s32 v25, v17;
	s21 =	spop (v2sf);
	(v2sf) =	vpush v54, $0xF  }
0x100: {  	v55 =	vld [tilespmem:$0x60E0];
	[tilespmem:$0x6200] =	vst v15;
	v15 =	vadd.s32 v23, v16;
	v16, _, _ =	vpop (xrf0);
	(xrf0) =	vadd.scan.msk.s32 $0xffff, v34;
	s22 =	spop (v2sf)  }
0x101: {  	[tilespmem:$0x6110] =	vst v15;
	(v2sf) =	vpush v16, $0xF;
	s15 =	sadd.s32 s21, s22  }
0x102: {  	[tilespmem:$0x6210] =	vst v15;
	s23 =	spop (v2sf);
	v15 =	vadd.s32 s15, v17;
	v17, _, _ =	vpop (xrf0)  }
0x103: {  	v18 =	vsub.s32 v27, v18;
	(xrf0) =	vadd.scan.msk.s32 $0xffff, v37;
	s15 =	sadd.s32 s15, s23;
	[tilespmem:$0x6120] =	vst v15;
	(v2sf) =	vpush v17, $0xF  }
0x104: {  	s17 =	spop (v2sf);
	[tilespmem:$0x6220] =	vst v15;
	v15 =	vadd.s32 s15, v18;
	v56, _, _ =	vpop (xrf0)  }
0x105: {  	v19 =	vsub.s32 v29, v19;
	(xrf0) =	vadd.scan.msk.s32 $0xffff, v55;
	s15 =	sadd.s32 s15, s17;
	[tilespmem:$0x6130] =	vst v15;
	(v2sf) =	vpush v56, $0xF  }
0x106: {  	v57, _, _ =	vpop (xrf0);
	[tilespmem:$0x6230] =	vst v15;
	v15 =	vadd.s32 s15, v19;
	s21 =	spop (v2sf)  }
0x107: {  	v58 =	vsub.s32 v31, v20;
	[tilespmem:$0x6140] =	vst v15;
	(v2sf) =	vpush v57, $0xF;
	s15 =	sadd.s32 s15, s21  }
0x108: {  	[tilespmem:$0x6240] =	vst v15;
	s22 =	spop (v2sf);
	v15 =	vadd.s32 s15, v58  }
0x109: {  	v60 =	vsub.s32 v33, v22;
	s15 =	sadd.s32 s15, s22;
	v59, _, _ =	vpop (xrf0);
	[tilespmem:$0x6150] =	vst v15  }
0x10a: {  	s23 =	spop (v2sf);
	[tilespmem:$0x6250] =	vst v15;
	v15 =	vadd.s32 s15, v60;
	(v2sf) =	vpush v59, $0xF  }
0x10b: {  	v62 =	vsub.s32 v35, v24;
	s15 =	sadd.s32 s15, s23;
	v61, _, _ =	vpop (xrf0);
	[tilespmem:$0x6160] =	vst v15  }
0x10c: {  	[tilespmem:$0x6260] =	vst v15;
	v15 =	vadd.s32 s15, v62;
	(v2sf) =	vpush v61, $0xF;
	s17 =	spop (v2sf)  }
0x10d: {  	v21 =	vsub.s32 v54, v26;
	[tilespmem:$0x6170] =	vst v15;
	s15 =	sadd.s32 s15, s17  }
0x10e: {  	[tilespmem:$0x6270] =	vst v15;
	v15 =	vadd.s32 s15, v21;
	s21 =	spop (v2sf)  }
0x10f: {  	v16 =	vsub.s32 v16, v28;
	[tilespmem:$0x6180] =	vst v15;
	s15 =	sadd.s32 s15, s21  }
0x110: {  	v63 =	vld [tilespmem:$0x60F0];
	[tilespmem:$0x6280] =	vst v15;
	s22 =	spop (v2sf);
	v15 =	vadd.s32 s15, v16  }
0x111: {  	v16 =	vsub.s32 v17, v30;
	s15 =	sadd.s32 s15, s22;
	[tilespmem:$0x6190] =	vst v15  }
0x112: {  	[tilespmem:$0x6290] =	vst v15;
	v15 =	vadd.s32 s15, v16;
	s23 =	spop (v2sf)  }
0x113: {  	v16 =	vsub.s32 v56, v32;
	[tilespmem:$0x61A0] =	vst v15;
	s15 =	sadd.s32 s15, s23  }
0x114: {  	[tilespmem:$0x62A0] =	vst v15;
	s17 =	spop (v2sf);
	v15 =	vadd.s32 s15, v16  }
0x115: {  	(xrf0) =	vadd.scan.msk.s32 $0xffff, v63;
	v16 =	vsub.s32 v57, v34;
	s15 =	sadd.s32 s15, s17;
	[tilespmem:$0x61B0] =	vst v15  }
0x116: {  	s21 =	spop (v2sf);
	[tilespmem:$0x62B0] =	vst v15;
	v15 =	vadd.s32 s15, v16  }
0x117: {  	v16 =	vsub.s32 v59, v37;
	s15 =	sadd.s32 s15, s21;
	[tilespmem:$0x61C0] =	vst v15  }
0x118: {  	[tilespmem:$0x62C0] =	vst v15;
	v15 =	vadd.s32 s15, v16;
	v16 =	vsub.s32 v61, v55  }
0x119: {  	s22 =	spop (v2sf)  }
0x11a: {  	[tilespmem:$0x61D0] =	vst v15;
	s15 =	sadd.s32 s15, s22  }
0x11b: {  	[tilespmem:$0x62D0] =	vst v15;
	s23 =	spop (v2sf);
	v15 =	vadd.s32 s15, v16;
	v16, _, _ =	vpop (xrf0)  }
.Ltmp15:
0x11c: {  	s15 =	sadd.s32 s15, s23;
	[tilespmem:$0x61E0] =	vst v15;
	v16 =	vsub.s32 v16, v63;
	(pc) =	sbr.rel @!p2 .LBB2_19-.Ltmp15, $4  }
0x11d: {  	[tilespmem:$0x62E0] =	vst v15;
	v15 =	vadd.s32 s15, v16  }
0x11e: {  	[tilespmem:$0x61F0] =	vst v15  }
0x11f: {  	[tilespmem:$0x62F0] =	vst v15  }
0x120: {  	s15 =	simm.s32 $0x2000;
	v15 =	vld [tilespmem:s10+$0x0]  }
0x121: {  	_ =	sdelay $0x3  }
0x122: {  	v16 =	vld [tilespmem:s15+$0x0];
	v17 =	vmov s10;
	v18 =	vsub.s32 v15, v1  }
0x123: {  	vm0 =	vlt.s32 v17, v14;
	v17 =	vshra.s32 v18, $0x7  }
0x124: {  	v15 =	vshll.u32 v15, $0xE;
	v17 =	vnsel vm0, $0xFF, v17  }
0x125: {  	v15 =	vand.u32 $0x1FC000, v15;
	v62 =	vshll.u32 v17, $0x15  }
0x126: {  	v15 =	vor.u32 v15, v62  }
0x127: {  	v15 =	vor.u32 v16, v15;
	v16 =	vxor.u32 $0x80000000, v17  }
0x128: {  	(xrf1) =	vsort.ascd.msk.u32 $0xffff, v16, v15;
	_ =	sdelay $0xd  }
0x129: {  	v15, v16, _ =	vpop (xrf1)  }
0x12a: {  	v15 =	vxor.u32 $0x80000000, v15  }
0x12b: {  	(xrf1) =	vunique.msk.u32 $0xffff, v15;
	_ =	sdelay $0x9  }
0x12c: {  	v17 =	vld.idx.msk [tilespmem:v15+s0+$0x0], $0xffff;
	_ =	sdelay $0x3  }
0x12d: {  	_, v63, _ =	vpop (xrf1)  }
0x12e: {  	vm15 =	vlt.s32 v15, $0xFF;
	v17 =	vadd.s32 v63, v17  }
0x12f: {  	v17 =	vadd.s32 $0xFFFFFFFF, v17;
	_ =	sdelay $0x2  }
0x130: {  	p2 =	sne.s32 s11, $0x1  }
.Ltmp16:
0x131: {  	_ = 	snop;
	(pc) =	sbr.rel @!p2 .LBB2_21-.Ltmp16, $4  }
0x132: {  	[tilespmem:v17+s3+$0x0] =	vst.idx.msk vm15, v16  }
0x133: {  	s17 =	simm.s32 $0x10;
	[tilespmem:v15+s0+$0x0] =	vst.idx.add.s32.msk vm15, v6  }
0x134: {  	s21 =	sadd.s32 $0xFFFFFFFF, s11;
	v15 =	vld [tilespmem:s17+$0x0]  }
0x135: {  	p1 =	por $0x1, $0x1;
	s11 =	simm.s32 $0x2000;
	s16 =	simm.s32 $0x0  }
.LBB2_22:
0x136: {  	p2 =	sne.s32 s21, $0x1;
	_ =	sdelay $0x1  }
0x137: {  	s11 =	sadd.s32 $0x10, s11;
	s16 =	sadd.s32 $0x10, s16  }
0x138: {  	v17 =	vmov s16;
	v16 =	vld [tilespmem:s11+$0x0];
	v18 =	vsub.s32 v15, v1  }
0x139: {  	vm0 =	vlt.s32 v17, v14;
	v17 =	vshra.s32 v18, $0x7  }
0x13a: {  	v15 =	vshll.u32 v15, $0xE;
	v17 =	vnsel vm0, $0xFF, v17  }
0x13b: {  	v15 =	vand.u32 $0x1FC000, v15;
	v18 =	vshll.u32 v17, $0x15  }
0x13c: {  	v15 =	vor.u32 v15, v18  }
0x13d: {  	v15 =	vor.u32 v16, v15;
	v16 =	vxor.u32 $0x80000000, v17  }
0x13e: {  	(xrf1) =	vsort.ascd.msk.u32 $0xffff, v16, v15;
	_ =	sdelay $0xd  }
0x13f: {  	v15, v16, _ =	vpop (xrf1)  }
0x140: {  	v15 =	vxor.u32 $0x80000000, v15  }
0x141: {  	(xrf1) =	vunique.msk.u32 $0xffff, v15;
	_ =	sdelay $0x8  }
0x142: {  	v17 =	vld.idx.msk [tilespmem:v15+s0+$0x0], $0xffff;
	_ =	sdelay $0x4  }
0x143: {  	_, v18, _ =	vpop (xrf1)  }
0x144: {  	vm0 =	vlt.s32 v15, $0xFF;
	v17 =	vadd.s32 v18, v17  }
0x145: {  	v17 =	vadd.s32 $0xFFFFFFFF, v17;
	_ =	sdelay $0x3  }
.Ltmp17:
0x146: {  	(pc) =	sbr.rel @p2 .LBB2_22-.Ltmp17, $4  }
0x147: {  	[tilespmem:v17+s3+$0x0] =	vst.idx.msk vm0, v16  }
0x148: {  	s17 =	sadd.s32 $0x10, s17;
	[tilespmem:v15+s0+$0x0] =	vst.idx.add.s32.msk vm0, v6  }
0x149: {  	v15 =	vld [tilespmem:s17+$0x0]  }
0x14a: {  	s21 =	sadd.s32 $0xFFFFFFFF, s21  }
.LBB2_23:
0x14b: {  	_ = 	snop  }
0x14c: {  	s11 =	sadd.s32 @p1 $0x10, s11;
	s16 =	sadd.s32 @p1 $0x10, s16  }
0x14d: {  	s15 =	smov.u32 @p1 s11;
	s10 =	smov.u32 @p1 s16  }
0x14e: {  	v16 =	vld [tilespmem:s15+$0x0];
	v17 =	vmov s10;
	v18 =	vsub.s32 v15, v1  }
0x14f: {  	vm0 =	vlt.s32 v17, v14;
	v14 =	vshra.s32 v18, $0x7  }
0x150: {  	v15 =	vshll.u32 v15, $0xE;
	v14 =	vnsel vm0, $0xFF, v14  }
0x151: {  	v15 =	vand.u32 $0x1FC000, v15;
	v61 =	vshll.u32 v14, $0x15  }
0x152: {  	v15 =	vor.u32 v15, v61  }
0x153: {  	v14 =	vxor.u32 $0x80000000, v14;
	v15 =	vor.u32 v16, v15  }
0x154: {  	(xrf1) =	vsort.ascd.msk.u32 $0xffff, v14, v15;
	_ =	sdelay $0xd  }
0x155: {  	v14, v15, _ =	vpop (xrf1)  }
0x156: {  	v14 =	vxor.u32 $0x80000000, v14  }
0x157: {  	(xrf1) =	vunique.msk.u32 $0xffff, v14;
	_ =	sdelay $0x9  }
0x158: {  	v62 =	vld.idx.msk [tilespmem:v14+s0+$0x0], $0xffff;
	_ =	sdelay $0x3  }
0x159: {  	_, v63, _ =	vpop (xrf1)  }
0x15a: {  	vm15 =	vlt.s32 v14, $0xFF;
	v16 =	vadd.s32 v63, v62  }
0x15b: {  	v16 =	vadd.s32 $0xFFFFFFFF, v16;
	_ =	sdelay $0x4  }
0x15c: {  	[tilespmem:v16+s3+$0x0] =	vst.idx.msk vm15, v15  }
0x15d: {  	s16 =	rddreg [dreg:$0x6];
	[tilespmem:v14+s0+$0x0] =	vst.idx.add.s32.msk vm15, v6  }
0x15e: {  	[tilespmem:s12], [sflag:$0x1] =	stream.strided.gather [hbm4b:s16+s8], $0x2000, s24, s8, $0x38;
	[tilespmem:$0x1AC00] =	vst v63  }
0x15f: {  	s17 =	rddreg [dreg:$0x7];
	s21 =	simm.s32 $0x8300  }
0x160: {  	[tilespmem:s21], [sflag:$0x2] =	stream.strided.gather [hbm4b:s17+s8], $0x2000, s24, s8, $0x38;
	[tilespmem:$0x1AC00] =	vst v63  }
0x161: {  	s22 =	rddreg [dreg:$0x8];
	s23 =	simm.s32 $0xA300  }
0x162: {  	[tilespmem:s23], [sflag:$0x3] =	stream.strided.gather [hbm4b:s22+s8], $0x2000, s24, s8, $0x38;
	[tilespmem:$0x1AC00] =	vst v63  }
0x163: {  	s15 =	rddreg [dreg:$0xc];
	s16 =	simm.s32 $0xC300  }
0x164: {  	[tilespmem:s16], [sflag:$0x4] =	stream.strided.gather [hbm4b:s15+s8], $0x2000, s24, s8, $0x38;
	[tilespmem:$0x1AC00] =	vst v63  }
.Ltmp18:
0x165: {  	_ = 	snop;
	(pc) =	sbr.rel .LBB2_24-.Ltmp18, $4  }
0x166: {  	s11 =	simm.s32 $0x0;
	s17 =	rddreg [dreg:$0xd];
	s21 =	simm.s32 $0xE300  }
0x167: {  	[tilespmem:s21], [sflag:$0x5] =	stream.strided.gather [hbm4b:s17+s8], $0x2000, s24, s8, $0x38;
	[tilespmem:$0x1AC00] =	vst v63  }
0x168: {  	s10 =	simm.s32 $0x0;
	s22 =	rddreg [dreg:$0xe];
	s23 =	simm.s32 $0x10300  }
0x169: {  	[tilespmem:s23], [sflag:$0x6] =	stream.strided.gather [hbm4b:s22+s8], $0x2000, s24, s8, $0x38;
	[tilespmem:$0x1AC00] =	vst v63  }
.LBB2_46:
0x16a: {  	p2 =	sne.s32 @!p1 s15, $0xF4200  }
0x16b: {  	p1 =	por p2, p1  }
0x16c: {  	s17 =	rddreg [dreg:$0x3];
	s15 =	simm.s32 @!p1 $0x0;
	s16 =	simm.s32 @!p1 $0x10300  }
0x16d: {  	[tilespmem:s16], [sflag:$0x6] =	stream.linear.gather @!p1 [hbm4b:s17+s15], $0x2000, $0x38;
	[tilespmem:$0x1AC00] =	vst v63  }
.LBB2_47:
0x16e: {  	s11 =	sadd.s32 $0x1, s11  }
0x16f: {  	p1 =	sne.s32 s11, $0x29  }
.Ltmp19:
0x170: {  	_ = 	snop;
	(pc) =	sbr.rel @!p1 .LBB2_48-.Ltmp19, $1  }
0x171: {  	_ =	sdelay $0x3  }
.LBB2_24:
0x172: {  	s15 =	smul.u32 $0x300, s11;
	_ =	sdelay $0x1  }
0x173: {  	s16 =	sadd.s32 s7, s15  }
0x174: {  	p1 =	sgt.u32 s16, $0xF4200  }
0x175: {  	s16 =	simm.s32 @!p1 $0x1  }
0x176: {  	_ =	swait.ge @!p1 [sflag:s16], $0x2000  }
0x177: {  	s17 =	rddreg [dreg:$0x9]  }
0x178: {  	s17 =	sadd.s32 s15, s17  }
0x179: {  	[sflag:s16] =	ssyncset.done @!p1 $0x0;
	p2 =	sgt.u32 s17, $0xF4200  }
0x17a: {  	[sflag:s16] =	ssyncadd.s32 @!p1 $0xFFFFE000;
	s16 =	simm.s32 @!p2 $0x2  }
0x17b: {  	_ =	swait.ge @!p2 [sflag:s16], $0x2000  }
0x17c: {  	s21 =	rddreg [dreg:$0xa]  }
0x17d: {  	s17 =	sadd.s32 s15, s21  }
0x17e: {  	[sflag:s16] =	ssyncset.done @!p2 $0x0;
	p1 =	sgt.u32 s17, $0xF4200  }
0x17f: {  	[sflag:s16] =	ssyncadd.s32 @!p2 $0xFFFFE000;
	s16 =	simm.s32 @!p1 $0x3  }
0x180: {  	_ =	swait.ge @!p1 [sflag:s16], $0x2000  }
0x181: {  	s22 =	rddreg [dreg:$0xb]  }
0x182: {  	s17 =	sadd.s32 s15, s22  }
0x183: {  	[sflag:s16] =	ssyncset.done @!p1 $0x0;
	p2 =	sgt.u32 s17, $0xF4200  }
0x184: {  	[sflag:s16] =	ssyncadd.s32 @!p1 $0xFFFFE000;
	s16 =	simm.s32 @!p2 $0x4  }
0x185: {  	_ =	swait.ge @!p2 [sflag:s16], $0x2000  }
0x186: {  	s23 =	sadd.s32 s15, s26;
	[sflag:s16] =	ssyncset.done @!p2 $0x0  }
0x187: {  	[sflag:s16] =	ssyncadd.s32 @!p2 $0xFFFFE000;
	p2 =	sgt.u32 s23, $0xF4200  }
0x188: {  	p1 =	seq.s32 s11, $0x28;
	s17 =	sadd.s32 s15, s25;
	s16 =	simm.s32 @!p2 $0x5  }
0x189: {  	p3 =	sgt.u32 @!p1 s17, $0xF4200;
	_ =	swait.ge @!p2 [sflag:s16], $0x2000  }
0x18a: {  	p3 =	por p3, p1;
	[sflag:s16] =	ssyncset.done @!p2 $0x0  }
0x18b: {  	[sflag:s16] =	ssyncadd.s32 @!p2 $0xFFFFE000;
	s16 =	simm.s32 @!p3 $0x6  }
0x18c: {  	s22 =	smul.u32 $0x6, s11;
	_ =	swait.ge @!p3 [sflag:s16], $0x2000  }
0x18d: {  	[sflag:s16] =	ssyncset.done @!p3 $0x0  }
0x18e: {  	s21 =	sand.u32 $0x1F0, s22;
	[sflag:s16] =	ssyncadd.s32 @!p3 $0xFFFFE000;
	s16 =	sadd.s32 $0x6, s22  }
0x18f: {  	v14 =	vld [tilespmem:s21+$0x6100];
	s23 =	sand.u32 $0x3F0, s16  }
0x190: {  	v15 =	vld [tilespmem:s23+$0x6100]  }
0x191: {  	s21 =	sand.u32 $0xE, s22  }
0x192: {  	v16 =	vmov s21;
	s23 =	sand.u32 $0xE, s16  }
0x193: {  	vm0 =	veq.s32 v16, v3;
	v63 =	vmov s23  }
0x194: {  	vm15 =	veq.s32 v63, v3;
	v14 =	vnsel vm0, $0x0, v14  }
0x195: {  	(xrf0) =	vadd.scan.msk.s32 $0xffff, v14;
	v14 =	vnsel vm15, $0x0, v15  }
0x196: {  	(xrf0) =	vadd.scan.msk.s32 $0xffff, v14;
	_ =	sdelay $0x4  }
0x197: {  	v14, _, _ =	vpop (xrf0)  }
0x198: {  	(v2sf) =	vpush v14, $0xF;
	v14, _, _ =	vpop (xrf0)  }
0x199: {  	(v2sf) =	vpush v14, $0xF;
	_ =	sdelay $0xd  }
0x19a: {  	s17 =	spop (v2sf)  }
0x19b: {  	s21 =	spop (v2sf)  }
0x19c: {  	s21 =	ssub.s32 s21, s17  }
0x19d: {  	s21 =	sadd.s32 $0xF, s21  }
0x19e: {  	s23 =	sand.u32 $0xF, s21  }
0x19f: {  	p6 =	slt.s32 s21, $0x1;
	p5 =	sne.s32 s23, $0x0;
	s23 =	sshra.s32 s21, $0x1F  }
0x1a0: {  	s23 =	sshrl.u32 s23, $0x1C;
	p2 =	por !p6, !p5  }
0x1a1: {  	s21 =	sadd.s32 s23, s21;
	p2 =	por !p2, !p2;
	s23 =	simm.s32 $0x1  }
0x1a2: {  	s21 =	sshra.s32 s21, $0x4;
	s23 =	simm.s32 @!p2 $0x0  }
0x1a3: {  	s21 =	ssub.s32 s21, s23  }
0x1a4: {  	p2 =	slt.s32 s21, $0x1  }
.Ltmp20:
0x1a5: {  	_ = 	snop;
	(pc) =	sbr.rel @p2 .LBB2_29-.Ltmp20, $1  }
0x1a6: {  	_ =	sdelay $0x3  }
.Ltmp21:
0x1a7: {  	(pc) =	sbr.rel .LBB2_26-.Ltmp21, $2  }
0x1a8: {  	_ =	sdelay $0x2  }
0x1a9: {  	v14 =	vbroadcast v14, $0xF;
	v15 =	vmov s22  }
.LBB2_28:
0x1aa: {  	s21 =	sadd.s32 $0xFFFFFFFF, s21  }
0x1ab: {  	p3 =	sne.s32 s21, $0x0  }
.Ltmp22:
0x1ac: {  	_ = 	snop;
	(pc) =	sbr.rel @!p3 .LBB2_29-.Ltmp22, $3  }
0x1ad: {  	_ =	sdelay $0x1  }
0x1ae: {  	p2 =	sgt.s32 s10, $0x6F  }
0x1af: {  	s17 =	sadd.s32 $0x10, s17;
	s10 =	simm.s32 @p2 $0x0  }
.LBB2_26:
0x1b0: {  	v16 =	vadd.s32 s17, v3  }
0x1b1: {  	vm0 =	vlt.s32 v16, v14;
	_ =	sdelay $0x5  }
0x1b2: {  	v16 =	vld.idx.msk [tilespmem:v16+s3+$0x0], vm0;
	_ =	sdelay $0x4  }
0x1b3: {  	v17 =	vshra.s32 v16, $0x15  }
0x1b4: {  	v19 =	vsel vm0, $0x1, v4;
	v18 =	vshrl.u32 v16, $0xE;
	v17 =	vsub.s32 v17, v15  }
0x1b5: {  	(xrf0) =	vadd.scan.msk.s32 $0xffff, v19;
	v18 =	vand.u32 $0x7F, v18;
	v17 =	vshll.u32 v17, $0xD  }
0x1b6: {  	v18 =	vor.u32 v18, v17  }
0x1b7: {  	v20 =	vmov s10;
	v17 =	vor.u32 $0x80, v18  }
0x1b8: {  	v20 =	vadd.s32 $0xFFFFFFFF, v20;
	v47 =	vor.u32 $0x100, v18  }
0x1b9: {  	v21 =	vor.u32 $0x180, v18  }
0x1ba: {  	v23 =	vbroadcast v20, $0x0;
	v22 =	vor.u32 $0x200, v18  }
0x1bb: {  	v20, _, _ =	vpop (xrf0);
	v25 =	vor.u32 $0x280, v18;
	v24 =	vld.idx.msk [tilespmem:v18+s12+$0x0], vm0  }
0x1bc: {  	v27 =	vor.u32 $0x300, v18;
	v26 =	vld.idx.msk [tilespmem:v17+s12+$0x0], vm0;
	v17 =	vadd.s32 v20, v23  }
0x1bd: {  	v28 =	vor.u32 $0x380, v18;
	v48 =	vld.idx.msk [tilespmem:v47+s12+$0x0], vm0;
	v19 =	vshll.u32 v17, $0x7  }
0x1be: {  	v21 =	vld.idx.msk [tilespmem:v21+s12+$0x0], vm0;
	v29 =	vor.u32 $0x1, v19  }
0x1bf: {  	v22 =	vld.idx.msk [tilespmem:v22+s12+$0x0], vm0;
	v30 =	vor.u32 $0x2, v19  }
0x1c0: {  	v25 =	vld.idx.msk [tilespmem:v25+s12+$0x0], vm0;
	v31 =	vor.u32 $0x3, v19  }
0x1c1: {  	v27 =	vld.idx.msk [tilespmem:v27+s12+$0x0], vm0;
	v32 =	vor.u32 $0x4, v19  }
0x1c2: {  	v28 =	vld.idx.msk [tilespmem:v28+s12+$0x0], vm0;
	v49 =	vor.u32 $0x5, v19;
	[tilespmem:v19+s13+$0x0] =	vst.idx.msk vm0, v24  }
0x1c3: {  	v50 =	vor.u32 $0x6, v19;
	[tilespmem:v29+s13+$0x0] =	vst.idx.msk vm0, v26  }
0x1c4: {  	v51 =	vor.u32 $0x7, v19;
	[tilespmem:v30+s13+$0x0] =	vst.idx.msk vm0, v48  }
0x1c5: {  	v52 =	vor.u32 $0x400, v18;
	[tilespmem:v31+s13+$0x0] =	vst.idx.msk vm0, v21  }
0x1c6: {  	v53 =	vor.u32 $0x480, v18;
	[tilespmem:v32+s13+$0x0] =	vst.idx.msk vm0, v22  }
0x1c7: {  	v54 =	vor.u32 $0x500, v18;
	[tilespmem:v49+s13+$0x0] =	vst.idx.msk vm0, v25  }
0x1c8: {  	v55 =	vor.u32 $0x580, v18;
	[tilespmem:v50+s13+$0x0] =	vst.idx.msk vm0, v27  }
0x1c9: {  	v56 =	vor.u32 $0x600, v18;
	[tilespmem:v51+s13+$0x0] =	vst.idx.msk vm0, v28  }
0x1ca: {  	v57 =	vor.u32 $0x680, v18;
	v21 =	vld.idx.msk [tilespmem:v52+s12+$0x0], vm0  }
0x1cb: {  	v58 =	vor.u32 $0x700, v18;
	v22 =	vld.idx.msk [tilespmem:v53+s12+$0x0], vm0  }
0x1cc: {  	v59 =	vor.u32 $0x780, v18;
	v60 =	vor.u32 $0x8, v19;
	v24 =	vld.idx.msk [tilespmem:v54+s12+$0x0], vm0  }
0x1cd: {  	v61 =	vor.u32 $0x9, v19;
	v25 =	vld.idx.msk [tilespmem:v55+s12+$0x0], vm0  }
0x1ce: {  	v62 =	vor.u32 $0xA, v19;
	v23 =	vld.idx.msk [tilespmem:v56+s12+$0x0], vm0  }
0x1cf: {  	v63 =	vor.u32 $0xB, v19;
	v26 =	vld.idx.msk [tilespmem:v57+s12+$0x0], vm0  }
0x1d0: {  	v33 =	vor.u32 $0xC, v19;
	v27 =	vld.idx.msk [tilespmem:v58+s12+$0x0], vm0  }
0x1d1: {  	v29 =	vor.u32 $0xD, v19;
	v28 =	vld.idx.msk [tilespmem:v59+s12+$0x0], vm0;
	[tilespmem:v60+s13+$0x0] =	vst.idx.msk vm0, v21  }
0x1d2: {  	v30 =	vor.u32 $0xE, v19;
	[tilespmem:v61+s13+$0x0] =	vst.idx.msk vm0, v22  }
0x1d3: {  	v34 =	vor.u32 $0xF, v19;
	[tilespmem:v62+s13+$0x0] =	vst.idx.msk vm0, v24  }
0x1d4: {  	v35 =	vor.u32 $0x800, v18;
	[tilespmem:v63+s13+$0x0] =	vst.idx.msk vm0, v25  }
0x1d5: {  	v36 =	vor.u32 $0x880, v18;
	[tilespmem:v33+s13+$0x0] =	vst.idx.msk vm0, v23  }
0x1d6: {  	v37 =	vor.u32 $0x900, v18;
	[tilespmem:v29+s13+$0x0] =	vst.idx.msk vm0, v26  }
0x1d7: {  	v38 =	vor.u32 $0x980, v18;
	[tilespmem:v30+s13+$0x0] =	vst.idx.msk vm0, v27  }
0x1d8: {  	v39 =	vor.u32 $0xA00, v18;
	[tilespmem:v34+s13+$0x0] =	vst.idx.msk vm0, v28  }
0x1d9: {  	v40 =	vor.u32 $0xA80, v18;
	v25 =	vld.idx.msk [tilespmem:v35+s12+$0x0], vm0  }
0x1da: {  	v41 =	vor.u32 $0xB00, v18;
	v23 =	vld.idx.msk [tilespmem:v36+s12+$0x0], vm0  }
0x1db: {  	v42 =	vor.u32 $0xB80, v18;
	v43 =	vor.u32 $0x10, v19;
	v21 =	vld.idx.msk [tilespmem:v37+s12+$0x0], vm0  }
0x1dc: {  	v44 =	vor.u32 $0x11, v19;
	v22 =	vld.idx.msk [tilespmem:v38+s12+$0x0], vm0  }
0x1dd: {  	v45 =	vor.u32 $0x12, v19;
	v24 =	vld.idx.msk [tilespmem:v39+s12+$0x0], vm0  }
0x1de: {  	v46 =	vor.u32 $0x13, v19;
	v26 =	vld.idx.msk [tilespmem:v40+s12+$0x0], vm0  }
0x1df: {  	v47 =	vor.u32 $0x14, v19;
	v27 =	vld.idx.msk [tilespmem:v41+s12+$0x0], vm0  }
0x1e0: {  	v48 =	vor.u32 $0x15, v19;
	v28 =	vld.idx.msk [tilespmem:v42+s12+$0x0], vm0;
	[tilespmem:v43+s13+$0x0] =	vst.idx.msk vm0, v25  }
0x1e1: {  	v49 =	vor.u32 $0x16, v19;
	[tilespmem:v44+s13+$0x0] =	vst.idx.msk vm0, v23  }
0x1e2: {  	v50 =	vor.u32 $0x17, v19;
	[tilespmem:v45+s13+$0x0] =	vst.idx.msk vm0, v21  }
0x1e3: {  	v51 =	vor.u32 $0xC00, v18;
	[tilespmem:v46+s13+$0x0] =	vst.idx.msk vm0, v22  }
0x1e4: {  	v52 =	vor.u32 $0xC80, v18;
	[tilespmem:v47+s13+$0x0] =	vst.idx.msk vm0, v24  }
0x1e5: {  	v53 =	vor.u32 $0xD00, v18;
	[tilespmem:v48+s13+$0x0] =	vst.idx.msk vm0, v26  }
0x1e6: {  	v54 =	vor.u32 $0xD80, v18;
	[tilespmem:v49+s13+$0x0] =	vst.idx.msk vm0, v27  }
0x1e7: {  	v55 =	vor.u32 $0xE00, v18;
	[tilespmem:v50+s13+$0x0] =	vst.idx.msk vm0, v28  }
0x1e8: {  	v56 =	vor.u32 $0xE80, v18;
	v22 =	vld.idx.msk [tilespmem:v51+s12+$0x0], vm0  }
0x1e9: {  	v57 =	vor.u32 $0xF00, v18;
	v24 =	vld.idx.msk [tilespmem:v52+s12+$0x0], vm0  }
0x1ea: {  	v58 =	vor.u32 $0xF80, v18;
	v59 =	vor.u32 $0x18, v19;
	v25 =	vld.idx.msk [tilespmem:v53+s12+$0x0], vm0  }
0x1eb: {  	v60 =	vor.u32 $0x19, v19;
	v23 =	vld.idx.msk [tilespmem:v54+s12+$0x0], vm0  }
0x1ec: {  	v61 =	vor.u32 $0x1A, v19;
	v21 =	vld.idx.msk [tilespmem:v55+s12+$0x0], vm0  }
0x1ed: {  	v62 =	vor.u32 $0x1B, v19;
	v26 =	vld.idx.msk [tilespmem:v56+s12+$0x0], vm0  }
0x1ee: {  	v63 =	vor.u32 $0x1C, v19;
	v27 =	vld.idx.msk [tilespmem:v57+s12+$0x0], vm0  }
0x1ef: {  	v29 =	vor.u32 $0x1D, v19;
	v28 =	vld.idx.msk [tilespmem:v58+s12+$0x0], vm0;
	[tilespmem:v59+s13+$0x0] =	vst.idx.msk vm0, v22  }
0x1f0: {  	v30 =	vor.u32 $0x1E, v19;
	[tilespmem:v60+s13+$0x0] =	vst.idx.msk vm0, v24  }
0x1f1: {  	v34 =	vor.u32 $0x1F, v19;
	[tilespmem:v61+s13+$0x0] =	vst.idx.msk vm0, v25  }
0x1f2: {  	v35 =	vor.u32 $0x1000, v18;
	[tilespmem:v62+s13+$0x0] =	vst.idx.msk vm0, v23  }
0x1f3: {  	v36 =	vor.u32 $0x1080, v18;
	[tilespmem:v63+s13+$0x0] =	vst.idx.msk vm0, v21  }
0x1f4: {  	v37 =	vor.u32 $0x1100, v18;
	[tilespmem:v29+s13+$0x0] =	vst.idx.msk vm0, v26  }
0x1f5: {  	v38 =	vor.u32 $0x1180, v18;
	[tilespmem:v30+s13+$0x0] =	vst.idx.msk vm0, v27  }
0x1f6: {  	v39 =	vor.u32 $0x1200, v18;
	[tilespmem:v34+s13+$0x0] =	vst.idx.msk vm0, v28  }
0x1f7: {  	v40 =	vor.u32 $0x1280, v18;
	v23 =	vld.idx.msk [tilespmem:v35+s12+$0x0], vm0  }
0x1f8: {  	v41 =	vor.u32 $0x1300, v18;
	v21 =	vld.idx.msk [tilespmem:v36+s12+$0x0], vm0  }
0x1f9: {  	v42 =	vor.u32 $0x1380, v18;
	v43 =	vor.u32 $0x20, v19;
	v22 =	vld.idx.msk [tilespmem:v37+s12+$0x0], vm0  }
0x1fa: {  	v44 =	vor.u32 $0x21, v19;
	v24 =	vld.idx.msk [tilespmem:v38+s12+$0x0], vm0  }
0x1fb: {  	v45 =	vor.u32 $0x22, v19;
	v25 =	vld.idx.msk [tilespmem:v39+s12+$0x0], vm0  }
0x1fc: {  	v46 =	vor.u32 $0x23, v19;
	v26 =	vld.idx.msk [tilespmem:v40+s12+$0x0], vm0  }
0x1fd: {  	v47 =	vor.u32 $0x24, v19;
	v27 =	vld.idx.msk [tilespmem:v41+s12+$0x0], vm0  }
0x1fe: {  	v48 =	vor.u32 $0x25, v19;
	v28 =	vld.idx.msk [tilespmem:v42+s12+$0x0], vm0;
	[tilespmem:v43+s13+$0x0] =	vst.idx.msk vm0, v23  }
0x1ff: {  	v49 =	vor.u32 $0x26, v19;
	[tilespmem:v44+s13+$0x0] =	vst.idx.msk vm0, v21  }
0x200: {  	v50 =	vor.u32 $0x27, v19;
	[tilespmem:v45+s13+$0x0] =	vst.idx.msk vm0, v22  }
0x201: {  	v51 =	vor.u32 $0x1400, v18;
	[tilespmem:v46+s13+$0x0] =	vst.idx.msk vm0, v24  }
0x202: {  	v52 =	vor.u32 $0x1480, v18;
	[tilespmem:v47+s13+$0x0] =	vst.idx.msk vm0, v25  }
0x203: {  	v53 =	vor.u32 $0x1500, v18;
	[tilespmem:v48+s13+$0x0] =	vst.idx.msk vm0, v26  }
0x204: {  	v54 =	vor.u32 $0x1580, v18;
	[tilespmem:v49+s13+$0x0] =	vst.idx.msk vm0, v27  }
0x205: {  	v55 =	vor.u32 $0x1600, v18;
	[tilespmem:v50+s13+$0x0] =	vst.idx.msk vm0, v28  }
0x206: {  	v56 =	vor.u32 $0x1680, v18;
	v24 =	vld.idx.msk [tilespmem:v51+s12+$0x0], vm0  }
0x207: {  	v57 =	vor.u32 $0x1700, v18;
	v25 =	vld.idx.msk [tilespmem:v52+s12+$0x0], vm0  }
0x208: {  	v58 =	vor.u32 $0x1780, v18;
	v59 =	vor.u32 $0x28, v19;
	v23 =	vld.idx.msk [tilespmem:v53+s12+$0x0], vm0  }
0x209: {  	v60 =	vor.u32 $0x29, v19;
	v21 =	vld.idx.msk [tilespmem:v54+s12+$0x0], vm0  }
0x20a: {  	v61 =	vor.u32 $0x2A, v19;
	v22 =	vld.idx.msk [tilespmem:v55+s12+$0x0], vm0  }
0x20b: {  	v62 =	vor.u32 $0x2B, v19;
	v26 =	vld.idx.msk [tilespmem:v56+s12+$0x0], vm0  }
0x20c: {  	v63 =	vor.u32 $0x2C, v19;
	v27 =	vld.idx.msk [tilespmem:v57+s12+$0x0], vm0  }
0x20d: {  	v29 =	vor.u32 $0x2D, v19;
	v28 =	vld.idx.msk [tilespmem:v58+s12+$0x0], vm0;
	[tilespmem:v59+s13+$0x0] =	vst.idx.msk vm0, v24  }
0x20e: {  	v30 =	vor.u32 $0x2E, v19;
	[tilespmem:v60+s13+$0x0] =	vst.idx.msk vm0, v25  }
0x20f: {  	v31 =	vor.u32 $0x2F, v19;
	[tilespmem:v61+s13+$0x0] =	vst.idx.msk vm0, v23  }
0x210: {  	v34 =	vor.u32 $0x1800, v18;
	[tilespmem:v62+s13+$0x0] =	vst.idx.msk vm0, v21  }
0x211: {  	v35 =	vor.u32 $0x1880, v18;
	[tilespmem:v63+s13+$0x0] =	vst.idx.msk vm0, v22  }
0x212: {  	v36 =	vor.u32 $0x1900, v18;
	[tilespmem:v29+s13+$0x0] =	vst.idx.msk vm0, v26  }
0x213: {  	v37 =	vor.u32 $0x1980, v18;
	[tilespmem:v30+s13+$0x0] =	vst.idx.msk vm0, v27  }
0x214: {  	v38 =	vor.u32 $0x1A00, v18;
	[tilespmem:v31+s13+$0x0] =	vst.idx.msk vm0, v28  }
0x215: {  	v39 =	vor.u32 $0x1A80, v18;
	v21 =	vld.idx.msk [tilespmem:v34+s12+$0x0], vm0  }
0x216: {  	v40 =	vor.u32 $0x1B00, v18;
	v22 =	vld.idx.msk [tilespmem:v35+s12+$0x0], vm0  }
0x217: {  	v41 =	vor.u32 $0x1B80, v18;
	v42 =	vor.u32 $0x30, v19;
	v24 =	vld.idx.msk [tilespmem:v36+s12+$0x0], vm0  }
0x218: {  	v43 =	vor.u32 $0x31, v19;
	v25 =	vld.idx.msk [tilespmem:v37+s12+$0x0], vm0  }
0x219: {  	v44 =	vor.u32 $0x32, v19;
	v23 =	vld.idx.msk [tilespmem:v38+s12+$0x0], vm0  }
0x21a: {  	v45 =	vor.u32 $0x33, v19;
	v26 =	vld.idx.msk [tilespmem:v39+s12+$0x0], vm0  }
0x21b: {  	v46 =	vor.u32 $0x34, v19;
	v27 =	vld.idx.msk [tilespmem:v40+s12+$0x0], vm0  }
0x21c: {  	v47 =	vor.u32 $0x35, v19;
	v28 =	vld.idx.msk [tilespmem:v41+s12+$0x0], vm0;
	[tilespmem:v42+s13+$0x0] =	vst.idx.msk vm0, v21  }
0x21d: {  	(v2sf) =	vpush v20, $0xF;
	v48 =	vor.u32 $0x36, v19;
	[tilespmem:v43+s13+$0x0] =	vst.idx.msk vm0, v22  }
0x21e: {  	v49 =	vor.u32 $0x37, v19;
	[tilespmem:v44+s13+$0x0] =	vst.idx.msk vm0, v24  }
0x21f: {  	v50 =	vor.u32 $0x1C00, v18;
	[tilespmem:v45+s13+$0x0] =	vst.idx.msk vm0, v25  }
0x220: {  	v51 =	vor.u32 $0x1C80, v18;
	[tilespmem:v46+s13+$0x0] =	vst.idx.msk vm0, v23  }
0x221: {  	v52 =	vor.u32 $0x1D00, v18;
	[tilespmem:v47+s13+$0x0] =	vst.idx.msk vm0, v26  }
0x222: {  	v53 =	vor.u32 $0x1D80, v18;
	[tilespmem:v48+s13+$0x0] =	vst.idx.msk vm0, v27  }
0x223: {  	v54 =	vor.u32 $0x1E00, v18;
	[tilespmem:v49+s13+$0x0] =	vst.idx.msk vm0, v28  }
0x224: {  	v55 =	vor.u32 $0x1E80, v18;
	v24 =	vld.idx.msk [tilespmem:v50+s12+$0x0], vm0  }
0x225: {  	v56 =	vor.u32 $0x1F00, v18;
	v23 =	vld.idx.msk [tilespmem:v51+s12+$0x0], vm0  }
0x226: {  	v18 =	vor.u32 $0x1F80, v18;
	v57 =	vor.u32 $0x38, v19;
	v21 =	vld.idx.msk [tilespmem:v52+s12+$0x0], vm0  }
0x227: {  	v58 =	vor.u32 $0x39, v19;
	v22 =	vld.idx.msk [tilespmem:v53+s12+$0x0], vm0  }
0x228: {  	v59 =	vor.u32 $0x3A, v19;
	v20 =	vld.idx.msk [tilespmem:v54+s12+$0x0], vm0  }
0x229: {  	v60 =	vor.u32 $0x3B, v19;
	v25 =	vld.idx.msk [tilespmem:v55+s12+$0x0], vm0  }
0x22a: {  	v61 =	vor.u32 $0x3C, v19;
	v26 =	vld.idx.msk [tilespmem:v56+s12+$0x0], vm0  }
0x22b: {  	v62 =	vor.u32 $0x3D, v19;
	v18 =	vld.idx.msk [tilespmem:v18+s12+$0x0], vm0;
	[tilespmem:v57+s13+$0x0] =	vst.idx.msk vm0, v24  }
0x22c: {  	s22 =	spop (v2sf);
	v63 =	vor.u32 $0x3E, v19;
	[tilespmem:v58+s13+$0x0] =	vst.idx.msk vm0, v23  }
0x22d: {  	s10 =	sadd.s32 s10, s22;
	v19 =	vor.u32 $0x3F, v19;
	[tilespmem:v59+s13+$0x0] =	vst.idx.msk vm0, v21  }
0x22e: {  	p2 =	slt.s32 s10, $0x70;
	[tilespmem:v60+s13+$0x0] =	vst.idx.msk vm0, v22  }
.Ltmp23:
0x22f: {  	[tilespmem:v61+s13+$0x0] =	vst.idx.msk vm0, v20;
	(pc) =	sbr.rel @p2 .LBB2_28-.Ltmp23, $4  }
0x230: {  	[tilespmem:v62+s13+$0x0] =	vst.idx.msk vm0, v25  }
0x231: {  	[tilespmem:v63+s13+$0x0] =	vst.idx.msk vm0, v26  }
0x232: {  	v16 =	vand.u32 $0x3FFF, v16;
	[tilespmem:v19+s13+$0x0] =	vst.idx.msk vm0, v18  }
0x233: {  	[tilespmem:v17+s14+$0x0] =	vst.idx.msk vm0, v16  }
0x234: {  	v16 =	vmul.u32 $0x80, v3  }
0x235: {  	[tilespmem:s19], [sflag:$0x7] =	stream.indirect.gather [hbm4b:s6+s18], $0x80, s14, s18, $0xb8;
	[tilespmem:$0x1AC00] =	vst v63  }
0x236: {  	_ =	swait.ge [sflag:s20], $0x4000  }
0x237: {  	[sflag:s20] =	ssyncset.done $0x0  }
0x238: {  	[sflag:s20] =	ssyncadd.s32 $0xFFFFC000  }
0x239: {  	v17 =	vld.idx.msk [tilespmem:v6+s28+$0x0], $0xffff  }
0x23a: {  	v18 =	vld.idx.msk [tilespmem:v16+s19+$0x0], $0xffff;
	_ =	sdelay $0x1  }
0x23b: {  	v19 =	vld.idx.msk [tilespmem:v7+s28+$0x0], $0xffff;
	_ =	sdelay $0x1  }
0x23c: {  	v20 =	vor.u32 $0x40, v16  }
0x23d: {  	v21 =	vor.u32 $0x800, v16;
	v18 =	vsub.f32 v18, v17;
	_ =	sdelay $0x1  }
0x23e: {  	v18 =	vmul.f32 v18, v19;
	_ =	sdelay $0x1  }
0x23f: {  	[tilespmem:v20+s13+$0x0] =	vst.idx.msk $0xffff, v18  }
0x240: {  	v18 =	vld.idx.msk [tilespmem:v21+s19+$0x0], $0xffff;
	_ =	sdelay $0x3  }
0x241: {  	v41 =	vor.u32 $0x840, v16  }
0x242: {  	v42 =	vor.u32 $0x1000, v16;
	v18 =	vsub.f32 v18, v17;
	_ =	sdelay $0x1  }
0x243: {  	v18 =	vmul.f32 v18, v19;
	_ =	sdelay $0x1  }
0x244: {  	[tilespmem:v41+s13+$0x0] =	vst.idx.msk $0xffff, v18  }
0x245: {  	v18 =	vld.idx.msk [tilespmem:v42+s19+$0x0], $0xffff;
	_ =	sdelay $0x3  }
0x246: {  	v43 =	vor.u32 $0x1040, v16  }
0x247: {  	v44 =	vor.u32 $0x1800, v16;
	v18 =	vsub.f32 v18, v17;
	_ =	sdelay $0x1  }
0x248: {  	v18 =	vmul.f32 v18, v19;
	_ =	sdelay $0x1  }
0x249: {  	[tilespmem:v43+s13+$0x0] =	vst.idx.msk $0xffff, v18  }
0x24a: {  	v18 =	vld.idx.msk [tilespmem:v44+s19+$0x0], $0xffff;
	_ =	sdelay $0x3  }
0x24b: {  	v45 =	vor.u32 $0x1840, v16  }
0x24c: {  	v46 =	vor.u32 $0x2000, v16;
	v18 =	vsub.f32 v18, v17;
	_ =	sdelay $0x1  }
0x24d: {  	v18 =	vmul.f32 v18, v19;
	_ =	sdelay $0x1  }
0x24e: {  	[tilespmem:v45+s13+$0x0] =	vst.idx.msk $0xffff, v18  }
0x24f: {  	v18 =	vld.idx.msk [tilespmem:v46+s19+$0x0], $0xffff;
	_ =	sdelay $0x3  }
0x250: {  	v47 =	vor.u32 $0x2040, v16  }
0x251: {  	v48 =	vor.u32 $0x2800, v16;
	v18 =	vsub.f32 v18, v17;
	_ =	sdelay $0x1  }
0x252: {  	v18 =	vmul.f32 v18, v19;
	_ =	sdelay $0x1  }
0x253: {  	[tilespmem:v47+s13+$0x0] =	vst.idx.msk $0xffff, v18  }
0x254: {  	v18 =	vld.idx.msk [tilespmem:v48+s19+$0x0], $0xffff;
	_ =	sdelay $0x3  }
0x255: {  	v49 =	vor.u32 $0x2840, v16  }
0x256: {  	v50 =	vor.u32 $0x3000, v16;
	v18 =	vsub.f32 v18, v17;
	_ =	sdelay $0x1  }
0x257: {  	v18 =	vmul.f32 v18, v19;
	_ =	sdelay $0x1  }
0x258: {  	[tilespmem:v49+s13+$0x0] =	vst.idx.msk $0xffff, v18  }
0x259: {  	v18 =	vld.idx.msk [tilespmem:v50+s19+$0x0], $0xffff;
	_ =	sdelay $0x3  }
0x25a: {  	v51 =	vor.u32 $0x3040, v16  }
0x25b: {  	v52 =	vor.u32 $0x3800, v16;
	v18 =	vsub.f32 v18, v17;
	_ =	sdelay $0x1  }
0x25c: {  	v18 =	vmul.f32 v18, v19;
	_ =	sdelay $0x1  }
0x25d: {  	[tilespmem:v51+s13+$0x0] =	vst.idx.msk $0xffff, v18  }
0x25e: {  	v18 =	vld.idx.msk [tilespmem:v52+s19+$0x0], $0xffff;
	_ =	sdelay $0x3  }
0x25f: {  	v53 =	vor.u32 $0x3840, v16  }
0x260: {  	v17 =	vsub.f32 v18, v17  }
0x261: {  	v54 =	vor.u32 $0x1, v16  }
0x262: {  	v17 =	vmul.f32 v17, v19;
	_ =	sdelay $0x1  }
0x263: {  	[tilespmem:v53+s13+$0x0] =	vst.idx.msk $0xffff, v17  }
0x264: {  	v17 =	vld.idx.msk [tilespmem:v8+s28+$0x0], $0xffff  }
0x265: {  	v18 =	vld.idx.msk [tilespmem:v54+s19+$0x0], $0xffff;
	_ =	sdelay $0x1  }
0x266: {  	v55 =	vld.idx.msk [tilespmem:v9+s28+$0x0], $0xffff;
	_ =	sdelay $0x1  }
0x267: {  	v56 =	vor.u32 $0x41, v16  }
0x268: {  	v57 =	vor.u32 $0x801, v16;
	v18 =	vsub.f32 v18, v17;
	_ =	sdelay $0x1  }
0x269: {  	v18 =	vmul.f32 v18, v55;
	_ =	sdelay $0x1  }
0x26a: {  	[tilespmem:v56+s13+$0x0] =	vst.idx.msk $0xffff, v18  }
0x26b: {  	v18 =	vld.idx.msk [tilespmem:v57+s19+$0x0], $0xffff;
	_ =	sdelay $0x3  }
0x26c: {  	v58 =	vor.u32 $0x841, v16  }
0x26d: {  	v59 =	vor.u32 $0x1001, v16;
	v18 =	vsub.f32 v18, v17;
	_ =	sdelay $0x1  }
0x26e: {  	v18 =	vmul.f32 v18, v55;
	_ =	sdelay $0x1  }
0x26f: {  	[tilespmem:v58+s13+$0x0] =	vst.idx.msk $0xffff, v18  }
0x270: {  	v18 =	vld.idx.msk [tilespmem:v59+s19+$0x0], $0xffff;
	_ =	sdelay $0x3  }
0x271: {  	v60 =	vor.u32 $0x1041, v16  }
0x272: {  	v61 =	vor.u32 $0x1801, v16;
	v18 =	vsub.f32 v18, v17;
	_ =	sdelay $0x1  }
0x273: {  	v18 =	vmul.f32 v18, v55;
	_ =	sdelay $0x1  }
0x274: {  	[tilespmem:v60+s13+$0x0] =	vst.idx.msk $0xffff, v18  }
0x275: {  	v18 =	vld.idx.msk [tilespmem:v61+s19+$0x0], $0xffff;
	_ =	sdelay $0x3  }
0x276: {  	v62 =	vor.u32 $0x1841, v16  }
0x277: {  	v63 =	vor.u32 $0x2001, v16;
	v18 =	vsub.f32 v18, v17;
	_ =	sdelay $0x1  }
0x278: {  	v18 =	vmul.f32 v18, v55;
	_ =	sdelay $0x1  }
0x279: {  	[tilespmem:v62+s13+$0x0] =	vst.idx.msk $0xffff, v18  }
0x27a: {  	v18 =	vld.idx.msk [tilespmem:v63+s19+$0x0], $0xffff;
	_ =	sdelay $0x3  }
0x27b: {  	v24 =	vor.u32 $0x2041, v16  }
0x27c: {  	v25 =	vor.u32 $0x2801, v16;
	v18 =	vsub.f32 v18, v17;
	_ =	sdelay $0x1  }
0x27d: {  	v18 =	vmul.f32 v18, v55;
	_ =	sdelay $0x1  }
0x27e: {  	[tilespmem:v24+s13+$0x0] =	vst.idx.msk $0xffff, v18  }
0x27f: {  	v18 =	vld.idx.msk [tilespmem:v25+s19+$0x0], $0xffff;
	_ =	sdelay $0x3  }
0x280: {  	v26 =	vor.u32 $0x2841, v16  }
0x281: {  	v27 =	vor.u32 $0x3001, v16;
	v18 =	vsub.f32 v18, v17;
	_ =	sdelay $0x1  }
0x282: {  	v18 =	vmul.f32 v18, v55;
	_ =	sdelay $0x1  }
0x283: {  	[tilespmem:v26+s13+$0x0] =	vst.idx.msk $0xffff, v18  }
0x284: {  	v18 =	vld.idx.msk [tilespmem:v27+s19+$0x0], $0xffff;
	_ =	sdelay $0x3  }
0x285: {  	v28 =	vor.u32 $0x3041, v16  }
0x286: {  	v29 =	vor.u32 $0x3801, v16;
	v18 =	vsub.f32 v18, v17;
	_ =	sdelay $0x1  }
0x287: {  	v18 =	vmul.f32 v18, v55;
	_ =	sdelay $0x1  }
0x288: {  	[tilespmem:v28+s13+$0x0] =	vst.idx.msk $0xffff, v18  }
0x289: {  	v18 =	vld.idx.msk [tilespmem:v29+s19+$0x0], $0xffff;
	_ =	sdelay $0x3  }
0x28a: {  	v30 =	vor.u32 $0x3841, v16  }
0x28b: {  	v17 =	vsub.f32 v18, v17  }
0x28c: {  	v31 =	vor.u32 $0x2, v16  }
0x28d: {  	v17 =	vmul.f32 v17, v55;
	_ =	sdelay $0x1  }
0x28e: {  	[tilespmem:v30+s13+$0x0] =	vst.idx.msk $0xffff, v17  }
0x28f: {  	v17 =	vld.idx.msk [tilespmem:v10+s28+$0x0], $0xffff  }
0x290: {  	v18 =	vld.idx.msk [tilespmem:v31+s19+$0x0], $0xffff;
	_ =	sdelay $0x1  }
0x291: {  	v32 =	vld.idx.msk [tilespmem:v11+s28+$0x0], $0xffff;
	_ =	sdelay $0x1  }
0x292: {  	v33 =	vor.u32 $0x42, v16  }
0x293: {  	v34 =	vor.u32 $0x802, v16;
	v18 =	vsub.f32 v18, v17;
	_ =	sdelay $0x1  }
0x294: {  	v18 =	vmul.f32 v18, v32;
	_ =	sdelay $0x1  }
0x295: {  	[tilespmem:v33+s13+$0x0] =	vst.idx.msk $0xffff, v18  }
0x296: {  	v18 =	vld.idx.msk [tilespmem:v34+s19+$0x0], $0xffff;
	_ =	sdelay $0x3  }
0x297: {  	v35 =	vor.u32 $0x842, v16  }
0x298: {  	v36 =	vor.u32 $0x1002, v16;
	v18 =	vsub.f32 v18, v17;
	_ =	sdelay $0x1  }
0x299: {  	v18 =	vmul.f32 v18, v32;
	_ =	sdelay $0x1  }
0x29a: {  	[tilespmem:v35+s13+$0x0] =	vst.idx.msk $0xffff, v18  }
0x29b: {  	v18 =	vld.idx.msk [tilespmem:v36+s19+$0x0], $0xffff;
	_ =	sdelay $0x3  }
0x29c: {  	v37 =	vor.u32 $0x1042, v16  }
0x29d: {  	v38 =	vor.u32 $0x1802, v16;
	v18 =	vsub.f32 v18, v17;
	_ =	sdelay $0x1  }
0x29e: {  	v18 =	vmul.f32 v18, v32;
	_ =	sdelay $0x1  }
0x29f: {  	[tilespmem:v37+s13+$0x0] =	vst.idx.msk $0xffff, v18  }
0x2a0: {  	v18 =	vld.idx.msk [tilespmem:v38+s19+$0x0], $0xffff;
	_ =	sdelay $0x3  }
0x2a1: {  	v39 =	vor.u32 $0x1842, v16  }
0x2a2: {  	v40 =	vor.u32 $0x2002, v16;
	v18 =	vsub.f32 v18, v17;
	_ =	sdelay $0x1  }
0x2a3: {  	v18 =	vmul.f32 v18, v32;
	_ =	sdelay $0x1  }
0x2a4: {  	[tilespmem:v39+s13+$0x0] =	vst.idx.msk $0xffff, v18  }
0x2a5: {  	v18 =	vld.idx.msk [tilespmem:v40+s19+$0x0], $0xffff;
	_ =	sdelay $0x3  }
0x2a6: {  	v41 =	vor.u32 $0x2042, v16  }
0x2a7: {  	v42 =	vor.u32 $0x2802, v16;
	v18 =	vsub.f32 v18, v17;
	_ =	sdelay $0x1  }
0x2a8: {  	v18 =	vmul.f32 v18, v32;
	_ =	sdelay $0x1  }
0x2a9: {  	[tilespmem:v41+s13+$0x0] =	vst.idx.msk $0xffff, v18  }
0x2aa: {  	v18 =	vld.idx.msk [tilespmem:v42+s19+$0x0], $0xffff;
	_ =	sdelay $0x3  }
0x2ab: {  	v43 =	vor.u32 $0x2842, v16  }
0x2ac: {  	v44 =	vor.u32 $0x3002, v16;
	v18 =	vsub.f32 v18, v17;
	_ =	sdelay $0x1  }
0x2ad: {  	v18 =	vmul.f32 v18, v32;
	_ =	sdelay $0x1  }
0x2ae: {  	[tilespmem:v43+s13+$0x0] =	vst.idx.msk $0xffff, v18  }
0x2af: {  	v18 =	vld.idx.msk [tilespmem:v44+s19+$0x0], $0xffff;
	_ =	sdelay $0x3  }
0x2b0: {  	v45 =	vor.u32 $0x3042, v16  }
0x2b1: {  	v46 =	vor.u32 $0x3802, v16;
	v18 =	vsub.f32 v18, v17;
	_ =	sdelay $0x1  }
0x2b2: {  	v18 =	vmul.f32 v18, v32;
	_ =	sdelay $0x1  }
0x2b3: {  	[tilespmem:v45+s13+$0x0] =	vst.idx.msk $0xffff, v18  }
0x2b4: {  	v18 =	vld.idx.msk [tilespmem:v46+s19+$0x0], $0xffff;
	_ =	sdelay $0x3  }
0x2b5: {  	v47 =	vor.u32 $0x3842, v16  }
0x2b6: {  	v17 =	vsub.f32 v18, v17  }
0x2b7: {  	v48 =	vor.u32 $0x3, v16  }
0x2b8: {  	v17 =	vmul.f32 v17, v32;
	_ =	sdelay $0x1  }
0x2b9: {  	[tilespmem:v47+s13+$0x0] =	vst.idx.msk $0xffff, v17  }
0x2ba: {  	v17 =	vld.idx.msk [tilespmem:v12+s28+$0x0], $0xffff  }
0x2bb: {  	v18 =	vld.idx.msk [tilespmem:v48+s19+$0x0], $0xffff;
	_ =	sdelay $0x1  }
0x2bc: {  	v49 =	vld.idx.msk [tilespmem:v13+s28+$0x0], $0xffff;
	_ =	sdelay $0x1  }
0x2bd: {  	v50 =	vor.u32 $0x43, v16  }
0x2be: {  	v51 =	vor.u32 $0x803, v16;
	v18 =	vsub.f32 v18, v17;
	_ =	sdelay $0x1  }
0x2bf: {  	v18 =	vmul.f32 v18, v49;
	_ =	sdelay $0x1  }
0x2c0: {  	[tilespmem:v50+s13+$0x0] =	vst.idx.msk $0xffff, v18  }
0x2c1: {  	v18 =	vld.idx.msk [tilespmem:v51+s19+$0x0], $0xffff;
	_ =	sdelay $0x3  }
0x2c2: {  	v52 =	vor.u32 $0x843, v16  }
0x2c3: {  	v53 =	vor.u32 $0x1003, v16;
	v18 =	vsub.f32 v18, v17;
	_ =	sdelay $0x1  }
0x2c4: {  	v18 =	vmul.f32 v18, v49;
	_ =	sdelay $0x1  }
0x2c5: {  	[tilespmem:v52+s13+$0x0] =	vst.idx.msk $0xffff, v18  }
0x2c6: {  	v18 =	vld.idx.msk [tilespmem:v53+s19+$0x0], $0xffff;
	_ =	sdelay $0x3  }
0x2c7: {  	v54 =	vor.u32 $0x1043, v16  }
0x2c8: {  	v55 =	vor.u32 $0x1803, v16;
	v18 =	vsub.f32 v18, v17;
	_ =	sdelay $0x1  }
0x2c9: {  	v18 =	vmul.f32 v18, v49;
	_ =	sdelay $0x1  }
0x2ca: {  	[tilespmem:v54+s13+$0x0] =	vst.idx.msk $0xffff, v18  }
0x2cb: {  	v18 =	vld.idx.msk [tilespmem:v55+s19+$0x0], $0xffff;
	_ =	sdelay $0x3  }
0x2cc: {  	v56 =	vor.u32 $0x1843, v16  }
0x2cd: {  	v57 =	vor.u32 $0x2003, v16;
	v18 =	vsub.f32 v18, v17;
	_ =	sdelay $0x1  }
0x2ce: {  	v18 =	vmul.f32 v18, v49;
	_ =	sdelay $0x1  }
0x2cf: {  	[tilespmem:v56+s13+$0x0] =	vst.idx.msk $0xffff, v18  }
0x2d0: {  	v18 =	vld.idx.msk [tilespmem:v57+s19+$0x0], $0xffff;
	_ =	sdelay $0x3  }
0x2d1: {  	v58 =	vor.u32 $0x2043, v16  }
0x2d2: {  	v59 =	vor.u32 $0x2803, v16;
	v18 =	vsub.f32 v18, v17;
	_ =	sdelay $0x1  }
0x2d3: {  	v18 =	vmul.f32 v18, v49;
	_ =	sdelay $0x1  }
0x2d4: {  	[tilespmem:v58+s13+$0x0] =	vst.idx.msk $0xffff, v18  }
0x2d5: {  	v18 =	vld.idx.msk [tilespmem:v59+s19+$0x0], $0xffff;
	_ =	sdelay $0x3  }
0x2d6: {  	v60 =	vor.u32 $0x2843, v16  }
0x2d7: {  	v61 =	vor.u32 $0x3003, v16;
	v18 =	vsub.f32 v18, v17;
	_ =	sdelay $0x1  }
0x2d8: {  	v18 =	vmul.f32 v18, v49;
	_ =	sdelay $0x1  }
0x2d9: {  	[tilespmem:v60+s13+$0x0] =	vst.idx.msk $0xffff, v18  }
0x2da: {  	v18 =	vld.idx.msk [tilespmem:v61+s19+$0x0], $0xffff;
	_ =	sdelay $0x3  }
0x2db: {  	v62 =	vor.u32 $0x3043, v16  }
0x2dc: {  	v63 =	vor.u32 $0x3803, v16;
	v18 =	vsub.f32 v18, v17;
	_ =	sdelay $0x1  }
0x2dd: {  	v18 =	vmul.f32 v18, v49;
	_ =	sdelay $0x1  }
0x2de: {  	[tilespmem:v62+s13+$0x0] =	vst.idx.msk $0xffff, v18  }
0x2df: {  	v18 =	vld.idx.msk [tilespmem:v63+s19+$0x0], $0xffff;
	_ =	sdelay $0x3  }
0x2e0: {  	v16 =	vor.u32 $0x3843, v16  }
0x2e1: {  	v17 =	vsub.f32 v18, v17;
	_ =	sdelay $0x1  }
0x2e2: {  	v17 =	vmul.f32 v17, v49;
	_ =	sdelay $0x1  }
0x2e3: {  	[tilespmem:v16+s13+$0x0] =	vst.idx.msk $0xffff, v17  }
0x2e4: {  	[hbm4b:s9+s18] =	stream.indirect.scatter [tilespmem:s13], [sflag:$0x8], $0x80, s14, s18, $0xb8;
	[tilespmem:$0x1AC00] =	vst v63  }
0x2e5: {  	_ =	swait.ge [sflag:s1], $0x4000  }
0x2e6: {  	[sflag:s1] =	ssyncset.done $0x0  }
0x2e7: {  	[sflag:s1] =	ssyncadd.s32 $0xFFFFC000  }
0x2e8: {  	[tilespmem:$0x16300] =	vst v2  }
0x2e9: {  	[tilespmem:$0x16310] =	vst v2  }
0x2ea: {  	[tilespmem:$0x16320] =	vst v2  }
.Ltmp24:
0x2eb: {  	[tilespmem:$0x16330] =	vst v2;
	(pc) =	sbr.rel .LBB2_28-.Ltmp24, $4  }
0x2ec: {  	[tilespmem:$0x16340] =	vst v2  }
0x2ed: {  	[tilespmem:$0x16350] =	vst v2  }
0x2ee: {  	[tilespmem:$0x16360] =	vst v2  }
0x2ef: {  	[tilespmem:$0x16370] =	vst v2  }
.LBB2_29:
0x2f0: {  	s16 =	sshll.u32 s16, $0x7  }
0x2f1: {  	s16 =	sadd.s32 s7, s16  }
0x2f2: {  	p2 =	sgt.u32 @!p1 s16, $0xF41FF  }
0x2f3: {  	p2 =	por p1, p2  }
.Ltmp25:
0x2f4: {  	_ = 	snop;
	(pc) =	sbr.rel @p2 .LBB2_31-.Ltmp25, $1  }
0x2f5: {  	_ =	sdelay $0x3  }
.Ltmp26:
0x2f6: {  	(pc) =	sbr.rel .LBB2_32-.Ltmp26, $3  }
0x2f7: {  	_ =	sdelay $0x1  }
0x2f8: {  	s16 =	sadd.s32 s2, s16  }
0x2f9: {  	[tilespmem:s12], [sflag:$0x1] =	stream.strided.gather [hbm4b:s16+s8], $0x2000, s24, s8, $0x38;
	[tilespmem:$0x1AC00] =	vst v63  }
.LBB2_31:
0x2fa: {  	p2 =	sne.s32 @!p1 s16, $0xF4200  }
0x2fb: {  	p2 =	por p2, p1  }
0x2fc: {  	s21 =	rddreg [dreg:$0x3];
	s16 =	simm.s32 @!p2 $0x0;
	s17 =	simm.s32 @!p2 $0x6300  }
0x2fd: {  	[tilespmem:s17], [sflag:$0x1] =	stream.linear.gather @!p2 [hbm4b:s21+s16], $0x2000, $0x38;
	[tilespmem:$0x1AC00] =	vst v63  }
.LBB2_32:
0x2fe: {  	s16 =	rddreg [dreg:$0xf]  }
0x2ff: {  	s16 =	sadd.s32 s15, s16  }
0x300: {  	p2 =	sgt.u32 @!p1 s16, $0xF41FF  }
0x301: {  	p2 =	por p1, p2  }
.Ltmp27:
0x302: {  	_ = 	snop;
	(pc) =	sbr.rel @p2 .LBB2_34-.Ltmp27, $1  }
0x303: {  	_ =	sdelay $0x3  }
.Ltmp28:
0x304: {  	(pc) =	sbr.rel .LBB2_35-.Ltmp28, $3  }
0x305: {  	_ =	sdelay $0x1  }
0x306: {  	s16 =	sadd.s32 s2, s16;
	s17 =	simm.s32 $0x8300  }
0x307: {  	[tilespmem:s17], [sflag:$0x2] =	stream.strided.gather [hbm4b:s16+s8], $0x2000, s24, s8, $0x38;
	[tilespmem:$0x1AC00] =	vst v63  }
.LBB2_34:
0x308: {  	p2 =	sne.s32 @!p1 s16, $0xF4200  }
0x309: {  	p2 =	por p2, p1  }
0x30a: {  	s21 =	rddreg [dreg:$0x3];
	s16 =	simm.s32 @!p2 $0x0;
	s17 =	simm.s32 @!p2 $0x8300  }
0x30b: {  	[tilespmem:s17], [sflag:$0x2] =	stream.linear.gather @!p2 [hbm4b:s21+s16], $0x2000, $0x38;
	[tilespmem:$0x1AC00] =	vst v63  }
.LBB2_35:
0x30c: {  	s16 =	rddreg [dreg:$0x10]  }
0x30d: {  	s16 =	sadd.s32 s15, s16  }
0x30e: {  	p2 =	sgt.u32 @!p1 s16, $0xF41FF  }
0x30f: {  	p2 =	por p1, p2  }
.Ltmp29:
0x310: {  	_ = 	snop;
	(pc) =	sbr.rel @p2 .LBB2_37-.Ltmp29, $1  }
0x311: {  	_ =	sdelay $0x3  }
.Ltmp30:
0x312: {  	(pc) =	sbr.rel .LBB2_38-.Ltmp30, $3  }
0x313: {  	_ =	sdelay $0x1  }
0x314: {  	s16 =	sadd.s32 s2, s16;
	s17 =	simm.s32 $0xA300  }
0x315: {  	[tilespmem:s17], [sflag:$0x3] =	stream.strided.gather [hbm4b:s16+s8], $0x2000, s24, s8, $0x38;
	[tilespmem:$0x1AC00] =	vst v63  }
.LBB2_37:
0x316: {  	p2 =	sne.s32 @!p1 s16, $0xF4200  }
0x317: {  	p2 =	por p2, p1  }
0x318: {  	s21 =	rddreg [dreg:$0x3];
	s16 =	simm.s32 @!p2 $0x0;
	s17 =	simm.s32 @!p2 $0xA300  }
0x319: {  	[tilespmem:s17], [sflag:$0x3] =	stream.linear.gather @!p2 [hbm4b:s21+s16], $0x2000, $0x38;
	[tilespmem:$0x1AC00] =	vst v63  }
.LBB2_38:
0x31a: {  	s16 =	rddreg [dreg:$0x11]  }
0x31b: {  	s16 =	sadd.s32 s15, s16  }
0x31c: {  	p2 =	sgt.u32 @!p1 s16, $0xF41FF  }
0x31d: {  	p2 =	por p1, p2  }
.Ltmp31:
0x31e: {  	_ = 	snop;
	(pc) =	sbr.rel @p2 .LBB2_40-.Ltmp31, $1  }
0x31f: {  	_ =	sdelay $0x3  }
.Ltmp32:
0x320: {  	(pc) =	sbr.rel .LBB2_41-.Ltmp32, $3  }
0x321: {  	_ =	sdelay $0x1  }
0x322: {  	s16 =	sadd.s32 s2, s16;
	s17 =	simm.s32 $0xC300  }
0x323: {  	[tilespmem:s17], [sflag:$0x4] =	stream.strided.gather [hbm4b:s16+s8], $0x2000, s24, s8, $0x38;
	[tilespmem:$0x1AC00] =	vst v63  }
.LBB2_40:
0x324: {  	p2 =	sne.s32 @!p1 s16, $0xF4200  }
0x325: {  	p2 =	por p2, p1  }
0x326: {  	s21 =	rddreg [dreg:$0x3];
	s16 =	simm.s32 @!p2 $0x0;
	s17 =	simm.s32 @!p2 $0xC300  }
0x327: {  	[tilespmem:s17], [sflag:$0x4] =	stream.linear.gather @!p2 [hbm4b:s21+s16], $0x2000, $0x38;
	[tilespmem:$0x1AC00] =	vst v63  }
.LBB2_41:
0x328: {  	s16 =	rddreg [dreg:$0x13]  }
0x329: {  	s16 =	sadd.s32 s15, s16  }
0x32a: {  	p2 =	sgt.u32 @!p1 s16, $0xF41FF  }
0x32b: {  	p2 =	por p1, p2  }
.Ltmp33:
0x32c: {  	_ = 	snop;
	(pc) =	sbr.rel @p2 .LBB2_43-.Ltmp33, $1  }
0x32d: {  	_ =	sdelay $0x3  }
.Ltmp34:
0x32e: {  	(pc) =	sbr.rel .LBB2_44-.Ltmp34, $3  }
0x32f: {  	_ =	sdelay $0x1  }
0x330: {  	s16 =	sadd.s32 s2, s16;
	s17 =	simm.s32 $0xE300  }
0x331: {  	[tilespmem:s17], [sflag:$0x5] =	stream.strided.gather [hbm4b:s16+s8], $0x2000, s24, s8, $0x38;
	[tilespmem:$0x1AC00] =	vst v63  }
.LBB2_43:
0x332: {  	p2 =	sne.s32 @!p1 s16, $0xF4200  }
0x333: {  	p1 =	por p2, p1  }
0x334: {  	s21 =	rddreg [dreg:$0x3];
	s16 =	simm.s32 @!p1 $0x0;
	s17 =	simm.s32 @!p1 $0xE300  }
0x335: {  	[tilespmem:s17], [sflag:$0x5] =	stream.linear.gather @!p1 [hbm4b:s21+s16], $0x2000, $0x38;
	[tilespmem:$0x1AC00] =	vst v63  }
.LBB2_44:
0x336: {  	s16 =	rddreg [dreg:$0x14]  }
0x337: {  	p1 =	sgt.u32 s11, $0x26;
	s15 =	sadd.s32 s15, s16  }
0x338: {  	p2 =	sgt.u32 @!p1 s15, $0xF41FF  }
0x339: {  	p2 =	por p1, p2  }
.Ltmp35:
0x33a: {  	_ = 	snop;
	(pc) =	sbr.rel @p2 .LBB2_46-.Ltmp35, $1  }
0x33b: {  	_ =	sdelay $0x3  }
.Ltmp36:
0x33c: {  	(pc) =	sbr.rel .LBB2_47-.Ltmp36, $3  }
0x33d: {  	_ =	sdelay $0x1  }
0x33e: {  	s15 =	sadd.s32 s2, s15;
	s16 =	simm.s32 $0x10300  }
0x33f: {  	[tilespmem:s16], [sflag:$0x6] =	stream.strided.gather [hbm4b:s15+s8], $0x2000, s24, s8, $0x38;
	[tilespmem:$0x1AC00] =	vst v63  }
.LBB2_48:
0x340: {  	p1 =	slt.s32 s10, $0x1  }
.Ltmp37:
0x341: {  	_ = 	snop;
	(pc) =	sbr.rel @p1 .LBB2_50-.Ltmp37, $1  }
0x342: {  	_ =	sdelay $0x3  }
0x343: {  	v14 =	vmul.u32 $0x80, v3  }
0x344: {  	[tilespmem:s19], [sflag:$0x7] =	stream.indirect.gather [hbm4b:s6+s18], $0x80, s14, s18, $0xb8;
	[tilespmem:$0x1AC00] =	vst v63  }
0x345: {  	_ =	swait.ge [sflag:s20], $0x4000  }
0x346: {  	[sflag:s20] =	ssyncset.done $0x0  }
0x347: {  	[sflag:s20] =	ssyncadd.s32 $0xFFFFC000  }
0x348: {  	v15 =	vld.idx.msk [tilespmem:v6+s28+$0x0], $0xffff  }
0x349: {  	v16 =	vld.idx.msk [tilespmem:v14+s19+$0x0], $0xffff;
	_ =	sdelay $0x1  }
0x34a: {  	v17 =	vld.idx.msk [tilespmem:v7+s28+$0x0], $0xffff;
	_ =	sdelay $0x1  }
0x34b: {  	v18 =	vor.u32 $0x40, v14  }
0x34c: {  	v19 =	vor.u32 $0x800, v14;
	v16 =	vsub.f32 v16, v15;
	_ =	sdelay $0x1  }
0x34d: {  	v16 =	vmul.f32 v16, v17;
	_ =	sdelay $0x1  }
0x34e: {  	[tilespmem:v18+s13+$0x0] =	vst.idx.msk $0xffff, v16  }
0x34f: {  	v16 =	vld.idx.msk [tilespmem:v19+s19+$0x0], $0xffff;
	_ =	sdelay $0x3  }
0x350: {  	v44 =	vor.u32 $0x840, v14  }
0x351: {  	v45 =	vor.u32 $0x1000, v14;
	v16 =	vsub.f32 v16, v15;
	_ =	sdelay $0x1  }
0x352: {  	v16 =	vmul.f32 v16, v17;
	_ =	sdelay $0x1  }
0x353: {  	[tilespmem:v44+s13+$0x0] =	vst.idx.msk $0xffff, v16  }
0x354: {  	v16 =	vld.idx.msk [tilespmem:v45+s19+$0x0], $0xffff;
	_ =	sdelay $0x3  }
0x355: {  	v46 =	vor.u32 $0x1040, v14  }
0x356: {  	v47 =	vor.u32 $0x1800, v14;
	v16 =	vsub.f32 v16, v15;
	_ =	sdelay $0x1  }
0x357: {  	v16 =	vmul.f32 v16, v17;
	_ =	sdelay $0x1  }
0x358: {  	[tilespmem:v46+s13+$0x0] =	vst.idx.msk $0xffff, v16  }
0x359: {  	v16 =	vld.idx.msk [tilespmem:v47+s19+$0x0], $0xffff;
	_ =	sdelay $0x3  }
0x35a: {  	v48 =	vor.u32 $0x1840, v14  }
0x35b: {  	v49 =	vor.u32 $0x2000, v14;
	v16 =	vsub.f32 v16, v15;
	_ =	sdelay $0x1  }
0x35c: {  	v16 =	vmul.f32 v16, v17;
	_ =	sdelay $0x1  }
0x35d: {  	[tilespmem:v48+s13+$0x0] =	vst.idx.msk $0xffff, v16  }
0x35e: {  	v16 =	vld.idx.msk [tilespmem:v49+s19+$0x0], $0xffff;
	_ =	sdelay $0x3  }
0x35f: {  	v50 =	vor.u32 $0x2040, v14  }
0x360: {  	v51 =	vor.u32 $0x2800, v14;
	v16 =	vsub.f32 v16, v15;
	_ =	sdelay $0x1  }
0x361: {  	v16 =	vmul.f32 v16, v17;
	_ =	sdelay $0x1  }
0x362: {  	[tilespmem:v50+s13+$0x0] =	vst.idx.msk $0xffff, v16  }
0x363: {  	v16 =	vld.idx.msk [tilespmem:v51+s19+$0x0], $0xffff;
	_ =	sdelay $0x3  }
0x364: {  	v52 =	vor.u32 $0x2840, v14  }
0x365: {  	v53 =	vor.u32 $0x3000, v14;
	v16 =	vsub.f32 v16, v15;
	_ =	sdelay $0x1  }
0x366: {  	v16 =	vmul.f32 v16, v17;
	_ =	sdelay $0x1  }
0x367: {  	[tilespmem:v52+s13+$0x0] =	vst.idx.msk $0xffff, v16  }
0x368: {  	v16 =	vld.idx.msk [tilespmem:v53+s19+$0x0], $0xffff;
	_ =	sdelay $0x3  }
0x369: {  	v54 =	vor.u32 $0x3040, v14  }
0x36a: {  	v55 =	vor.u32 $0x3800, v14;
	v16 =	vsub.f32 v16, v15;
	_ =	sdelay $0x1  }
0x36b: {  	v16 =	vmul.f32 v16, v17;
	_ =	sdelay $0x1  }
0x36c: {  	[tilespmem:v54+s13+$0x0] =	vst.idx.msk $0xffff, v16  }
0x36d: {  	v16 =	vld.idx.msk [tilespmem:v55+s19+$0x0], $0xffff;
	_ =	sdelay $0x3  }
0x36e: {  	v56 =	vor.u32 $0x3840, v14  }
0x36f: {  	v15 =	vsub.f32 v16, v15  }
0x370: {  	v57 =	vor.u32 $0x1, v14  }
0x371: {  	v15 =	vmul.f32 v15, v17;
	_ =	sdelay $0x1  }
0x372: {  	[tilespmem:v56+s13+$0x0] =	vst.idx.msk $0xffff, v15  }
0x373: {  	v15 =	vld.idx.msk [tilespmem:v8+s28+$0x0], $0xffff  }
0x374: {  	v16 =	vld.idx.msk [tilespmem:v57+s19+$0x0], $0xffff;
	_ =	sdelay $0x1  }
0x375: {  	v58 =	vld.idx.msk [tilespmem:v9+s28+$0x0], $0xffff;
	_ =	sdelay $0x1  }
0x376: {  	v59 =	vor.u32 $0x41, v14  }
0x377: {  	v60 =	vor.u32 $0x801, v14;
	v16 =	vsub.f32 v16, v15;
	_ =	sdelay $0x1  }
0x378: {  	v16 =	vmul.f32 v16, v58;
	_ =	sdelay $0x1  }
0x379: {  	[tilespmem:v59+s13+$0x0] =	vst.idx.msk $0xffff, v16  }
0x37a: {  	v16 =	vld.idx.msk [tilespmem:v60+s19+$0x0], $0xffff;
	_ =	sdelay $0x3  }
0x37b: {  	v61 =	vor.u32 $0x841, v14  }
0x37c: {  	v62 =	vor.u32 $0x1001, v14;
	v16 =	vsub.f32 v16, v15;
	_ =	sdelay $0x1  }
0x37d: {  	v16 =	vmul.f32 v16, v58;
	_ =	sdelay $0x1  }
0x37e: {  	[tilespmem:v61+s13+$0x0] =	vst.idx.msk $0xffff, v16  }
0x37f: {  	v16 =	vld.idx.msk [tilespmem:v62+s19+$0x0], $0xffff;
	_ =	sdelay $0x3  }
0x380: {  	v63 =	vor.u32 $0x1041, v14  }
0x381: {  	v21 =	vor.u32 $0x1801, v14;
	v16 =	vsub.f32 v16, v15;
	_ =	sdelay $0x1  }
0x382: {  	v16 =	vmul.f32 v16, v58;
	_ =	sdelay $0x1  }
0x383: {  	[tilespmem:v63+s13+$0x0] =	vst.idx.msk $0xffff, v16  }
0x384: {  	v16 =	vld.idx.msk [tilespmem:v21+s19+$0x0], $0xffff;
	_ =	sdelay $0x3  }
0x385: {  	v22 =	vor.u32 $0x1841, v14  }
0x386: {  	v23 =	vor.u32 $0x2001, v14;
	v16 =	vsub.f32 v16, v15;
	_ =	sdelay $0x1  }
0x387: {  	v16 =	vmul.f32 v16, v58;
	_ =	sdelay $0x1  }
0x388: {  	[tilespmem:v22+s13+$0x0] =	vst.idx.msk $0xffff, v16  }
0x389: {  	v16 =	vld.idx.msk [tilespmem:v23+s19+$0x0], $0xffff;
	_ =	sdelay $0x3  }
0x38a: {  	v24 =	vor.u32 $0x2041, v14  }
0x38b: {  	v25 =	vor.u32 $0x2801, v14;
	v16 =	vsub.f32 v16, v15;
	_ =	sdelay $0x1  }
0x38c: {  	v16 =	vmul.f32 v16, v58;
	_ =	sdelay $0x1  }
0x38d: {  	[tilespmem:v24+s13+$0x0] =	vst.idx.msk $0xffff, v16  }
0x38e: {  	v16 =	vld.idx.msk [tilespmem:v25+s19+$0x0], $0xffff;
	_ =	sdelay $0x3  }
0x38f: {  	v26 =	vor.u32 $0x2841, v14  }
0x390: {  	v27 =	vor.u32 $0x3001, v14;
	v16 =	vsub.f32 v16, v15;
	_ =	sdelay $0x1  }
0x391: {  	v16 =	vmul.f32 v16, v58;
	_ =	sdelay $0x1  }
0x392: {  	[tilespmem:v26+s13+$0x0] =	vst.idx.msk $0xffff, v16  }
0x393: {  	v16 =	vld.idx.msk [tilespmem:v27+s19+$0x0], $0xffff;
	_ =	sdelay $0x3  }
0x394: {  	v28 =	vor.u32 $0x3041, v14  }
0x395: {  	v29 =	vor.u32 $0x3801, v14;
	v16 =	vsub.f32 v16, v15;
	_ =	sdelay $0x1  }
0x396: {  	v16 =	vmul.f32 v16, v58;
	_ =	sdelay $0x1  }
0x397: {  	[tilespmem:v28+s13+$0x0] =	vst.idx.msk $0xffff, v16  }
0x398: {  	v16 =	vld.idx.msk [tilespmem:v29+s19+$0x0], $0xffff;
	_ =	sdelay $0x3  }
0x399: {  	v30 =	vor.u32 $0x3841, v14  }
0x39a: {  	v15 =	vsub.f32 v16, v15  }
0x39b: {  	v31 =	vor.u32 $0x2, v14  }
0x39c: {  	v15 =	vmul.f32 v15, v58;
	_ =	sdelay $0x1  }
0x39d: {  	[tilespmem:v30+s13+$0x0] =	vst.idx.msk $0xffff, v15  }
0x39e: {  	v15 =	vld.idx.msk [tilespmem:v10+s28+$0x0], $0xffff  }
0x39f: {  	v16 =	vld.idx.msk [tilespmem:v31+s19+$0x0], $0xffff;
	_ =	sdelay $0x1  }
0x3a0: {  	v32 =	vld.idx.msk [tilespmem:v11+s28+$0x0], $0xffff;
	_ =	sdelay $0x1  }
0x3a1: {  	v33 =	vor.u32 $0x42, v14  }
0x3a2: {  	v34 =	vor.u32 $0x802, v14;
	v16 =	vsub.f32 v16, v15;
	_ =	sdelay $0x1  }
0x3a3: {  	v16 =	vmul.f32 v16, v32;
	_ =	sdelay $0x1  }
0x3a4: {  	[tilespmem:v33+s13+$0x0] =	vst.idx.msk $0xffff, v16  }
0x3a5: {  	v16 =	vld.idx.msk [tilespmem:v34+s19+$0x0], $0xffff;
	_ =	sdelay $0x3  }
0x3a6: {  	v35 =	vor.u32 $0x842, v14  }
0x3a7: {  	v36 =	vor.u32 $0x1002, v14;
	v16 =	vsub.f32 v16, v15;
	_ =	sdelay $0x1  }
0x3a8: {  	v16 =	vmul.f32 v16, v32;
	_ =	sdelay $0x1  }
0x3a9: {  	[tilespmem:v35+s13+$0x0] =	vst.idx.msk $0xffff, v16  }
0x3aa: {  	v16 =	vld.idx.msk [tilespmem:v36+s19+$0x0], $0xffff;
	_ =	sdelay $0x3  }
0x3ab: {  	v37 =	vor.u32 $0x1042, v14  }
0x3ac: {  	v38 =	vor.u32 $0x1802, v14;
	v16 =	vsub.f32 v16, v15;
	_ =	sdelay $0x1  }
0x3ad: {  	v16 =	vmul.f32 v16, v32;
	_ =	sdelay $0x1  }
0x3ae: {  	[tilespmem:v37+s13+$0x0] =	vst.idx.msk $0xffff, v16  }
0x3af: {  	v16 =	vld.idx.msk [tilespmem:v38+s19+$0x0], $0xffff;
	_ =	sdelay $0x3  }
0x3b0: {  	v39 =	vor.u32 $0x1842, v14  }
0x3b1: {  	v40 =	vor.u32 $0x2002, v14;
	v16 =	vsub.f32 v16, v15;
	_ =	sdelay $0x1  }
0x3b2: {  	v16 =	vmul.f32 v16, v32;
	_ =	sdelay $0x1  }
0x3b3: {  	[tilespmem:v39+s13+$0x0] =	vst.idx.msk $0xffff, v16  }
0x3b4: {  	v16 =	vld.idx.msk [tilespmem:v40+s19+$0x0], $0xffff;
	_ =	sdelay $0x3  }
0x3b5: {  	v41 =	vor.u32 $0x2042, v14  }
0x3b6: {  	v42 =	vor.u32 $0x2802, v14;
	v16 =	vsub.f32 v16, v15;
	_ =	sdelay $0x1  }
0x3b7: {  	v16 =	vmul.f32 v16, v32;
	_ =	sdelay $0x1  }
0x3b8: {  	[tilespmem:v41+s13+$0x0] =	vst.idx.msk $0xffff, v16  }
0x3b9: {  	v16 =	vld.idx.msk [tilespmem:v42+s19+$0x0], $0xffff;
	_ =	sdelay $0x3  }
0x3ba: {  	v43 =	vor.u32 $0x2842, v14  }
0x3bb: {  	v44 =	vor.u32 $0x3002, v14;
	v16 =	vsub.f32 v16, v15;
	_ =	sdelay $0x1  }
0x3bc: {  	v16 =	vmul.f32 v16, v32;
	_ =	sdelay $0x1  }
0x3bd: {  	[tilespmem:v43+s13+$0x0] =	vst.idx.msk $0xffff, v16  }
0x3be: {  	v16 =	vld.idx.msk [tilespmem:v44+s19+$0x0], $0xffff;
	_ =	sdelay $0x3  }
0x3bf: {  	v45 =	vor.u32 $0x3042, v14  }
0x3c0: {  	v46 =	vor.u32 $0x3802, v14;
	v16 =	vsub.f32 v16, v15;
	_ =	sdelay $0x1  }
0x3c1: {  	v16 =	vmul.f32 v16, v32;
	_ =	sdelay $0x1  }
0x3c2: {  	[tilespmem:v45+s13+$0x0] =	vst.idx.msk $0xffff, v16  }
0x3c3: {  	v16 =	vld.idx.msk [tilespmem:v46+s19+$0x0], $0xffff;
	_ =	sdelay $0x3  }
0x3c4: {  	v47 =	vor.u32 $0x3842, v14  }
0x3c5: {  	v15 =	vsub.f32 v16, v15  }
0x3c6: {  	v48 =	vor.u32 $0x3, v14  }
0x3c7: {  	v15 =	vmul.f32 v15, v32;
	_ =	sdelay $0x1  }
0x3c8: {  	[tilespmem:v47+s13+$0x0] =	vst.idx.msk $0xffff, v15  }
0x3c9: {  	v15 =	vld.idx.msk [tilespmem:v12+s28+$0x0], $0xffff  }
0x3ca: {  	v16 =	vld.idx.msk [tilespmem:v48+s19+$0x0], $0xffff;
	_ =	sdelay $0x1  }
0x3cb: {  	v49 =	vld.idx.msk [tilespmem:v13+s28+$0x0], $0xffff;
	_ =	sdelay $0x1  }
0x3cc: {  	v50 =	vor.u32 $0x43, v14  }
0x3cd: {  	v51 =	vor.u32 $0x803, v14;
	v16 =	vsub.f32 v16, v15;
	_ =	sdelay $0x1  }
0x3ce: {  	v16 =	vmul.f32 v16, v49;
	_ =	sdelay $0x1  }
0x3cf: {  	[tilespmem:v50+s13+$0x0] =	vst.idx.msk $0xffff, v16  }
0x3d0: {  	v16 =	vld.idx.msk [tilespmem:v51+s19+$0x0], $0xffff;
	_ =	sdelay $0x3  }
0x3d1: {  	v52 =	vor.u32 $0x843, v14  }
0x3d2: {  	v53 =	vor.u32 $0x1003, v14;
	v16 =	vsub.f32 v16, v15;
	_ =	sdelay $0x1  }
0x3d3: {  	v16 =	vmul.f32 v16, v49;
	_ =	sdelay $0x1  }
0x3d4: {  	[tilespmem:v52+s13+$0x0] =	vst.idx.msk $0xffff, v16  }
0x3d5: {  	v16 =	vld.idx.msk [tilespmem:v53+s19+$0x0], $0xffff;
	_ =	sdelay $0x3  }
0x3d6: {  	v54 =	vor.u32 $0x1043, v14  }
0x3d7: {  	v55 =	vor.u32 $0x1803, v14;
	v16 =	vsub.f32 v16, v15;
	_ =	sdelay $0x1  }
0x3d8: {  	v16 =	vmul.f32 v16, v49;
	_ =	sdelay $0x1  }
0x3d9: {  	[tilespmem:v54+s13+$0x0] =	vst.idx.msk $0xffff, v16  }
0x3da: {  	v16 =	vld.idx.msk [tilespmem:v55+s19+$0x0], $0xffff;
	_ =	sdelay $0x3  }
0x3db: {  	v56 =	vor.u32 $0x1843, v14  }
0x3dc: {  	v57 =	vor.u32 $0x2003, v14;
	v16 =	vsub.f32 v16, v15;
	_ =	sdelay $0x1  }
0x3dd: {  	v16 =	vmul.f32 v16, v49;
	_ =	sdelay $0x1  }
0x3de: {  	[tilespmem:v56+s13+$0x0] =	vst.idx.msk $0xffff, v16  }
0x3df: {  	v16 =	vld.idx.msk [tilespmem:v57+s19+$0x0], $0xffff;
	_ =	sdelay $0x3  }
0x3e0: {  	v58 =	vor.u32 $0x2043, v14  }
0x3e1: {  	v59 =	vor.u32 $0x2803, v14;
	v16 =	vsub.f32 v16, v15;
	_ =	sdelay $0x1  }
0x3e2: {  	v16 =	vmul.f32 v16, v49;
	_ =	sdelay $0x1  }
0x3e3: {  	[tilespmem:v58+s13+$0x0] =	vst.idx.msk $0xffff, v16  }
0x3e4: {  	v16 =	vld.idx.msk [tilespmem:v59+s19+$0x0], $0xffff;
	_ =	sdelay $0x3  }
0x3e5: {  	v60 =	vor.u32 $0x2843, v14  }
0x3e6: {  	v61 =	vor.u32 $0x3003, v14;
	v16 =	vsub.f32 v16, v15;
	_ =	sdelay $0x1  }
0x3e7: {  	v16 =	vmul.f32 v16, v49;
	_ =	sdelay $0x1  }
0x3e8: {  	[tilespmem:v60+s13+$0x0] =	vst.idx.msk $0xffff, v16  }
0x3e9: {  	v16 =	vld.idx.msk [tilespmem:v61+s19+$0x0], $0xffff;
	_ =	sdelay $0x3  }
0x3ea: {  	v62 =	vor.u32 $0x3043, v14  }
0x3eb: {  	v63 =	vor.u32 $0x3803, v14;
	v16 =	vsub.f32 v16, v15;
	_ =	sdelay $0x1  }
0x3ec: {  	v16 =	vmul.f32 v16, v49;
	_ =	sdelay $0x1  }
0x3ed: {  	[tilespmem:v62+s13+$0x0] =	vst.idx.msk $0xffff, v16  }
0x3ee: {  	v16 =	vld.idx.msk [tilespmem:v63+s19+$0x0], $0xffff;
	_ =	sdelay $0x3  }
0x3ef: {  	v14 =	vor.u32 $0x3843, v14  }
0x3f0: {  	v15 =	vsub.f32 v16, v15;
	_ =	sdelay $0x1  }
0x3f1: {  	v15 =	vmul.f32 v15, v49;
	_ =	sdelay $0x1  }
0x3f2: {  	[tilespmem:v14+s13+$0x0] =	vst.idx.msk $0xffff, v15  }
0x3f3: {  	[hbm4b:s9+s18] =	stream.indirect.scatter [tilespmem:s13], [sflag:$0x8], $0x80, s14, s18, $0xb8;
	[tilespmem:$0x1AC00] =	vst v63  }
0x3f4: {  	_ =	swait.ge [sflag:s1], $0x4000  }
0x3f5: {  	[sflag:s1] =	ssyncset.done $0x0  }
0x3f6: {  	[sflag:s1] =	ssyncadd.s32 $0xFFFFC000  }
0x3f7: {  	[tilespmem:$0x16300] =	vst v2  }
0x3f8: {  	[tilespmem:$0x16310] =	vst v2  }
0x3f9: {  	[tilespmem:$0x16320] =	vst v2  }
.Ltmp38:
0x3fa: {  	[tilespmem:$0x16330] =	vst v2;
	(pc) =	sbr.rel .LBB2_50-.Ltmp38, $4  }
0x3fb: {  	[tilespmem:$0x16340] =	vst v2  }
0x3fc: {  	[tilespmem:$0x16350] =	vst v2  }
0x3fd: {  	[tilespmem:$0x16360] =	vst v2  }
0x3fe: {  	[tilespmem:$0x16370] =	vst v2  }
.LBB2_14:
.Ltmp39:
0x3ff: {  	(pc) =	sbr.rel .LBB2_18-.Ltmp39, $2  }
0x400: {  	_ =	sdelay $0x2  }
0x401: {  	s15 =	simm.s32 $0x0;
	p3 =	por $0x0, $0x0  }
.LBB2_19:
.Ltmp40:
0x402: {  	(pc) =	sbr.rel .LBB2_23-.Ltmp40, $2  }
0x403: {  	_ =	sdelay $0x2  }
0x404: {  	s11 =	simm.s32 $0x2000;
	s16 =	simm.s32 $0x0  }
.LBB2_16:
.Ltmp41:
0x405: {  	(pc) =	sbr.rel .LBB2_18-.Ltmp41, $2  }
0x406: {  	_ =	sdelay $0x2  }
0x407: {  	s15 =	simm.s32 $0x0  }
.LBB2_21:
.Ltmp42:
0x408: {  	(pc) =	sbr.rel .LBB2_23-.Ltmp42, $2  }
0x409: {  	_ =	sdelay $0x2  }
0x40a: {  	s11 =	simm.s32 $0x2000;
	s16 =	simm.s32 $0x0  }
.LBB2_52:
0x40b: {  	_ =	sfence.sel $0x180000  }
0x40c: {  	[bflag:$0x0] =	sbarrier.arrive $0xFFFF  }
0x40d: {  	_ =	strace $0x90000047  }
0x40e: {  	s0 =	stileid.u32;
	[bflag:$0x2] =	sbarrier.arrive $0xFFFF  }
0x40f: {  	p0 =	sne.s32 s0, $0x0;
	s0 =	rddreg [dreg:$0x4]  }
0x410: {  	s0 =	sadd.s32 @!p0 $0x100000, s0  }
0x411: {  	[sflag:s0] =	ssyncadd.tile.s32 @!p0 $0x1;
	_ =	shalt  }
.Lfunc_end2:
_tile_overlayer_lowered:
.L_overlay_start_2:
0x412: {  	(tag) =	ssettag $0x2  }
0x413: {  	s0 =	rddreg [dreg:$0x0];
	s2 =	stileid.u32  }
0x414: {  	s1 =	rddreg [dreg:$0x1];
	p0 =	sne.s32 s2, $0x0  }
0x415: {  	s3 =	rddreg [dreg:$0x2];
	[bflag:$0x3] =	sbarrier.arrive $0xFFFF;
	s2 =	simm.s32 @!p0 $0x1C09  }
0x416: {  	[timem:s3], [sflag:s2] =	dma.local @!p0 [hbm:s0], s1  }
0x417: {  	s0 =	simm.s32 @!p0 $0x9  }
0x418: {  	_ =	swait.ge @!p0 [sflag:s0], s1  }
0x419: {  	s1 =	ssub.s32 @!p0 $0x0, s1;
	[sflag:s0] =	ssyncset.done @!p0 $0x0  }
0x41a: {  	[sflag:s0] =	ssyncadd.s32 @!p0 s1  }
0x41b: {  	[bflag:$0x3] =	sbarrier.arrive $0xFFFF  }
0x41c: {  	_ =	shalt  }

</sc_bundles>
